<compile_context>
chip_gen: v7x
topology: tpu7x:2x2x1
jax: 0.10.2.dev20260603
libtpu: 0.0.44.dev20260713+nightly
codegen_flags: <defaults>
</compile_context>

<pallas_src>
import functools

import jax
import jax.numpy as jnp
from jax import lax
from jax.experimental import pallas as pl
from jax.experimental.pallas import tpu as pltpu
from jax.experimental.pallas import tpu_sc as plsc

NC = 2
NS = 16
NW = NC * NS
L = 16
CH = 128
D = 128

_EDGE_PAD = 2 * CH + 8


def _pad_edges(elist, value):
    z = jnp.zeros((_EDGE_PAD,), jnp.int32)
    zf = jnp.zeros((_EDGE_PAD,), jnp.float32)
    return jnp.concatenate([elist, z]), jnp.concatenate([value, zf])


def _vlb(vlist, n_rows, rpw):
    wb = ((rpw + 1 + 15) // 16) * 16
    idx = jnp.minimum(
        jnp.arange(NW, dtype=jnp.int32)[:, None] * rpw
        + jnp.arange(wb, dtype=jnp.int32)[None, :],
        n_rows,
    )
    return jnp.take(vlist, idx, axis=0).reshape(-1)


def _scalar(ref, i):
    v = ref[pl.ds((i // L) * L, L)]
    return v[i % L]


def _phase_runner(rpw, wb, nsteps, refs, wid, soff, col_iota):
    (acc_v, gA, gB, vlb_v, idxA, idxB, valA, valB, rbA, rbB,
     semA, semB, semGA, semGB, semSA, semSB) = refs

    def search_chunk(base, e0, e1, val_v, rb_v):
        for g in range(CH // L):
            eid = jnp.full((L,), base + g * L, jnp.int32) + col_iota
            valid = (eid >= e0) & (eid < e1)
            v16 = val_v[pl.ds(g * L, L)]
            val_v[pl.ds(g * L, L)] = jnp.where(valid, v16, 0.0)
            lo = jnp.zeros((L,), jnp.int32)
            hi = jnp.full((L,), rpw, jnp.int32)
            for _s in range(nsteps):
                mid = (lo + hi) >> 1
                vm = plsc.load_gather(vlb_v, [mid])
                pred = vm <= eid
                lo = jnp.where(pred, mid, lo)
                hi = jnp.where(pred, hi, mid)
            rb_v[pl.ds(g * L, L)] = lo + soff

    def scale_chunk(g_v, val_v):
        @plsc.parallel_loop(0, CH, unroll=4)
        def _(j):
            jsp = jnp.full((L,), j, jnp.int32)
            vj = plsc.load_gather(val_v, [jsp])
            for cb in range(D // L):
                sl = (j, pl.ds(cb * L, L))
                g_v[sl] = g_v[sl] * vj

    def run_phase(vlb_hbm, el_hbm, val_hbm, src_hbm):
        pltpu.sync_copy(vlb_hbm.at[pl.ds(pl.multiple_of(wid * wb, 8), wb)],
                        vlb_v)
        e0 = _scalar(vlb_v, 0)
        e1 = _scalar(vlb_v, rpw)
        e0a = (e0 >> 3) << 3
        npair = (e1 - e0a + 2 * CH - 1) // (2 * CH)

        def wait_scatters():
            pltpu.make_async_copy(gA, acc_v.at[rbA], semSA).wait()
            pltpu.make_async_copy(gB, acc_v.at[rbB], semSB).wait()

        def pair_body(k, _):
            @pl.when(k > 0)
            def _():
                wait_scatters()

            baseA = pl.multiple_of(e0a + k * (2 * CH), 8)
            baseB = pl.multiple_of(baseA + CH, 8)
            cA1 = pltpu.async_copy(el_hbm.at[pl.ds(baseA, CH)], idxA, semA)
            cA2 = pltpu.async_copy(val_hbm.at[pl.ds(baseA, CH)], valA, semA)
            cB1 = pltpu.async_copy(el_hbm.at[pl.ds(baseB, CH)], idxB, semB)
            cB2 = pltpu.async_copy(val_hbm.at[pl.ds(baseB, CH)], valB, semB)
            cA1.wait()
            cA2.wait()
            gcA = pltpu.async_copy(src_hbm.at[idxA], gA, semGA)
            search_chunk(baseA, e0, e1, valA, rbA)
            cB1.wait()
            cB2.wait()
            gcB = pltpu.async_copy(src_hbm.at[idxB], gB, semGB)
            search_chunk(baseB, e0, e1, valB, rbB)
            gcA.wait()
            scale_chunk(gA, valA)
            pltpu.async_copy(gA, acc_v.at[rbA], semSA, add=True)
            gcB.wait()
            scale_chunk(gB, valB)
            pltpu.async_copy(gB, acc_v.at[rbB], semSB, add=True)
            return 0

        lax.fori_loop(0, npair, pair_body, 0)

        @pl.when(npair > 0)
        def _():
            wait_scatters()

    return run_phase


def _scratch(rpw, wb):
    return [
        pltpu.VMEM_SHARED((NS * rpw, D), jnp.float32),
        pltpu.VMEM((CH, D), jnp.float32),
        pltpu.VMEM((CH, D), jnp.float32),
        pltpu.VMEM((wb,), jnp.int32),
        pltpu.VMEM((CH,), jnp.int32),
        pltpu.VMEM((CH,), jnp.int32),
        pltpu.VMEM((CH,), jnp.float32),
        pltpu.VMEM((CH,), jnp.float32),
        pltpu.VMEM((CH,), jnp.int32),
        pltpu.VMEM((CH,), jnp.int32),
        pltpu.SemaphoreType.DMA,
        pltpu.SemaphoreType.DMA,
        pltpu.SemaphoreType.DMA,
        pltpu.SemaphoreType.DMA,
        pltpu.SemaphoreType.DMA,
        pltpu.SemaphoreType.DMA,
    ]


_MESH = dict(core_axis_name="c", subcore_axis_name="s",
             num_cores=NC, num_subcores=NS)
_CP = pltpu.CompilerParams(needs_layout_passes=False)


@functools.partial(jax.jit, static_argnames=("rpw",))
def _spmm_single(accum, vlb_a, elist_a, value_a, src_a, *, rpw):
    n_rows_pad = NW * rpw
    wb = vlb_a.shape[0] // NW
    nsteps = max(1, (rpw - 1).bit_length())

    def body(accum_hbm, vlba_hbm, ela_hbm, vala_hbm, srca_hbm, out_hbm,
             *refs):
        sid = lax.axis_index("s")
        wid = lax.axis_index("c") * NS + sid
        r0 = wid * rpw
        s0 = sid * rpw
        col_iota = lax.iota(jnp.int32, L)
        acc_v = refs[0]
        run = _phase_runner(rpw, wb, nsteps, refs, wid, s0, col_iota)
        pltpu.sync_copy(accum_hbm.at[pl.ds(r0, rpw)], acc_v.at[pl.ds(s0, rpw)])
        run(vlba_hbm, ela_hbm, vala_hbm, srca_hbm)
        pltpu.sync_copy(acc_v.at[pl.ds(s0, rpw)], out_hbm.at[pl.ds(r0, rpw)])

    f = pl.kernel(
        body,
        out_type=jax.ShapeDtypeStruct((n_rows_pad, D), jnp.float32),
        mesh=plsc.VectorSubcoreMesh(**_MESH),
        scratch_types=_scratch(rpw, wb),
        compiler_params=_CP,
    )
    return f(accum, vlb_a, elist_a, value_a, src_a)


@functools.partial(jax.jit, static_argnames=("rpw",))
def _spmm_double(accum, vlb_a, elist_a, value_a, src_a,
                 vlb_b, elist_b, value_b, src_b, *, rpw):
    n_rows_pad = NW * rpw
    wb = vlb_a.shape[0] // NW
    nsteps = max(1, (rpw - 1).bit_length())

    def body(accum_hbm, vlba_hbm, ela_hbm, vala_hbm, srca_hbm,
             vlbb_hbm, elb_hbm, valb_hbm, srcb_hbm, out_hbm, *refs):
        sid = lax.axis_index("s")
        wid = lax.axis_index("c") * NS + sid
        r0 = wid * rpw
        s0 = sid * rpw
        col_iota = lax.iota(jnp.int32, L)
        acc_v = refs[0]
        run = _phase_runner(rpw, wb, nsteps, refs, wid, s0, col_iota)
        pltpu.sync_copy(accum_hbm.at[pl.ds(r0, rpw)], acc_v.at[pl.ds(s0, rpw)])
        run(vlba_hbm, ela_hbm, vala_hbm, srca_hbm)
        run(vlbb_hbm, elb_hbm, valb_hbm, srcb_hbm)
        pltpu.sync_copy(acc_v.at[pl.ds(s0, rpw)], out_hbm.at[pl.ds(r0, rpw)])

    f = pl.kernel(
        body,
        out_type=jax.ShapeDtypeStruct((n_rows_pad, D), jnp.float32),
        mesh=plsc.VectorSubcoreMesh(**_MESH),
        scratch_types=_scratch(rpw, wb),
        compiler_params=_CP,
    )
    return f(accum, vlb_a, elist_a, value_a, src_a,
             vlb_b, elist_b, value_b, src_b)


def kernel(x_j, v2v_vlist, v2v_elist, v2v_value,
           r2v_vlist, r2v_elist, r2v_value,
           r2r0_vlist, r2r0_elist, r2r0_value,
           r2r1_vlist, r2r1_elist, r2r1_value,
           v2r_vlist, v2r_elist, v2r_value):
    N = x_j.shape[0]
    R = r2v_vlist.shape[0] - 1

    rpw_r = -(-((R + NW - 1) // NW) // 8) * 8
    rpw_n = -(-((N + NW - 1) // NW) // 8) * 8
    rp_r = NW * rpw_r
    rp_n = NW * rpw_n

    r2v_e, r2v_v = _pad_edges(r2v_elist, r2v_value)
    r2r0_e, r2r0_v = _pad_edges(r2r0_elist, r2r0_value)
    r2r1_e, r2r1_v = _pad_edges(r2r1_elist, r2r1_value)
    v2r_e, v2r_v = _pad_edges(v2r_elist, v2r_value)
    v2v_e, v2v_v = _pad_edges(v2v_elist, v2v_value)

    vlb_r2v = _vlb(r2v_vlist, R, rpw_r)
    vlb_r2r0 = _vlb(r2r0_vlist, R, rpw_r)
    vlb_r2r1 = _vlb(r2r1_vlist, R, rpw_r)
    vlb_v2r = _vlb(v2r_vlist, N, rpw_n)
    vlb_v2v = _vlb(v2v_vlist, N, rpw_n)

    zeros_r = jnp.zeros((rp_r, D), jnp.float32)
    zeros_n = jnp.zeros((rp_n, D), jnp.float32)

    rule0 = _spmm_single(zeros_r, vlb_r2v, r2v_e, r2v_v, x_j, rpw=rpw_r)
    rule1 = _spmm_single(rule0, vlb_r2r0, r2r0_e, r2r0_v, rule0, rpw=rpw_r)
    rule2 = _spmm_single(rule1, vlb_r2r1, r2r1_e, r2r1_v, rule1, rpw=rpw_r)
    out = _spmm_double(zeros_n, vlb_v2r, v2r_e, v2r_v, rule2,
                       vlb_v2v, v2v_e, v2v_v, x_j, rpw=rpw_n)
    return out[:N]

# --- scband reference (transcript-rebuilt; emitter-appended) ---
"""Pipeline reference for scband-kongming-spmm-33208687133425 (READ-ONLY COPY).

The authoritative reference and input builder live on the scoring server;
editing this copy changes nothing except your own understanding.
"""

import jax, jax.numpy as jnp
import numpy as np


def _spmm(vlist, elist, value, X, n_rows, accum=None):
    # CSR SpMM: out[i] = sum_{e in [vlist[i], vlist[i+1])} value[e] * X[elist[e]]
    nnz = elist.shape[0]
    e = jnp.arange(nnz, dtype=jnp.int32)
    row = jnp.clip(jnp.searchsorted(vlist, e, side='right') - 1, 0, n_rows - 1)
    valid = (e >= vlist[0]) & (e < vlist[-1])
    contrib = (value * valid.astype(value.dtype))[:, None] * jnp.take(X, elist, axis=0)
    out = jax.ops.segment_sum(contrib, row, num_segments=n_rows)
    if accum is not None:
        out = out + accum
    return out


def setup_inputs(seed: int = 0):
    key = jax.random.key(seed)
    N, R, D = 10000, 20000, 128
    ks = [jax.random.fold_in(key, i) for i in range(40)]

    def csr(k_ptr, k_col, k_val, n_rows, n_cols, nnz):
        vlist = jnp.sort(jax.random.randint(k_ptr, (n_rows + 1,), 0, nnz, dtype=jnp.int32))
        elist = jax.random.randint(k_col, (nnz,), 0, n_cols, dtype=jnp.int32)
        value = jax.random.uniform(k_val, (nnz,), dtype=jnp.float32)
        return vlist, elist, value

    x_j = jax.random.normal(ks[0], (N, D), dtype=jnp.float32)
    v2v_vlist, v2v_elist, v2v_value = csr(ks[1], ks[2], ks[3], N, N, 160000)
    r2v_vlist, r2v_elist, r2v_value = csr(ks[4], ks[5], ks[6], R, N, 80000)
    r2r0_vlist, r2r0_elist, r2r0_value = csr(ks[7], ks[8], ks[9], R, R, 40000)
    r2r1_vlist, r2r1_elist, r2r1_value = csr(ks[10], ks[11], ks[12], R, R, 40000)
    v2r_vlist, v2r_elist, v2r_value = csr(ks[13], ks[14], ks[15], N, R, 80000)
    return {
        'x_j': x_j,
        'v2v_vlist': v2v_vlist, 'v2v_elist': v2v_elist, 'v2v_value': v2v_value,
        'r2v_vlist': r2v_vlist, 'r2v_elist': r2v_elist, 'r2v_value': r2v_value,
        'r2r0_vlist': r2r0_vlist, 'r2r0_elist': r2r0_elist, 'r2r0_value': r2r0_value,
        'r2r1_vlist': r2r1_vlist, 'r2r1_elist': r2r1_elist, 'r2r1_value': r2r1_value,
        'v2r_vlist': v2r_vlist, 'v2r_elist': v2r_elist, 'v2r_value': v2r_value,
    }


def reference(x_j, v2v_vlist, v2v_elist, v2v_value,
              r2v_vlist, r2v_elist, r2v_value,
              r2r0_vlist, r2r0_elist, r2r0_value,
              r2r1_vlist, r2r1_elist, r2r1_value,
              v2r_vlist, v2r_elist, v2r_value):
    N = x_j.shape[0]
    R = r2v_vlist.shape[0] - 1
    # rule_out = r2v @ x
    rule_out = _spmm(r2v_vlist, r2v_elist, r2v_value, x_j, R)
    # chained r2r graphs (step = 2), each accumulated into rule_out
    rule_out = _spmm(r2r0_vlist, r2r0_elist, r2r0_value, rule_out, R, accum=rule_out)
    rule_out = _spmm(r2r1_vlist, r2r1_elist, r2r1_value, rule_out, R, accum=rule_out)
    # out = v2r @ rule_out + v2v @ x
    out = _spmm(v2r_vlist, v2r_elist, v2r_value, rule_out, N)
    out = _spmm(v2v_vlist, v2v_elist, v2v_value, x_j, N, accum=out)
    return out

if __name__ == "__main__":
    import jax
    _d = setup_inputs()
    print(jax.jit(kernel)(*tuple(_d.values())))

</pallas_src>

<mosaic_0001>
#map = affine_map<(d0, d1) -> (0, 0)>
#map1 = affine_map<(d0, d1) -> (0)>
module attributes {stable_mosaic.version = 14 : i64} {
  func.func @body(%arg0: i32, %arg1: i32, %arg2: memref<20224x128xf32, #tpu.memory_space<hbm>>, %arg3: memref<20480xi32, #tpu.memory_space<hbm>>, %arg4: memref<80264xi32, #tpu.memory_space<hbm>>, %arg5: memref<80264xf32, #tpu.memory_space<hbm>>, %arg6: memref<10000x128xf32, #tpu.memory_space<hbm>>, %arg7: memref<20224x128xf32, #tpu.memory_space<hbm>>, %arg8: memref<10112x128xf32, #tpu.memory_space<vmem_shared>>, %arg9: memref<128x128xf32, #tpu.memory_space<vmem>>, %arg10: memref<128x128xf32, #tpu.memory_space<vmem>>, %arg11: memref<640xi32, #tpu.memory_space<vmem>>, %arg12: memref<128xi32, #tpu.memory_space<vmem>>, %arg13: memref<128xi32, #tpu.memory_space<vmem>>, %arg14: memref<128xf32, #tpu.memory_space<vmem>>, %arg15: memref<128xf32, #tpu.memory_space<vmem>>, %arg16: memref<128xi32, #tpu.memory_space<vmem>>, %arg17: memref<128xi32, #tpu.memory_space<vmem>>, %arg18: memref<!tpu.dma_semaphore, #tpu.memory_space<semaphore_mem>>, %arg19: memref<!tpu.dma_semaphore, #tpu.memory_space<semaphore_mem>>, %arg20: memref<!tpu.dma_semaphore, #tpu.memory_space<semaphore_mem>>, %arg21: memref<!tpu.dma_semaphore, #tpu.memory_space<semaphore_mem>>, %arg22: memref<!tpu.dma_semaphore, #tpu.memory_space<semaphore_mem>>, %arg23: memref<!tpu.dma_semaphore, #tpu.memory_space<semaphore_mem>>) attributes {dimension_semantics = [#tpu.dimension_semantics<core_parallel>, #tpu.dimension_semantics<subcore_parallel>], iteration_bounds = array<i64: 2, 16>, scalar_prefetch = 0 : i64, scratch_operands = 16 : i64, tpu.core_type = #tpu.core_type<sc_vector_subcore>, window_params = [{transform_indices = #map}, {transform_indices = #map1}, {transform_indices = #map1}, {transform_indices = #map1}, {transform_indices = #map}, {transform_indices = #map}]} {
    %mul3A = arith.constant 16 : i32
    %mul3A_0 = arith.muli %arg0, %mul3A : i32
    %add3A = arith.addi %mul3A_0, %arg1 : i32
    %mul3A_1 = arith.constant 632 : i32
    %mul3A_2 = arith.muli %add3A, %mul3A_1 : i32
    %mul3A_3 = arith.constant 632 : i32
    %mul3A_4 = arith.muli %arg1, %mul3A_3 : i32
    %iota3A = tpu.iota {dimensions = array<i32: 0>} : vector<16xi32>
    "tpu.region"() ({
      %run_scoped3A = tpu.sem_alloc : memref<!tpu.dma_semaphore, #tpu.memory_space<semaphore_mem>>
      %dma_start3A = arith.constant 0 : i32
      %dma_start3A_48 = tpu.memref_slice %arg8[%mul3A_4, %dma_start3A] : memref<10112x128xf32, #tpu.memory_space<vmem_shared>> -> memref<632x128xf32, #tpu.memory_space<vmem_shared>>
      %dma_start3A_49 = arith.constant 0 : i32
      %dma_start3A_50 = tpu.memref_slice %arg2[%mul3A_2, %dma_start3A_49] : memref<20224x128xf32, #tpu.memory_space<hbm>> -> memref<632x128xf32, #tpu.memory_space<hbm>>
      tpu.enqueue_dma source(%dma_start3A_50 : memref<632x128xf32, #tpu.memory_space<hbm>>) target(%dma_start3A_48 : memref<632x128xf32, #tpu.memory_space<vmem_shared>>) target_semaphore(%run_scoped3A : memref<!tpu.dma_semaphore, #tpu.memory_space<semaphore_mem>>)
      %dma_wait3A = arith.constant 0 : i32
      %dma_wait3A_51 = tpu.memref_slice %arg8[%mul3A_4, %dma_wait3A] : memref<10112x128xf32, #tpu.memory_space<vmem_shared>> -> memref<632x128xf32, #tpu.memory_space<vmem_shared>>
      %dma_wait3A_52 = arith.constant 0 : i32
      %dma_wait3A_53 = tpu.memref_slice %arg2[%mul3A_2, %dma_wait3A_52] : memref<20224x128xf32, #tpu.memory_space<hbm>> -> memref<632x128xf32, #tpu.memory_space<hbm>>
      tpu.wait_dma2 semaphore(%run_scoped3A : memref<!tpu.dma_semaphore, #tpu.memory_space<semaphore_mem>>) src(%dma_wait3A_53 : memref<632x128xf32, #tpu.memory_space<hbm>>) dst(%dma_wait3A_51 : memref<632x128xf32, #tpu.memory_space<vmem_shared>>)
      tpu.yield
    }) : () -> ()
    %mul3A_5 = arith.constant 640 : i32
    %mul3A_6 = arith.muli %add3A, %mul3A_5 : i32
    %multiple_of3A = tpu.assume_multiple %mul3A_6, 8 : i32
    "tpu.region"() ({
      %run_scoped3A = tpu.sem_alloc : memref<!tpu.dma_semaphore, #tpu.memory_space<semaphore_mem>>
      %dma_start3A = tpu.memref_slice %arg3[%multiple_of3A] : memref<20480xi32, #tpu.memory_space<hbm>> -> memref<640xi32, #tpu.memory_space<hbm>>
      %dma_start3A_48 = tpu.memref_slice %arg3[%multiple_of3A] : memref<20480xi32, #tpu.memory_space<hbm>> -> memref<640xi32, #tpu.memory_space<hbm>>
      tpu.enqueue_dma source(%dma_start3A_48 : memref<640xi32, #tpu.memory_space<hbm>>) target(%arg11 : memref<640xi32, #tpu.memory_space<vmem>>) target_semaphore(%run_scoped3A : memref<!tpu.dma_semaphore, #tpu.memory_space<semaphore_mem>>)
      %dma_wait3A = tpu.memref_slice %arg3[%multiple_of3A] : memref<20480xi32, #tpu.memory_space<hbm>> -> memref<640xi32, #tpu.memory_space<hbm>>
      %dma_wait3A_49 = tpu.memref_slice %arg3[%multiple_of3A] : memref<20480xi32, #tpu.memory_space<hbm>> -> memref<640xi32, #tpu.memory_space<hbm>>
      tpu.wait_dma2 semaphore(%run_scoped3A : memref<!tpu.dma_semaphore, #tpu.memory_space<semaphore_mem>>) src(%dma_wait3A_49 : memref<640xi32, #tpu.memory_space<hbm>>) dst(%arg11 : memref<640xi32, #tpu.memory_space<vmem>>)
      tpu.yield
    }) : () -> ()
    %get3A = arith.constant 0 : index
    %get3A_7 = tpu.vector_load %arg11[%get3A] {strides = array<i32>} : memref<640xi32, #tpu.memory_space<vmem>>, vector<16xi32>,
    %slice3A = vector.extract_strided_slice %get3A_7 {offsets = [0], sizes = [1], strides = [1]} : vector<16xi32> to vector<1xi32>
    %squeeze3A = vector.extract %slice3A[0] : i32 from vector<1xi32>
    %get3A_8 = arith.constant 624 : index
    %get3A_9 = tpu.vector_load %arg11[%get3A_8] {strides = array<i32>} : memref<640xi32, #tpu.memory_space<vmem>>, vector<16xi32>,
    %slice3A_10 = vector.extract_strided_slice %get3A_9 {offsets = [8], sizes = [1], strides = [1]} : vector<16xi32> to vector<1xi32>
    %squeeze3A_11 = vector.extract %slice3A_10[0] : i32 from vector<1xi32>
    %shift_right_arithmetic3A = arith.constant 3 : i32
    %shift_right_arithmetic3A_12 = arith.shrsi %squeeze3A, %shift_right_arithmetic3A : i32
    %shift_left3A = arith.constant 3 : i32
    %shift_left3A_13 = arith.shli %shift_right_arithmetic3A_12, %shift_left3A : i32
    %sub3A = arith.subi %squeeze3A_11, %shift_left3A_13 : i32
    %add3A_14 = arith.constant 256 : i32
    %add3A_15 = arith.addi %sub3A, %add3A_14 : i32
    %sub3A_16 = arith.constant 1 : i32
    %sub3A_17 = arith.subi %add3A_15, %sub3A_16 : i32
    %jit3A = arith.constant 256 : i32
    %div3A = arith.divsi %sub3A_17, %jit3A : i32
    %sign3A = arith.constant 0 : i32
    %sign3A_18 = arith.cmpi sgt, %sub3A_17, %sign3A : i32
    %sign3A_19 = arith.extui %sign3A_18 : i1 to i32
    %sign3A_20 = arith.constant 0 : i32
    %sign3A_21 = arith.cmpi slt, %sub3A_17, %sign3A_20 : i32
    %sign3A_22 = arith.extui %sign3A_21 : i1 to i32
    %sign3A_23 = arith.subi %sign3A_19, %sign3A_22 : i32
    %sign3A_24 = arith.constant 0 : i32
    %sign3A_25 = arith.cmpi sgt, %jit3A, %sign3A_24 : i32
    %sign3A_26 = arith.extui %sign3A_25 : i1 to i32
    %sign3A_27 = arith.constant 0 : i32
    %sign3A_28 = arith.cmpi slt, %jit3A, %sign3A_27 : i32
    %sign3A_29 = arith.extui %sign3A_28 : i1 to i32
    %sign3A_30 = arith.subi %sign3A_26, %sign3A_29 : i32
    %ne3A = arith.cmpi ne, %sign3A_23, %sign3A_30 : i32
    %rem3A = arith.remsi %sub3A_17, %jit3A : i32
    %ne3A_31 = arith.constant 0 : i32
    %ne3A_32 = arith.cmpi ne, %rem3A, %ne3A_31 : i32
    %and3A = arith.andi %ne3A, %ne3A_32 : i1
    %sub3A_33 = arith.constant 1 : i32
    %sub3A_34 = arith.subi %div3A, %sub3A_33 : i32
    %select_n3A = arith.select %and3A, %sub3A_34, %div3A : i32
    %while3A = arith.constant 0 : i32
    %while3A_35 = arith.constant 0 : i32
    %while3A_36 = arith.subi %select_n3A, %while3A : i32
    %while3A_37 = arith.addi %while3A, %while3A_36 : i32
    %while3A_38 = arith.constant 1 : i32
    %while3A_39 = arith.divsi %while3A_36, %while3A_38 : i32
    %while3A_40 = arith.muli %while3A_39, %while3A_38 : i32
    %while3A_41 = arith.addi %while3A, %while3A_40 : i32
    %while3A_42 = arith.constant 1 : i32
    %while3A_43 = scf.for %while3A_48 = %while3A to %while3A_41 step %while3A_42 iter_args(%while3A_49 = %while3A_35) -> (i32)  : i32 {
      %gt3A_50 = arith.constant 0 : i32
      %gt3A_51 = arith.cmpi sgt, %while3A_48, %gt3A_50 : i32
      %convert_element_type3A_52 = arith.extui %gt3A_51 : i1 to i32
      %cond3A_53 = arith.constant 0 : i32
      %cond3A_54 = arith.cmpi ne, %convert_element_type3A_52, %cond3A_53 : i32
      scf.if %cond3A_54 {
        %dma_wait3A_1758 = arith.constant 0 : i32
        %dma_wait3A_1759 = arith.constant 0 : i32
        %dma_wait3A_1760 = tpu.memref_slice %arg8[%dma_wait3A_1758, %dma_wait3A_1759] : memref<10112x128xf32, #tpu.memory_space<vmem_shared>> -> memref<10112x128xf32, #tpu.memory_space<vmem_shared>>
        tpu.wait_indirect_dma semaphore(%arg22 : memref<!tpu.dma_semaphore, #tpu.memory_space<semaphore_mem>>) src(%arg9 : memref<128x128xf32, #tpu.memory_space<vmem>>) dst(%dma_wait3A_1760 : memref<10112x128xf32, #tpu.memory_space<vmem_shared>>)
        %dma_wait3A_1761 = arith.constant 0 : i32
        %dma_wait3A_1762 = arith.constant 0 : i32
        %dma_wait3A_1763 = tpu.memref_slice %arg8[%dma_wait3A_1761, %dma_wait3A_1762] : memref<10112x128xf32, #tpu.memory_space<vmem_shared>> -> memref<10112x128xf32, #tpu.memory_space<vmem_shared>>
        tpu.wait_indirect_dma semaphore(%arg23 : memref<!tpu.dma_semaphore, #tpu.memory_space<semaphore_mem>>) src(%arg10 : memref<128x128xf32, #tpu.memory_space<vmem>>) dst(%dma_wait3A_1763 : memref<10112x128xf32, #tpu.memory_space<vmem_shared>>)
      } else {
      }
      %mul3A_55 = arith.constant 256 : i32
      %mul3A_56 = arith.muli %while3A_48, %mul3A_55 : i32
      %add3A_57 = arith.addi %shift_left3A_13, %mul3A_56 : i32
      %multiple_of3A_58 = tpu.assume_multiple %add3A_57, 8 : i32
      %add3A_59 = arith.constant 128 : i32
      %add3A_60 = arith.addi %multiple_of3A_58, %add3A_59 : i32
      %multiple_of3A_61 = tpu.assume_multiple %add3A_60, 8 : i32
      %dma_start3A = tpu.memref_slice %arg4[%multiple_of3A_58] : memref<80264xi32, #tpu.memory_space<hbm>> -> memref<128xi32, #tpu.memory_space<hbm>>
      %dma_start3A_62 = tpu.memref_slice %arg4[%multiple_of3A_58] : memref<80264xi32, #tpu.memory_space<hbm>> -> memref<128xi32, #tpu.memory_space<hbm>>
      tpu.enqueue_dma source(%dma_start3A_62 : memref<128xi32, #tpu.memory_space<hbm>>) target(%arg12 : memref<128xi32, #tpu.memory_space<vmem>>) target_semaphore(%arg18 : memref<!tpu.dma_semaphore, #tpu.memory_space<semaphore_mem>>)
      %dma_start3A_63 = tpu.memref_slice %arg5[%multiple_of3A_58] : memref<80264xf32, #tpu.memory_space<hbm>> -> memref<128xf32, #tpu.memory_space<hbm>>
      %dma_start3A_64 = tpu.memref_slice %arg5[%multiple_of3A_58] : memref<80264xf32, #tpu.memory_space<hbm>> -> memref<128xf32, #tpu.memory_space<hbm>>
      tpu.enqueue_dma source(%dma_start3A_64 : memref<128xf32, #tpu.memory_space<hbm>>) target(%arg14 : memref<128xf32, #tpu.memory_space<vmem>>) target_semaphore(%arg18 : memref<!tpu.dma_semaphore, #tpu.memory_space<semaphore_mem>>)
      %dma_start3A_65 = tpu.memref_slice %arg4[%multiple_of3A_61] : memref<80264xi32, #tpu.memory_space<hbm>> -> memref<128xi32, #tpu.memory_space<hbm>>
      %dma_start3A_66 = tpu.memref_slice %arg4[%multiple_of3A_61] : memref<80264xi32, #tpu.memory_space<hbm>> -> memref<128xi32, #tpu.memory_space<hbm>>
      tpu.enqueue_dma source(%dma_start3A_66 : memref<128xi32, #tpu.memory_space<hbm>>) target(%arg13 : memref<128xi32, #tpu.memory_space<vmem>>) target_semaphore(%arg19 : memref<!tpu.dma_semaphore, #tpu.memory_space<semaphore_mem>>)
      %dma_start3A_67 = tpu.memref_slice %arg5[%multiple_of3A_61] : memref<80264xf32, #tpu.memory_space<hbm>> -> memref<128xf32, #tpu.memory_space<hbm>>
      %dma_start3A_68 = tpu.memref_slice %arg5[%multiple_of3A_61] : memref<80264xf32, #tpu.memory_space<hbm>> -> memref<128xf32, #tpu.memory_space<hbm>>
      tpu.enqueue_dma source(%dma_start3A_68 : memref<128xf32, #tpu.memory_space<hbm>>) target(%arg15 : memref<128xf32, #tpu.memory_space<vmem>>) target_semaphore(%arg19 : memref<!tpu.dma_semaphore, #tpu.memory_space<semaphore_mem>>)
      %dma_wait3A = tpu.memref_slice %arg4[%multiple_of3A_58] : memref<80264xi32, #tpu.memory_space<hbm>> -> memref<128xi32, #tpu.memory_space<hbm>>
      %dma_wait3A_69 = tpu.memref_slice %arg4[%multiple_of3A_58] : memref<80264xi32, #tpu.memory_space<hbm>> -> memref<128xi32, #tpu.memory_space<hbm>>
      tpu.wait_dma2 semaphore(%arg18 : memref<!tpu.dma_semaphore, #tpu.memory_space<semaphore_mem>>) src(%dma_wait3A_69 : memref<128xi32, #tpu.memory_space<hbm>>) dst(%arg12 : memref<128xi32, #tpu.memory_space<vmem>>)
      %dma_wait3A_70 = tpu.memref_slice %arg5[%multiple_of3A_58] : memref<80264xf32, #tpu.memory_space<hbm>> -> memref<128xf32, #tpu.memory_space<hbm>>
      %dma_wait3A_71 = tpu.memref_slice %arg5[%multiple_of3A_58] : memref<80264xf32, #tpu.memory_space<hbm>> -> memref<128xf32, #tpu.memory_space<hbm>>
      tpu.wait_dma2 semaphore(%arg18 : memref<!tpu.dma_semaphore, #tpu.memory_space<semaphore_mem>>) src(%dma_wait3A_71 : memref<128xf32, #tpu.memory_space<hbm>>) dst(%arg14 : memref<128xf32, #tpu.memory_space<vmem>>)
      %dma_start3A_72 = arith.constant 0 : i32
      %dma_start3A_73 = arith.constant 0 : i32
      %dma_start3A_74 = tpu.memref_slice %arg6[%dma_start3A_72, %dma_start3A_73] : memref<10000x128xf32, #tpu.memory_space<hbm>> -> memref<10000x128xf32, #tpu.memory_space<hbm>>
      tpu.enqueue_indirect_dma source(%dma_start3A_74 : memref<10000x128xf32, #tpu.memory_space<hbm>>) target(%arg9 : memref<128x128xf32, #tpu.memory_space<vmem>>) offsets(%arg12 : memref<128xi32, #tpu.memory_space<vmem>>) semaphore(%arg20 : memref<!tpu.dma_semaphore, #tpu.memory_space<semaphore_mem>>)
      %add3A_75 = arith.constant 0 : i32
      %add3A_76 = arith.addi %multiple_of3A_58, %add3A_75 : i32
      %broadcast_in_dim3A = vector.broadcast %add3A_76 : i32 to vector<16xi32>
      %add3A_77 = arith.addi %broadcast_in_dim3A, %iota3A : vector<16xi32>
      %ge3A = vector.broadcast %squeeze3A : i32 to vector<16xi32>
      %ge3A_78 = arith.cmpi sge, %add3A_77, %ge3A : vector<16xi32>
      %lt3A = vector.broadcast %squeeze3A_11 : i32 to vector<16xi32>
      %lt3A_79 = arith.cmpi slt, %add3A_77, %lt3A : vector<16xi32>
      %and3A_80 = arith.andi %ge3A_78, %lt3A_79 : vector<16xi1>
      %get3A_81 = arith.constant 0 : index
      %get3A_82 = tpu.vector_load %arg14[%get3A_81] {strides = array<i32>} : memref<128xf32, #tpu.memory_space<vmem>>, vector<16xf32>,
      %jit3A_83 = arith.constant 0.000000e+00 : f32
      %broadcast_in_dim3A_84 = vector.broadcast %jit3A_83 : f32 to vector<16xf32>
      %select_n3A_85 = arith.select %and3A_80, %get3A_82, %broadcast_in_dim3A_84 : vector<16xi1>, vector<16xf32>
      %swap3A = arith.constant 0 : index
      %swap3A_86 = tpu.vector_load %arg14[%swap3A] {strides = array<i32>} : memref<128xf32, #tpu.memory_space<vmem>>, vector<16xf32>,
      tpu.vector_store %arg14[%swap3A], %select_n3A_85 {strides = array<i32>} : memref<128xf32, #tpu.memory_space<vmem>>, vector<16xf32>,
      %broadcast_in_dim3A_87 = arith.constant 0 : i32
      %broadcast_in_dim3A_88 = vector.broadcast %broadcast_in_dim3A_87 : i32 to vector<16xi32>
      %broadcast_in_dim3A_89 = arith.constant 632 : i32
      %broadcast_in_dim3A_90 = vector.broadcast %broadcast_in_dim3A_89 : i32 to vector<16xi32>
      %add3A_91 = arith.addi %broadcast_in_dim3A_88, %broadcast_in_dim3A_90 : vector<16xi32>
      %shift_right_arithmetic3A_92 = arith.constant 1 : i32
      %shift_right_arithmetic3A_93 = vector.broadcast %shift_right_arithmetic3A_92 : i32 to vector<16xi32>
      %shift_right_arithmetic3A_94 = arith.shrsi %add3A_91, %shift_right_arithmetic3A_93 : vector<16xi32>
      %gather3A = tpu.vector_load_idx %arg11[%shift_right_arithmetic3A_94] : memref<640xi32, #tpu.memory_space<vmem>>[vector<16xi32>], vector<16xi32>,
      %le3A = arith.cmpi sle, %gather3A, %add3A_77 : vector<16xi32>
      %select_n3A_95 = arith.select %le3A, %shift_right_arithmetic3A_94, %broadcast_in_dim3A_88 : vector<16xi1>, vector<16xi32>
      %select_n3A_96 = arith.select %le3A, %broadcast_in_dim3A_90, %shift_right_arithmetic3A_94 : vector<16xi1>, vector<16xi32>
      %add3A_97 = arith.addi %select_n3A_95, %select_n3A_96 : vector<16xi32>
      %shift_right_arithmetic3A_98 = arith.constant 1 : i32
      %shift_right_arithmetic3A_99 = vector.broadcast %shift_right_arithmetic3A_98 : i32 to vector<16xi32>
      %shift_right_arithmetic3A_100 = arith.shrsi %add3A_97, %shift_right_arithmetic3A_99 : vector<16xi32>
      %gather3A_101 = tpu.vector_load_idx %arg11[%shift_right_arithmetic3A_100] : memref<640xi32, #tpu.memory_space<vmem>>[vector<16xi32>], vector<16xi32>,
      %le3A_102 = arith.cmpi sle, %gather3A_101, %add3A_77 : vector<16xi32>
      %select_n3A_103 = arith.select %le3A_102, %shift_right_arithmetic3A_100, %select_n3A_95 : vector<16xi1>, vector<16xi32>
      %select_n3A_104 = arith.select %le3A_102, %select_n3A_96, %shift_right_arithmetic3A_100 : vector<16xi1>, vector<16xi32>
      %add3A_105 = arith.addi %select_n3A_103, %select_n3A_104 : vector<16xi32>
      %shift_right_arithmetic3A_106 = arith.constant 1 : i32
      %shift_right_arithmetic3A_107 = vector.broadcast %shift_right_arithmetic3A_106 : i32 to vector<16xi32>
      %shift_right_arithmetic3A_108 = arith.shrsi %add3A_105, %shift_right_arithmetic3A_107 : vector<16xi32>
      %gather3A_109 = tpu.vector_load_idx %arg11[%shift_right_arithmetic3A_108] : memref<640xi32, #tpu.memory_space<vmem>>[vector<16xi32>], vector<16xi32>,
      %le3A_110 = arith.cmpi sle, %gather3A_109, %add3A_77 : vector<16xi32>
      %select_n3A_111 = arith.select %le3A_110, %shift_right_arithmetic3A_108, %select_n3A_103 : vector<16xi1>, vector<16xi32>
      %select_n3A_112 = arith.select %le3A_110, %select_n3A_104, %shift_right_arithmetic3A_108 : vector<16xi1>, vector<16xi32>
      %add3A_113 = arith.addi %select_n3A_111, %select_n3A_112 : vector<16xi32>
      %shift_right_arithmetic3A_114 = arith.constant 1 : i32
      %shift_right_arithmetic3A_115 = vector.broadcast %shift_right_arithmetic3A_114 : i32 to vector<16xi32>
      %shift_right_arithmetic3A_116 = arith.shrsi %add3A_113, %shift_right_arithmetic3A_115 : vector<16xi32>
      %gather3A_117 = tpu.vector_load_idx %arg11[%shift_right_arithmetic3A_116] : memref<640xi32, #tpu.memory_space<vmem>>[vector<16xi32>], vector<16xi32>,
      %le3A_118 = arith.cmpi sle, %gather3A_117, %add3A_77 : vector<16xi32>
      %select_n3A_119 = arith.select %le3A_118, %shift_right_arithmetic3A_116, %select_n3A_111 : vector<16xi1>, vector<16xi32>
      %select_n3A_120 = arith.select %le3A_118, %select_n3A_112, %shift_right_arithmetic3A_116 : vector<16xi1>, vector<16xi32>
      %add3A_121 = arith.addi %select_n3A_119, %select_n3A_120 : vector<16xi32>
      %shift_right_arithmetic3A_122 = arith.constant 1 : i32
      %shift_right_arithmetic3A_123 = vector.broadcast %shift_right_arithmetic3A_122 : i32 to vector<16xi32>
      %shift_right_arithmetic3A_124 = arith.shrsi %add3A_121, %shift_right_arithmetic3A_123 : vector<16xi32>
      %gather3A_125 = tpu.vector_load_idx %arg11[%shift_right_arithmetic3A_124] : memref<640xi32, #tpu.memory_space<vmem>>[vector<16xi32>], vector<16xi32>,
      %le3A_126 = arith.cmpi sle, %gather3A_125, %add3A_77 : vector<16xi32>
      %select_n3A_127 = arith.select %le3A_126, %shift_right_arithmetic3A_124, %select_n3A_119 : vector<16xi1>, vector<16xi32>
      %select_n3A_128 = arith.select %le3A_126, %select_n3A_120, %shift_right_arithmetic3A_124 : vector<16xi1>, vector<16xi32>
      %add3A_129 = arith.addi %select_n3A_127, %select_n3A_128 : vector<16xi32>
      %shift_right_arithmetic3A_130 = arith.constant 1 : i32
      %shift_right_arithmetic3A_131 = vector.broadcast %shift_right_arithmetic3A_130 : i32 to vector<16xi32>
      %shift_right_arithmetic3A_132 = arith.shrsi %add3A_129, %shift_right_arithmetic3A_131 : vector<16xi32>
      %gather3A_133 = tpu.vector_load_idx %arg11[%shift_right_arithmetic3A_132] : memref<640xi32, #tpu.memory_space<vmem>>[vector<16xi32>], vector<16xi32>,
      %le3A_134 = arith.cmpi sle, %gather3A_133, %add3A_77 : vector<16xi32>
      %select_n3A_135 = arith.select %le3A_134, %shift_right_arithmetic3A_132, %select_n3A_127 : vector<16xi1>, vector<16xi32>
      %select_n3A_136 = arith.select %le3A_134, %select_n3A_128, %shift_right_arithmetic3A_132 : vector<16xi1>, vector<16xi32>
      %add3A_137 = arith.addi %select_n3A_135, %select_n3A_136 : vector<16xi32>
      %shift_right_arithmetic3A_138 = arith.constant 1 : i32
      %shift_right_arithmetic3A_139 = vector.broadcast %shift_right_arithmetic3A_138 : i32 to vector<16xi32>
      %shift_right_arithmetic3A_140 = arith.shrsi %add3A_137, %shift_right_arithmetic3A_139 : vector<16xi32>
      %gather3A_141 = tpu.vector_load_idx %arg11[%shift_right_arithmetic3A_140] : memref<640xi32, #tpu.memory_space<vmem>>[vector<16xi32>], vector<16xi32>,
      %le3A_142 = arith.cmpi sle, %gather3A_141, %add3A_77 : vector<16xi32>
      %select_n3A_143 = arith.select %le3A_142, %shift_right_arithmetic3A_140, %select_n3A_135 : vector<16xi1>, vector<16xi32>
      %select_n3A_144 = arith.select %le3A_142, %select_n3A_136, %shift_right_arithmetic3A_140 : vector<16xi1>, vector<16xi32>
      %add3A_145 = arith.addi %select_n3A_143, %select_n3A_144 : vector<16xi32>
      %shift_right_arithmetic3A_146 = arith.constant 1 : i32
      %shift_right_arithmetic3A_147 = vector.broadcast %shift_right_arithmetic3A_146 : i32 to vector<16xi32>
      %shift_right_arithmetic3A_148 = arith.shrsi %add3A_145, %shift_right_arithmetic3A_147 : vector<16xi32>
      %gather3A_149 = tpu.vector_load_idx %arg11[%shift_right_arithmetic3A_148] : memref<640xi32, #tpu.memory_space<vmem>>[vector<16xi32>], vector<16xi32>,
      %le3A_150 = arith.cmpi sle, %gather3A_149, %add3A_77 : vector<16xi32>
      %select_n3A_151 = arith.select %le3A_150, %shift_right_arithmetic3A_148, %select_n3A_143 : vector<16xi1>, vector<16xi32>
      %select_n3A_152 = arith.select %le3A_150, %select_n3A_144, %shift_right_arithmetic3A_148 : vector<16xi1>, vector<16xi32>
      %add3A_153 = arith.addi %select_n3A_151, %select_n3A_152 : vector<16xi32>
      %shift_right_arithmetic3A_154 = arith.constant 1 : i32
      %shift_right_arithmetic3A_155 = vector.broadcast %shift_right_arithmetic3A_154 : i32 to vector<16xi32>
      %shift_right_arithmetic3A_156 = arith.shrsi %add3A_153, %shift_right_arithmetic3A_155 : vector<16xi32>
      %gather3A_157 = tpu.vector_load_idx %arg11[%shift_right_arithmetic3A_156] : memref<640xi32, #tpu.memory_space<vmem>>[vector<16xi32>], vector<16xi32>,
      %le3A_158 = arith.cmpi sle, %gather3A_157, %add3A_77 : vector<16xi32>
      %select_n3A_159 = arith.select %le3A_158, %shift_right_arithmetic3A_156, %select_n3A_151 : vector<16xi1>, vector<16xi32>
      %select_n3A_160 = arith.select %le3A_158, %select_n3A_152, %shift_right_arithmetic3A_156 : vector<16xi1>, vector<16xi32>
      %add3A_161 = arith.addi %select_n3A_159, %select_n3A_160 : vector<16xi32>
      %shift_right_arithmetic3A_162 = arith.constant 1 : i32
      %shift_right_arithmetic3A_163 = vector.broadcast %shift_right_arithmetic3A_162 : i32 to vector<16xi32>
      %shift_right_arithmetic3A_164 = arith.shrsi %add3A_161, %shift_right_arithmetic3A_163 : vector<16xi32>
      %gather3A_165 = tpu.vector_load_idx %arg11[%shift_right_arithmetic3A_164] : memref<640xi32, #tpu.memory_space<vmem>>[vector<16xi32>], vector<16xi32>,
      %le3A_166 = arith.cmpi sle, %gather3A_165, %add3A_77 : vector<16xi32>
      %select_n3A_167 = arith.select %le3A_166, %shift_right_arithmetic3A_164, %select_n3A_159 : vector<16xi1>, vector<16xi32>
      %select_n3A_168 = arith.select %le3A_166, %select_n3A_160, %shift_right_arithmetic3A_164 : vector<16xi1>, vector<16xi32>
      %add3A_169 = vector.broadcast %mul3A_4 : i32 to vector<16xi32>
      %add3A_170 = arith.addi %select_n3A_167, %add3A_169 : vector<16xi32>
      %swap3A_171 = arith.constant 0 : index
      %swap3A_172 = tpu.vector_load %arg16[%swap3A_171] {strides = array<i32>} : memref<128xi32, #tpu.memory_space<vmem>>, vector<16xi32>,
      tpu.vector_store %arg16[%swap3A_171], %add3A_170 {strides = array<i32>} : memref<128xi32, #tpu.memory_space<vmem>>, vector<16xi32>,
      %add3A_173 = arith.constant 16 : i32
      %add3A_174 = arith.addi %multiple_of3A_58, %add3A_173 : i32
      %broadcast_in_dim3A_175 = vector.broadcast %add3A_174 : i32 to vector<16xi32>
      %add3A_176 = arith.addi %broadcast_in_dim3A_175, %iota3A : vector<16xi32>
      %ge3A_177 = vector.broadcast %squeeze3A : i32 to vector<16xi32>
      %ge3A_178 = arith.cmpi sge, %add3A_176, %ge3A_177 : vector<16xi32>
      %lt3A_179 = vector.broadcast %squeeze3A_11 : i32 to vector<16xi32>
      %lt3A_180 = arith.cmpi slt, %add3A_176, %lt3A_179 : vector<16xi32>
      %and3A_181 = arith.andi %ge3A_178, %lt3A_180 : vector<16xi1>
      %get3A_182 = arith.constant 16 : index
      %get3A_183 = tpu.vector_load %arg14[%get3A_182] {strides = array<i32>} : memref<128xf32, #tpu.memory_space<vmem>>, vector<16xf32>,
      %jit3A_184 = arith.constant 0.000000e+00 : f32
      %broadcast_in_dim3A_185 = vector.broadcast %jit3A_184 : f32 to vector<16xf32>
      %select_n3A_186 = arith.select %and3A_181, %get3A_183, %broadcast_in_dim3A_185 : vector<16xi1>, vector<16xf32>
      %swap3A_187 = arith.constant 16 : index
      %swap3A_188 = tpu.vector_load %arg14[%swap3A_187] {strides = array<i32>} : memref<128xf32, #tpu.memory_space<vmem>>, vector<16xf32>,
      tpu.vector_store %arg14[%swap3A_187], %select_n3A_186 {strides = array<i32>} : memref<128xf32, #tpu.memory_space<vmem>>, vector<16xf32>,
      %broadcast_in_dim3A_189 = arith.constant 0 : i32
      %broadcast_in_dim3A_190 = vector.broadcast %broadcast_in_dim3A_189 : i32 to vector<16xi32>
      %broadcast_in_dim3A_191 = arith.constant 632 : i32
      %broadcast_in_dim3A_192 = vector.broadcast %broadcast_in_dim3A_191 : i32 to vector<16xi32>
      %add3A_193 = arith.addi %broadcast_in_dim3A_190, %broadcast_in_dim3A_192 : vector<16xi32>
      %shift_right_arithmetic3A_194 = arith.constant 1 : i32
      %shift_right_arithmetic3A_195 = vector.broadcast %shift_right_arithmetic3A_194 : i32 to vector<16xi32>
      %shift_right_arithmetic3A_196 = arith.shrsi %add3A_193, %shift_right_arithmetic3A_195 : vector<16xi32>
      %gather3A_197 = tpu.vector_load_idx %arg11[%shift_right_arithmetic3A_196] : memref<640xi32, #tpu.memory_space<vmem>>[vector<16xi32>], vector<16xi32>,
      %le3A_198 = arith.cmpi sle, %gather3A_197, %add3A_176 : vector<16xi32>
      %select_n3A_199 = arith.select %le3A_198, %shift_right_arithmetic3A_196, %broadcast_in_dim3A_190 : vector<16xi1>, vector<16xi32>
      %select_n3A_200 = arith.select %le3A_198, %broadcast_in_dim3A_192, %shift_right_arithmetic3A_196 : vector<16xi1>, vector<16xi32>
      %add3A_201 = arith.addi %select_n3A_199, %select_n3A_200 : vector<16xi32>
      %shift_right_arithmetic3A_202 = arith.constant 1 : i32
      %shift_right_arithmetic3A_203 = vector.broadcast %shift_right_arithmetic3A_202 : i32 to vector<16xi32>
      %shift_right_arithmetic3A_204 = arith.shrsi %add3A_201, %shift_right_arithmetic3A_203 : vector<16xi32>
      %gather3A_205 = tpu.vector_load_idx %arg11[%shift_right_arithmetic3A_204] : memref<640xi32, #tpu.memory_space<vmem>>[vector<16xi32>], vector<16xi32>,
      %le3A_206 = arith.cmpi sle, %gather3A_205, %add3A_176 : vector<16xi32>
      %select_n3A_207 = arith.select %le3A_206, %shift_right_arithmetic3A_204, %select_n3A_199 : vector<16xi1>, vector<16xi32>
      %select_n3A_208 = arith.select %le3A_206, %select_n3A_200, %shift_right_arithmetic3A_204 : vector<16xi1>, vector<16xi32>
      %add3A_209 = arith.addi %select_n3A_207, %select_n3A_208 : vector<16xi32>
      %shift_right_arithmetic3A_210 = arith.constant 1 : i32
      %shift_right_arithmetic3A_211 = vector.broadcast %shift_right_arithmetic3A_210 : i32 to vector<16xi32>
      %shift_right_arithmetic3A_212 = arith.shrsi %add3A_209, %shift_right_arithmetic3A_211 : vector<16xi32>
      %gather3A_213 = tpu.vector_load_idx %arg11[%shift_right_arithmetic3A_212] : memref<640xi32, #tpu.memory_space<vmem>>[vector<16xi32>], vector<16xi32>,
      %le3A_214 = arith.cmpi sle, %gather3A_213, %add3A_176 : vector<16xi32>
      %select_n3A_215 = arith.select %le3A_214, %shift_right_arithmetic3A_212, %select_n3A_207 : vector<16xi1>, vector<16xi32>
      %select_n3A_216 = arith.select %le3A_214, %select_n3A_208, %shift_right_arithmetic3A_212 : vector<16xi1>, vector<16xi32>
      %add3A_217 = arith.addi %select_n3A_215, %select_n3A_216 : vector<16xi32>
      %shift_right_arithmetic3A_218 = arith.constant 1 : i32
      %shift_right_arithmetic3A_219 = vector.broadcast %shift_right_arithmetic3A_218 : i32 to vector<16xi32>
      %shift_right_arithmetic3A_220 = arith.shrsi %add3A_217, %shift_right_arithmetic3A_219 : vector<16xi32>
      %gather3A_221 = tpu.vector_load_idx %arg11[%shift_right_arithmetic3A_220] : memref<640xi32, #tpu.memory_space<vmem>>[vector<16xi32>], vector<16xi32>,
      %le3A_222 = arith.cmpi sle, %gather3A_221, %add3A_176 : vector<16xi32>
      %select_n3A_223 = arith.select %le3A_222, %shift_right_arithmetic3A_220, %select_n3A_215 : vector<16xi1>, vector<16xi32>
      %select_n3A_224 = arith.select %le3A_222, %select_n3A_216, %shift_right_arithmetic3A_220 : vector<16xi1>, vector<16xi32>
      %add3A_225 = arith.addi %select_n3A_223, %select_n3A_224 : vector<16xi32>
      %shift_right_arithmetic3A_226 = arith.constant 1 : i32
      %shift_right_arithmetic3A_227 = vector.broadcast %shift_right_arithmetic3A_226 : i32 to vector<16xi32>
      %shift_right_arithmetic3A_228 = arith.shrsi %add3A_225, %shift_right_arithmetic3A_227 : vector<16xi32>
      %gather3A_229 = tpu.vector_load_idx %arg11[%shift_right_arithmetic3A_228] : memref<640xi32, #tpu.memory_space<vmem>>[vector<16xi32>], vector<16xi32>,
      %le3A_230 = arith.cmpi sle, %gather3A_229, %add3A_176 : vector<16xi32>
      %select_n3A_231 = arith.select %le3A_230, %shift_right_arithmetic3A_228, %select_n3A_223 : vector<16xi1>, vector<16xi32>
      %select_n3A_232 = arith.select %le3A_230, %select_n3A_224, %shift_right_arithmetic3A_228 : vector<16xi1>, vector<16xi32>
      %add3A_233 = arith.addi %select_n3A_231, %select_n3A_232 : vector<16xi32>
      %shift_right_arithmetic3A_234 = arith.constant 1 : i32
      %shift_right_arithmetic3A_235 = vector.broadcast %shift_right_arithmetic3A_234 : i32 to vector<16xi32>
      %shift_right_arithmetic3A_236 = arith.shrsi %add3A_233, %shift_right_arithmetic3A_235 : vector<16xi32>
      %gather3A_237 = tpu.vector_load_idx %arg11[%shift_right_arithmetic3A_236] : memref<640xi32, #tpu.memory_space<vmem>>[vector<16xi32>], vector<16xi32>,
      %le3A_238 = arith.cmpi sle, %gather3A_237, %add3A_176 : vector<16xi32>
      %select_n3A_239 = arith.select %le3A_238, %shift_right_arithmetic3A_236, %select_n3A_231 : vector<16xi1>, vector<16xi32>
      %select_n3A_240 = arith.select %le3A_238, %select_n3A_232, %shift_right_arithmetic3A_236 : vector<16xi1>, vector<16xi32>
      %add3A_241 = arith.addi %select_n3A_239, %select_n3A_240 : vector<16xi32>
      %shift_right_arithmetic3A_242 = arith.constant 1 : i32
      %shift_right_arithmetic3A_243 = vector.broadcast %shift_right_arithmetic3A_242 : i32 to vector<16xi32>
      %shift_right_arithmetic3A_244 = arith.shrsi %add3A_241, %shift_right_arithmetic3A_243 : vector<16xi32>
      %gather3A_245 = tpu.vector_load_idx %arg11[%shift_right_arithmetic3A_244] : memref<640xi32, #tpu.memory_space<vmem>>[vector<16xi32>], vector<16xi32>,
      %le3A_246 = arith.cmpi sle, %gather3A_245, %add3A_176 : vector<16xi32>
      %select_n3A_247 = arith.select %le3A_246, %shift_right_arithmetic3A_244, %select_n3A_239 : vector<16xi1>, vector<16xi32>
      %select_n3A_248 = arith.select %le3A_246, %select_n3A_240, %shift_right_arithmetic3A_244 : vector<16xi1>, vector<16xi32>
      %add3A_249 = arith.addi %select_n3A_247, %select_n3A_248 : vector<16xi32>
      %shift_right_arithmetic3A_250 = arith.constant 1 : i32
      %shift_right_arithmetic3A_251 = vector.broadcast %shift_right_arithmetic3A_250 : i32 to vector<16xi32>
      %shift_right_arithmetic3A_252 = arith.shrsi %add3A_249, %shift_right_arithmetic3A_251 : vector<16xi32>
      %gather3A_253 = tpu.vector_load_idx %arg11[%shift_right_arithmetic3A_252] : memref<640xi32, #tpu.memory_space<vmem>>[vector<16xi32>], vector<16xi32>,
      %le3A_254 = arith.cmpi sle, %gather3A_253, %add3A_176 : vector<16xi32>
      %select_n3A_255 = arith.select %le3A_254, %shift_right_arithmetic3A_252, %select_n3A_247 : vector<16xi1>, vector<16xi32>
      %select_n3A_256 = arith.select %le3A_254, %select_n3A_248, %shift_right_arithmetic3A_252 : vector<16xi1>, vector<16xi32>
      %add3A_257 = arith.addi %select_n3A_255, %select_n3A_256 : vector<16xi32>
      %shift_right_arithmetic3A_258 = arith.constant 1 : i32
      %shift_right_arithmetic3A_259 = vector.broadcast %shift_right_arithmetic3A_258 : i32 to vector<16xi32>
      %shift_right_arithmetic3A_260 = arith.shrsi %add3A_257, %shift_right_arithmetic3A_259 : vector<16xi32>
      %gather3A_261 = tpu.vector_load_idx %arg11[%shift_right_arithmetic3A_260] : memref<640xi32, #tpu.memory_space<vmem>>[vector<16xi32>], vector<16xi32>,
      %le3A_262 = arith.cmpi sle, %gather3A_261, %add3A_176 : vector<16xi32>
      %select_n3A_263 = arith.select %le3A_262, %shift_right_arithmetic3A_260, %select_n3A_255 : vector<16xi1>, vector<16xi32>
      %select_n3A_264 = arith.select %le3A_262, %select_n3A_256, %shift_right_arithmetic3A_260 : vector<16xi1>, vector<16xi32>
      %add3A_265 = arith.addi %select_n3A_263, %select_n3A_264 : vector<16xi32>
      %shift_right_arithmetic3A_266 = arith.constant 1 : i32
      %shift_right_arithmetic3A_267 = vector.broadcast %shift_right_arithmetic3A_266 : i32 to vector<16xi32>
      %shift_right_arithmetic3A_268 = arith.shrsi %add3A_265, %shift_right_arithmetic3A_267 : vector<16xi32>
      %gather3A_269 = tpu.vector_load_idx %arg11[%shift_right_arithmetic3A_268] : memref<640xi32, #tpu.memory_space<vmem>>[vector<16xi32>], vector<16xi32>,
      %le3A_270 = arith.cmpi sle, %gather3A_269, %add3A_176 : vector<16xi32>
      %select_n3A_271 = arith.select %le3A_270, %shift_right_arithmetic3A_268, %select_n3A_263 : vector<16xi1>, vector<16xi32>
      %select_n3A_272 = arith.select %le3A_270, %select_n3A_264, %shift_right_arithmetic3A_268 : vector<16xi1>, vector<16xi32>
      %add3A_273 = vector.broadcast %mul3A_4 : i32 to vector<16xi32>
      %add3A_274 = arith.addi %select_n3A_271, %add3A_273 : vector<16xi32>
      %swap3A_275 = arith.constant 16 : index
      %swap3A_276 = tpu.vector_load %arg16[%swap3A_275] {strides = array<i32>} : memref<128xi32, #tpu.memory_space<vmem>>, vector<16xi32>,
      tpu.vector_store %arg16[%swap3A_275], %add3A_274 {strides = array<i32>} : memref<128xi32, #tpu.memory_space<vmem>>, vector<16xi32>,
      %add3A_277 = arith.constant 32 : i32
      %add3A_278 = arith.addi %multiple_of3A_58, %add3A_277 : i32
      %broadcast_in_dim3A_279 = vector.broadcast %add3A_278 : i32 to vector<16xi32>
      %add3A_280 = arith.addi %broadcast_in_dim3A_279, %iota3A : vector<16xi32>
      %ge3A_281 = vector.broadcast %squeeze3A : i32 to vector<16xi32>
      %ge3A_282 = arith.cmpi sge, %add3A_280, %ge3A_281 : vector<16xi32>
      %lt3A_283 = vector.broadcast %squeeze3A_11 : i32 to vector<16xi32>
      %lt3A_284 = arith.cmpi slt, %add3A_280, %lt3A_283 : vector<16xi32>
      %and3A_285 = arith.andi %ge3A_282, %lt3A_284 : vector<16xi1>
      %get3A_286 = arith.constant 32 : index
      %get3A_287 = tpu.vector_load %arg14[%get3A_286] {strides = array<i32>} : memref<128xf32, #tpu.memory_space<vmem>>, vector<16xf32>,
      %jit3A_288 = arith.constant 0.000000e+00 : f32
      %broadcast_in_dim3A_289 = vector.broadcast %jit3A_288 : f32 to vector<16xf32>
      %select_n3A_290 = arith.select %and3A_285, %get3A_287, %broadcast_in_dim3A_289 : vector<16xi1>, vector<16xf32>
      %swap3A_291 = arith.constant 32 : index
      %swap3A_292 = tpu.vector_load %arg14[%swap3A_291] {strides = array<i32>} : memref<128xf32, #tpu.memory_space<vmem>>, vector<16xf32>,
      tpu.vector_store %arg14[%swap3A_291], %select_n3A_290 {strides = array<i32>} : memref<128xf32, #tpu.memory_space<vmem>>, vector<16xf32>,
      %broadcast_in_dim3A_293 = arith.constant 0 : i32
      %broadcast_in_dim3A_294 = vector.broadcast %broadcast_in_dim3A_293 : i32 to vector<16xi32>
      %broadcast_in_dim3A_295 = arith.constant 632 : i32
      %broadcast_in_dim3A_296 = vector.broadcast %broadcast_in_dim3A_295 : i32 to vector<16xi32>
      %add3A_297 = arith.addi %broadcast_in_dim3A_294, %broadcast_in_dim3A_296 : vector<16xi32>
      %shift_right_arithmetic3A_298 = arith.constant 1 : i32
      %shift_right_arithmetic3A_299 = vector.broadcast %shift_right_arithmetic3A_298 : i32 to vector<16xi32>
      %shift_right_arithmetic3A_300 = arith.shrsi %add3A_297, %shift_right_arithmetic3A_299 : vector<16xi32>
      %gather3A_301 = tpu.vector_load_idx %arg11[%shift_right_arithmetic3A_300] : memref<640xi32, #tpu.memory_space<vmem>>[vector<16xi32>], vector<16xi32>,
      %le3A_302 = arith.cmpi sle, %gather3A_301, %add3A_280 : vector<16xi32>
      %select_n3A_303 = arith.select %le3A_302, %shift_right_arithmetic3A_300, %broadcast_in_dim3A_294 : vector<16xi1>, vector<16xi32>
      %select_n3A_304 = arith.select %le3A_302, %broadcast_in_dim3A_296, %shift_right_arithmetic3A_300 : vector<16xi1>, vector<16xi32>
      %add3A_305 = arith.addi %select_n3A_303, %select_n3A_304 : vector<16xi32>
      %shift_right_arithmetic3A_306 = arith.constant 1 : i32
      %shift_right_arithmetic3A_307 = vector.broadcast %shift_right_arithmetic3A_306 : i32 to vector<16xi32>
      %shift_right_arithmetic3A_308 = arith.shrsi %add3A_305, %shift_right_arithmetic3A_307 : vector<16xi32>
      %gather3A_309 = tpu.vector_load_idx %arg11[%shift_right_arithmetic3A_308] : memref<640xi32, #tpu.memory_space<vmem>>[vector<16xi32>], vector<16xi32>,
      %le3A_310 = arith.cmpi sle, %gather3A_309, %add3A_280 : vector<16xi32>
      %select_n3A_311 = arith.select %le3A_310, %shift_right_arithmetic3A_308, %select_n3A_303 : vector<16xi1>, vector<16xi32>
      %select_n3A_312 = arith.select %le3A_310, %select_n3A_304, %shift_right_arithmetic3A_308 : vector<16xi1>, vector<16xi32>
      %add3A_313 = arith.addi %select_n3A_311, %select_n3A_312 : vector<16xi32>
      %shift_right_arithmetic3A_314 = arith.constant 1 : i32
      %shift_right_arithmetic3A_315 = vector.broadcast %shift_right_arithmetic3A_314 : i32 to vector<16xi32>
      %shift_right_arithmetic3A_316 = arith.shrsi %add3A_313, %shift_right_arithmetic3A_315 : vector<16xi32>
      %gather3A_317 = tpu.vector_load_idx %arg11[%shift_right_arithmetic3A_316] : memref<640xi32, #tpu.memory_space<vmem>>[vector<16xi32>], vector<16xi32>,
      %le3A_318 = arith.cmpi sle, %gather3A_317, %add3A_280 : vector<16xi32>
      %select_n3A_319 = arith.select %le3A_318, %shift_right_arithmetic3A_316, %select_n3A_311 : vector<16xi1>, vector<16xi32>
      %select_n3A_320 = arith.select %le3A_318, %select_n3A_312, %shift_right_arithmetic3A_316 : vector<16xi1>, vector<16xi32>
      %add3A_321 = arith.addi %select_n3A_319, %select_n3A_320 : vector<16xi32>
      %shift_right_arithmetic3A_322 = arith.constant 1 : i32
      %shift_right_arithmetic3A_323 = vector.broadcast %shift_right_arithmetic3A_322 : i32 to vector<16xi32>
      %shift_right_arithmetic3A_324 = arith.shrsi %add3A_321, %shift_right_arithmetic3A_323 : vector<16xi32>
      %gather3A_325 = tpu.vector_load_idx %arg11[%shift_right_arithmetic3A_324] : memref<640xi32, #tpu.memory_space<vmem>>[vector<16xi32>], vector<16xi32>,
      %le3A_326 = arith.cmpi sle, %gather3A_325, %add3A_280 : vector<16xi32>
      %select_n3A_327 = arith.select %le3A_326, %shift_right_arithmetic3A_324, %select_n3A_319 : vector<16xi1>, vector<16xi32>
      %select_n3A_328 = arith.select %le3A_326, %select_n3A_320, %shift_right_arithmetic3A_324 : vector<16xi1>, vector<16xi32>
      %add3A_329 = arith.addi %select_n3A_327, %select_n3A_328 : vector<16xi32>
      %shift_right_arithmetic3A_330 = arith.constant 1 : i32
      %shift_right_arithmetic3A_331 = vector.broadcast %shift_right_arithmetic3A_330 : i32 to vector<16xi32>
      %shift_right_arithmetic3A_332 = arith.shrsi %add3A_329, %shift_right_arithmetic3A_331 : vector<16xi32>
      %gather3A_333 = tpu.vector_load_idx %arg11[%shift_right_arithmetic3A_332] : memref<640xi32, #tpu.memory_space<vmem>>[vector<16xi32>], vector<16xi32>,
      %le3A_334 = arith.cmpi sle, %gather3A_333, %add3A_280 : vector<16xi32>
      %select_n3A_335 = arith.select %le3A_334, %shift_right_arithmetic3A_332, %select_n3A_327 : vector<16xi1>, vector<16xi32>
      %select_n3A_336 = arith.select %le3A_334, %select_n3A_328, %shift_right_arithmetic3A_332 : vector<16xi1>, vector<16xi32>
      %add3A_337 = arith.addi %select_n3A_335, %select_n3A_336 : vector<16xi32>
      %shift_right_arithmetic3A_338 = arith.constant 1 : i32
      %shift_right_arithmetic3A_339 = vector.broadcast %shift_right_arithmetic3A_338 : i32 to vector<16xi32>
      %shift_right_arithmetic3A_340 = arith.shrsi %add3A_337, %shift_right_arithmetic3A_339 : vector<16xi32>
      %gather3A_341 = tpu.vector_load_idx %arg11[%shift_right_arithmetic3A_340] : memref<640xi32, #tpu.memory_space<vmem>>[vector<16xi32>], vector<16xi32>,
      %le3A_342 = arith.cmpi sle, %gather3A_341, %add3A_280 : vector<16xi32>
      %select_n3A_343 = arith.select %le3A_342, %shift_right_arithmetic3A_340, %select_n3A_335 : vector<16xi1>, vector<16xi32>
      %select_n3A_344 = arith.select %le3A_342, %select_n3A_336, %shift_right_arithmetic3A_340 : vector<16xi1>, vector<16xi32>
      %add3A_345 = arith.addi %select_n3A_343, %select_n3A_344 : vector<16xi32>
      %shift_right_arithmetic3A_346 = arith.constant 1 : i32
      %shift_right_arithmetic3A_347 = vector.broadcast %shift_right_arithmetic3A_346 : i32 to vector<16xi32>
      %shift_right_arithmetic3A_348 = arith.shrsi %add3A_345, %shift_right_arithmetic3A_347 : vector<16xi32>
      %gather3A_349 = tpu.vector_load_idx %arg11[%shift_right_arithmetic3A_348] : memref<640xi32, #tpu.memory_space<vmem>>[vector<16xi32>], vector<16xi32>,
      %le3A_350 = arith.cmpi sle, %gather3A_349, %add3A_280 : vector<16xi32>
      %select_n3A_351 = arith.select %le3A_350, %shift_right_arithmetic3A_348, %select_n3A_343 : vector<16xi1>, vector<16xi32>
      %select_n3A_352 = arith.select %le3A_350, %select_n3A_344, %shift_right_arithmetic3A_348 : vector<16xi1>, vector<16xi32>
      %add3A_353 = arith.addi %select_n3A_351, %select_n3A_352 : vector<16xi32>
      %shift_right_arithmetic3A_354 = arith.constant 1 : i32
      %shift_right_arithmetic3A_355 = vector.broadcast %shift_right_arithmetic3A_354 : i32 to vector<16xi32>
      %shift_right_arithmetic3A_356 = arith.shrsi %add3A_353, %shift_right_arithmetic3A_355 : vector<16xi32>
      %gather3A_357 = tpu.vector_load_idx %arg11[%shift_right_arithmetic3A_356] : memref<640xi32, #tpu.memory_space<vmem>>[vector<16xi32>], vector<16xi32>,
      %le3A_358 = arith.cmpi sle, %gather3A_357, %add3A_280 : vector<16xi32>
      %select_n3A_359 = arith.select %le3A_358, %shift_right_arithmetic3A_356, %select_n3A_351 : vector<16xi1>, vector<16xi32>
      %select_n3A_360 = arith.select %le3A_358, %select_n3A_352, %shift_right_arithmetic3A_356 : vector<16xi1>, vector<16xi32>
      %add3A_361 = arith.addi %select_n3A_359, %select_n3A_360 : vector<16xi32>
      %shift_right_arithmetic3A_362 = arith.constant 1 : i32
      %shift_right_arithmetic3A_363 = vector.broadcast %shift_right_arithmetic3A_362 : i32 to vector<16xi32>
      %shift_right_arithmetic3A_364 = arith.shrsi %add3A_361, %shift_right_arithmetic3A_363 : vector<16xi32>
      %gather3A_365 = tpu.vector_load_idx %arg11[%shift_right_arithmetic3A_364] : memref<640xi32, #tpu.memory_space<vmem>>[vector<16xi32>], vector<16xi32>,
      %le3A_366 = arith.cmpi sle, %gather3A_365, %add3A_280 : vector<16xi32>
      %select_n3A_367 = arith.select %le3A_366, %shift_right_arithmetic3A_364, %select_n3A_359 : vector<16xi1>, vector<16xi32>
      %select_n3A_368 = arith.select %le3A_366, %select_n3A_360, %shift_right_arithmetic3A_364 : vector<16xi1>, vector<16xi32>
      %add3A_369 = arith.addi %select_n3A_367, %select_n3A_368 : vector<16xi32>
      %shift_right_arithmetic3A_370 = arith.constant 1 : i32
      %shift_right_arithmetic3A_371 = vector.broadcast %shift_right_arithmetic3A_370 : i32 to vector<16xi32>
      %shift_right_arithmetic3A_372 = arith.shrsi %add3A_369, %shift_right_arithmetic3A_371 : vector<16xi32>
      %gather3A_373 = tpu.vector_load_idx %arg11[%shift_right_arithmetic3A_372] : memref<640xi32, #tpu.memory_space<vmem>>[vector<16xi32>], vector<16xi32>,
      %le3A_374 = arith.cmpi sle, %gather3A_373, %add3A_280 : vector<16xi32>
      %select_n3A_375 = arith.select %le3A_374, %shift_right_arithmetic3A_372, %select_n3A_367 : vector<16xi1>, vector<16xi32>
      %select_n3A_376 = arith.select %le3A_374, %select_n3A_368, %shift_right_arithmetic3A_372 : vector<16xi1>, vector<16xi32>
      %add3A_377 = vector.broadcast %mul3A_4 : i32 to vector<16xi32>
      %add3A_378 = arith.addi %select_n3A_375, %add3A_377 : vector<16xi32>
      %swap3A_379 = arith.constant 32 : index
      %swap3A_380 = tpu.vector_load %arg16[%swap3A_379] {strides = array<i32>} : memref<128xi32, #tpu.memory_space<vmem>>, vector<16xi32>,
      tpu.vector_store %arg16[%swap3A_379], %add3A_378 {strides = array<i32>} : memref<128xi32, #tpu.memory_space<vmem>>, vector<16xi32>,
      %add3A_381 = arith.constant 48 : i32
      %add3A_382 = arith.addi %multiple_of3A_58, %add3A_381 : i32
      %broadcast_in_dim3A_383 = vector.broadcast %add3A_382 : i32 to vector<16xi32>
      %add3A_384 = arith.addi %broadcast_in_dim3A_383, %iota3A : vector<16xi32>
      %ge3A_385 = vector.broadcast %squeeze3A : i32 to vector<16xi32>
      %ge3A_386 = arith.cmpi sge, %add3A_384, %ge3A_385 : vector<16xi32>
      %lt3A_387 = vector.broadcast %squeeze3A_11 : i32 to vector<16xi32>
      %lt3A_388 = arith.cmpi slt, %add3A_384, %lt3A_387 : vector<16xi32>
      %and3A_389 = arith.andi %ge3A_386, %lt3A_388 : vector<16xi1>
      %get3A_390 = arith.constant 48 : index
      %get3A_391 = tpu.vector_load %arg14[%get3A_390] {strides = array<i32>} : memref<128xf32, #tpu.memory_space<vmem>>, vector<16xf32>,
      %jit3A_392 = arith.constant 0.000000e+00 : f32
      %broadcast_in_dim3A_393 = vector.broadcast %jit3A_392 : f32 to vector<16xf32>
      %select_n3A_394 = arith.select %and3A_389, %get3A_391, %broadcast_in_dim3A_393 : vector<16xi1>, vector<16xf32>
      %swap3A_395 = arith.constant 48 : index
      %swap3A_396 = tpu.vector_load %arg14[%swap3A_395] {strides = array<i32>} : memref<128xf32, #tpu.memory_space<vmem>>, vector<16xf32>,
      tpu.vector_store %arg14[%swap3A_395], %select_n3A_394 {strides = array<i32>} : memref<128xf32, #tpu.memory_space<vmem>>, vector<16xf32>,
      %broadcast_in_dim3A_397 = arith.constant 0 : i32
      %broadcast_in_dim3A_398 = vector.broadcast %broadcast_in_dim3A_397 : i32 to vector<16xi32>
      %broadcast_in_dim3A_399 = arith.constant 632 : i32
      %broadcast_in_dim3A_400 = vector.broadcast %broadcast_in_dim3A_399 : i32 to vector<16xi32>
      %add3A_401 = arith.addi %broadcast_in_dim3A_398, %broadcast_in_dim3A_400 : vector<16xi32>
      %shift_right_arithmetic3A_402 = arith.constant 1 : i32
      %shift_right_arithmetic3A_403 = vector.broadcast %shift_right_arithmetic3A_402 : i32 to vector<16xi32>
      %shift_right_arithmetic3A_404 = arith.shrsi %add3A_401, %shift_right_arithmetic3A_403 : vector<16xi32>
      %gather3A_405 = tpu.vector_load_idx %arg11[%shift_right_arithmetic3A_404] : memref<640xi32, #tpu.memory_space<vmem>>[vector<16xi32>], vector<16xi32>,
      %le3A_406 = arith.cmpi sle, %gather3A_405, %add3A_384 : vector<16xi32>
      %select_n3A_407 = arith.select %le3A_406, %shift_right_arithmetic3A_404, %broadcast_in_dim3A_398 : vector<16xi1>, vector<16xi32>
      %select_n3A_408 = arith.select %le3A_406, %broadcast_in_dim3A_400, %shift_right_arithmetic3A_404 : vector<16xi1>, vector<16xi32>
      %add3A_409 = arith.addi %select_n3A_407, %select_n3A_408 : vector<16xi32>
      %shift_right_arithmetic3A_410 = arith.constant 1 : i32
      %shift_right_arithmetic3A_411 = vector.broadcast %shift_right_arithmetic3A_410 : i32 to vector<16xi32>
      %shift_right_arithmetic3A_412 = arith.shrsi %add3A_409, %shift_right_arithmetic3A_411 : vector<16xi32>
      %gather3A_413 = tpu.vector_load_idx %arg11[%shift_right_arithmetic3A_412] : memref<640xi32, #tpu.memory_space<vmem>>[vector<16xi32>], vector<16xi32>,
      %le3A_414 = arith.cmpi sle, %gather3A_413, %add3A_384 : vector<16xi32>
      %select_n3A_415 = arith.select %le3A_414, %shift_right_arithmetic3A_412, %select_n3A_407 : vector<16xi1>, vector<16xi32>
      %select_n3A_416 = arith.select %le3A_414, %select_n3A_408, %shift_right_arithmetic3A_412 : vector<16xi1>, vector<16xi32>
      %add3A_417 = arith.addi %select_n3A_415, %select_n3A_416 : vector<16xi32>
      %shift_right_arithmetic3A_418 = arith.constant 1 : i32
      %shift_right_arithmetic3A_419 = vector.broadcast %shift_right_arithmetic3A_418 : i32 to vector<16xi32>
      %shift_right_arithmetic3A_420 = arith.shrsi %add3A_417, %shift_right_arithmetic3A_419 : vector<16xi32>
      %gather3A_421 = tpu.vector_load_idx %arg11[%shift_right_arithmetic3A_420] : memref<640xi32, #tpu.memory_space<vmem>>[vector<16xi32>], vector<16xi32>,
      %le3A_422 = arith.cmpi sle, %gather3A_421, %add3A_384 : vector<16xi32>
      %select_n3A_423 = arith.select %le3A_422, %shift_right_arithmetic3A_420, %select_n3A_415 : vector<16xi1>, vector<16xi32>
      %select_n3A_424 = arith.select %le3A_422, %select_n3A_416, %shift_right_arithmetic3A_420 : vector<16xi1>, vector<16xi32>
      %add3A_425 = arith.addi %select_n3A_423, %select_n3A_424 : vector<16xi32>
      %shift_right_arithmetic3A_426 = arith.constant 1 : i32
      %shift_right_arithmetic3A_427 = vector.broadcast %shift_right_arithmetic3A_426 : i32 to vector<16xi32>
      %shift_right_arithmetic3A_428 = arith.shrsi %add3A_425, %shift_right_arithmetic3A_427 : vector<16xi32>
      %gather3A_429 = tpu.vector_load_idx %arg11[%shift_right_arithmetic3A_428] : memref<640xi32, #tpu.memory_space<vmem>>[vector<16xi32>], vector<16xi32>,
      %le3A_430 = arith.cmpi sle, %gather3A_429, %add3A_384 : vector<16xi32>
      %select_n3A_431 = arith.select %le3A_430, %shift_right_arithmetic3A_428, %select_n3A_423 : vector<16xi1>, vector<16xi32>
      %select_n3A_432 = arith.select %le3A_430, %select_n3A_424, %shift_right_arithmetic3A_428 : vector<16xi1>, vector<16xi32>
      %add3A_433 = arith.addi %select_n3A_431, %select_n3A_432 : vector<16xi32>
      %shift_right_arithmetic3A_434 = arith.constant 1 : i32
      %shift_right_arithmetic3A_435 = vector.broadcast %shift_right_arithmetic3A_434 : i32 to vector<16xi32>
      %shift_right_arithmetic3A_436 = arith.shrsi %add3A_433, %shift_right_arithmetic3A_435 : vector<16xi32>
      %gather3A_437 = tpu.vector_load_idx %arg11[%shift_right_arithmetic3A_436] : memref<640xi32, #tpu.memory_space<vmem>>[vector<16xi32>], vector<16xi32>,
      %le3A_438 = arith.cmpi sle, %gather3A_437, %add3A_384 : vector<16xi32>
      %select_n3A_439 = arith.select %le3A_438, %shift_right_arithmetic3A_436, %select_n3A_431 : vector<16xi1>, vector<16xi32>
      %select_n3A_440 = arith.select %le3A_438, %select_n3A_432, %shift_right_arithmetic3A_436 : vector<16xi1>, vector<16xi32>
      %add3A_441 = arith.addi %select_n3A_439, %select_n3A_440 : vector<16xi32>
      %shift_right_arithmetic3A_442 = arith.constant 1 : i32
      %shift_right_arithmetic3A_443 = vector.broadcast %shift_right_arithmetic3A_442 : i32 to vector<16xi32>
      %shift_right_arithmetic3A_444 = arith.shrsi %add3A_441, %shift_right_arithmetic3A_443 : vector<16xi32>
      %gather3A_445 = tpu.vector_load_idx %arg11[%shift_right_arithmetic3A_444] : memref<640xi32, #tpu.memory_space<vmem>>[vector<16xi32>], vector<16xi32>,
      %le3A_446 = arith.cmpi sle, %gather3A_445, %add3A_384 : vector<16xi32>
      %select_n3A_447 = arith.select %le3A_446, %shift_right_arithmetic3A_444, %select_n3A_439 : vector<16xi1>, vector<16xi32>
      %select_n3A_448 = arith.select %le3A_446, %select_n3A_440, %shift_right_arithmetic3A_444 : vector<16xi1>, vector<16xi32>
      %add3A_449 = arith.addi %select_n3A_447, %select_n3A_448 : vector<16xi32>
      %shift_right_arithmetic3A_450 = arith.constant 1 : i32
      %shift_right_arithmetic3A_451 = vector.broadcast %shift_right_arithmetic3A_450 : i32 to vector<16xi32>
      %shift_right_arithmetic3A_452 = arith.shrsi %add3A_449, %shift_right_arithmetic3A_451 : vector<16xi32>
      %gather3A_453 = tpu.vector_load_idx %arg11[%shift_right_arithmetic3A_452] : memref<640xi32, #tpu.memory_space<vmem>>[vector<16xi32>], vector<16xi32>,
      %le3A_454 = arith.cmpi sle, %gather3A_453, %add3A_384 : vector<16xi32>
      %select_n3A_455 = arith.select %le3A_454, %shift_right_arithmetic3A_452, %select_n3A_447 : vector<16xi1>, vector<16xi32>
      %select_n3A_456 = arith.select %le3A_454, %select_n3A_448, %shift_right_arithmetic3A_452 : vector<16xi1>, vector<16xi32>
      %add3A_457 = arith.addi %select_n3A_455, %select_n3A_456 : vector<16xi32>
      %shift_right_arithmetic3A_458 = arith.constant 1 : i32
      %shift_right_arithmetic3A_459 = vector.broadcast %shift_right_arithmetic3A_458 : i32 to vector<16xi32>
      %shift_right_arithmetic3A_460 = arith.shrsi %add3A_457, %shift_right_arithmetic3A_459 : vector<16xi32>
      %gather3A_461 = tpu.vector_load_idx %arg11[%shift_right_arithmetic3A_460] : memref<640xi32, #tpu.memory_space<vmem>>[vector<16xi32>], vector<16xi32>,
      %le3A_462 = arith.cmpi sle, %gather3A_461, %add3A_384 : vector<16xi32>
      %select_n3A_463 = arith.select %le3A_462, %shift_right_arithmetic3A_460, %select_n3A_455 : vector<16xi1>, vector<16xi32>
      %select_n3A_464 = arith.select %le3A_462, %select_n3A_456, %shift_right_arithmetic3A_460 : vector<16xi1>, vector<16xi32>
      %add3A_465 = arith.addi %select_n3A_463, %select_n3A_464 : vector<16xi32>
      %shift_right_arithmetic3A_466 = arith.constant 1 : i32
      %shift_right_arithmetic3A_467 = vector.broadcast %shift_right_arithmetic3A_466 : i32 to vector<16xi32>
      %shift_right_arithmetic3A_468 = arith.shrsi %add3A_465, %shift_right_arithmetic3A_467 : vector<16xi32>
      %gather3A_469 = tpu.vector_load_idx %arg11[%shift_right_arithmetic3A_468] : memref<640xi32, #tpu.memory_space<vmem>>[vector<16xi32>], vector<16xi32>,
      %le3A_470 = arith.cmpi sle, %gather3A_469, %add3A_384 : vector<16xi32>
      %select_n3A_471 = arith.select %le3A_470, %shift_right_arithmetic3A_468, %select_n3A_463 : vector<16xi1>, vector<16xi32>
      %select_n3A_472 = arith.select %le3A_470, %select_n3A_464, %shift_right_arithmetic3A_468 : vector<16xi1>, vector<16xi32>
      %add3A_473 = arith.addi %select_n3A_471, %select_n3A_472 : vector<16xi32>
      %shift_right_arithmetic3A_474 = arith.constant 1 : i32
      %shift_right_arithmetic3A_475 = vector.broadcast %shift_right_arithmetic3A_474 : i32 to vector<16xi32>
      %shift_right_arithmetic3A_476 = arith.shrsi %add3A_473, %shift_right_arithmetic3A_475 : vector<16xi32>
      %gather3A_477 = tpu.vector_load_idx %arg11[%shift_right_arithmetic3A_476] : memref<640xi32, #tpu.memory_space<vmem>>[vector<16xi32>], vector<16xi32>,
      %le3A_478 = arith.cmpi sle, %gather3A_477, %add3A_384 : vector<16xi32>
      %select_n3A_479 = arith.select %le3A_478, %shift_right_arithmetic3A_476, %select_n3A_471 : vector<16xi1>, vector<16xi32>
      %select_n3A_480 = arith.select %le3A_478, %select_n3A_472, %shift_right_arithmetic3A_476 : vector<16xi1>, vector<16xi32>
      %add3A_481 = vector.broadcast %mul3A_4 : i32 to vector<16xi32>
      %add3A_482 = arith.addi %select_n3A_479, %add3A_481 : vector<16xi32>
      %swap3A_483 = arith.constant 48 : index
      %swap3A_484 = tpu.vector_load %arg16[%swap3A_483] {strides = array<i32>} : memref<128xi32, #tpu.memory_space<vmem>>, vector<16xi32>,
      tpu.vector_store %arg16[%swap3A_483], %add3A_482 {strides = array<i32>} : memref<128xi32, #tpu.memory_space<vmem>>, vector<16xi32>,
      %add3A_485 = arith.constant 64 : i32
      %add3A_486 = arith.addi %multiple_of3A_58, %add3A_485 : i32
      %broadcast_in_dim3A_487 = vector.broadcast %add3A_486 : i32 to vector<16xi32>
      %add3A_488 = arith.addi %broadcast_in_dim3A_487, %iota3A : vector<16xi32>
      %ge3A_489 = vector.broadcast %squeeze3A : i32 to vector<16xi32>
      %ge3A_490 = arith.cmpi sge, %add3A_488, %ge3A_489 : vector<16xi32>
      %lt3A_491 = vector.broadcast %squeeze3A_11 : i32 to vector<16xi32>
      %lt3A_492 = arith.cmpi slt, %add3A_488, %lt3A_491 : vector<16xi32>
      %and3A_493 = arith.andi %ge3A_490, %lt3A_492 : vector<16xi1>
      %get3A_494 = arith.constant 64 : index
      %get3A_495 = tpu.vector_load %arg14[%get3A_494] {strides = array<i32>} : memref<128xf32, #tpu.memory_space<vmem>>, vector<16xf32>,
      %jit3A_496 = arith.constant 0.000000e+00 : f32
      %broadcast_in_dim3A_497 = vector.broadcast %jit3A_496 : f32 to vector<16xf32>
      %select_n3A_498 = arith.select %and3A_493, %get3A_495, %broadcast_in_dim3A_497 : vector<16xi1>, vector<16xf32>
      %swap3A_499 = arith.constant 64 : index
      %swap3A_500 = tpu.vector_load %arg14[%swap3A_499] {strides = array<i32>} : memref<128xf32, #tpu.memory_space<vmem>>, vector<16xf32>,
      tpu.vector_store %arg14[%swap3A_499], %select_n3A_498 {strides = array<i32>} : memref<128xf32, #tpu.memory_space<vmem>>, vector<16xf32>,
      %broadcast_in_dim3A_501 = arith.constant 0 : i32
      %broadcast_in_dim3A_502 = vector.broadcast %broadcast_in_dim3A_501 : i32 to vector<16xi32>
      %broadcast_in_dim3A_503 = arith.constant 632 : i32
      %broadcast_in_dim3A_504 = vector.broadcast %broadcast_in_dim3A_503 : i32 to vector<16xi32>
      %add3A_505 = arith.addi %broadcast_in_dim3A_502, %broadcast_in_dim3A_504 : vector<16xi32>
      %shift_right_arithmetic3A_506 = arith.constant 1 : i32
      %shift_right_arithmetic3A_507 = vector.broadcast %shift_right_arithmetic3A_506 : i32 to vector<16xi32>
      %shift_right_arithmetic3A_508 = arith.shrsi %add3A_505, %shift_right_arithmetic3A_507 : vector<16xi32>
      %gather3A_509 = tpu.vector_load_idx %arg11[%shift_right_arithmetic3A_508] : memref<640xi32, #tpu.memory_space<vmem>>[vector<16xi32>], vector<16xi32>,
      %le3A_510 = arith.cmpi sle, %gather3A_509, %add3A_488 : vector<16xi32>
      %select_n3A_511 = arith.select %le3A_510, %shift_right_arithmetic3A_508, %broadcast_in_dim3A_502 : vector<16xi1>, vector<16xi32>
      %select_n3A_512 = arith.select %le3A_510, %broadcast_in_dim3A_504, %shift_right_arithmetic3A_508 : vector<16xi1>, vector<16xi32>
      %add3A_513 = arith.addi %select_n3A_511, %select_n3A_512 : vector<16xi32>
      %shift_right_arithmetic3A_514 = arith.constant 1 : i32
      %shift_right_arithmetic3A_515 = vector.broadcast %shift_right_arithmetic3A_514 : i32 to vector<16xi32>
      %shift_right_arithmetic3A_516 = arith.shrsi %add3A_513, %shift_right_arithmetic3A_515 : vector<16xi32>
      %gather3A_517 = tpu.vector_load_idx %arg11[%shift_right_arithmetic3A_516] : memref<640xi32, #tpu.memory_space<vmem>>[vector<16xi32>], vector<16xi32>,
      %le3A_518 = arith.cmpi sle, %gather3A_517, %add3A_488 : vector<16xi32>
      %select_n3A_519 = arith.select %le3A_518, %shift_right_arithmetic3A_516, %select_n3A_511 : vector<16xi1>, vector<16xi32>
      %select_n3A_520 = arith.select %le3A_518, %select_n3A_512, %shift_right_arithmetic3A_516 : vector<16xi1>, vector<16xi32>
      %add3A_521 = arith.addi %select_n3A_519, %select_n3A_520 : vector<16xi32>
      %shift_right_arithmetic3A_522 = arith.constant 1 : i32
      %shift_right_arithmetic3A_523 = vector.broadcast %shift_right_arithmetic3A_522 : i32 to vector<16xi32>
      %shift_right_arithmetic3A_524 = arith.shrsi %add3A_521, %shift_right_arithmetic3A_523 : vector<16xi32>
      %gather3A_525 = tpu.vector_load_idx %arg11[%shift_right_arithmetic3A_524] : memref<640xi32, #tpu.memory_space<vmem>>[vector<16xi32>], vector<16xi32>,
      %le3A_526 = arith.cmpi sle, %gather3A_525, %add3A_488 : vector<16xi32>
      %select_n3A_527 = arith.select %le3A_526, %shift_right_arithmetic3A_524, %select_n3A_519 : vector<16xi1>, vector<16xi32>
      %select_n3A_528 = arith.select %le3A_526, %select_n3A_520, %shift_right_arithmetic3A_524 : vector<16xi1>, vector<16xi32>
      %add3A_529 = arith.addi %select_n3A_527, %select_n3A_528 : vector<16xi32>
      %shift_right_arithmetic3A_530 = arith.constant 1 : i32
      %shift_right_arithmetic3A_531 = vector.broadcast %shift_right_arithmetic3A_530 : i32 to vector<16xi32>
      %shift_right_arithmetic3A_532 = arith.shrsi %add3A_529, %shift_right_arithmetic3A_531 : vector<16xi32>
      %gather3A_533 = tpu.vector_load_idx %arg11[%shift_right_arithmetic3A_532] : memref<640xi32, #tpu.memory_space<vmem>>[vector<16xi32>], vector<16xi32>,
      %le3A_534 = arith.cmpi sle, %gather3A_533, %add3A_488 : vector<16xi32>
      %select_n3A_535 = arith.select %le3A_534, %shift_right_arithmetic3A_532, %select_n3A_527 : vector<16xi1>, vector<16xi32>
      %select_n3A_536 = arith.select %le3A_534, %select_n3A_528, %shift_right_arithmetic3A_532 : vector<16xi1>, vector<16xi32>
      %add3A_537 = arith.addi %select_n3A_535, %select_n3A_536 : vector<16xi32>
      %shift_right_arithmetic3A_538 = arith.constant 1 : i32
      %shift_right_arithmetic3A_539 = vector.broadcast %shift_right_arithmetic3A_538 : i32 to vector<16xi32>
      %shift_right_arithmetic3A_540 = arith.shrsi %add3A_537, %shift_right_arithmetic3A_539 : vector<16xi32>
      %gather3A_541 = tpu.vector_load_idx %arg11[%shift_right_arithmetic3A_540] : memref<640xi32, #tpu.memory_space<vmem>>[vector<16xi32>], vector<16xi32>,
      %le3A_542 = arith.cmpi sle, %gather3A_541, %add3A_488 : vector<16xi32>
      %select_n3A_543 = arith.select %le3A_542, %shift_right_arithmetic3A_540, %select_n3A_535 : vector<16xi1>, vector<16xi32>
      %select_n3A_544 = arith.select %le3A_542, %select_n3A_536, %shift_right_arithmetic3A_540 : vector<16xi1>, vector<16xi32>
      %add3A_545 = arith.addi %select_n3A_543, %select_n3A_544 : vector<16xi32>
      %shift_right_arithmetic3A_546 = arith.constant 1 : i32
      %shift_right_arithmetic3A_547 = vector.broadcast %shift_right_arithmetic3A_546 : i32 to vector<16xi32>
      %shift_right_arithmetic3A_548 = arith.shrsi %add3A_545, %shift_right_arithmetic3A_547 : vector<16xi32>
      %gather3A_549 = tpu.vector_load_idx %arg11[%shift_right_arithmetic3A_548] : memref<640xi32, #tpu.memory_space<vmem>>[vector<16xi32>], vector<16xi32>,
      %le3A_550 = arith.cmpi sle, %gather3A_549, %add3A_488 : vector<16xi32>
      %select_n3A_551 = arith.select %le3A_550, %shift_right_arithmetic3A_548, %select_n3A_543 : vector<16xi1>, vector<16xi32>
      %select_n3A_552 = arith.select %le3A_550, %select_n3A_544, %shift_right_arithmetic3A_548 : vector<16xi1>, vector<16xi32>
      %add3A_553 = arith.addi %select_n3A_551, %select_n3A_552 : vector<16xi32>
      %shift_right_arithmetic3A_554 = arith.constant 1 : i32
      %shift_right_arithmetic3A_555 = vector.broadcast %shift_right_arithmetic3A_554 : i32 to vector<16xi32>
      %shift_right_arithmetic3A_556 = arith.shrsi %add3A_553, %shift_right_arithmetic3A_555 : vector<16xi32>
      %gather3A_557 = tpu.vector_load_idx %arg11[%shift_right_arithmetic3A_556] : memref<640xi32, #tpu.memory_space<vmem>>[vector<16xi32>], vector<16xi32>,
      %le3A_558 = arith.cmpi sle, %gather3A_557, %add3A_488 : vector<16xi32>
      %select_n3A_559 = arith.select %le3A_558, %shift_right_arithmetic3A_556, %select_n3A_551 : vector<16xi1>, vector<16xi32>
      %select_n3A_560 = arith.select %le3A_558, %select_n3A_552, %shift_right_arithmetic3A_556 : vector<16xi1>, vector<16xi32>
      %add3A_561 = arith.addi %select_n3A_559, %select_n3A_560 : vector<16xi32>
      %shift_right_arithmetic3A_562 = arith.constant 1 : i32
      %shift_right_arithmetic3A_563 = vector.broadcast %shift_right_arithmetic3A_562 : i32 to vector<16xi32>
      %shift_right_arithmetic3A_564 = arith.shrsi %add3A_561, %shift_right_arithmetic3A_563 : vector<16xi32>
      %gather3A_565 = tpu.vector_load_idx %arg11[%shift_right_arithmetic3A_564] : memref<640xi32, #tpu.memory_space<vmem>>[vector<16xi32>], vector<16xi32>,
      %le3A_566 = arith.cmpi sle, %gather3A_565, %add3A_488 : vector<16xi32>
      %select_n3A_567 = arith.select %le3A_566, %shift_right_arithmetic3A_564, %select_n3A_559 : vector<16xi1>, vector<16xi32>
      %select_n3A_568 = arith.select %le3A_566, %select_n3A_560, %shift_right_arithmetic3A_564 : vector<16xi1>, vector<16xi32>
      %add3A_569 = arith.addi %select_n3A_567, %select_n3A_568 : vector<16xi32>
      %shift_right_arithmetic3A_570 = arith.constant 1 : i32
      %shift_right_arithmetic3A_571 = vector.broadcast %shift_right_arithmetic3A_570 : i32 to vector<16xi32>
      %shift_right_arithmetic3A_572 = arith.shrsi %add3A_569, %shift_right_arithmetic3A_571 : vector<16xi32>
      %gather3A_573 = tpu.vector_load_idx %arg11[%shift_right_arithmetic3A_572] : memref<640xi32, #tpu.memory_space<vmem>>[vector<16xi32>], vector<16xi32>,
      %le3A_574 = arith.cmpi sle, %gather3A_573, %add3A_488 : vector<16xi32>
      %select_n3A_575 = arith.select %le3A_574, %shift_right_arithmetic3A_572, %select_n3A_567 : vector<16xi1>, vector<16xi32>
      %select_n3A_576 = arith.select %le3A_574, %select_n3A_568, %shift_right_arithmetic3A_572 : vector<16xi1>, vector<16xi32>
      %add3A_577 = arith.addi %select_n3A_575, %select_n3A_576 : vector<16xi32>
      %shift_right_arithmetic3A_578 = arith.constant 1 : i32
      %shift_right_arithmetic3A_579 = vector.broadcast %shift_right_arithmetic3A_578 : i32 to vector<16xi32>
      %shift_right_arithmetic3A_580 = arith.shrsi %add3A_577, %shift_right_arithmetic3A_579 : vector<16xi32>
      %gather3A_581 = tpu.vector_load_idx %arg11[%shift_right_arithmetic3A_580] : memref<640xi32, #tpu.memory_space<vmem>>[vector<16xi32>], vector<16xi32>,
      %le3A_582 = arith.cmpi sle, %gather3A_581, %add3A_488 : vector<16xi32>
      %select_n3A_583 = arith.select %le3A_582, %shift_right_arithmetic3A_580, %select_n3A_575 : vector<16xi1>, vector<16xi32>
      %select_n3A_584 = arith.select %le3A_582, %select_n3A_576, %shift_right_arithmetic3A_580 : vector<16xi1>, vector<16xi32>
      %add3A_585 = vector.broadcast %mul3A_4 : i32 to vector<16xi32>
      %add3A_586 = arith.addi %select_n3A_583, %add3A_585 : vector<16xi32>
      %swap3A_587 = arith.constant 64 : index
      %swap3A_588 = tpu.vector_load %arg16[%swap3A_587] {strides = array<i32>} : memref<128xi32, #tpu.memory_space<vmem>>, vector<16xi32>,
      tpu.vector_store %arg16[%swap3A_587], %add3A_586 {strides = array<i32>} : memref<128xi32, #tpu.memory_space<vmem>>, vector<16xi32>,
      %add3A_589 = arith.constant 80 : i32
      %add3A_590 = arith.addi %multiple_of3A_58, %add3A_589 : i32
      %broadcast_in_dim3A_591 = vector.broadcast %add3A_590 : i32 to vector<16xi32>
      %add3A_592 = arith.addi %broadcast_in_dim3A_591, %iota3A : vector<16xi32>
      %ge3A_593 = vector.broadcast %squeeze3A : i32 to vector<16xi32>
      %ge3A_594 = arith.cmpi sge, %add3A_592, %ge3A_593 : vector<16xi32>
      %lt3A_595 = vector.broadcast %squeeze3A_11 : i32 to vector<16xi32>
      %lt3A_596 = arith.cmpi slt, %add3A_592, %lt3A_595 : vector<16xi32>
      %and3A_597 = arith.andi %ge3A_594, %lt3A_596 : vector<16xi1>
      %get3A_598 = arith.constant 80 : index
      %get3A_599 = tpu.vector_load %arg14[%get3A_598] {strides = array<i32>} : memref<128xf32, #tpu.memory_space<vmem>>, vector<16xf32>,
      %jit3A_600 = arith.constant 0.000000e+00 : f32
      %broadcast_in_dim3A_601 = vector.broadcast %jit3A_600 : f32 to vector<16xf32>
      %select_n3A_602 = arith.select %and3A_597, %get3A_599, %broadcast_in_dim3A_601 : vector<16xi1>, vector<16xf32>
      %swap3A_603 = arith.constant 80 : index
      %swap3A_604 = tpu.vector_load %arg14[%swap3A_603] {strides = array<i32>} : memref<128xf32, #tpu.memory_space<vmem>>, vector<16xf32>,
      tpu.vector_store %arg14[%swap3A_603], %select_n3A_602 {strides = array<i32>} : memref<128xf32, #tpu.memory_space<vmem>>, vector<16xf32>,
      %broadcast_in_dim3A_605 = arith.constant 0 : i32
      %broadcast_in_dim3A_606 = vector.broadcast %broadcast_in_dim3A_605 : i32 to vector<16xi32>
      %broadcast_in_dim3A_607 = arith.constant 632 : i32
      %broadcast_in_dim3A_608 = vector.broadcast %broadcast_in_dim3A_607 : i32 to vector<16xi32>
      %add3A_609 = arith.addi %broadcast_in_dim3A_606, %broadcast_in_dim3A_608 : vector<16xi32>
      %shift_right_arithmetic3A_610 = arith.constant 1 : i32
      %shift_right_arithmetic3A_611 = vector.broadcast %shift_right_arithmetic3A_610 : i32 to vector<16xi32>
      %shift_right_arithmetic3A_612 = arith.shrsi %add3A_609, %shift_right_arithmetic3A_611 : vector<16xi32>
      %gather3A_613 = tpu.vector_load_idx %arg11[%shift_right_arithmetic3A_612] : memref<640xi32, #tpu.memory_space<vmem>>[vector<16xi32>], vector<16xi32>,
      %le3A_614 = arith.cmpi sle, %gather3A_613, %add3A_592 : vector<16xi32>
      %select_n3A_615 = arith.select %le3A_614, %shift_right_arithmetic3A_612, %broadcast_in_dim3A_606 : vector<16xi1>, vector<16xi32>
      %select_n3A_616 = arith.select %le3A_614, %broadcast_in_dim3A_608, %shift_right_arithmetic3A_612 : vector<16xi1>, vector<16xi32>
      %add3A_617 = arith.addi %select_n3A_615, %select_n3A_616 : vector<16xi32>
      %shift_right_arithmetic3A_618 = arith.constant 1 : i32
      %shift_right_arithmetic3A_619 = vector.broadcast %shift_right_arithmetic3A_618 : i32 to vector<16xi32>
      %shift_right_arithmetic3A_620 = arith.shrsi %add3A_617, %shift_right_arithmetic3A_619 : vector<16xi32>
      %gather3A_621 = tpu.vector_load_idx %arg11[%shift_right_arithmetic3A_620] : memref<640xi32, #tpu.memory_space<vmem>>[vector<16xi32>], vector<16xi32>,
      %le3A_622 = arith.cmpi sle, %gather3A_621, %add3A_592 : vector<16xi32>
      %select_n3A_623 = arith.select %le3A_622, %shift_right_arithmetic3A_620, %select_n3A_615 : vector<16xi1>, vector<16xi32>
      %select_n3A_624 = arith.select %le3A_622, %select_n3A_616, %shift_right_arithmetic3A_620 : vector<16xi1>, vector<16xi32>
      %add3A_625 = arith.addi %select_n3A_623, %select_n3A_624 : vector<16xi32>
      %shift_right_arithmetic3A_626 = arith.constant 1 : i32
      %shift_right_arithmetic3A_627 = vector.broadcast %shift_right_arithmetic3A_626 : i32 to vector<16xi32>
      %shift_right_arithmetic3A_628 = arith.shrsi %add3A_625, %shift_right_arithmetic3A_627 : vector<16xi32>
      %gather3A_629 = tpu.vector_load_idx %arg11[%shift_right_arithmetic3A_628] : memref<640xi32, #tpu.memory_space<vmem>>[vector<16xi32>], vector<16xi32>,
      %le3A_630 = arith.cmpi sle, %gather3A_629, %add3A_592 : vector<16xi32>
      %select_n3A_631 = arith.select %le3A_630, %shift_right_arithmetic3A_628, %select_n3A_623 : vector<16xi1>, vector<16xi32>
      %select_n3A_632 = arith.select %le3A_630, %select_n3A_624, %shift_right_arithmetic3A_628 : vector<16xi1>, vector<16xi32>
      %add3A_633 = arith.addi %select_n3A_631, %select_n3A_632 : vector<16xi32>
      %shift_right_arithmetic3A_634 = arith.constant 1 : i32
      %shift_right_arithmetic3A_635 = vector.broadcast %shift_right_arithmetic3A_634 : i32 to vector<16xi32>
      %shift_right_arithmetic3A_636 = arith.shrsi %add3A_633, %shift_right_arithmetic3A_635 : vector<16xi32>
      %gather3A_637 = tpu.vector_load_idx %arg11[%shift_right_arithmetic3A_636] : memref<640xi32, #tpu.memory_space<vmem>>[vector<16xi32>], vector<16xi32>,
      %le3A_638 = arith.cmpi sle, %gather3A_637, %add3A_592 : vector<16xi32>
      %select_n3A_639 = arith.select %le3A_638, %shift_right_arithmetic3A_636, %select_n3A_631 : vector<16xi1>, vector<16xi32>
      %select_n3A_640 = arith.select %le3A_638, %select_n3A_632, %shift_right_arithmetic3A_636 : vector<16xi1>, vector<16xi32>
      %add3A_641 = arith.addi %select_n3A_639, %select_n3A_640 : vector<16xi32>
      %shift_right_arithmetic3A_642 = arith.constant 1 : i32
      %shift_right_arithmetic3A_643 = vector.broadcast %shift_right_arithmetic3A_642 : i32 to vector<16xi32>
      %shift_right_arithmetic3A_644 = arith.shrsi %add3A_641, %shift_right_arithmetic3A_643 : vector<16xi32>
      %gather3A_645 = tpu.vector_load_idx %arg11[%shift_right_arithmetic3A_644] : memref<640xi32, #tpu.memory_space<vmem>>[vector<16xi32>], vector<16xi32>,
      %le3A_646 = arith.cmpi sle, %gather3A_645, %add3A_592 : vector<16xi32>
      %select_n3A_647 = arith.select %le3A_646, %shift_right_arithmetic3A_644, %select_n3A_639 : vector<16xi1>, vector<16xi32>
      %select_n3A_648 = arith.select %le3A_646, %select_n3A_640, %shift_right_arithmetic3A_644 : vector<16xi1>, vector<16xi32>
      %add3A_649 = arith.addi %select_n3A_647, %select_n3A_648 : vector<16xi32>
      %shift_right_arithmetic3A_650 = arith.constant 1 : i32
      %shift_right_arithmetic3A_651 = vector.broadcast %shift_right_arithmetic3A_650 : i32 to vector<16xi32>
      %shift_right_arithmetic3A_652 = arith.shrsi %add3A_649, %shift_right_arithmetic3A_651 : vector<16xi32>
      %gather3A_653 = tpu.vector_load_idx %arg11[%shift_right_arithmetic3A_652] : memref<640xi32, #tpu.memory_space<vmem>>[vector<16xi32>], vector<16xi32>,
      %le3A_654 = arith.cmpi sle, %gather3A_653, %add3A_592 : vector<16xi32>
      %select_n3A_655 = arith.select %le3A_654, %shift_right_arithmetic3A_652, %select_n3A_647 : vector<16xi1>, vector<16xi32>
      %select_n3A_656 = arith.select %le3A_654, %select_n3A_648, %shift_right_arithmetic3A_652 : vector<16xi1>, vector<16xi32>
      %add3A_657 = arith.addi %select_n3A_655, %select_n3A_656 : vector<16xi32>
      %shift_right_arithmetic3A_658 = arith.constant 1 : i32
      %shift_right_arithmetic3A_659 = vector.broadcast %shift_right_arithmetic3A_658 : i32 to vector<16xi32>
      %shift_right_arithmetic3A_660 = arith.shrsi %add3A_657, %shift_right_arithmetic3A_659 : vector<16xi32>
      %gather3A_661 = tpu.vector_load_idx %arg11[%shift_right_arithmetic3A_660] : memref<640xi32, #tpu.memory_space<vmem>>[vector<16xi32>], vector<16xi32>,
      %le3A_662 = arith.cmpi sle, %gather3A_661, %add3A_592 : vector<16xi32>
      %select_n3A_663 = arith.select %le3A_662, %shift_right_arithmetic3A_660, %select_n3A_655 : vector<16xi1>, vector<16xi32>
      %select_n3A_664 = arith.select %le3A_662, %select_n3A_656, %shift_right_arithmetic3A_660 : vector<16xi1>, vector<16xi32>
      %add3A_665 = arith.addi %select_n3A_663, %select_n3A_664 : vector<16xi32>
      %shift_right_arithmetic3A_666 = arith.constant 1 : i32
      %shift_right_arithmetic3A_667 = vector.broadcast %shift_right_arithmetic3A_666 : i32 to vector<16xi32>
      %shift_right_arithmetic3A_668 = arith.shrsi %add3A_665, %shift_right_arithmetic3A_667 : vector<16xi32>
      %gather3A_669 = tpu.vector_load_idx %arg11[%shift_right_arithmetic3A_668] : memref<640xi32, #tpu.memory_space<vmem>>[vector<16xi32>], vector<16xi32>,
      %le3A_670 = arith.cmpi sle, %gather3A_669, %add3A_592 : vector<16xi32>
      %select_n3A_671 = arith.select %le3A_670, %shift_right_arithmetic3A_668, %select_n3A_663 : vector<16xi1>, vector<16xi32>
      %select_n3A_672 = arith.select %le3A_670, %select_n3A_664, %shift_right_arithmetic3A_668 : vector<16xi1>, vector<16xi32>
      %add3A_673 = arith.addi %select_n3A_671, %select_n3A_672 : vector<16xi32>
      %shift_right_arithmetic3A_674 = arith.constant 1 : i32
      %shift_right_arithmetic3A_675 = vector.broadcast %shift_right_arithmetic3A_674 : i32 to vector<16xi32>
      %shift_right_arithmetic3A_676 = arith.shrsi %add3A_673, %shift_right_arithmetic3A_675 : vector<16xi32>
      %gather3A_677 = tpu.vector_load_idx %arg11[%shift_right_arithmetic3A_676] : memref<640xi32, #tpu.memory_space<vmem>>[vector<16xi32>], vector<16xi32>,
      %le3A_678 = arith.cmpi sle, %gather3A_677, %add3A_592 : vector<16xi32>
      %select_n3A_679 = arith.select %le3A_678, %shift_right_arithmetic3A_676, %select_n3A_671 : vector<16xi1>, vector<16xi32>
      %select_n3A_680 = arith.select %le3A_678, %select_n3A_672, %shift_right_arithmetic3A_676 : vector<16xi1>, vector<16xi32>
      %add3A_681 = arith.addi %select_n3A_679, %select_n3A_680 : vector<16xi32>
      %shift_right_arithmetic3A_682 = arith.constant 1 : i32
      %shift_right_arithmetic3A_683 = vector.broadcast %shift_right_arithmetic3A_682 : i32 to vector<16xi32>
      %shift_right_arithmetic3A_684 = arith.shrsi %add3A_681, %shift_right_arithmetic3A_683 : vector<16xi32>
      %gather3A_685 = tpu.vector_load_idx %arg11[%shift_right_arithmetic3A_684] : memref<640xi32, #tpu.memory_space<vmem>>[vector<16xi32>], vector<16xi32>,
      %le3A_686 = arith.cmpi sle, %gather3A_685, %add3A_592 : vector<16xi32>
      %select_n3A_687 = arith.select %le3A_686, %shift_right_arithmetic3A_684, %select_n3A_679 : vector<16xi1>, vector<16xi32>
      %select_n3A_688 = arith.select %le3A_686, %select_n3A_680, %shift_right_arithmetic3A_684 : vector<16xi1>, vector<16xi32>
      %add3A_689 = vector.broadcast %mul3A_4 : i32 to vector<16xi32>
      %add3A_690 = arith.addi %select_n3A_687, %add3A_689 : vector<16xi32>
      %swap3A_691 = arith.constant 80 : index
      %swap3A_692 = tpu.vector_load %arg16[%swap3A_691] {strides = array<i32>} : memref<128xi32, #tpu.memory_space<vmem>>, vector<16xi32>,
      tpu.vector_store %arg16[%swap3A_691], %add3A_690 {strides = array<i32>} : memref<128xi32, #tpu.memory_space<vmem>>, vector<16xi32>,
      %add3A_693 = arith.constant 96 : i32
      %add3A_694 = arith.addi %multiple_of3A_58, %add3A_693 : i32
      %broadcast_in_dim3A_695 = vector.broadcast %add3A_694 : i32 to vector<16xi32>
      %add3A_696 = arith.addi %broadcast_in_dim3A_695, %iota3A : vector<16xi32>
      %ge3A_697 = vector.broadcast %squeeze3A : i32 to vector<16xi32>
      %ge3A_698 = arith.cmpi sge, %add3A_696, %ge3A_697 : vector<16xi32>
      %lt3A_699 = vector.broadcast %squeeze3A_11 : i32 to vector<16xi32>
      %lt3A_700 = arith.cmpi slt, %add3A_696, %lt3A_699 : vector<16xi32>
      %and3A_701 = arith.andi %ge3A_698, %lt3A_700 : vector<16xi1>
      %get3A_702 = arith.constant 96 : index
      %get3A_703 = tpu.vector_load %arg14[%get3A_702] {strides = array<i32>} : memref<128xf32, #tpu.memory_space<vmem>>, vector<16xf32>,
      %jit3A_704 = arith.constant 0.000000e+00 : f32
      %broadcast_in_dim3A_705 = vector.broadcast %jit3A_704 : f32 to vector<16xf32>
      %select_n3A_706 = arith.select %and3A_701, %get3A_703, %broadcast_in_dim3A_705 : vector<16xi1>, vector<16xf32>
      %swap3A_707 = arith.constant 96 : index
      %swap3A_708 = tpu.vector_load %arg14[%swap3A_707] {strides = array<i32>} : memref<128xf32, #tpu.memory_space<vmem>>, vector<16xf32>,
      tpu.vector_store %arg14[%swap3A_707], %select_n3A_706 {strides = array<i32>} : memref<128xf32, #tpu.memory_space<vmem>>, vector<16xf32>,
      %broadcast_in_dim3A_709 = arith.constant 0 : i32
      %broadcast_in_dim3A_710 = vector.broadcast %broadcast_in_dim3A_709 : i32 to vector<16xi32>
      %broadcast_in_dim3A_711 = arith.constant 632 : i32
      %broadcast_in_dim3A_712 = vector.broadcast %broadcast_in_dim3A_711 : i32 to vector<16xi32>
      %add3A_713 = arith.addi %broadcast_in_dim3A_710, %broadcast_in_dim3A_712 : vector<16xi32>
      %shift_right_arithmetic3A_714 = arith.constant 1 : i32
      %shift_right_arithmetic3A_715 = vector.broadcast %shift_right_arithmetic3A_714 : i32 to vector<16xi32>
      %shift_right_arithmetic3A_716 = arith.shrsi %add3A_713, %shift_right_arithmetic3A_715 : vector<16xi32>
      %gather3A_717 = tpu.vector_load_idx %arg11[%shift_right_arithmetic3A_716] : memref<640xi32, #tpu.memory_space<vmem>>[vector<16xi32>], vector<16xi32>,
      %le3A_718 = arith.cmpi sle, %gather3A_717, %add3A_696 : vector<16xi32>
      %select_n3A_719 = arith.select %le3A_718, %shift_right_arithmetic3A_716, %broadcast_in_dim3A_710 : vector<16xi1>, vector<16xi32>
      %select_n3A_720 = arith.select %le3A_718, %broadcast_in_dim3A_712, %shift_right_arithmetic3A_716 : vector<16xi1>, vector<16xi32>
      %add3A_721 = arith.addi %select_n3A_719, %select_n3A_720 : vector<16xi32>
      %shift_right_arithmetic3A_722 = arith.constant 1 : i32
      %shift_right_arithmetic3A_723 = vector.broadcast %shift_right_arithmetic3A_722 : i32 to vector<16xi32>
      %shift_right_arithmetic3A_724 = arith.shrsi %add3A_721, %shift_right_arithmetic3A_723 : vector<16xi32>
      %gather3A_725 = tpu.vector_load_idx %arg11[%shift_right_arithmetic3A_724] : memref<640xi32, #tpu.memory_space<vmem>>[vector<16xi32>], vector<16xi32>,
      %le3A_726 = arith.cmpi sle, %gather3A_725, %add3A_696 : vector<16xi32>
      %select_n3A_727 = arith.select %le3A_726, %shift_right_arithmetic3A_724, %select_n3A_719 : vector<16xi1>, vector<16xi32>
      %select_n3A_728 = arith.select %le3A_726, %select_n3A_720, %shift_right_arithmetic3A_724 : vector<16xi1>, vector<16xi32>
      %add3A_729 = arith.addi %select_n3A_727, %select_n3A_728 : vector<16xi32>
      %shift_right_arithmetic3A_730 = arith.constant 1 : i32
      %shift_right_arithmetic3A_731 = vector.broadcast %shift_right_arithmetic3A_730 : i32 to vector<16xi32>
      %shift_right_arithmetic3A_732 = arith.shrsi %add3A_729, %shift_right_arithmetic3A_731 : vector<16xi32>
      %gather3A_733 = tpu.vector_load_idx %arg11[%shift_right_arithmetic3A_732] : memref<640xi32, #tpu.memory_space<vmem>>[vector<16xi32>], vector<16xi32>,
      %le3A_734 = arith.cmpi sle, %gather3A_733, %add3A_696 : vector<16xi32>
      %select_n3A_735 = arith.select %le3A_734, %shift_right_arithmetic3A_732, %select_n3A_727 : vector<16xi1>, vector<16xi32>
      %select_n3A_736 = arith.select %le3A_734, %select_n3A_728, %shift_right_arithmetic3A_732 : vector<16xi1>, vector<16xi32>
      %add3A_737 = arith.addi %select_n3A_735, %select_n3A_736 : vector<16xi32>
      %shift_right_arithmetic3A_738 = arith.constant 1 : i32
      %shift_right_arithmetic3A_739 = vector.broadcast %shift_right_arithmetic3A_738 : i32 to vector<16xi32>
      %shift_right_arithmetic3A_740 = arith.shrsi %add3A_737, %shift_right_arithmetic3A_739 : vector<16xi32>
      %gather3A_741 = tpu.vector_load_idx %arg11[%shift_right_arithmetic3A_740] : memref<640xi32, #tpu.memory_space<vmem>>[vector<16xi32>], vector<16xi32>,
      %le3A_742 = arith.cmpi sle, %gather3A_741, %add3A_696 : vector<16xi32>
      %select_n3A_743 = arith.select %le3A_742, %shift_right_arithmetic3A_740, %select_n3A_735 : vector<16xi1>, vector<16xi32>
      %select_n3A_744 = arith.select %le3A_742, %select_n3A_736, %shift_right_arithmetic3A_740 : vector<16xi1>, vector<16xi32>
      %add3A_745 = arith.addi %select_n3A_743, %select_n3A_744 : vector<16xi32>
      %shift_right_arithmetic3A_746 = arith.constant 1 : i32
      %shift_right_arithmetic3A_747 = vector.broadcast %shift_right_arithmetic3A_746 : i32 to vector<16xi32>
      %shift_right_arithmetic3A_748 = arith.shrsi %add3A_745, %shift_right_arithmetic3A_747 : vector<16xi32>
      %gather3A_749 = tpu.vector_load_idx %arg11[%shift_right_arithmetic3A_748] : memref<640xi32, #tpu.memory_space<vmem>>[vector<16xi32>], vector<16xi32>,
      %le3A_750 = arith.cmpi sle, %gather3A_749, %add3A_696 : vector<16xi32>
      %select_n3A_751 = arith.select %le3A_750, %shift_right_arithmetic3A_748, %select_n3A_743 : vector<16xi1>, vector<16xi32>
      %select_n3A_752 = arith.select %le3A_750, %select_n3A_744, %shift_right_arithmetic3A_748 : vector<16xi1>, vector<16xi32>
      %add3A_753 = arith.addi %select_n3A_751, %select_n3A_752 : vector<16xi32>
      %shift_right_arithmetic3A_754 = arith.constant 1 : i32
      %shift_right_arithmetic3A_755 = vector.broadcast %shift_right_arithmetic3A_754 : i32 to vector<16xi32>
      %shift_right_arithmetic3A_756 = arith.shrsi %add3A_753, %shift_right_arithmetic3A_755 : vector<16xi32>
      %gather3A_757 = tpu.vector_load_idx %arg11[%shift_right_arithmetic3A_756] : memref<640xi32, #tpu.memory_space<vmem>>[vector<16xi32>], vector<16xi32>,
      %le3A_758 = arith.cmpi sle, %gather3A_757, %add3A_696 : vector<16xi32>
      %select_n3A_759 = arith.select %le3A_758, %shift_right_arithmetic3A_756, %select_n3A_751 : vector<16xi1>, vector<16xi32>
      %select_n3A_760 = arith.select %le3A_758, %select_n3A_752, %shift_right_arithmetic3A_756 : vector<16xi1>, vector<16xi32>
      %add3A_761 = arith.addi %select_n3A_759, %select_n3A_760 : vector<16xi32>
      %shift_right_arithmetic3A_762 = arith.constant 1 : i32
      %shift_right_arithmetic3A_763 = vector.broadcast %shift_right_arithmetic3A_762 : i32 to vector<16xi32>
      %shift_right_arithmetic3A_764 = arith.shrsi %add3A_761, %shift_right_arithmetic3A_763 : vector<16xi32>
      %gather3A_765 = tpu.vector_load_idx %arg11[%shift_right_arithmetic3A_764] : memref<640xi32, #tpu.memory_space<vmem>>[vector<16xi32>], vector<16xi32>,
      %le3A_766 = arith.cmpi sle, %gather3A_765, %add3A_696 : vector<16xi32>
      %select_n3A_767 = arith.select %le3A_766, %shift_right_arithmetic3A_764, %select_n3A_759 : vector<16xi1>, vector<16xi32>
      %select_n3A_768 = arith.select %le3A_766, %select_n3A_760, %shift_right_arithmetic3A_764 : vector<16xi1>, vector<16xi32>
      %add3A_769 = arith.addi %select_n3A_767, %select_n3A_768 : vector<16xi32>
      %shift_right_arithmetic3A_770 = arith.constant 1 : i32
      %shift_right_arithmetic3A_771 = vector.broadcast %shift_right_arithmetic3A_770 : i32 to vector<16xi32>
      %shift_right_arithmetic3A_772 = arith.shrsi %add3A_769, %shift_right_arithmetic3A_771 : vector<16xi32>
      %gather3A_773 = tpu.vector_load_idx %arg11[%shift_right_arithmetic3A_772] : memref<640xi32, #tpu.memory_space<vmem>>[vector<16xi32>], vector<16xi32>,
      %le3A_774 = arith.cmpi sle, %gather3A_773, %add3A_696 : vector<16xi32>
      %select_n3A_775 = arith.select %le3A_774, %shift_right_arithmetic3A_772, %select_n3A_767 : vector<16xi1>, vector<16xi32>
      %select_n3A_776 = arith.select %le3A_774, %select_n3A_768, %shift_right_arithmetic3A_772 : vector<16xi1>, vector<16xi32>
      %add3A_777 = arith.addi %select_n3A_775, %select_n3A_776 : vector<16xi32>
      %shift_right_arithmetic3A_778 = arith.constant 1 : i32
      %shift_right_arithmetic3A_779 = vector.broadcast %shift_right_arithmetic3A_778 : i32 to vector<16xi32>
      %shift_right_arithmetic3A_780 = arith.shrsi %add3A_777, %shift_right_arithmetic3A_779 : vector<16xi32>
      %gather3A_781 = tpu.vector_load_idx %arg11[%shift_right_arithmetic3A_780] : memref<640xi32, #tpu.memory_space<vmem>>[vector<16xi32>], vector<16xi32>,
      %le3A_782 = arith.cmpi sle, %gather3A_781, %add3A_696 : vector<16xi32>
      %select_n3A_783 = arith.select %le3A_782, %shift_right_arithmetic3A_780, %select_n3A_775 : vector<16xi1>, vector<16xi32>
      %select_n3A_784 = arith.select %le3A_782, %select_n3A_776, %shift_right_arithmetic3A_780 : vector<16xi1>, vector<16xi32>
      %add3A_785 = arith.addi %select_n3A_783, %select_n3A_784 : vector<16xi32>
      %shift_right_arithmetic3A_786 = arith.constant 1 : i32
      %shift_right_arithmetic3A_787 = vector.broadcast %shift_right_arithmetic3A_786 : i32 to vector<16xi32>
      %shift_right_arithmetic3A_788 = arith.shrsi %add3A_785, %shift_right_arithmetic3A_787 : vector<16xi32>
      %gather3A_789 = tpu.vector_load_idx %arg11[%shift_right_arithmetic3A_788] : memref<640xi32, #tpu.memory_space<vmem>>[vector<16xi32>], vector<16xi32>,
      %le3A_790 = arith.cmpi sle, %gather3A_789, %add3A_696 : vector<16xi32>
      %select_n3A_791 = arith.select %le3A_790, %shift_right_arithmetic3A_788, %select_n3A_783 : vector<16xi1>, vector<16xi32>
      %select_n3A_792 = arith.select %le3A_790, %select_n3A_784, %shift_right_arithmetic3A_788 : vector<16xi1>, vector<16xi32>
      %add3A_793 = vector.broadcast %mul3A_4 : i32 to vector<16xi32>
      %add3A_794 = arith.addi %select_n3A_791, %add3A_793 : vector<16xi32>
      %swap3A_795 = arith.constant 96 : index
      %swap3A_796 = tpu.vector_load %arg16[%swap3A_795] {strides = array<i32>} : memref<128xi32, #tpu.memory_space<vmem>>, vector<16xi32>,
      tpu.vector_store %arg16[%swap3A_795], %add3A_794 {strides = array<i32>} : memref<128xi32, #tpu.memory_space<vmem>>, vector<16xi32>,
      %add3A_797 = arith.constant 112 : i32
      %add3A_798 = arith.addi %multiple_of3A_58, %add3A_797 : i32
      %broadcast_in_dim3A_799 = vector.broadcast %add3A_798 : i32 to vector<16xi32>
      %add3A_800 = arith.addi %broadcast_in_dim3A_799, %iota3A : vector<16xi32>
      %ge3A_801 = vector.broadcast %squeeze3A : i32 to vector<16xi32>
      %ge3A_802 = arith.cmpi sge, %add3A_800, %ge3A_801 : vector<16xi32>
      %lt3A_803 = vector.broadcast %squeeze3A_11 : i32 to vector<16xi32>
      %lt3A_804 = arith.cmpi slt, %add3A_800, %lt3A_803 : vector<16xi32>
      %and3A_805 = arith.andi %ge3A_802, %lt3A_804 : vector<16xi1>
      %get3A_806 = arith.constant 112 : index
      %get3A_807 = tpu.vector_load %arg14[%get3A_806] {strides = array<i32>} : memref<128xf32, #tpu.memory_space<vmem>>, vector<16xf32>,
      %jit3A_808 = arith.constant 0.000000e+00 : f32
      %broadcast_in_dim3A_809 = vector.broadcast %jit3A_808 : f32 to vector<16xf32>
      %select_n3A_810 = arith.select %and3A_805, %get3A_807, %broadcast_in_dim3A_809 : vector<16xi1>, vector<16xf32>
      %swap3A_811 = arith.constant 112 : index
      %swap3A_812 = tpu.vector_load %arg14[%swap3A_811] {strides = array<i32>} : memref<128xf32, #tpu.memory_space<vmem>>, vector<16xf32>,
      tpu.vector_store %arg14[%swap3A_811], %select_n3A_810 {strides = array<i32>} : memref<128xf32, #tpu.memory_space<vmem>>, vector<16xf32>,
      %broadcast_in_dim3A_813 = arith.constant 0 : i32
      %broadcast_in_dim3A_814 = vector.broadcast %broadcast_in_dim3A_813 : i32 to vector<16xi32>
      %broadcast_in_dim3A_815 = arith.constant 632 : i32
      %broadcast_in_dim3A_816 = vector.broadcast %broadcast_in_dim3A_815 : i32 to vector<16xi32>
      %add3A_817 = arith.addi %broadcast_in_dim3A_814, %broadcast_in_dim3A_816 : vector<16xi32>
      %shift_right_arithmetic3A_818 = arith.constant 1 : i32
      %shift_right_arithmetic3A_819 = vector.broadcast %shift_right_arithmetic3A_818 : i32 to vector<16xi32>
      %shift_right_arithmetic3A_820 = arith.shrsi %add3A_817, %shift_right_arithmetic3A_819 : vector<16xi32>
      %gather3A_821 = tpu.vector_load_idx %arg11[%shift_right_arithmetic3A_820] : memref<640xi32, #tpu.memory_space<vmem>>[vector<16xi32>], vector<16xi32>,
      %le3A_822 = arith.cmpi sle, %gather3A_821, %add3A_800 : vector<16xi32>
      %select_n3A_823 = arith.select %le3A_822, %shift_right_arithmetic3A_820, %broadcast_in_dim3A_814 : vector<16xi1>, vector<16xi32>
      %select_n3A_824 = arith.select %le3A_822, %broadcast_in_dim3A_816, %shift_right_arithmetic3A_820 : vector<16xi1>, vector<16xi32>
      %add3A_825 = arith.addi %select_n3A_823, %select_n3A_824 : vector<16xi32>
      %shift_right_arithmetic3A_826 = arith.constant 1 : i32
      %shift_right_arithmetic3A_827 = vector.broadcast %shift_right_arithmetic3A_826 : i32 to vector<16xi32>
      %shift_right_arithmetic3A_828 = arith.shrsi %add3A_825, %shift_right_arithmetic3A_827 : vector<16xi32>
      %gather3A_829 = tpu.vector_load_idx %arg11[%shift_right_arithmetic3A_828] : memref<640xi32, #tpu.memory_space<vmem>>[vector<16xi32>], vector<16xi32>,
      %le3A_830 = arith.cmpi sle, %gather3A_829, %add3A_800 : vector<16xi32>
      %select_n3A_831 = arith.select %le3A_830, %shift_right_arithmetic3A_828, %select_n3A_823 : vector<16xi1>, vector<16xi32>
      %select_n3A_832 = arith.select %le3A_830, %select_n3A_824, %shift_right_arithmetic3A_828 : vector<16xi1>, vector<16xi32>
      %add3A_833 = arith.addi %select_n3A_831, %select_n3A_832 : vector<16xi32>
      %shift_right_arithmetic3A_834 = arith.constant 1 : i32
      %shift_right_arithmetic3A_835 = vector.broadcast %shift_right_arithmetic3A_834 : i32 to vector<16xi32>
      %shift_right_arithmetic3A_836 = arith.shrsi %add3A_833, %shift_right_arithmetic3A_835 : vector<16xi32>
      %gather3A_837 = tpu.vector_load_idx %arg11[%shift_right_arithmetic3A_836] : memref<640xi32, #tpu.memory_space<vmem>>[vector<16xi32>], vector<16xi32>,
      %le3A_838 = arith.cmpi sle, %gather3A_837, %add3A_800 : vector<16xi32>
      %select_n3A_839 = arith.select %le3A_838, %shift_right_arithmetic3A_836, %select_n3A_831 : vector<16xi1>, vector<16xi32>
      %select_n3A_840 = arith.select %le3A_838, %select_n3A_832, %shift_right_arithmetic3A_836 : vector<16xi1>, vector<16xi32>
      %add3A_841 = arith.addi %select_n3A_839, %select_n3A_840 : vector<16xi32>
      %shift_right_arithmetic3A_842 = arith.constant 1 : i32
      %shift_right_arithmetic3A_843 = vector.broadcast %shift_right_arithmetic3A_842 : i32 to vector<16xi32>
      %shift_right_arithmetic3A_844 = arith.shrsi %add3A_841, %shift_right_arithmetic3A_843 : vector<16xi32>
      %gather3A_845 = tpu.vector_load_idx %arg11[%shift_right_arithmetic3A_844] : memref<640xi32, #tpu.memory_space<vmem>>[vector<16xi32>], vector<16xi32>,
      %le3A_846 = arith.cmpi sle, %gather3A_845, %add3A_800 : vector<16xi32>
      %select_n3A_847 = arith.select %le3A_846, %shift_right_arithmetic3A_844, %select_n3A_839 : vector<16xi1>, vector<16xi32>
      %select_n3A_848 = arith.select %le3A_846, %select_n3A_840, %shift_right_arithmetic3A_844 : vector<16xi1>, vector<16xi32>
      %add3A_849 = arith.addi %select_n3A_847, %select_n3A_848 : vector<16xi32>
      %shift_right_arithmetic3A_850 = arith.constant 1 : i32
      %shift_right_arithmetic3A_851 = vector.broadcast %shift_right_arithmetic3A_850 : i32 to vector<16xi32>
      %shift_right_arithmetic3A_852 = arith.shrsi %add3A_849, %shift_right_arithmetic3A_851 : vector<16xi32>
      %gather3A_853 = tpu.vector_load_idx %arg11[%shift_right_arithmetic3A_852] : memref<640xi32, #tpu.memory_space<vmem>>[vector<16xi32>], vector<16xi32>,
      %le3A_854 = arith.cmpi sle, %gather3A_853, %add3A_800 : vector<16xi32>
      %select_n3A_855 = arith.select %le3A_854, %shift_right_arithmetic3A_852, %select_n3A_847 : vector<16xi1>, vector<16xi32>
      %select_n3A_856 = arith.select %le3A_854, %select_n3A_848, %shift_right_arithmetic3A_852 : vector<16xi1>, vector<16xi32>
      %add3A_857 = arith.addi %select_n3A_855, %select_n3A_856 : vector<16xi32>
      %shift_right_arithmetic3A_858 = arith.constant 1 : i32
      %shift_right_arithmetic3A_859 = vector.broadcast %shift_right_arithmetic3A_858 : i32 to vector<16xi32>
      %shift_right_arithmetic3A_860 = arith.shrsi %add3A_857, %shift_right_arithmetic3A_859 : vector<16xi32>
      %gather3A_861 = tpu.vector_load_idx %arg11[%shift_right_arithmetic3A_860] : memref<640xi32, #tpu.memory_space<vmem>>[vector<16xi32>], vector<16xi32>,
      %le3A_862 = arith.cmpi sle, %gather3A_861, %add3A_800 : vector<16xi32>
      %select_n3A_863 = arith.select %le3A_862, %shift_right_arithmetic3A_860, %select_n3A_855 : vector<16xi1>, vector<16xi32>
      %select_n3A_864 = arith.select %le3A_862, %select_n3A_856, %shift_right_arithmetic3A_860 : vector<16xi1>, vector<16xi32>
      %add3A_865 = arith.addi %select_n3A_863, %select_n3A_864 : vector<16xi32>
      %shift_right_arithmetic3A_866 = arith.constant 1 : i32
      %shift_right_arithmetic3A_867 = vector.broadcast %shift_right_arithmetic3A_866 : i32 to vector<16xi32>
      %shift_right_arithmetic3A_868 = arith.shrsi %add3A_865, %shift_right_arithmetic3A_867 : vector<16xi32>
      %gather3A_869 = tpu.vector_load_idx %arg11[%shift_right_arithmetic3A_868] : memref<640xi32, #tpu.memory_space<vmem>>[vector<16xi32>], vector<16xi32>,
      %le3A_870 = arith.cmpi sle, %gather3A_869, %add3A_800 : vector<16xi32>
      %select_n3A_871 = arith.select %le3A_870, %shift_right_arithmetic3A_868, %select_n3A_863 : vector<16xi1>, vector<16xi32>
      %select_n3A_872 = arith.select %le3A_870, %select_n3A_864, %shift_right_arithmetic3A_868 : vector<16xi1>, vector<16xi32>
      %add3A_873 = arith.addi %select_n3A_871, %select_n3A_872 : vector<16xi32>
      %shift_right_arithmetic3A_874 = arith.constant 1 : i32
      %shift_right_arithmetic3A_875 = vector.broadcast %shift_right_arithmetic3A_874 : i32 to vector<16xi32>
      %shift_right_arithmetic3A_876 = arith.shrsi %add3A_873, %shift_right_arithmetic3A_875 : vector<16xi32>
      %gather3A_877 = tpu.vector_load_idx %arg11[%shift_right_arithmetic3A_876] : memref<640xi32, #tpu.memory_space<vmem>>[vector<16xi32>], vector<16xi32>,
      %le3A_878 = arith.cmpi sle, %gather3A_877, %add3A_800 : vector<16xi32>
      %select_n3A_879 = arith.select %le3A_878, %shift_right_arithmetic3A_876, %select_n3A_871 : vector<16xi1>, vector<16xi32>
      %select_n3A_880 = arith.select %le3A_878, %select_n3A_872, %shift_right_arithmetic3A_876 : vector<16xi1>, vector<16xi32>
      %add3A_881 = arith.addi %select_n3A_879, %select_n3A_880 : vector<16xi32>
      %shift_right_arithmetic3A_882 = arith.constant 1 : i32
      %shift_right_arithmetic3A_883 = vector.broadcast %shift_right_arithmetic3A_882 : i32 to vector<16xi32>
      %shift_right_arithmetic3A_884 = arith.shrsi %add3A_881, %shift_right_arithmetic3A_883 : vector<16xi32>
      %gather3A_885 = tpu.vector_load_idx %arg11[%shift_right_arithmetic3A_884] : memref<640xi32, #tpu.memory_space<vmem>>[vector<16xi32>], vector<16xi32>,
      %le3A_886 = arith.cmpi sle, %gather3A_885, %add3A_800 : vector<16xi32>
      %select_n3A_887 = arith.select %le3A_886, %shift_right_arithmetic3A_884, %select_n3A_879 : vector<16xi1>, vector<16xi32>
      %select_n3A_888 = arith.select %le3A_886, %select_n3A_880, %shift_right_arithmetic3A_884 : vector<16xi1>, vector<16xi32>
      %add3A_889 = arith.addi %select_n3A_887, %select_n3A_888 : vector<16xi32>
      %shift_right_arithmetic3A_890 = arith.constant 1 : i32
      %shift_right_arithmetic3A_891 = vector.broadcast %shift_right_arithmetic3A_890 : i32 to vector<16xi32>
      %shift_right_arithmetic3A_892 = arith.shrsi %add3A_889, %shift_right_arithmetic3A_891 : vector<16xi32>
      %gather3A_893 = tpu.vector_load_idx %arg11[%shift_right_arithmetic3A_892] : memref<640xi32, #tpu.memory_space<vmem>>[vector<16xi32>], vector<16xi32>,
      %le3A_894 = arith.cmpi sle, %gather3A_893, %add3A_800 : vector<16xi32>
      %select_n3A_895 = arith.select %le3A_894, %shift_right_arithmetic3A_892, %select_n3A_887 : vector<16xi1>, vector<16xi32>
      %select_n3A_896 = arith.select %le3A_894, %select_n3A_888, %shift_right_arithmetic3A_892 : vector<16xi1>, vector<16xi32>
      %add3A_897 = vector.broadcast %mul3A_4 : i32 to vector<16xi32>
      %add3A_898 = arith.addi %select_n3A_895, %add3A_897 : vector<16xi32>
      %swap3A_899 = arith.constant 112 : index
      %swap3A_900 = tpu.vector_load %arg16[%swap3A_899] {strides = array<i32>} : memref<128xi32, #tpu.memory_space<vmem>>, vector<16xi32>,
      tpu.vector_store %arg16[%swap3A_899], %add3A_898 {strides = array<i32>} : memref<128xi32, #tpu.memory_space<vmem>>, vector<16xi32>,
      %dma_wait3A_901 = tpu.memref_slice %arg4[%multiple_of3A_61] : memref<80264xi32, #tpu.memory_space<hbm>> -> memref<128xi32, #tpu.memory_space<hbm>>
      %dma_wait3A_902 = tpu.memref_slice %arg4[%multiple_of3A_61] : memref<80264xi32, #tpu.memory_space<hbm>> -> memref<128xi32, #tpu.memory_space<hbm>>
      tpu.wait_dma2 semaphore(%arg19 : memref<!tpu.dma_semaphore, #tpu.memory_space<semaphore_mem>>) src(%dma_wait3A_902 : memref<128xi32, #tpu.memory_space<hbm>>) dst(%arg13 : memref<128xi32, #tpu.memory_space<vmem>>)
      %dma_wait3A_903 = tpu.memref_slice %arg5[%multiple_of3A_61] : memref<80264xf32, #tpu.memory_space<hbm>> -> memref<128xf32, #tpu.memory_space<hbm>>
      %dma_wait3A_904 = tpu.memref_slice %arg5[%multiple_of3A_61] : memref<80264xf32, #tpu.memory_space<hbm>> -> memref<128xf32, #tpu.memory_space<hbm>>
      tpu.wait_dma2 semaphore(%arg19 : memref<!tpu.dma_semaphore, #tpu.memory_space<semaphore_mem>>) src(%dma_wait3A_904 : memref<128xf32, #tpu.memory_space<hbm>>) dst(%arg15 : memref<128xf32, #tpu.memory_space<vmem>>)
      %dma_start3A_905 = arith.constant 0 : i32
      %dma_start3A_906 = arith.constant 0 : i32
      %dma_start3A_907 = tpu.memref_slice %arg6[%dma_start3A_905, %dma_start3A_906] : memref<10000x128xf32, #tpu.memory_space<hbm>> -> memref<10000x128xf32, #tpu.memory_space<hbm>>
      tpu.enqueue_indirect_dma source(%dma_start3A_907 : memref<10000x128xf32, #tpu.memory_space<hbm>>) target(%arg10 : memref<128x128xf32, #tpu.memory_space<vmem>>) offsets(%arg13 : memref<128xi32, #tpu.memory_space<vmem>>) semaphore(%arg21 : memref<!tpu.dma_semaphore, #tpu.memory_space<semaphore_mem>>)
      %add3A_908 = arith.constant 0 : i32
      %add3A_909 = arith.addi %multiple_of3A_61, %add3A_908 : i32
      %broadcast_in_dim3A_910 = vector.broadcast %add3A_909 : i32 to vector<16xi32>
      %add3A_911 = arith.addi %broadcast_in_dim3A_910, %iota3A : vector<16xi32>
      %ge3A_912 = vector.broadcast %squeeze3A : i32 to vector<16xi32>
      %ge3A_913 = arith.cmpi sge, %add3A_911, %ge3A_912 : vector<16xi32>
      %lt3A_914 = vector.broadcast %squeeze3A_11 : i32 to vector<16xi32>
      %lt3A_915 = arith.cmpi slt, %add3A_911, %lt3A_914 : vector<16xi32>
      %and3A_916 = arith.andi %ge3A_913, %lt3A_915 : vector<16xi1>
      %get3A_917 = arith.constant 0 : index
      %get3A_918 = tpu.vector_load %arg15[%get3A_917] {strides = array<i32>} : memref<128xf32, #tpu.memory_space<vmem>>, vector<16xf32>,
      %jit3A_919 = arith.constant 0.000000e+00 : f32
      %broadcast_in_dim3A_920 = vector.broadcast %jit3A_919 : f32 to vector<16xf32>
      %select_n3A_921 = arith.select %and3A_916, %get3A_918, %broadcast_in_dim3A_920 : vector<16xi1>, vector<16xf32>
      %swap3A_922 = arith.constant 0 : index
      %swap3A_923 = tpu.vector_load %arg15[%swap3A_922] {strides = array<i32>} : memref<128xf32, #tpu.memory_space<vmem>>, vector<16xf32>,
      tpu.vector_store %arg15[%swap3A_922], %select_n3A_921 {strides = array<i32>} : memref<128xf32, #tpu.memory_space<vmem>>, vector<16xf32>,
      %broadcast_in_dim3A_924 = arith.constant 0 : i32
      %broadcast_in_dim3A_925 = vector.broadcast %broadcast_in_dim3A_924 : i32 to vector<16xi32>
      %broadcast_in_dim3A_926 = arith.constant 632 : i32
      %broadcast_in_dim3A_927 = vector.broadcast %broadcast_in_dim3A_926 : i32 to vector<16xi32>
      %add3A_928 = arith.addi %broadcast_in_dim3A_925, %broadcast_in_dim3A_927 : vector<16xi32>
      %shift_right_arithmetic3A_929 = arith.constant 1 : i32
      %shift_right_arithmetic3A_930 = vector.broadcast %shift_right_arithmetic3A_929 : i32 to vector<16xi32>
      %shift_right_arithmetic3A_931 = arith.shrsi %add3A_928, %shift_right_arithmetic3A_930 : vector<16xi32>
      %gather3A_932 = tpu.vector_load_idx %arg11[%shift_right_arithmetic3A_931] : memref<640xi32, #tpu.memory_space<vmem>>[vector<16xi32>], vector<16xi32>,
      %le3A_933 = arith.cmpi sle, %gather3A_932, %add3A_911 : vector<16xi32>
      %select_n3A_934 = arith.select %le3A_933, %shift_right_arithmetic3A_931, %broadcast_in_dim3A_925 : vector<16xi1>, vector<16xi32>
      %select_n3A_935 = arith.select %le3A_933, %broadcast_in_dim3A_927, %shift_right_arithmetic3A_931 : vector<16xi1>, vector<16xi32>
      %add3A_936 = arith.addi %select_n3A_934, %select_n3A_935 : vector<16xi32>
      %shift_right_arithmetic3A_937 = arith.constant 1 : i32
      %shift_right_arithmetic3A_938 = vector.broadcast %shift_right_arithmetic3A_937 : i32 to vector<16xi32>
      %shift_right_arithmetic3A_939 = arith.shrsi %add3A_936, %shift_right_arithmetic3A_938 : vector<16xi32>
      %gather3A_940 = tpu.vector_load_idx %arg11[%shift_right_arithmetic3A_939] : memref<640xi32, #tpu.memory_space<vmem>>[vector<16xi32>], vector<16xi32>,
      %le3A_941 = arith.cmpi sle, %gather3A_940, %add3A_911 : vector<16xi32>
      %select_n3A_942 = arith.select %le3A_941, %shift_right_arithmetic3A_939, %select_n3A_934 : vector<16xi1>, vector<16xi32>
      %select_n3A_943 = arith.select %le3A_941, %select_n3A_935, %shift_right_arithmetic3A_939 : vector<16xi1>, vector<16xi32>
      %add3A_944 = arith.addi %select_n3A_942, %select_n3A_943 : vector<16xi32>
      %shift_right_arithmetic3A_945 = arith.constant 1 : i32
      %shift_right_arithmetic3A_946 = vector.broadcast %shift_right_arithmetic3A_945 : i32 to vector<16xi32>
      %shift_right_arithmetic3A_947 = arith.shrsi %add3A_944, %shift_right_arithmetic3A_946 : vector<16xi32>
      %gather3A_948 = tpu.vector_load_idx %arg11[%shift_right_arithmetic3A_947] : memref<640xi32, #tpu.memory_space<vmem>>[vector<16xi32>], vector<16xi32>,
      %le3A_949 = arith.cmpi sle, %gather3A_948, %add3A_911 : vector<16xi32>
      %select_n3A_950 = arith.select %le3A_949, %shift_right_arithmetic3A_947, %select_n3A_942 : vector<16xi1>, vector<16xi32>
      %select_n3A_951 = arith.select %le3A_949, %select_n3A_943, %shift_right_arithmetic3A_947 : vector<16xi1>, vector<16xi32>
      %add3A_952 = arith.addi %select_n3A_950, %select_n3A_951 : vector<16xi32>
      %shift_right_arithmetic3A_953 = arith.constant 1 : i32
      %shift_right_arithmetic3A_954 = vector.broadcast %shift_right_arithmetic3A_953 : i32 to vector<16xi32>
      %shift_right_arithmetic3A_955 = arith.shrsi %add3A_952, %shift_right_arithmetic3A_954 : vector<16xi32>
      %gather3A_956 = tpu.vector_load_idx %arg11[%shift_right_arithmetic3A_955] : memref<640xi32, #tpu.memory_space<vmem>>[vector<16xi32>], vector<16xi32>,
      %le3A_957 = arith.cmpi sle, %gather3A_956, %add3A_911 : vector<16xi32>
      %select_n3A_958 = arith.select %le3A_957, %shift_right_arithmetic3A_955, %select_n3A_950 : vector<16xi1>, vector<16xi32>
      %select_n3A_959 = arith.select %le3A_957, %select_n3A_951, %shift_right_arithmetic3A_955 : vector<16xi1>, vector<16xi32>
      %add3A_960 = arith.addi %select_n3A_958, %select_n3A_959 : vector<16xi32>
      %shift_right_arithmetic3A_961 = arith.constant 1 : i32
      %shift_right_arithmetic3A_962 = vector.broadcast %shift_right_arithmetic3A_961 : i32 to vector<16xi32>
      %shift_right_arithmetic3A_963 = arith.shrsi %add3A_960, %shift_right_arithmetic3A_962 : vector<16xi32>
      %gather3A_964 = tpu.vector_load_idx %arg11[%shift_right_arithmetic3A_963] : memref<640xi32, #tpu.memory_space<vmem>>[vector<16xi32>], vector<16xi32>,
      %le3A_965 = arith.cmpi sle, %gather3A_964, %add3A_911 : vector<16xi32>
      %select_n3A_966 = arith.select %le3A_965, %shift_right_arithmetic3A_963, %select_n3A_958 : vector<16xi1>, vector<16xi32>
      %select_n3A_967 = arith.select %le3A_965, %select_n3A_959, %shift_right_arithmetic3A_963 : vector<16xi1>, vector<16xi32>
      %add3A_968 = arith.addi %select_n3A_966, %select_n3A_967 : vector<16xi32>
      %shift_right_arithmetic3A_969 = arith.constant 1 : i32
      %shift_right_arithmetic3A_970 = vector.broadcast %shift_right_arithmetic3A_969 : i32 to vector<16xi32>
      %shift_right_arithmetic3A_971 = arith.shrsi %add3A_968, %shift_right_arithmetic3A_970 : vector<16xi32>
      %gather3A_972 = tpu.vector_load_idx %arg11[%shift_right_arithmetic3A_971] : memref<640xi32, #tpu.memory_space<vmem>>[vector<16xi32>], vector<16xi32>,
      %le3A_973 = arith.cmpi sle, %gather3A_972, %add3A_911 : vector<16xi32>
      %select_n3A_974 = arith.select %le3A_973, %shift_right_arithmetic3A_971, %select_n3A_966 : vector<16xi1>, vector<16xi32>
      %select_n3A_975 = arith.select %le3A_973, %select_n3A_967, %shift_right_arithmetic3A_971 : vector<16xi1>, vector<16xi32>
      %add3A_976 = arith.addi %select_n3A_974, %select_n3A_975 : vector<16xi32>
      %shift_right_arithmetic3A_977 = arith.constant 1 : i32
      %shift_right_arithmetic3A_978 = vector.broadcast %shift_right_arithmetic3A_977 : i32 to vector<16xi32>
      %shift_right_arithmetic3A_979 = arith.shrsi %add3A_976, %shift_right_arithmetic3A_978 : vector<16xi32>
      %gather3A_980 = tpu.vector_load_idx %arg11[%shift_right_arithmetic3A_979] : memref<640xi32, #tpu.memory_space<vmem>>[vector<16xi32>], vector<16xi32>,
      %le3A_981 = arith.cmpi sle, %gather3A_980, %add3A_911 : vector<16xi32>
      %select_n3A_982 = arith.select %le3A_981, %shift_right_arithmetic3A_979, %select_n3A_974 : vector<16xi1>, vector<16xi32>
      %select_n3A_983 = arith.select %le3A_981, %select_n3A_975, %shift_right_arithmetic3A_979 : vector<16xi1>, vector<16xi32>
      %add3A_984 = arith.addi %select_n3A_982, %select_n3A_983 : vector<16xi32>
      %shift_right_arithmetic3A_985 = arith.constant 1 : i32
      %shift_right_arithmetic3A_986 = vector.broadcast %shift_right_arithmetic3A_985 : i32 to vector<16xi32>
      %shift_right_arithmetic3A_987 = arith.shrsi %add3A_984, %shift_right_arithmetic3A_986 : vector<16xi32>
      %gather3A_988 = tpu.vector_load_idx %arg11[%shift_right_arithmetic3A_987] : memref<640xi32, #tpu.memory_space<vmem>>[vector<16xi32>], vector<16xi32>,
      %le3A_989 = arith.cmpi sle, %gather3A_988, %add3A_911 : vector<16xi32>
      %select_n3A_990 = arith.select %le3A_989, %shift_right_arithmetic3A_987, %select_n3A_982 : vector<16xi1>, vector<16xi32>
      %select_n3A_991 = arith.select %le3A_989, %select_n3A_983, %shift_right_arithmetic3A_987 : vector<16xi1>, vector<16xi32>
      %add3A_992 = arith.addi %select_n3A_990, %select_n3A_991 : vector<16xi32>
      %shift_right_arithmetic3A_993 = arith.constant 1 : i32
      %shift_right_arithmetic3A_994 = vector.broadcast %shift_right_arithmetic3A_993 : i32 to vector<16xi32>
      %shift_right_arithmetic3A_995 = arith.shrsi %add3A_992, %shift_right_arithmetic3A_994 : vector<16xi32>
      %gather3A_996 = tpu.vector_load_idx %arg11[%shift_right_arithmetic3A_995] : memref<640xi32, #tpu.memory_space<vmem>>[vector<16xi32>], vector<16xi32>,
      %le3A_997 = arith.cmpi sle, %gather3A_996, %add3A_911 : vector<16xi32>
      %select_n3A_998 = arith.select %le3A_997, %shift_right_arithmetic3A_995, %select_n3A_990 : vector<16xi1>, vector<16xi32>
      %select_n3A_999 = arith.select %le3A_997, %select_n3A_991, %shift_right_arithmetic3A_995 : vector<16xi1>, vector<16xi32>
      %add3A_1000 = arith.addi %select_n3A_998, %select_n3A_999 : vector<16xi32>
      %shift_right_arithmetic3A_1001 = arith.constant 1 : i32
      %shift_right_arithmetic3A_1002 = vector.broadcast %shift_right_arithmetic3A_1001 : i32 to vector<16xi32>
      %shift_right_arithmetic3A_1003 = arith.shrsi %add3A_1000, %shift_right_arithmetic3A_1002 : vector<16xi32>
      %gather3A_1004 = tpu.vector_load_idx %arg11[%shift_right_arithmetic3A_1003] : memref<640xi32, #tpu.memory_space<vmem>>[vector<16xi32>], vector<16xi32>,
      %le3A_1005 = arith.cmpi sle, %gather3A_1004, %add3A_911 : vector<16xi32>
      %select_n3A_1006 = arith.select %le3A_1005, %shift_right_arithmetic3A_1003, %select_n3A_998 : vector<16xi1>, vector<16xi32>
      %select_n3A_1007 = arith.select %le3A_1005, %select_n3A_999, %shift_right_arithmetic3A_1003 : vector<16xi1>, vector<16xi32>
      %add3A_1008 = vector.broadcast %mul3A_4 : i32 to vector<16xi32>
      %add3A_1009 = arith.addi %select_n3A_1006, %add3A_1008 : vector<16xi32>
      %swap3A_1010 = arith.constant 0 : index
      %swap3A_1011 = tpu.vector_load %arg17[%swap3A_1010] {strides = array<i32>} : memref<128xi32, #tpu.memory_space<vmem>>, vector<16xi32>,
      tpu.vector_store %arg17[%swap3A_1010], %add3A_1009 {strides = array<i32>} : memref<128xi32, #tpu.memory_space<vmem>>, vector<16xi32>,
      %add3A_1012 = arith.constant 16 : i32
      %add3A_1013 = arith.addi %multiple_of3A_61, %add3A_1012 : i32
      %broadcast_in_dim3A_1014 = vector.broadcast %add3A_1013 : i32 to vector<16xi32>
      %add3A_1015 = arith.addi %broadcast_in_dim3A_1014, %iota3A : vector<16xi32>
      %ge3A_1016 = vector.broadcast %squeeze3A : i32 to vector<16xi32>
      %ge3A_1017 = arith.cmpi sge, %add3A_1015, %ge3A_1016 : vector<16xi32>
      %lt3A_1018 = vector.broadcast %squeeze3A_11 : i32 to vector<16xi32>
      %lt3A_1019 = arith.cmpi slt, %add3A_1015, %lt3A_1018 : vector<16xi32>
      %and3A_1020 = arith.andi %ge3A_1017, %lt3A_1019 : vector<16xi1>
      %get3A_1021 = arith.constant 16 : index
      %get3A_1022 = tpu.vector_load %arg15[%get3A_1021] {strides = array<i32>} : memref<128xf32, #tpu.memory_space<vmem>>, vector<16xf32>,
      %jit3A_1023 = arith.constant 0.000000e+00 : f32
      %broadcast_in_dim3A_1024 = vector.broadcast %jit3A_1023 : f32 to vector<16xf32>
      %select_n3A_1025 = arith.select %and3A_1020, %get3A_1022, %broadcast_in_dim3A_1024 : vector<16xi1>, vector<16xf32>
      %swap3A_1026 = arith.constant 16 : index
      %swap3A_1027 = tpu.vector_load %arg15[%swap3A_1026] {strides = array<i32>} : memref<128xf32, #tpu.memory_space<vmem>>, vector<16xf32>,
      tpu.vector_store %arg15[%swap3A_1026], %select_n3A_1025 {strides = array<i32>} : memref<128xf32, #tpu.memory_space<vmem>>, vector<16xf32>,
      %broadcast_in_dim3A_1028 = arith.constant 0 : i32
      %broadcast_in_dim3A_1029 = vector.broadcast %broadcast_in_dim3A_1028 : i32 to vector<16xi32>
      %broadcast_in_dim3A_1030 = arith.constant 632 : i32
      %broadcast_in_dim3A_1031 = vector.broadcast %broadcast_in_dim3A_1030 : i32 to vector<16xi32>
      %add3A_1032 = arith.addi %broadcast_in_dim3A_1029, %broadcast_in_dim3A_1031 : vector<16xi32>
      %shift_right_arithmetic3A_1033 = arith.constant 1 : i32
      %shift_right_arithmetic3A_1034 = vector.broadcast %shift_right_arithmetic3A_1033 : i32 to vector<16xi32>
      %shift_right_arithmetic3A_1035 = arith.shrsi %add3A_1032, %shift_right_arithmetic3A_1034 : vector<16xi32>
      %gather3A_1036 = tpu.vector_load_idx %arg11[%shift_right_arithmetic3A_1035] : memref<640xi32, #tpu.memory_space<vmem>>[vector<16xi32>], vector<16xi32>,
      %le3A_1037 = arith.cmpi sle, %gather3A_1036, %add3A_1015 : vector<16xi32>
      %select_n3A_1038 = arith.select %le3A_1037, %shift_right_arithmetic3A_1035, %broadcast_in_dim3A_1029 : vector<16xi1>, vector<16xi32>
      %select_n3A_1039 = arith.select %le3A_1037, %broadcast_in_dim3A_1031, %shift_right_arithmetic3A_1035 : vector<16xi1>, vector<16xi32>
      %add3A_1040 = arith.addi %select_n3A_1038, %select_n3A_1039 : vector<16xi32>
      %shift_right_arithmetic3A_1041 = arith.constant 1 : i32
      %shift_right_arithmetic3A_1042 = vector.broadcast %shift_right_arithmetic3A_1041 : i32 to vector<16xi32>
      %shift_right_arithmetic3A_1043 = arith.shrsi %add3A_1040, %shift_right_arithmetic3A_1042 : vector<16xi32>
      %gather3A_1044 = tpu.vector_load_idx %arg11[%shift_right_arithmetic3A_1043] : memref<640xi32, #tpu.memory_space<vmem>>[vector<16xi32>], vector<16xi32>,
      %le3A_1045 = arith.cmpi sle, %gather3A_1044, %add3A_1015 : vector<16xi32>
      %select_n3A_1046 = arith.select %le3A_1045, %shift_right_arithmetic3A_1043, %select_n3A_1038 : vector<16xi1>, vector<16xi32>
      %select_n3A_1047 = arith.select %le3A_1045, %select_n3A_1039, %shift_right_arithmetic3A_1043 : vector<16xi1>, vector<16xi32>
      %add3A_1048 = arith.addi %select_n3A_1046, %select_n3A_1047 : vector<16xi32>
      %shift_right_arithmetic3A_1049 = arith.constant 1 : i32
      %shift_right_arithmetic3A_1050 = vector.broadcast %shift_right_arithmetic3A_1049 : i32 to vector<16xi32>
      %shift_right_arithmetic3A_1051 = arith.shrsi %add3A_1048, %shift_right_arithmetic3A_1050 : vector<16xi32>
      %gather3A_1052 = tpu.vector_load_idx %arg11[%shift_right_arithmetic3A_1051] : memref<640xi32, #tpu.memory_space<vmem>>[vector<16xi32>], vector<16xi32>,
      %le3A_1053 = arith.cmpi sle, %gather3A_1052, %add3A_1015 : vector<16xi32>
      %select_n3A_1054 = arith.select %le3A_1053, %shift_right_arithmetic3A_1051, %select_n3A_1046 : vector<16xi1>, vector<16xi32>
      %select_n3A_1055 = arith.select %le3A_1053, %select_n3A_1047, %shift_right_arithmetic3A_1051 : vector<16xi1>, vector<16xi32>
      %add3A_1056 = arith.addi %select_n3A_1054, %select_n3A_1055 : vector<16xi32>
      %shift_right_arithmetic3A_1057 = arith.constant 1 : i32
      %shift_right_arithmetic3A_1058 = vector.broadcast %shift_right_arithmetic3A_1057 : i32 to vector<16xi32>
      %shift_right_arithmetic3A_1059 = arith.shrsi %add3A_1056, %shift_right_arithmetic3A_1058 : vector<16xi32>
      %gather3A_1060 = tpu.vector_load_idx %arg11[%shift_right_arithmetic3A_1059] : memref<640xi32, #tpu.memory_space<vmem>>[vector<16xi32>], vector<16xi32>,
      %le3A_1061 = arith.cmpi sle, %gather3A_1060, %add3A_1015 : vector<16xi32>
      %select_n3A_1062 = arith.select %le3A_1061, %shift_right_arithmetic3A_1059, %select_n3A_1054 : vector<16xi1>, vector<16xi32>
      %select_n3A_1063 = arith.select %le3A_1061, %select_n3A_1055, %shift_right_arithmetic3A_1059 : vector<16xi1>, vector<16xi32>
      %add3A_1064 = arith.addi %select_n3A_1062, %select_n3A_1063 : vector<16xi32>
      %shift_right_arithmetic3A_1065 = arith.constant 1 : i32
      %shift_right_arithmetic3A_1066 = vector.broadcast %shift_right_arithmetic3A_1065 : i32 to vector<16xi32>
      %shift_right_arithmetic3A_1067 = arith.shrsi %add3A_1064, %shift_right_arithmetic3A_1066 : vector<16xi32>
      %gather3A_1068 = tpu.vector_load_idx %arg11[%shift_right_arithmetic3A_1067] : memref<640xi32, #tpu.memory_space<vmem>>[vector<16xi32>], vector<16xi32>,
      %le3A_1069 = arith.cmpi sle, %gather3A_1068, %add3A_1015 : vector<16xi32>
      %select_n3A_1070 = arith.select %le3A_1069, %shift_right_arithmetic3A_1067, %select_n3A_1062 : vector<16xi1>, vector<16xi32>
      %select_n3A_1071 = arith.select %le3A_1069, %select_n3A_1063, %shift_right_arithmetic3A_1067 : vector<16xi1>, vector<16xi32>
      %add3A_1072 = arith.addi %select_n3A_1070, %select_n3A_1071 : vector<16xi32>
      %shift_right_arithmetic3A_1073 = arith.constant 1 : i32
      %shift_right_arithmetic3A_1074 = vector.broadcast %shift_right_arithmetic3A_1073 : i32 to vector<16xi32>
      %shift_right_arithmetic3A_1075 = arith.shrsi %add3A_1072, %shift_right_arithmetic3A_1074 : vector<16xi32>
      %gather3A_1076 = tpu.vector_load_idx %arg11[%shift_right_arithmetic3A_1075] : memref<640xi32, #tpu.memory_space<vmem>>[vector<16xi32>], vector<16xi32>,
      %le3A_1077 = arith.cmpi sle, %gather3A_1076, %add3A_1015 : vector<16xi32>
      %select_n3A_1078 = arith.select %le3A_1077, %shift_right_arithmetic3A_1075, %select_n3A_1070 : vector<16xi1>, vector<16xi32>
      %select_n3A_1079 = arith.select %le3A_1077, %select_n3A_1071, %shift_right_arithmetic3A_1075 : vector<16xi1>, vector<16xi32>
      %add3A_1080 = arith.addi %select_n3A_1078, %select_n3A_1079 : vector<16xi32>
      %shift_right_arithmetic3A_1081 = arith.constant 1 : i32
      %shift_right_arithmetic3A_1082 = vector.broadcast %shift_right_arithmetic3A_1081 : i32 to vector<16xi32>
      %shift_right_arithmetic3A_1083 = arith.shrsi %add3A_1080, %shift_right_arithmetic3A_1082 : vector<16xi32>
      %gather3A_1084 = tpu.vector_load_idx %arg11[%shift_right_arithmetic3A_1083] : memref<640xi32, #tpu.memory_space<vmem>>[vector<16xi32>], vector<16xi32>,
      %le3A_1085 = arith.cmpi sle, %gather3A_1084, %add3A_1015 : vector<16xi32>
      %select_n3A_1086 = arith.select %le3A_1085, %shift_right_arithmetic3A_1083, %select_n3A_1078 : vector<16xi1>, vector<16xi32>
      %select_n3A_1087 = arith.select %le3A_1085, %select_n3A_1079, %shift_right_arithmetic3A_1083 : vector<16xi1>, vector<16xi32>
      %add3A_1088 = arith.addi %select_n3A_1086, %select_n3A_1087 : vector<16xi32>
      %shift_right_arithmetic3A_1089 = arith.constant 1 : i32
      %shift_right_arithmetic3A_1090 = vector.broadcast %shift_right_arithmetic3A_1089 : i32 to vector<16xi32>
      %shift_right_arithmetic3A_1091 = arith.shrsi %add3A_1088, %shift_right_arithmetic3A_1090 : vector<16xi32>
      %gather3A_1092 = tpu.vector_load_idx %arg11[%shift_right_arithmetic3A_1091] : memref<640xi32, #tpu.memory_space<vmem>>[vector<16xi32>], vector<16xi32>,
      %le3A_1093 = arith.cmpi sle, %gather3A_1092, %add3A_1015 : vector<16xi32>
      %select_n3A_1094 = arith.select %le3A_1093, %shift_right_arithmetic3A_1091, %select_n3A_1086 : vector<16xi1>, vector<16xi32>
      %select_n3A_1095 = arith.select %le3A_1093, %select_n3A_1087, %shift_right_arithmetic3A_1091 : vector<16xi1>, vector<16xi32>
      %add3A_1096 = arith.addi %select_n3A_1094, %select_n3A_1095 : vector<16xi32>
      %shift_right_arithmetic3A_1097 = arith.constant 1 : i32
      %shift_right_arithmetic3A_1098 = vector.broadcast %shift_right_arithmetic3A_1097 : i32 to vector<16xi32>
      %shift_right_arithmetic3A_1099 = arith.shrsi %add3A_1096, %shift_right_arithmetic3A_1098 : vector<16xi32>
      %gather3A_1100 = tpu.vector_load_idx %arg11[%shift_right_arithmetic3A_1099] : memref<640xi32, #tpu.memory_space<vmem>>[vector<16xi32>], vector<16xi32>,
      %le3A_1101 = arith.cmpi sle, %gather3A_1100, %add3A_1015 : vector<16xi32>
      %select_n3A_1102 = arith.select %le3A_1101, %shift_right_arithmetic3A_1099, %select_n3A_1094 : vector<16xi1>, vector<16xi32>
      %select_n3A_1103 = arith.select %le3A_1101, %select_n3A_1095, %shift_right_arithmetic3A_1099 : vector<16xi1>, vector<16xi32>
      %add3A_1104 = arith.addi %select_n3A_1102, %select_n3A_1103 : vector<16xi32>
      %shift_right_arithmetic3A_1105 = arith.constant 1 : i32
      %shift_right_arithmetic3A_1106 = vector.broadcast %shift_right_arithmetic3A_1105 : i32 to vector<16xi32>
      %shift_right_arithmetic3A_1107 = arith.shrsi %add3A_1104, %shift_right_arithmetic3A_1106 : vector<16xi32>
      %gather3A_1108 = tpu.vector_load_idx %arg11[%shift_right_arithmetic3A_1107] : memref<640xi32, #tpu.memory_space<vmem>>[vector<16xi32>], vector<16xi32>,
      %le3A_1109 = arith.cmpi sle, %gather3A_1108, %add3A_1015 : vector<16xi32>
      %select_n3A_1110 = arith.select %le3A_1109, %shift_right_arithmetic3A_1107, %select_n3A_1102 : vector<16xi1>, vector<16xi32>
      %select_n3A_1111 = arith.select %le3A_1109, %select_n3A_1103, %shift_right_arithmetic3A_1107 : vector<16xi1>, vector<16xi32>
      %add3A_1112 = vector.broadcast %mul3A_4 : i32 to vector<16xi32>
      %add3A_1113 = arith.addi %select_n3A_1110, %add3A_1112 : vector<16xi32>
      %swap3A_1114 = arith.constant 16 : index
      %swap3A_1115 = tpu.vector_load %arg17[%swap3A_1114] {strides = array<i32>} : memref<128xi32, #tpu.memory_space<vmem>>, vector<16xi32>,
      tpu.vector_store %arg17[%swap3A_1114], %add3A_1113 {strides = array<i32>} : memref<128xi32, #tpu.memory_space<vmem>>, vector<16xi32>,
      %add3A_1116 = arith.constant 32 : i32
      %add3A_1117 = arith.addi %multiple_of3A_61, %add3A_1116 : i32
      %broadcast_in_dim3A_1118 = vector.broadcast %add3A_1117 : i32 to vector<16xi32>
      %add3A_1119 = arith.addi %broadcast_in_dim3A_1118, %iota3A : vector<16xi32>
      %ge3A_1120 = vector.broadcast %squeeze3A : i32 to vector<16xi32>
      %ge3A_1121 = arith.cmpi sge, %add3A_1119, %ge3A_1120 : vector<16xi32>
      %lt3A_1122 = vector.broadcast %squeeze3A_11 : i32 to vector<16xi32>
      %lt3A_1123 = arith.cmpi slt, %add3A_1119, %lt3A_1122 : vector<16xi32>
      %and3A_1124 = arith.andi %ge3A_1121, %lt3A_1123 : vector<16xi1>
      %get3A_1125 = arith.constant 32 : index
      %get3A_1126 = tpu.vector_load %arg15[%get3A_1125] {strides = array<i32>} : memref<128xf32, #tpu.memory_space<vmem>>, vector<16xf32>,
      %jit3A_1127 = arith.constant 0.000000e+00 : f32
      %broadcast_in_dim3A_1128 = vector.broadcast %jit3A_1127 : f32 to vector<16xf32>
      %select_n3A_1129 = arith.select %and3A_1124, %get3A_1126, %broadcast_in_dim3A_1128 : vector<16xi1>, vector<16xf32>
      %swap3A_1130 = arith.constant 32 : index
      %swap3A_1131 = tpu.vector_load %arg15[%swap3A_1130] {strides = array<i32>} : memref<128xf32, #tpu.memory_space<vmem>>, vector<16xf32>,
      tpu.vector_store %arg15[%swap3A_1130], %select_n3A_1129 {strides = array<i32>} : memref<128xf32, #tpu.memory_space<vmem>>, vector<16xf32>,
      %broadcast_in_dim3A_1132 = arith.constant 0 : i32
      %broadcast_in_dim3A_1133 = vector.broadcast %broadcast_in_dim3A_1132 : i32 to vector<16xi32>
      %broadcast_in_dim3A_1134 = arith.constant 632 : i32
      %broadcast_in_dim3A_1135 = vector.broadcast %broadcast_in_dim3A_1134 : i32 to vector<16xi32>
      %add3A_1136 = arith.addi %broadcast_in_dim3A_1133, %broadcast_in_dim3A_1135 : vector<16xi32>
      %shift_right_arithmetic3A_1137 = arith.constant 1 : i32
      %shift_right_arithmetic3A_1138 = vector.broadcast %shift_right_arithmetic3A_1137 : i32 to vector<16xi32>
      %shift_right_arithmetic3A_1139 = arith.shrsi %add3A_1136, %shift_right_arithmetic3A_1138 : vector<16xi32>
      %gather3A_1140 = tpu.vector_load_idx %arg11[%shift_right_arithmetic3A_1139] : memref<640xi32, #tpu.memory_space<vmem>>[vector<16xi32>], vector<16xi32>,
      %le3A_1141 = arith.cmpi sle, %gather3A_1140, %add3A_1119 : vector<16xi32>
      %select_n3A_1142 = arith.select %le3A_1141, %shift_right_arithmetic3A_1139, %broadcast_in_dim3A_1133 : vector<16xi1>, vector<16xi32>
      %select_n3A_1143 = arith.select %le3A_1141, %broadcast_in_dim3A_1135, %shift_right_arithmetic3A_1139 : vector<16xi1>, vector<16xi32>
      %add3A_1144 = arith.addi %select_n3A_1142, %select_n3A_1143 : vector<16xi32>
      %shift_right_arithmetic3A_1145 = arith.constant 1 : i32
      %shift_right_arithmetic3A_1146 = vector.broadcast %shift_right_arithmetic3A_1145 : i32 to vector<16xi32>
      %shift_right_arithmetic3A_1147 = arith.shrsi %add3A_1144, %shift_right_arithmetic3A_1146 : vector<16xi32>
      %gather3A_1148 = tpu.vector_load_idx %arg11[%shift_right_arithmetic3A_1147] : memref<640xi32, #tpu.memory_space<vmem>>[vector<16xi32>], vector<16xi32>,
      %le3A_1149 = arith.cmpi sle, %gather3A_1148, %add3A_1119 : vector<16xi32>
      %select_n3A_1150 = arith.select %le3A_1149, %shift_right_arithmetic3A_1147, %select_n3A_1142 : vector<16xi1>, vector<16xi32>
      %select_n3A_1151 = arith.select %le3A_1149, %select_n3A_1143, %shift_right_arithmetic3A_1147 : vector<16xi1>, vector<16xi32>
      %add3A_1152 = arith.addi %select_n3A_1150, %select_n3A_1151 : vector<16xi32>
      %shift_right_arithmetic3A_1153 = arith.constant 1 : i32
      %shift_right_arithmetic3A_1154 = vector.broadcast %shift_right_arithmetic3A_1153 : i32 to vector<16xi32>
      %shift_right_arithmetic3A_1155 = arith.shrsi %add3A_1152, %shift_right_arithmetic3A_1154 : vector<16xi32>
      %gather3A_1156 = tpu.vector_load_idx %arg11[%shift_right_arithmetic3A_1155] : memref<640xi32, #tpu.memory_space<vmem>>[vector<16xi32>], vector<16xi32>,
      %le3A_1157 = arith.cmpi sle, %gather3A_1156, %add3A_1119 : vector<16xi32>
      %select_n3A_1158 = arith.select %le3A_1157, %shift_right_arithmetic3A_1155, %select_n3A_1150 : vector<16xi1>, vector<16xi32>
      %select_n3A_1159 = arith.select %le3A_1157, %select_n3A_1151, %shift_right_arithmetic3A_1155 : vector<16xi1>, vector<16xi32>
      %add3A_1160 = arith.addi %select_n3A_1158, %select_n3A_1159 : vector<16xi32>
      %shift_right_arithmetic3A_1161 = arith.constant 1 : i32
      %shift_right_arithmetic3A_1162 = vector.broadcast %shift_right_arithmetic3A_1161 : i32 to vector<16xi32>
      %shift_right_arithmetic3A_1163 = arith.shrsi %add3A_1160, %shift_right_arithmetic3A_1162 : vector<16xi32>
      %gather3A_1164 = tpu.vector_load_idx %arg11[%shift_right_arithmetic3A_1163] : memref<640xi32, #tpu.memory_space<vmem>>[vector<16xi32>], vector<16xi32>,
      %le3A_1165 = arith.cmpi sle, %gather3A_1164, %add3A_1119 : vector<16xi32>
      %select_n3A_1166 = arith.select %le3A_1165, %shift_right_arithmetic3A_1163, %select_n3A_1158 : vector<16xi1>, vector<16xi32>
      %select_n3A_1167 = arith.select %le3A_1165, %select_n3A_1159, %shift_right_arithmetic3A_1163 : vector<16xi1>, vector<16xi32>
      %add3A_1168 = arith.addi %select_n3A_1166, %select_n3A_1167 : vector<16xi32>
      %shift_right_arithmetic3A_1169 = arith.constant 1 : i32
      %shift_right_arithmetic3A_1170 = vector.broadcast %shift_right_arithmetic3A_1169 : i32 to vector<16xi32>
      %shift_right_arithmetic3A_1171 = arith.shrsi %add3A_1168, %shift_right_arithmetic3A_1170 : vector<16xi32>
      %gather3A_1172 = tpu.vector_load_idx %arg11[%shift_right_arithmetic3A_1171] : memref<640xi32, #tpu.memory_space<vmem>>[vector<16xi32>], vector<16xi32>,
      %le3A_1173 = arith.cmpi sle, %gather3A_1172, %add3A_1119 : vector<16xi32>
      %select_n3A_1174 = arith.select %le3A_1173, %shift_right_arithmetic3A_1171, %select_n3A_1166 : vector<16xi1>, vector<16xi32>
      %select_n3A_1175 = arith.select %le3A_1173, %select_n3A_1167, %shift_right_arithmetic3A_1171 : vector<16xi1>, vector<16xi32>
      %add3A_1176 = arith.addi %select_n3A_1174, %select_n3A_1175 : vector<16xi32>
      %shift_right_arithmetic3A_1177 = arith.constant 1 : i32
      %shift_right_arithmetic3A_1178 = vector.broadcast %shift_right_arithmetic3A_1177 : i32 to vector<16xi32>
      %shift_right_arithmetic3A_1179 = arith.shrsi %add3A_1176, %shift_right_arithmetic3A_1178 : vector<16xi32>
      %gather3A_1180 = tpu.vector_load_idx %arg11[%shift_right_arithmetic3A_1179] : memref<640xi32, #tpu.memory_space<vmem>>[vector<16xi32>], vector<16xi32>,
      %le3A_1181 = arith.cmpi sle, %gather3A_1180, %add3A_1119 : vector<16xi32>
      %select_n3A_1182 = arith.select %le3A_1181, %shift_right_arithmetic3A_1179, %select_n3A_1174 : vector<16xi1>, vector<16xi32>
      %select_n3A_1183 = arith.select %le3A_1181, %select_n3A_1175, %shift_right_arithmetic3A_1179 : vector<16xi1>, vector<16xi32>
      %add3A_1184 = arith.addi %select_n3A_1182, %select_n3A_1183 : vector<16xi32>
      %shift_right_arithmetic3A_1185 = arith.constant 1 : i32
      %shift_right_arithmetic3A_1186 = vector.broadcast %shift_right_arithmetic3A_1185 : i32 to vector<16xi32>
      %shift_right_arithmetic3A_1187 = arith.shrsi %add3A_1184, %shift_right_arithmetic3A_1186 : vector<16xi32>
      %gather3A_1188 = tpu.vector_load_idx %arg11[%shift_right_arithmetic3A_1187] : memref<640xi32, #tpu.memory_space<vmem>>[vector<16xi32>], vector<16xi32>,
      %le3A_1189 = arith.cmpi sle, %gather3A_1188, %add3A_1119 : vector<16xi32>
      %select_n3A_1190 = arith.select %le3A_1189, %shift_right_arithmetic3A_1187, %select_n3A_1182 : vector<16xi1>, vector<16xi32>
      %select_n3A_1191 = arith.select %le3A_1189, %select_n3A_1183, %shift_right_arithmetic3A_1187 : vector<16xi1>, vector<16xi32>
      %add3A_1192 = arith.addi %select_n3A_1190, %select_n3A_1191 : vector<16xi32>
      %shift_right_arithmetic3A_1193 = arith.constant 1 : i32
      %shift_right_arithmetic3A_1194 = vector.broadcast %shift_right_arithmetic3A_1193 : i32 to vector<16xi32>
      %shift_right_arithmetic3A_1195 = arith.shrsi %add3A_1192, %shift_right_arithmetic3A_1194 : vector<16xi32>
      %gather3A_1196 = tpu.vector_load_idx %arg11[%shift_right_arithmetic3A_1195] : memref<640xi32, #tpu.memory_space<vmem>>[vector<16xi32>], vector<16xi32>,
      %le3A_1197 = arith.cmpi sle, %gather3A_1196, %add3A_1119 : vector<16xi32>
      %select_n3A_1198 = arith.select %le3A_1197, %shift_right_arithmetic3A_1195, %select_n3A_1190 : vector<16xi1>, vector<16xi32>
      %select_n3A_1199 = arith.select %le3A_1197, %select_n3A_1191, %shift_right_arithmetic3A_1195 : vector<16xi1>, vector<16xi32>
      %add3A_1200 = arith.addi %select_n3A_1198, %select_n3A_1199 : vector<16xi32>
      %shift_right_arithmetic3A_1201 = arith.constant 1 : i32
      %shift_right_arithmetic3A_1202 = vector.broadcast %shift_right_arithmetic3A_1201 : i32 to vector<16xi32>
      %shift_right_arithmetic3A_1203 = arith.shrsi %add3A_1200, %shift_right_arithmetic3A_1202 : vector<16xi32>
      %gather3A_1204 = tpu.vector_load_idx %arg11[%shift_right_arithmetic3A_1203] : memref<640xi32, #tpu.memory_space<vmem>>[vector<16xi32>], vector<16xi32>,
      %le3A_1205 = arith.cmpi sle, %gather3A_1204, %add3A_1119 : vector<16xi32>
      %select_n3A_1206 = arith.select %le3A_1205, %shift_right_arithmetic3A_1203, %select_n3A_1198 : vector<16xi1>, vector<16xi32>
      %select_n3A_1207 = arith.select %le3A_1205, %select_n3A_1199, %shift_right_arithmetic3A_1203 : vector<16xi1>, vector<16xi32>
      %add3A_1208 = arith.addi %select_n3A_1206, %select_n3A_1207 : vector<16xi32>
      %shift_right_arithmetic3A_1209 = arith.constant 1 : i32
      %shift_right_arithmetic3A_1210 = vector.broadcast %shift_right_arithmetic3A_1209 : i32 to vector<16xi32>
      %shift_right_arithmetic3A_1211 = arith.shrsi %add3A_1208, %shift_right_arithmetic3A_1210 : vector<16xi32>
      %gather3A_1212 = tpu.vector_load_idx %arg11[%shift_right_arithmetic3A_1211] : memref<640xi32, #tpu.memory_space<vmem>>[vector<16xi32>], vector<16xi32>,
      %le3A_1213 = arith.cmpi sle, %gather3A_1212, %add3A_1119 : vector<16xi32>
      %select_n3A_1214 = arith.select %le3A_1213, %shift_right_arithmetic3A_1211, %select_n3A_1206 : vector<16xi1>, vector<16xi32>
      %select_n3A_1215 = arith.select %le3A_1213, %select_n3A_1207, %shift_right_arithmetic3A_1211 : vector<16xi1>, vector<16xi32>
      %add3A_1216 = vector.broadcast %mul3A_4 : i32 to vector<16xi32>
      %add3A_1217 = arith.addi %select_n3A_1214, %add3A_1216 : vector<16xi32>
      %swap3A_1218 = arith.constant 32 : index
      %swap3A_1219 = tpu.vector_load %arg17[%swap3A_1218] {strides = array<i32>} : memref<128xi32, #tpu.memory_space<vmem>>, vector<16xi32>,
      tpu.vector_store %arg17[%swap3A_1218], %add3A_1217 {strides = array<i32>} : memref<128xi32, #tpu.memory_space<vmem>>, vector<16xi32>,
      %add3A_1220 = arith.constant 48 : i32
      %add3A_1221 = arith.addi %multiple_of3A_61, %add3A_1220 : i32
      %broadcast_in_dim3A_1222 = vector.broadcast %add3A_1221 : i32 to vector<16xi32>
      %add3A_1223 = arith.addi %broadcast_in_dim3A_1222, %iota3A : vector<16xi32>
      %ge3A_1224 = vector.broadcast %squeeze3A : i32 to vector<16xi32>
      %ge3A_1225 = arith.cmpi sge, %add3A_1223, %ge3A_1224 : vector<16xi32>
      %lt3A_1226 = vector.broadcast %squeeze3A_11 : i32 to vector<16xi32>
      %lt3A_1227 = arith.cmpi slt, %add3A_1223, %lt3A_1226 : vector<16xi32>
      %and3A_1228 = arith.andi %ge3A_1225, %lt3A_1227 : vector<16xi1>
      %get3A_1229 = arith.constant 48 : index
      %get3A_1230 = tpu.vector_load %arg15[%get3A_1229] {strides = array<i32>} : memref<128xf32, #tpu.memory_space<vmem>>, vector<16xf32>,
      %jit3A_1231 = arith.constant 0.000000e+00 : f32
      %broadcast_in_dim3A_1232 = vector.broadcast %jit3A_1231 : f32 to vector<16xf32>
      %select_n3A_1233 = arith.select %and3A_1228, %get3A_1230, %broadcast_in_dim3A_1232 : vector<16xi1>, vector<16xf32>
      %swap3A_1234 = arith.constant 48 : index
      %swap3A_1235 = tpu.vector_load %arg15[%swap3A_1234] {strides = array<i32>} : memref<128xf32, #tpu.memory_space<vmem>>, vector<16xf32>,
      tpu.vector_store %arg15[%swap3A_1234], %select_n3A_1233 {strides = array<i32>} : memref<128xf32, #tpu.memory_space<vmem>>, vector<16xf32>,
      %broadcast_in_dim3A_1236 = arith.constant 0 : i32
      %broadcast_in_dim3A_1237 = vector.broadcast %broadcast_in_dim3A_1236 : i32 to vector<16xi32>
      %broadcast_in_dim3A_1238 = arith.constant 632 : i32
      %broadcast_in_dim3A_1239 = vector.broadcast %broadcast_in_dim3A_1238 : i32 to vector<16xi32>
      %add3A_1240 = arith.addi %broadcast_in_dim3A_1237, %broadcast_in_dim3A_1239 : vector<16xi32>
      %shift_right_arithmetic3A_1241 = arith.constant 1 : i32
      %shift_right_arithmetic3A_1242 = vector.broadcast %shift_right_arithmetic3A_1241 : i32 to vector<16xi32>
      %shift_right_arithmetic3A_1243 = arith.shrsi %add3A_1240, %shift_right_arithmetic3A_1242 : vector<16xi32>
      %gather3A_1244 = tpu.vector_load_idx %arg11[%shift_right_arithmetic3A_1243] : memref<640xi32, #tpu.memory_space<vmem>>[vector<16xi32>], vector<16xi32>,
      %le3A_1245 = arith.cmpi sle, %gather3A_1244, %add3A_1223 : vector<16xi32>
      %select_n3A_1246 = arith.select %le3A_1245, %shift_right_arithmetic3A_1243, %broadcast_in_dim3A_1237 : vector<16xi1>, vector<16xi32>
      %select_n3A_1247 = arith.select %le3A_1245, %broadcast_in_dim3A_1239, %shift_right_arithmetic3A_1243 : vector<16xi1>, vector<16xi32>
      %add3A_1248 = arith.addi %select_n3A_1246, %select_n3A_1247 : vector<16xi32>
      %shift_right_arithmetic3A_1249 = arith.constant 1 : i32
      %shift_right_arithmetic3A_1250 = vector.broadcast %shift_right_arithmetic3A_1249 : i32 to vector<16xi32>
      %shift_right_arithmetic3A_1251 = arith.shrsi %add3A_1248, %shift_right_arithmetic3A_1250 : vector<16xi32>
      %gather3A_1252 = tpu.vector_load_idx %arg11[%shift_right_arithmetic3A_1251] : memref<640xi32, #tpu.memory_space<vmem>>[vector<16xi32>], vector<16xi32>,
      %le3A_1253 = arith.cmpi sle, %gather3A_1252, %add3A_1223 : vector<16xi32>
      %select_n3A_1254 = arith.select %le3A_1253, %shift_right_arithmetic3A_1251, %select_n3A_1246 : vector<16xi1>, vector<16xi32>
      %select_n3A_1255 = arith.select %le3A_1253, %select_n3A_1247, %shift_right_arithmetic3A_1251 : vector<16xi1>, vector<16xi32>
      %add3A_1256 = arith.addi %select_n3A_1254, %select_n3A_1255 : vector<16xi32>
      %shift_right_arithmetic3A_1257 = arith.constant 1 : i32
      %shift_right_arithmetic3A_1258 = vector.broadcast %shift_right_arithmetic3A_1257 : i32 to vector<16xi32>
      %shift_right_arithmetic3A_1259 = arith.shrsi %add3A_1256, %shift_right_arithmetic3A_1258 : vector<16xi32>
      %gather3A_1260 = tpu.vector_load_idx %arg11[%shift_right_arithmetic3A_1259] : memref<640xi32, #tpu.memory_space<vmem>>[vector<16xi32>], vector<16xi32>,
      %le3A_1261 = arith.cmpi sle, %gather3A_1260, %add3A_1223 : vector<16xi32>
      %select_n3A_1262 = arith.select %le3A_1261, %shift_right_arithmetic3A_1259, %select_n3A_1254 : vector<16xi1>, vector<16xi32>
      %select_n3A_1263 = arith.select %le3A_1261, %select_n3A_1255, %shift_right_arithmetic3A_1259 : vector<16xi1>, vector<16xi32>
      %add3A_1264 = arith.addi %select_n3A_1262, %select_n3A_1263 : vector<16xi32>
      %shift_right_arithmetic3A_1265 = arith.constant 1 : i32
      %shift_right_arithmetic3A_1266 = vector.broadcast %shift_right_arithmetic3A_1265 : i32 to vector<16xi32>
      %shift_right_arithmetic3A_1267 = arith.shrsi %add3A_1264, %shift_right_arithmetic3A_1266 : vector<16xi32>
      %gather3A_1268 = tpu.vector_load_idx %arg11[%shift_right_arithmetic3A_1267] : memref<640xi32, #tpu.memory_space<vmem>>[vector<16xi32>], vector<16xi32>,
      %le3A_1269 = arith.cmpi sle, %gather3A_1268, %add3A_1223 : vector<16xi32>
      %select_n3A_1270 = arith.select %le3A_1269, %shift_right_arithmetic3A_1267, %select_n3A_1262 : vector<16xi1>, vector<16xi32>
      %select_n3A_1271 = arith.select %le3A_1269, %select_n3A_1263, %shift_right_arithmetic3A_1267 : vector<16xi1>, vector<16xi32>
      %add3A_1272 = arith.addi %select_n3A_1270, %select_n3A_1271 : vector<16xi32>
      %shift_right_arithmetic3A_1273 = arith.constant 1 : i32
      %shift_right_arithmetic3A_1274 = vector.broadcast %shift_right_arithmetic3A_1273 : i32 to vector<16xi32>
      %shift_right_arithmetic3A_1275 = arith.shrsi %add3A_1272, %shift_right_arithmetic3A_1274 : vector<16xi32>
      %gather3A_1276 = tpu.vector_load_idx %arg11[%shift_right_arithmetic3A_1275] : memref<640xi32, #tpu.memory_space<vmem>>[vector<16xi32>], vector<16xi32>,
      %le3A_1277 = arith.cmpi sle, %gather3A_1276, %add3A_1223 : vector<16xi32>
      %select_n3A_1278 = arith.select %le3A_1277, %shift_right_arithmetic3A_1275, %select_n3A_1270 : vector<16xi1>, vector<16xi32>
      %select_n3A_1279 = arith.select %le3A_1277, %select_n3A_1271, %shift_right_arithmetic3A_1275 : vector<16xi1>, vector<16xi32>
      %add3A_1280 = arith.addi %select_n3A_1278, %select_n3A_1279 : vector<16xi32>
      %shift_right_arithmetic3A_1281 = arith.constant 1 : i32
      %shift_right_arithmetic3A_1282 = vector.broadcast %shift_right_arithmetic3A_1281 : i32 to vector<16xi32>
      %shift_right_arithmetic3A_1283 = arith.shrsi %add3A_1280, %shift_right_arithmetic3A_1282 : vector<16xi32>
      %gather3A_1284 = tpu.vector_load_idx %arg11[%shift_right_arithmetic3A_1283] : memref<640xi32, #tpu.memory_space<vmem>>[vector<16xi32>], vector<16xi32>,
      %le3A_1285 = arith.cmpi sle, %gather3A_1284, %add3A_1223 : vector<16xi32>
      %select_n3A_1286 = arith.select %le3A_1285, %shift_right_arithmetic3A_1283, %select_n3A_1278 : vector<16xi1>, vector<16xi32>
      %select_n3A_1287 = arith.select %le3A_1285, %select_n3A_1279, %shift_right_arithmetic3A_1283 : vector<16xi1>, vector<16xi32>
      %add3A_1288 = arith.addi %select_n3A_1286, %select_n3A_1287 : vector<16xi32>
      %shift_right_arithmetic3A_1289 = arith.constant 1 : i32
      %shift_right_arithmetic3A_1290 = vector.broadcast %shift_right_arithmetic3A_1289 : i32 to vector<16xi32>
      %shift_right_arithmetic3A_1291 = arith.shrsi %add3A_1288, %shift_right_arithmetic3A_1290 : vector<16xi32>
      %gather3A_1292 = tpu.vector_load_idx %arg11[%shift_right_arithmetic3A_1291] : memref<640xi32, #tpu.memory_space<vmem>>[vector<16xi32>], vector<16xi32>,
      %le3A_1293 = arith.cmpi sle, %gather3A_1292, %add3A_1223 : vector<16xi32>
      %select_n3A_1294 = arith.select %le3A_1293, %shift_right_arithmetic3A_1291, %select_n3A_1286 : vector<16xi1>, vector<16xi32>
      %select_n3A_1295 = arith.select %le3A_1293, %select_n3A_1287, %shift_right_arithmetic3A_1291 : vector<16xi1>, vector<16xi32>
      %add3A_1296 = arith.addi %select_n3A_1294, %select_n3A_1295 : vector<16xi32>
      %shift_right_arithmetic3A_1297 = arith.constant 1 : i32
      %shift_right_arithmetic3A_1298 = vector.broadcast %shift_right_arithmetic3A_1297 : i32 to vector<16xi32>
      %shift_right_arithmetic3A_1299 = arith.shrsi %add3A_1296, %shift_right_arithmetic3A_1298 : vector<16xi32>
      %gather3A_1300 = tpu.vector_load_idx %arg11[%shift_right_arithmetic3A_1299] : memref<640xi32, #tpu.memory_space<vmem>>[vector<16xi32>], vector<16xi32>,
      %le3A_1301 = arith.cmpi sle, %gather3A_1300, %add3A_1223 : vector<16xi32>
      %select_n3A_1302 = arith.select %le3A_1301, %shift_right_arithmetic3A_1299, %select_n3A_1294 : vector<16xi1>, vector<16xi32>
      %select_n3A_1303 = arith.select %le3A_1301, %select_n3A_1295, %shift_right_arithmetic3A_1299 : vector<16xi1>, vector<16xi32>
      %add3A_1304 = arith.addi %select_n3A_1302, %select_n3A_1303 : vector<16xi32>
      %shift_right_arithmetic3A_1305 = arith.constant 1 : i32
      %shift_right_arithmetic3A_1306 = vector.broadcast %shift_right_arithmetic3A_1305 : i32 to vector<16xi32>
      %shift_right_arithmetic3A_1307 = arith.shrsi %add3A_1304, %shift_right_arithmetic3A_1306 : vector<16xi32>
      %gather3A_1308 = tpu.vector_load_idx %arg11[%shift_right_arithmetic3A_1307] : memref<640xi32, #tpu.memory_space<vmem>>[vector<16xi32>], vector<16xi32>,
      %le3A_1309 = arith.cmpi sle, %gather3A_1308, %add3A_1223 : vector<16xi32>
      %select_n3A_1310 = arith.select %le3A_1309, %shift_right_arithmetic3A_1307, %select_n3A_1302 : vector<16xi1>, vector<16xi32>
      %select_n3A_1311 = arith.select %le3A_1309, %select_n3A_1303, %shift_right_arithmetic3A_1307 : vector<16xi1>, vector<16xi32>
      %add3A_1312 = arith.addi %select_n3A_1310, %select_n3A_1311 : vector<16xi32>
      %shift_right_arithmetic3A_1313 = arith.constant 1 : i32
      %shift_right_arithmetic3A_1314 = vector.broadcast %shift_right_arithmetic3A_1313 : i32 to vector<16xi32>
      %shift_right_arithmetic3A_1315 = arith.shrsi %add3A_1312, %shift_right_arithmetic3A_1314 : vector<16xi32>
      %gather3A_1316 = tpu.vector_load_idx %arg11[%shift_right_arithmetic3A_1315] : memref<640xi32, #tpu.memory_space<vmem>>[vector<16xi32>], vector<16xi32>,
      %le3A_1317 = arith.cmpi sle, %gather3A_1316, %add3A_1223 : vector<16xi32>
      %select_n3A_1318 = arith.select %le3A_1317, %shift_right_arithmetic3A_1315, %select_n3A_1310 : vector<16xi1>, vector<16xi32>
      %select_n3A_1319 = arith.select %le3A_1317, %select_n3A_1311, %shift_right_arithmetic3A_1315 : vector<16xi1>, vector<16xi32>
      %add3A_1320 = vector.broadcast %mul3A_4 : i32 to vector<16xi32>
      %add3A_1321 = arith.addi %select_n3A_1318, %add3A_1320 : vector<16xi32>
      %swap3A_1322 = arith.constant 48 : index
      %swap3A_1323 = tpu.vector_load %arg17[%swap3A_1322] {strides = array<i32>} : memref<128xi32, #tpu.memory_space<vmem>>, vector<16xi32>,
      tpu.vector_store %arg17[%swap3A_1322], %add3A_1321 {strides = array<i32>} : memref<128xi32, #tpu.memory_space<vmem>>, vector<16xi32>,
      %add3A_1324 = arith.constant 64 : i32
      %add3A_1325 = arith.addi %multiple_of3A_61, %add3A_1324 : i32
      %broadcast_in_dim3A_1326 = vector.broadcast %add3A_1325 : i32 to vector<16xi32>
      %add3A_1327 = arith.addi %broadcast_in_dim3A_1326, %iota3A : vector<16xi32>
      %ge3A_1328 = vector.broadcast %squeeze3A : i32 to vector<16xi32>
      %ge3A_1329 = arith.cmpi sge, %add3A_1327, %ge3A_1328 : vector<16xi32>
      %lt3A_1330 = vector.broadcast %squeeze3A_11 : i32 to vector<16xi32>
      %lt3A_1331 = arith.cmpi slt, %add3A_1327, %lt3A_1330 : vector<16xi32>
      %and3A_1332 = arith.andi %ge3A_1329, %lt3A_1331 : vector<16xi1>
      %get3A_1333 = arith.constant 64 : index
      %get3A_1334 = tpu.vector_load %arg15[%get3A_1333] {strides = array<i32>} : memref<128xf32, #tpu.memory_space<vmem>>, vector<16xf32>,
      %jit3A_1335 = arith.constant 0.000000e+00 : f32
      %broadcast_in_dim3A_1336 = vector.broadcast %jit3A_1335 : f32 to vector<16xf32>
      %select_n3A_1337 = arith.select %and3A_1332, %get3A_1334, %broadcast_in_dim3A_1336 : vector<16xi1>, vector<16xf32>
      %swap3A_1338 = arith.constant 64 : index
      %swap3A_1339 = tpu.vector_load %arg15[%swap3A_1338] {strides = array<i32>} : memref<128xf32, #tpu.memory_space<vmem>>, vector<16xf32>,
      tpu.vector_store %arg15[%swap3A_1338], %select_n3A_1337 {strides = array<i32>} : memref<128xf32, #tpu.memory_space<vmem>>, vector<16xf32>,
      %broadcast_in_dim3A_1340 = arith.constant 0 : i32
      %broadcast_in_dim3A_1341 = vector.broadcast %broadcast_in_dim3A_1340 : i32 to vector<16xi32>
      %broadcast_in_dim3A_1342 = arith.constant 632 : i32
      %broadcast_in_dim3A_1343 = vector.broadcast %broadcast_in_dim3A_1342 : i32 to vector<16xi32>
      %add3A_1344 = arith.addi %broadcast_in_dim3A_1341, %broadcast_in_dim3A_1343 : vector<16xi32>
      %shift_right_arithmetic3A_1345 = arith.constant 1 : i32
      %shift_right_arithmetic3A_1346 = vector.broadcast %shift_right_arithmetic3A_1345 : i32 to vector<16xi32>
      %shift_right_arithmetic3A_1347 = arith.shrsi %add3A_1344, %shift_right_arithmetic3A_1346 : vector<16xi32>
      %gather3A_1348 = tpu.vector_load_idx %arg11[%shift_right_arithmetic3A_1347] : memref<640xi32, #tpu.memory_space<vmem>>[vector<16xi32>], vector<16xi32>,
      %le3A_1349 = arith.cmpi sle, %gather3A_1348, %add3A_1327 : vector<16xi32>
      %select_n3A_1350 = arith.select %le3A_1349, %shift_right_arithmetic3A_1347, %broadcast_in_dim3A_1341 : vector<16xi1>, vector<16xi32>
      %select_n3A_1351 = arith.select %le3A_1349, %broadcast_in_dim3A_1343, %shift_right_arithmetic3A_1347 : vector<16xi1>, vector<16xi32>
      %add3A_1352 = arith.addi %select_n3A_1350, %select_n3A_1351 : vector<16xi32>
      %shift_right_arithmetic3A_1353 = arith.constant 1 : i32
      %shift_right_arithmetic3A_1354 = vector.broadcast %shift_right_arithmetic3A_1353 : i32 to vector<16xi32>
      %shift_right_arithmetic3A_1355 = arith.shrsi %add3A_1352, %shift_right_arithmetic3A_1354 : vector<16xi32>
      %gather3A_1356 = tpu.vector_load_idx %arg11[%shift_right_arithmetic3A_1355] : memref<640xi32, #tpu.memory_space<vmem>>[vector<16xi32>], vector<16xi32>,
      %le3A_1357 = arith.cmpi sle, %gather3A_1356, %add3A_1327 : vector<16xi32>
      %select_n3A_1358 = arith.select %le3A_1357, %shift_right_arithmetic3A_1355, %select_n3A_1350 : vector<16xi1>, vector<16xi32>
      %select_n3A_1359 = arith.select %le3A_1357, %select_n3A_1351, %shift_right_arithmetic3A_1355 : vector<16xi1>, vector<16xi32>
      %add3A_1360 = arith.addi %select_n3A_1358, %select_n3A_1359 : vector<16xi32>
      %shift_right_arithmetic3A_1361 = arith.constant 1 : i32
      %shift_right_arithmetic3A_1362 = vector.broadcast %shift_right_arithmetic3A_1361 : i32 to vector<16xi32>
      %shift_right_arithmetic3A_1363 = arith.shrsi %add3A_1360, %shift_right_arithmetic3A_1362 : vector<16xi32>
      %gather3A_1364 = tpu.vector_load_idx %arg11[%shift_right_arithmetic3A_1363] : memref<640xi32, #tpu.memory_space<vmem>>[vector<16xi32>], vector<16xi32>,
      %le3A_1365 = arith.cmpi sle, %gather3A_1364, %add3A_1327 : vector<16xi32>
      %select_n3A_1366 = arith.select %le3A_1365, %shift_right_arithmetic3A_1363, %select_n3A_1358 : vector<16xi1>, vector<16xi32>
      %select_n3A_1367 = arith.select %le3A_1365, %select_n3A_1359, %shift_right_arithmetic3A_1363 : vector<16xi1>, vector<16xi32>
      %add3A_1368 = arith.addi %select_n3A_1366, %select_n3A_1367 : vector<16xi32>
      %shift_right_arithmetic3A_1369 = arith.constant 1 : i32
      %shift_right_arithmetic3A_1370 = vector.broadcast %shift_right_arithmetic3A_1369 : i32 to vector<16xi32>
      %shift_right_arithmetic3A_1371 = arith.shrsi %add3A_1368, %shift_right_arithmetic3A_1370 : vector<16xi32>
      %gather3A_1372 = tpu.vector_load_idx %arg11[%shift_right_arithmetic3A_1371] : memref<640xi32, #tpu.memory_space<vmem>>[vector<16xi32>], vector<16xi32>,
      %le3A_1373 = arith.cmpi sle, %gather3A_1372, %add3A_1327 : vector<16xi32>
      %select_n3A_1374 = arith.select %le3A_1373, %shift_right_arithmetic3A_1371, %select_n3A_1366 : vector<16xi1>, vector<16xi32>
      %select_n3A_1375 = arith.select %le3A_1373, %select_n3A_1367, %shift_right_arithmetic3A_1371 : vector<16xi1>, vector<16xi32>
      %add3A_1376 = arith.addi %select_n3A_1374, %select_n3A_1375 : vector<16xi32>
      %shift_right_arithmetic3A_1377 = arith.constant 1 : i32
      %shift_right_arithmetic3A_1378 = vector.broadcast %shift_right_arithmetic3A_1377 : i32 to vector<16xi32>
      %shift_right_arithmetic3A_1379 = arith.shrsi %add3A_1376, %shift_right_arithmetic3A_1378 : vector<16xi32>
      %gather3A_1380 = tpu.vector_load_idx %arg11[%shift_right_arithmetic3A_1379] : memref<640xi32, #tpu.memory_space<vmem>>[vector<16xi32>], vector<16xi32>,
      %le3A_1381 = arith.cmpi sle, %gather3A_1380, %add3A_1327 : vector<16xi32>
      %select_n3A_1382 = arith.select %le3A_1381, %shift_right_arithmetic3A_1379, %select_n3A_1374 : vector<16xi1>, vector<16xi32>
      %select_n3A_1383 = arith.select %le3A_1381, %select_n3A_1375, %shift_right_arithmetic3A_1379 : vector<16xi1>, vector<16xi32>
      %add3A_1384 = arith.addi %select_n3A_1382, %select_n3A_1383 : vector<16xi32>
      %shift_right_arithmetic3A_1385 = arith.constant 1 : i32
      %shift_right_arithmetic3A_1386 = vector.broadcast %shift_right_arithmetic3A_1385 : i32 to vector<16xi32>
      %shift_right_arithmetic3A_1387 = arith.shrsi %add3A_1384, %shift_right_arithmetic3A_1386 : vector<16xi32>
      %gather3A_1388 = tpu.vector_load_idx %arg11[%shift_right_arithmetic3A_1387] : memref<640xi32, #tpu.memory_space<vmem>>[vector<16xi32>], vector<16xi32>,
      %le3A_1389 = arith.cmpi sle, %gather3A_1388, %add3A_1327 : vector<16xi32>
      %select_n3A_1390 = arith.select %le3A_1389, %shift_right_arithmetic3A_1387, %select_n3A_1382 : vector<16xi1>, vector<16xi32>
      %select_n3A_1391 = arith.select %le3A_1389, %select_n3A_1383, %shift_right_arithmetic3A_1387 : vector<16xi1>, vector<16xi32>
      %add3A_1392 = arith.addi %select_n3A_1390, %select_n3A_1391 : vector<16xi32>
      %shift_right_arithmetic3A_1393 = arith.constant 1 : i32
      %shift_right_arithmetic3A_1394 = vector.broadcast %shift_right_arithmetic3A_1393 : i32 to vector<16xi32>
      %shift_right_arithmetic3A_1395 = arith.shrsi %add3A_1392, %shift_right_arithmetic3A_1394 : vector<16xi32>
      %gather3A_1396 = tpu.vector_load_idx %arg11[%shift_right_arithmetic3A_1395] : memref<640xi32, #tpu.memory_space<vmem>>[vector<16xi32>], vector<16xi32>,
      %le3A_1397 = arith.cmpi sle, %gather3A_1396, %add3A_1327 : vector<16xi32>
      %select_n3A_1398 = arith.select %le3A_1397, %shift_right_arithmetic3A_1395, %select_n3A_1390 : vector<16xi1>, vector<16xi32>
      %select_n3A_1399 = arith.select %le3A_1397, %select_n3A_1391, %shift_right_arithmetic3A_1395 : vector<16xi1>, vector<16xi32>
      %add3A_1400 = arith.addi %select_n3A_1398, %select_n3A_1399 : vector<16xi32>
      %shift_right_arithmetic3A_1401 = arith.constant 1 : i32
      %shift_right_arithmetic3A_1402 = vector.broadcast %shift_right_arithmetic3A_1401 : i32 to vector<16xi32>
      %shift_right_arithmetic3A_1403 = arith.shrsi %add3A_1400, %shift_right_arithmetic3A_1402 : vector<16xi32>
      %gather3A_1404 = tpu.vector_load_idx %arg11[%shift_right_arithmetic3A_1403] : memref<640xi32, #tpu.memory_space<vmem>>[vector<16xi32>], vector<16xi32>,
      %le3A_1405 = arith.cmpi sle, %gather3A_1404, %add3A_1327 : vector<16xi32>
      %select_n3A_1406 = arith.select %le3A_1405, %shift_right_arithmetic3A_1403, %select_n3A_1398 : vector<16xi1>, vector<16xi32>
      %select_n3A_1407 = arith.select %le3A_1405, %select_n3A_1399, %shift_right_arithmetic3A_1403 : vector<16xi1>, vector<16xi32>
      %add3A_1408 = arith.addi %select_n3A_1406, %select_n3A_1407 : vector<16xi32>
      %shift_right_arithmetic3A_1409 = arith.constant 1 : i32
      %shift_right_arithmetic3A_1410 = vector.broadcast %shift_right_arithmetic3A_1409 : i32 to vector<16xi32>
      %shift_right_arithmetic3A_1411 = arith.shrsi %add3A_1408, %shift_right_arithmetic3A_1410 : vector<16xi32>
      %gather3A_1412 = tpu.vector_load_idx %arg11[%shift_right_arithmetic3A_1411] : memref<640xi32, #tpu.memory_space<vmem>>[vector<16xi32>], vector<16xi32>,
      %le3A_1413 = arith.cmpi sle, %gather3A_1412, %add3A_1327 : vector<16xi32>
      %select_n3A_1414 = arith.select %le3A_1413, %shift_right_arithmetic3A_1411, %select_n3A_1406 : vector<16xi1>, vector<16xi32>
      %select_n3A_1415 = arith.select %le3A_1413, %select_n3A_1407, %shift_right_arithmetic3A_1411 : vector<16xi1>, vector<16xi32>
      %add3A_1416 = arith.addi %select_n3A_1414, %select_n3A_1415 : vector<16xi32>
      %shift_right_arithmetic3A_1417 = arith.constant 1 : i32
      %shift_right_arithmetic3A_1418 = vector.broadcast %shift_right_arithmetic3A_1417 : i32 to vector<16xi32>
      %shift_right_arithmetic3A_1419 = arith.shrsi %add3A_1416, %shift_right_arithmetic3A_1418 : vector<16xi32>
      %gather3A_1420 = tpu.vector_load_idx %arg11[%shift_right_arithmetic3A_1419] : memref<640xi32, #tpu.memory_space<vmem>>[vector<16xi32>], vector<16xi32>,
      %le3A_1421 = arith.cmpi sle, %gather3A_1420, %add3A_1327 : vector<16xi32>
      %select_n3A_1422 = arith.select %le3A_1421, %shift_right_arithmetic3A_1419, %select_n3A_1414 : vector<16xi1>, vector<16xi32>
      %select_n3A_1423 = arith.select %le3A_1421, %select_n3A_1415, %shift_right_arithmetic3A_1419 : vector<16xi1>, vector<16xi32>
      %add3A_1424 = vector.broadcast %mul3A_4 : i32 to vector<16xi32>
      %add3A_1425 = arith.addi %select_n3A_1422, %add3A_1424 : vector<16xi32>
      %swap3A_1426 = arith.constant 64 : index
      %swap3A_1427 = tpu.vector_load %arg17[%swap3A_1426] {strides = array<i32>} : memref<128xi32, #tpu.memory_space<vmem>>, vector<16xi32>,
      tpu.vector_store %arg17[%swap3A_1426], %add3A_1425 {strides = array<i32>} : memref<128xi32, #tpu.memory_space<vmem>>, vector<16xi32>,
      %add3A_1428 = arith.constant 80 : i32
      %add3A_1429 = arith.addi %multiple_of3A_61, %add3A_1428 : i32
      %broadcast_in_dim3A_1430 = vector.broadcast %add3A_1429 : i32 to vector<16xi32>
      %add3A_1431 = arith.addi %broadcast_in_dim3A_1430, %iota3A : vector<16xi32>
      %ge3A_1432 = vector.broadcast %squeeze3A : i32 to vector<16xi32>
      %ge3A_1433 = arith.cmpi sge, %add3A_1431, %ge3A_1432 : vector<16xi32>
      %lt3A_1434 = vector.broadcast %squeeze3A_11 : i32 to vector<16xi32>
      %lt3A_1435 = arith.cmpi slt, %add3A_1431, %lt3A_1434 : vector<16xi32>
      %and3A_1436 = arith.andi %ge3A_1433, %lt3A_1435 : vector<16xi1>
      %get3A_1437 = arith.constant 80 : index
      %get3A_1438 = tpu.vector_load %arg15[%get3A_1437] {strides = array<i32>} : memref<128xf32, #tpu.memory_space<vmem>>, vector<16xf32>,
      %jit3A_1439 = arith.constant 0.000000e+00 : f32
      %broadcast_in_dim3A_1440 = vector.broadcast %jit3A_1439 : f32 to vector<16xf32>
      %select_n3A_1441 = arith.select %and3A_1436, %get3A_1438, %broadcast_in_dim3A_1440 : vector<16xi1>, vector<16xf32>
      %swap3A_1442 = arith.constant 80 : index
      %swap3A_1443 = tpu.vector_load %arg15[%swap3A_1442] {strides = array<i32>} : memref<128xf32, #tpu.memory_space<vmem>>, vector<16xf32>,
      tpu.vector_store %arg15[%swap3A_1442], %select_n3A_1441 {strides = array<i32>} : memref<128xf32, #tpu.memory_space<vmem>>, vector<16xf32>,
      %broadcast_in_dim3A_1444 = arith.constant 0 : i32
      %broadcast_in_dim3A_1445 = vector.broadcast %broadcast_in_dim3A_1444 : i32 to vector<16xi32>
      %broadcast_in_dim3A_1446 = arith.constant 632 : i32
      %broadcast_in_dim3A_1447 = vector.broadcast %broadcast_in_dim3A_1446 : i32 to vector<16xi32>
      %add3A_1448 = arith.addi %broadcast_in_dim3A_1445, %broadcast_in_dim3A_1447 : vector<16xi32>
      %shift_right_arithmetic3A_1449 = arith.constant 1 : i32
      %shift_right_arithmetic3A_1450 = vector.broadcast %shift_right_arithmetic3A_1449 : i32 to vector<16xi32>
      %shift_right_arithmetic3A_1451 = arith.shrsi %add3A_1448, %shift_right_arithmetic3A_1450 : vector<16xi32>
      %gather3A_1452 = tpu.vector_load_idx %arg11[%shift_right_arithmetic3A_1451] : memref<640xi32, #tpu.memory_space<vmem>>[vector<16xi32>], vector<16xi32>,
      %le3A_1453 = arith.cmpi sle, %gather3A_1452, %add3A_1431 : vector<16xi32>
      %select_n3A_1454 = arith.select %le3A_1453, %shift_right_arithmetic3A_1451, %broadcast_in_dim3A_1445 : vector<16xi1>, vector<16xi32>
      %select_n3A_1455 = arith.select %le3A_1453, %broadcast_in_dim3A_1447, %shift_right_arithmetic3A_1451 : vector<16xi1>, vector<16xi32>
      %add3A_1456 = arith.addi %select_n3A_1454, %select_n3A_1455 : vector<16xi32>
      %shift_right_arithmetic3A_1457 = arith.constant 1 : i32
      %shift_right_arithmetic3A_1458 = vector.broadcast %shift_right_arithmetic3A_1457 : i32 to vector<16xi32>
      %shift_right_arithmetic3A_1459 = arith.shrsi %add3A_1456, %shift_right_arithmetic3A_1458 : vector<16xi32>
      %gather3A_1460 = tpu.vector_load_idx %arg11[%shift_right_arithmetic3A_1459] : memref<640xi32, #tpu.memory_space<vmem>>[vector<16xi32>], vector<16xi32>,
      %le3A_1461 = arith.cmpi sle, %gather3A_1460, %add3A_1431 : vector<16xi32>
      %select_n3A_1462 = arith.select %le3A_1461, %shift_right_arithmetic3A_1459, %select_n3A_1454 : vector<16xi1>, vector<16xi32>
      %select_n3A_1463 = arith.select %le3A_1461, %select_n3A_1455, %shift_right_arithmetic3A_1459 : vector<16xi1>, vector<16xi32>
      %add3A_1464 = arith.addi %select_n3A_1462, %select_n3A_1463 : vector<16xi32>
      %shift_right_arithmetic3A_1465 = arith.constant 1 : i32
      %shift_right_arithmetic3A_1466 = vector.broadcast %shift_right_arithmetic3A_1465 : i32 to vector<16xi32>
      %shift_right_arithmetic3A_1467 = arith.shrsi %add3A_1464, %shift_right_arithmetic3A_1466 : vector<16xi32>
      %gather3A_1468 = tpu.vector_load_idx %arg11[%shift_right_arithmetic3A_1467] : memref<640xi32, #tpu.memory_space<vmem>>[vector<16xi32>], vector<16xi32>,
      %le3A_1469 = arith.cmpi sle, %gather3A_1468, %add3A_1431 : vector<16xi32>
      %select_n3A_1470 = arith.select %le3A_1469, %shift_right_arithmetic3A_1467, %select_n3A_1462 : vector<16xi1>, vector<16xi32>
      %select_n3A_1471 = arith.select %le3A_1469, %select_n3A_1463, %shift_right_arithmetic3A_1467 : vector<16xi1>, vector<16xi32>
      %add3A_1472 = arith.addi %select_n3A_1470, %select_n3A_1471 : vector<16xi32>
      %shift_right_arithmetic3A_1473 = arith.constant 1 : i32
      %shift_right_arithmetic3A_1474 = vector.broadcast %shift_right_arithmetic3A_1473 : i32 to vector<16xi32>
      %shift_right_arithmetic3A_1475 = arith.shrsi %add3A_1472, %shift_right_arithmetic3A_1474 : vector<16xi32>
      %gather3A_1476 = tpu.vector_load_idx %arg11[%shift_right_arithmetic3A_1475] : memref<640xi32, #tpu.memory_space<vmem>>[vector<16xi32>], vector<16xi32>,
      %le3A_1477 = arith.cmpi sle, %gather3A_1476, %add3A_1431 : vector<16xi32>
      %select_n3A_1478 = arith.select %le3A_1477, %shift_right_arithmetic3A_1475, %select_n3A_1470 : vector<16xi1>, vector<16xi32>
      %select_n3A_1479 = arith.select %le3A_1477, %select_n3A_1471, %shift_right_arithmetic3A_1475 : vector<16xi1>, vector<16xi32>
      %add3A_1480 = arith.addi %select_n3A_1478, %select_n3A_1479 : vector<16xi32>
      %shift_right_arithmetic3A_1481 = arith.constant 1 : i32
      %shift_right_arithmetic3A_1482 = vector.broadcast %shift_right_arithmetic3A_1481 : i32 to vector<16xi32>
      %shift_right_arithmetic3A_1483 = arith.shrsi %add3A_1480, %shift_right_arithmetic3A_1482 : vector<16xi32>
      %gather3A_1484 = tpu.vector_load_idx %arg11[%shift_right_arithmetic3A_1483] : memref<640xi32, #tpu.memory_space<vmem>>[vector<16xi32>], vector<16xi32>,
      %le3A_1485 = arith.cmpi sle, %gather3A_1484, %add3A_1431 : vector<16xi32>
      %select_n3A_1486 = arith.select %le3A_1485, %shift_right_arithmetic3A_1483, %select_n3A_1478 : vector<16xi1>, vector<16xi32>
      %select_n3A_1487 = arith.select %le3A_1485, %select_n3A_1479, %shift_right_arithmetic3A_1483 : vector<16xi1>, vector<16xi32>
      %add3A_1488 = arith.addi %select_n3A_1486, %select_n3A_1487 : vector<16xi32>
      %shift_right_arithmetic3A_1489 = arith.constant 1 : i32
      %shift_right_arithmetic3A_1490 = vector.broadcast %shift_right_arithmetic3A_1489 : i32 to vector<16xi32>
      %shift_right_arithmetic3A_1491 = arith.shrsi %add3A_1488, %shift_right_arithmetic3A_1490 : vector<16xi32>
      %gather3A_1492 = tpu.vector_load_idx %arg11[%shift_right_arithmetic3A_1491] : memref<640xi32, #tpu.memory_space<vmem>>[vector<16xi32>], vector<16xi32>,
      %le3A_1493 = arith.cmpi sle, %gather3A_1492, %add3A_1431 : vector<16xi32>
      %select_n3A_1494 = arith.select %le3A_1493, %shift_right_arithmetic3A_1491, %select_n3A_1486 : vector<16xi1>, vector<16xi32>
      %select_n3A_1495 = arith.select %le3A_1493, %select_n3A_1487, %shift_right_arithmetic3A_1491 : vector<16xi1>, vector<16xi32>
      %add3A_1496 = arith.addi %select_n3A_1494, %select_n3A_1495 : vector<16xi32>
      %shift_right_arithmetic3A_1497 = arith.constant 1 : i32
      %shift_right_arithmetic3A_1498 = vector.broadcast %shift_right_arithmetic3A_1497 : i32 to vector<16xi32>
      %shift_right_arithmetic3A_1499 = arith.shrsi %add3A_1496, %shift_right_arithmetic3A_1498 : vector<16xi32>
      %gather3A_1500 = tpu.vector_load_idx %arg11[%shift_right_arithmetic3A_1499] : memref<640xi32, #tpu.memory_space<vmem>>[vector<16xi32>], vector<16xi32>,
      %le3A_1501 = arith.cmpi sle, %gather3A_1500, %add3A_1431 : vector<16xi32>
      %select_n3A_1502 = arith.select %le3A_1501, %shift_right_arithmetic3A_1499, %select_n3A_1494 : vector<16xi1>, vector<16xi32>
      %select_n3A_1503 = arith.select %le3A_1501, %select_n3A_1495, %shift_right_arithmetic3A_1499 : vector<16xi1>, vector<16xi32>
      %add3A_1504 = arith.addi %select_n3A_1502, %select_n3A_1503 : vector<16xi32>
      %shift_right_arithmetic3A_1505 = arith.constant 1 : i32
      %shift_right_arithmetic3A_1506 = vector.broadcast %shift_right_arithmetic3A_1505 : i32 to vector<16xi32>
      %shift_right_arithmetic3A_1507 = arith.shrsi %add3A_1504, %shift_right_arithmetic3A_1506 : vector<16xi32>
      %gather3A_1508 = tpu.vector_load_idx %arg11[%shift_right_arithmetic3A_1507] : memref<640xi32, #tpu.memory_space<vmem>>[vector<16xi32>], vector<16xi32>,
      %le3A_1509 = arith.cmpi sle, %gather3A_1508, %add3A_1431 : vector<16xi32>
      %select_n3A_1510 = arith.select %le3A_1509, %shift_right_arithmetic3A_1507, %select_n3A_1502 : vector<16xi1>, vector<16xi32>
      %select_n3A_1511 = arith.select %le3A_1509, %select_n3A_1503, %shift_right_arithmetic3A_1507 : vector<16xi1>, vector<16xi32>
      %add3A_1512 = arith.addi %select_n3A_1510, %select_n3A_1511 : vector<16xi32>
      %shift_right_arithmetic3A_1513 = arith.constant 1 : i32
      %shift_right_arithmetic3A_1514 = vector.broadcast %shift_right_arithmetic3A_1513 : i32 to vector<16xi32>
      %shift_right_arithmetic3A_1515 = arith.shrsi %add3A_1512, %shift_right_arithmetic3A_1514 : vector<16xi32>
      %gather3A_1516 = tpu.vector_load_idx %arg11[%shift_right_arithmetic3A_1515] : memref<640xi32, #tpu.memory_space<vmem>>[vector<16xi32>], vector<16xi32>,
      %le3A_1517 = arith.cmpi sle, %gather3A_1516, %add3A_1431 : vector<16xi32>
      %select_n3A_1518 = arith.select %le3A_1517, %shift_right_arithmetic3A_1515, %select_n3A_1510 : vector<16xi1>, vector<16xi32>
      %select_n3A_1519 = arith.select %le3A_1517, %select_n3A_1511, %shift_right_arithmetic3A_1515 : vector<16xi1>, vector<16xi32>
      %add3A_1520 = arith.addi %select_n3A_1518, %select_n3A_1519 : vector<16xi32>
      %shift_right_arithmetic3A_1521 = arith.constant 1 : i32
      %shift_right_arithmetic3A_1522 = vector.broadcast %shift_right_arithmetic3A_1521 : i32 to vector<16xi32>
      %shift_right_arithmetic3A_1523 = arith.shrsi %add3A_1520, %shift_right_arithmetic3A_1522 : vector<16xi32>
      %gather3A_1524 = tpu.vector_load_idx %arg11[%shift_right_arithmetic3A_1523] : memref<640xi32, #tpu.memory_space<vmem>>[vector<16xi32>], vector<16xi32>,
      %le3A_1525 = arith.cmpi sle, %gather3A_1524, %add3A_1431 : vector<16xi32>
      %select_n3A_1526 = arith.select %le3A_1525, %shift_right_arithmetic3A_1523, %select_n3A_1518 : vector<16xi1>, vector<16xi32>
      %select_n3A_1527 = arith.select %le3A_1525, %select_n3A_1519, %shift_right_arithmetic3A_1523 : vector<16xi1>, vector<16xi32>
      %add3A_1528 = vector.broadcast %mul3A_4 : i32 to vector<16xi32>
      %add3A_1529 = arith.addi %select_n3A_1526, %add3A_1528 : vector<16xi32>
      %swap3A_1530 = arith.constant 80 : index
      %swap3A_1531 = tpu.vector_load %arg17[%swap3A_1530] {strides = array<i32>} : memref<128xi32, #tpu.memory_space<vmem>>, vector<16xi32>,
      tpu.vector_store %arg17[%swap3A_1530], %add3A_1529 {strides = array<i32>} : memref<128xi32, #tpu.memory_space<vmem>>, vector<16xi32>,
      %add3A_1532 = arith.constant 96 : i32
      %add3A_1533 = arith.addi %multiple_of3A_61, %add3A_1532 : i32
      %broadcast_in_dim3A_1534 = vector.broadcast %add3A_1533 : i32 to vector<16xi32>
      %add3A_1535 = arith.addi %broadcast_in_dim3A_1534, %iota3A : vector<16xi32>
      %ge3A_1536 = vector.broadcast %squeeze3A : i32 to vector<16xi32>
      %ge3A_1537 = arith.cmpi sge, %add3A_1535, %ge3A_1536 : vector<16xi32>
      %lt3A_1538 = vector.broadcast %squeeze3A_11 : i32 to vector<16xi32>
      %lt3A_1539 = arith.cmpi slt, %add3A_1535, %lt3A_1538 : vector<16xi32>
      %and3A_1540 = arith.andi %ge3A_1537, %lt3A_1539 : vector<16xi1>
      %get3A_1541 = arith.constant 96 : index
      %get3A_1542 = tpu.vector_load %arg15[%get3A_1541] {strides = array<i32>} : memref<128xf32, #tpu.memory_space<vmem>>, vector<16xf32>,
      %jit3A_1543 = arith.constant 0.000000e+00 : f32
      %broadcast_in_dim3A_1544 = vector.broadcast %jit3A_1543 : f32 to vector<16xf32>
      %select_n3A_1545 = arith.select %and3A_1540, %get3A_1542, %broadcast_in_dim3A_1544 : vector<16xi1>, vector<16xf32>
      %swap3A_1546 = arith.constant 96 : index
      %swap3A_1547 = tpu.vector_load %arg15[%swap3A_1546] {strides = array<i32>} : memref<128xf32, #tpu.memory_space<vmem>>, vector<16xf32>,
      tpu.vector_store %arg15[%swap3A_1546], %select_n3A_1545 {strides = array<i32>} : memref<128xf32, #tpu.memory_space<vmem>>, vector<16xf32>,
      %broadcast_in_dim3A_1548 = arith.constant 0 : i32
      %broadcast_in_dim3A_1549 = vector.broadcast %broadcast_in_dim3A_1548 : i32 to vector<16xi32>
      %broadcast_in_dim3A_1550 = arith.constant 632 : i32
      %broadcast_in_dim3A_1551 = vector.broadcast %broadcast_in_dim3A_1550 : i32 to vector<16xi32>
      %add3A_1552 = arith.addi %broadcast_in_dim3A_1549, %broadcast_in_dim3A_1551 : vector<16xi32>
      %shift_right_arithmetic3A_1553 = arith.constant 1 : i32
      %shift_right_arithmetic3A_1554 = vector.broadcast %shift_right_arithmetic3A_1553 : i32 to vector<16xi32>
      %shift_right_arithmetic3A_1555 = arith.shrsi %add3A_1552, %shift_right_arithmetic3A_1554 : vector<16xi32>
      %gather3A_1556 = tpu.vector_load_idx %arg11[%shift_right_arithmetic3A_1555] : memref<640xi32, #tpu.memory_space<vmem>>[vector<16xi32>], vector<16xi32>,
      %le3A_1557 = arith.cmpi sle, %gather3A_1556, %add3A_1535 : vector<16xi32>
      %select_n3A_1558 = arith.select %le3A_1557, %shift_right_arithmetic3A_1555, %broadcast_in_dim3A_1549 : vector<16xi1>, vector<16xi32>
      %select_n3A_1559 = arith.select %le3A_1557, %broadcast_in_dim3A_1551, %shift_right_arithmetic3A_1555 : vector<16xi1>, vector<16xi32>
      %add3A_1560 = arith.addi %select_n3A_1558, %select_n3A_1559 : vector<16xi32>
      %shift_right_arithmetic3A_1561 = arith.constant 1 : i32
      %shift_right_arithmetic3A_1562 = vector.broadcast %shift_right_arithmetic3A_1561 : i32 to vector<16xi32>
      %shift_right_arithmetic3A_1563 = arith.shrsi %add3A_1560, %shift_right_arithmetic3A_1562 : vector<16xi32>
      %gather3A_1564 = tpu.vector_load_idx %arg11[%shift_right_arithmetic3A_1563] : memref<640xi32, #tpu.memory_space<vmem>>[vector<16xi32>], vector<16xi32>,
      %le3A_1565 = arith.cmpi sle, %gather3A_1564, %add3A_1535 : vector<16xi32>
      %select_n3A_1566 = arith.select %le3A_1565, %shift_right_arithmetic3A_1563, %select_n3A_1558 : vector<16xi1>, vector<16xi32>
      %select_n3A_1567 = arith.select %le3A_1565, %select_n3A_1559, %shift_right_arithmetic3A_1563 : vector<16xi1>, vector<16xi32>
      %add3A_1568 = arith.addi %select_n3A_1566, %select_n3A_1567 : vector<16xi32>
      %shift_right_arithmetic3A_1569 = arith.constant 1 : i32
      %shift_right_arithmetic3A_1570 = vector.broadcast %shift_right_arithmetic3A_1569 : i32 to vector<16xi32>
      %shift_right_arithmetic3A_1571 = arith.shrsi %add3A_1568, %shift_right_arithmetic3A_1570 : vector<16xi32>
      %gather3A_1572 = tpu.vector_load_idx %arg11[%shift_right_arithmetic3A_1571] : memref<640xi32, #tpu.memory_space<vmem>>[vector<16xi32>], vector<16xi32>,
      %le3A_1573 = arith.cmpi sle, %gather3A_1572, %add3A_1535 : vector<16xi32>
      %select_n3A_1574 = arith.select %le3A_1573, %shift_right_arithmetic3A_1571, %select_n3A_1566 : vector<16xi1>, vector<16xi32>
      %select_n3A_1575 = arith.select %le3A_1573, %select_n3A_1567, %shift_right_arithmetic3A_1571 : vector<16xi1>, vector<16xi32>
      %add3A_1576 = arith.addi %select_n3A_1574, %select_n3A_1575 : vector<16xi32>
      %shift_right_arithmetic3A_1577 = arith.constant 1 : i32
      %shift_right_arithmetic3A_1578 = vector.broadcast %shift_right_arithmetic3A_1577 : i32 to vector<16xi32>
      %shift_right_arithmetic3A_1579 = arith.shrsi %add3A_1576, %shift_right_arithmetic3A_1578 : vector<16xi32>
      %gather3A_1580 = tpu.vector_load_idx %arg11[%shift_right_arithmetic3A_1579] : memref<640xi32, #tpu.memory_space<vmem>>[vector<16xi32>], vector<16xi32>,
      %le3A_1581 = arith.cmpi sle, %gather3A_1580, %add3A_1535 : vector<16xi32>
      %select_n3A_1582 = arith.select %le3A_1581, %shift_right_arithmetic3A_1579, %select_n3A_1574 : vector<16xi1>, vector<16xi32>
      %select_n3A_1583 = arith.select %le3A_1581, %select_n3A_1575, %shift_right_arithmetic3A_1579 : vector<16xi1>, vector<16xi32>
      %add3A_1584 = arith.addi %select_n3A_1582, %select_n3A_1583 : vector<16xi32>
      %shift_right_arithmetic3A_1585 = arith.constant 1 : i32
      %shift_right_arithmetic3A_1586 = vector.broadcast %shift_right_arithmetic3A_1585 : i32 to vector<16xi32>
      %shift_right_arithmetic3A_1587 = arith.shrsi %add3A_1584, %shift_right_arithmetic3A_1586 : vector<16xi32>
      %gather3A_1588 = tpu.vector_load_idx %arg11[%shift_right_arithmetic3A_1587] : memref<640xi32, #tpu.memory_space<vmem>>[vector<16xi32>], vector<16xi32>,
      %le3A_1589 = arith.cmpi sle, %gather3A_1588, %add3A_1535 : vector<16xi32>
      %select_n3A_1590 = arith.select %le3A_1589, %shift_right_arithmetic3A_1587, %select_n3A_1582 : vector<16xi1>, vector<16xi32>
      %select_n3A_1591 = arith.select %le3A_1589, %select_n3A_1583, %shift_right_arithmetic3A_1587 : vector<16xi1>, vector<16xi32>
      %add3A_1592 = arith.addi %select_n3A_1590, %select_n3A_1591 : vector<16xi32>
      %shift_right_arithmetic3A_1593 = arith.constant 1 : i32
      %shift_right_arithmetic3A_1594 = vector.broadcast %shift_right_arithmetic3A_1593 : i32 to vector<16xi32>
      %shift_right_arithmetic3A_1595 = arith.shrsi %add3A_1592, %shift_right_arithmetic3A_1594 : vector<16xi32>
      %gather3A_1596 = tpu.vector_load_idx %arg11[%shift_right_arithmetic3A_1595] : memref<640xi32, #tpu.memory_space<vmem>>[vector<16xi32>], vector<16xi32>,
      %le3A_1597 = arith.cmpi sle, %gather3A_1596, %add3A_1535 : vector<16xi32>
      %select_n3A_1598 = arith.select %le3A_1597, %shift_right_arithmetic3A_1595, %select_n3A_1590 : vector<16xi1>, vector<16xi32>
      %select_n3A_1599 = arith.select %le3A_1597, %select_n3A_1591, %shift_right_arithmetic3A_1595 : vector<16xi1>, vector<16xi32>
      %add3A_1600 = arith.addi %select_n3A_1598, %select_n3A_1599 : vector<16xi32>
      %shift_right_arithmetic3A_1601 = arith.constant 1 : i32
      %shift_right_arithmetic3A_1602 = vector.broadcast %shift_right_arithmetic3A_1601 : i32 to vector<16xi32>
      %shift_right_arithmetic3A_1603 = arith.shrsi %add3A_1600, %shift_right_arithmetic3A_1602 : vector<16xi32>
      %gather3A_1604 = tpu.vector_load_idx %arg11[%shift_right_arithmetic3A_1603] : memref<640xi32, #tpu.memory_space<vmem>>[vector<16xi32>], vector<16xi32>,
      %le3A_1605 = arith.cmpi sle, %gather3A_1604, %add3A_1535 : vector<16xi32>
      %select_n3A_1606 = arith.select %le3A_1605, %shift_right_arithmetic3A_1603, %select_n3A_1598 : vector<16xi1>, vector<16xi32>
      %select_n3A_1607 = arith.select %le3A_1605, %select_n3A_1599, %shift_right_arithmetic3A_1603 : vector<16xi1>, vector<16xi32>
      %add3A_1608 = arith.addi %select_n3A_1606, %select_n3A_1607 : vector<16xi32>
      %shift_right_arithmetic3A_1609 = arith.constant 1 : i32
      %shift_right_arithmetic3A_1610 = vector.broadcast %shift_right_arithmetic3A_1609 : i32 to vector<16xi32>
      %shift_right_arithmetic3A_1611 = arith.shrsi %add3A_1608, %shift_right_arithmetic3A_1610 : vector<16xi32>
      %gather3A_1612 = tpu.vector_load_idx %arg11[%shift_right_arithmetic3A_1611] : memref<640xi32, #tpu.memory_space<vmem>>[vector<16xi32>], vector<16xi32>,
      %le3A_1613 = arith.cmpi sle, %gather3A_1612, %add3A_1535 : vector<16xi32>
      %select_n3A_1614 = arith.select %le3A_1613, %shift_right_arithmetic3A_1611, %select_n3A_1606 : vector<16xi1>, vector<16xi32>
      %select_n3A_1615 = arith.select %le3A_1613, %select_n3A_1607, %shift_right_arithmetic3A_1611 : vector<16xi1>, vector<16xi32>
      %add3A_1616 = arith.addi %select_n3A_1614, %select_n3A_1615 : vector<16xi32>
      %shift_right_arithmetic3A_1617 = arith.constant 1 : i32
      %shift_right_arithmetic3A_1618 = vector.broadcast %shift_right_arithmetic3A_1617 : i32 to vector<16xi32>
      %shift_right_arithmetic3A_1619 = arith.shrsi %add3A_1616, %shift_right_arithmetic3A_1618 : vector<16xi32>
      %gather3A_1620 = tpu.vector_load_idx %arg11[%shift_right_arithmetic3A_1619] : memref<640xi32, #tpu.memory_space<vmem>>[vector<16xi32>], vector<16xi32>,
      %le3A_1621 = arith.cmpi sle, %gather3A_1620, %add3A_1535 : vector<16xi32>
      %select_n3A_1622 = arith.select %le3A_1621, %shift_right_arithmetic3A_1619, %select_n3A_1614 : vector<16xi1>, vector<16xi32>
      %select_n3A_1623 = arith.select %le3A_1621, %select_n3A_1615, %shift_right_arithmetic3A_1619 : vector<16xi1>, vector<16xi32>
      %add3A_1624 = arith.addi %select_n3A_1622, %select_n3A_1623 : vector<16xi32>
      %shift_right_arithmetic3A_1625 = arith.constant 1 : i32
      %shift_right_arithmetic3A_1626 = vector.broadcast %shift_right_arithmetic3A_1625 : i32 to vector<16xi32>
      %shift_right_arithmetic3A_1627 = arith.shrsi %add3A_1624, %shift_right_arithmetic3A_1626 : vector<16xi32>
      %gather3A_1628 = tpu.vector_load_idx %arg11[%shift_right_arithmetic3A_1627] : memref<640xi32, #tpu.memory_space<vmem>>[vector<16xi32>], vector<16xi32>,
      %le3A_1629 = arith.cmpi sle, %gather3A_1628, %add3A_1535 : vector<16xi32>
      %select_n3A_1630 = arith.select %le3A_1629, %shift_right_arithmetic3A_1627, %select_n3A_1622 : vector<16xi1>, vector<16xi32>
      %select_n3A_1631 = arith.select %le3A_1629, %select_n3A_1623, %shift_right_arithmetic3A_1627 : vector<16xi1>, vector<16xi32>
      %add3A_1632 = vector.broadcast %mul3A_4 : i32 to vector<16xi32>
      %add3A_1633 = arith.addi %select_n3A_1630, %add3A_1632 : vector<16xi32>
      %swap3A_1634 = arith.constant 96 : index
      %swap3A_1635 = tpu.vector_load %arg17[%swap3A_1634] {strides = array<i32>} : memref<128xi32, #tpu.memory_space<vmem>>, vector<16xi32>,
      tpu.vector_store %arg17[%swap3A_1634], %add3A_1633 {strides = array<i32>} : memref<128xi32, #tpu.memory_space<vmem>>, vector<16xi32>,
      %add3A_1636 = arith.constant 112 : i32
      %add3A_1637 = arith.addi %multiple_of3A_61, %add3A_1636 : i32
      %broadcast_in_dim3A_1638 = vector.broadcast %add3A_1637 : i32 to vector<16xi32>
      %add3A_1639 = arith.addi %broadcast_in_dim3A_1638, %iota3A : vector<16xi32>
      %ge3A_1640 = vector.broadcast %squeeze3A : i32 to vector<16xi32>
      %ge3A_1641 = arith.cmpi sge, %add3A_1639, %ge3A_1640 : vector<16xi32>
      %lt3A_1642 = vector.broadcast %squeeze3A_11 : i32 to vector<16xi32>
      %lt3A_1643 = arith.cmpi slt, %add3A_1639, %lt3A_1642 : vector<16xi32>
      %and3A_1644 = arith.andi %ge3A_1641, %lt3A_1643 : vector<16xi1>
      %get3A_1645 = arith.constant 112 : index
      %get3A_1646 = tpu.vector_load %arg15[%get3A_1645] {strides = array<i32>} : memref<128xf32, #tpu.memory_space<vmem>>, vector<16xf32>,
      %jit3A_1647 = arith.constant 0.000000e+00 : f32
      %broadcast_in_dim3A_1648 = vector.broadcast %jit3A_1647 : f32 to vector<16xf32>
      %select_n3A_1649 = arith.select %and3A_1644, %get3A_1646, %broadcast_in_dim3A_1648 : vector<16xi1>, vector<16xf32>
      %swap3A_1650 = arith.constant 112 : index
      %swap3A_1651 = tpu.vector_load %arg15[%swap3A_1650] {strides = array<i32>} : memref<128xf32, #tpu.memory_space<vmem>>, vector<16xf32>,
      tpu.vector_store %arg15[%swap3A_1650], %select_n3A_1649 {strides = array<i32>} : memref<128xf32, #tpu.memory_space<vmem>>, vector<16xf32>,
      %broadcast_in_dim3A_1652 = arith.constant 0 : i32
      %broadcast_in_dim3A_1653 = vector.broadcast %broadcast_in_dim3A_1652 : i32 to vector<16xi32>
      %broadcast_in_dim3A_1654 = arith.constant 632 : i32
      %broadcast_in_dim3A_1655 = vector.broadcast %broadcast_in_dim3A_1654 : i32 to vector<16xi32>
      %add3A_1656 = arith.addi %broadcast_in_dim3A_1653, %broadcast_in_dim3A_1655 : vector<16xi32>
      %shift_right_arithmetic3A_1657 = arith.constant 1 : i32
      %shift_right_arithmetic3A_1658 = vector.broadcast %shift_right_arithmetic3A_1657 : i32 to vector<16xi32>
      %shift_right_arithmetic3A_1659 = arith.shrsi %add3A_1656, %shift_right_arithmetic3A_1658 : vector<16xi32>
      %gather3A_1660 = tpu.vector_load_idx %arg11[%shift_right_arithmetic3A_1659] : memref<640xi32, #tpu.memory_space<vmem>>[vector<16xi32>], vector<16xi32>,
      %le3A_1661 = arith.cmpi sle, %gather3A_1660, %add3A_1639 : vector<16xi32>
      %select_n3A_1662 = arith.select %le3A_1661, %shift_right_arithmetic3A_1659, %broadcast_in_dim3A_1653 : vector<16xi1>, vector<16xi32>
      %select_n3A_1663 = arith.select %le3A_1661, %broadcast_in_dim3A_1655, %shift_right_arithmetic3A_1659 : vector<16xi1>, vector<16xi32>
      %add3A_1664 = arith.addi %select_n3A_1662, %select_n3A_1663 : vector<16xi32>
      %shift_right_arithmetic3A_1665 = arith.constant 1 : i32
      %shift_right_arithmetic3A_1666 = vector.broadcast %shift_right_arithmetic3A_1665 : i32 to vector<16xi32>
      %shift_right_arithmetic3A_1667 = arith.shrsi %add3A_1664, %shift_right_arithmetic3A_1666 : vector<16xi32>
      %gather3A_1668 = tpu.vector_load_idx %arg11[%shift_right_arithmetic3A_1667] : memref<640xi32, #tpu.memory_space<vmem>>[vector<16xi32>], vector<16xi32>,
      %le3A_1669 = arith.cmpi sle, %gather3A_1668, %add3A_1639 : vector<16xi32>
      %select_n3A_1670 = arith.select %le3A_1669, %shift_right_arithmetic3A_1667, %select_n3A_1662 : vector<16xi1>, vector<16xi32>
      %select_n3A_1671 = arith.select %le3A_1669, %select_n3A_1663, %shift_right_arithmetic3A_1667 : vector<16xi1>, vector<16xi32>
      %add3A_1672 = arith.addi %select_n3A_1670, %select_n3A_1671 : vector<16xi32>
      %shift_right_arithmetic3A_1673 = arith.constant 1 : i32
      %shift_right_arithmetic3A_1674 = vector.broadcast %shift_right_arithmetic3A_1673 : i32 to vector<16xi32>
      %shift_right_arithmetic3A_1675 = arith.shrsi %add3A_1672, %shift_right_arithmetic3A_1674 : vector<16xi32>
      %gather3A_1676 = tpu.vector_load_idx %arg11[%shift_right_arithmetic3A_1675] : memref<640xi32, #tpu.memory_space<vmem>>[vector<16xi32>], vector<16xi32>,
      %le3A_1677 = arith.cmpi sle, %gather3A_1676, %add3A_1639 : vector<16xi32>
      %select_n3A_1678 = arith.select %le3A_1677, %shift_right_arithmetic3A_1675, %select_n3A_1670 : vector<16xi1>, vector<16xi32>
      %select_n3A_1679 = arith.select %le3A_1677, %select_n3A_1671, %shift_right_arithmetic3A_1675 : vector<16xi1>, vector<16xi32>
      %add3A_1680 = arith.addi %select_n3A_1678, %select_n3A_1679 : vector<16xi32>
      %shift_right_arithmetic3A_1681 = arith.constant 1 : i32
      %shift_right_arithmetic3A_1682 = vector.broadcast %shift_right_arithmetic3A_1681 : i32 to vector<16xi32>
      %shift_right_arithmetic3A_1683 = arith.shrsi %add3A_1680, %shift_right_arithmetic3A_1682 : vector<16xi32>
      %gather3A_1684 = tpu.vector_load_idx %arg11[%shift_right_arithmetic3A_1683] : memref<640xi32, #tpu.memory_space<vmem>>[vector<16xi32>], vector<16xi32>,
      %le3A_1685 = arith.cmpi sle, %gather3A_1684, %add3A_1639 : vector<16xi32>
      %select_n3A_1686 = arith.select %le3A_1685, %shift_right_arithmetic3A_1683, %select_n3A_1678 : vector<16xi1>, vector<16xi32>
      %select_n3A_1687 = arith.select %le3A_1685, %select_n3A_1679, %shift_right_arithmetic3A_1683 : vector<16xi1>, vector<16xi32>
      %add3A_1688 = arith.addi %select_n3A_1686, %select_n3A_1687 : vector<16xi32>
      %shift_right_arithmetic3A_1689 = arith.constant 1 : i32
      %shift_right_arithmetic3A_1690 = vector.broadcast %shift_right_arithmetic3A_1689 : i32 to vector<16xi32>
      %shift_right_arithmetic3A_1691 = arith.shrsi %add3A_1688, %shift_right_arithmetic3A_1690 : vector<16xi32>
      %gather3A_1692 = tpu.vector_load_idx %arg11[%shift_right_arithmetic3A_1691] : memref<640xi32, #tpu.memory_space<vmem>>[vector<16xi32>], vector<16xi32>,
      %le3A_1693 = arith.cmpi sle, %gather3A_1692, %add3A_1639 : vector<16xi32>
      %select_n3A_1694 = arith.select %le3A_1693, %shift_right_arithmetic3A_1691, %select_n3A_1686 : vector<16xi1>, vector<16xi32>
      %select_n3A_1695 = arith.select %le3A_1693, %select_n3A_1687, %shift_right_arithmetic3A_1691 : vector<16xi1>, vector<16xi32>
      %add3A_1696 = arith.addi %select_n3A_1694, %select_n3A_1695 : vector<16xi32>
      %shift_right_arithmetic3A_1697 = arith.constant 1 : i32
      %shift_right_arithmetic3A_1698 = vector.broadcast %shift_right_arithmetic3A_1697 : i32 to vector<16xi32>
      %shift_right_arithmetic3A_1699 = arith.shrsi %add3A_1696, %shift_right_arithmetic3A_1698 : vector<16xi32>
      %gather3A_1700 = tpu.vector_load_idx %arg11[%shift_right_arithmetic3A_1699] : memref<640xi32, #tpu.memory_space<vmem>>[vector<16xi32>], vector<16xi32>,
      %le3A_1701 = arith.cmpi sle, %gather3A_1700, %add3A_1639 : vector<16xi32>
      %select_n3A_1702 = arith.select %le3A_1701, %shift_right_arithmetic3A_1699, %select_n3A_1694 : vector<16xi1>, vector<16xi32>
      %select_n3A_1703 = arith.select %le3A_1701, %select_n3A_1695, %shift_right_arithmetic3A_1699 : vector<16xi1>, vector<16xi32>
      %add3A_1704 = arith.addi %select_n3A_1702, %select_n3A_1703 : vector<16xi32>
      %shift_right_arithmetic3A_1705 = arith.constant 1 : i32
      %shift_right_arithmetic3A_1706 = vector.broadcast %shift_right_arithmetic3A_1705 : i32 to vector<16xi32>
      %shift_right_arithmetic3A_1707 = arith.shrsi %add3A_1704, %shift_right_arithmetic3A_1706 : vector<16xi32>
      %gather3A_1708 = tpu.vector_load_idx %arg11[%shift_right_arithmetic3A_1707] : memref<640xi32, #tpu.memory_space<vmem>>[vector<16xi32>], vector<16xi32>,
      %le3A_1709 = arith.cmpi sle, %gather3A_1708, %add3A_1639 : vector<16xi32>
      %select_n3A_1710 = arith.select %le3A_1709, %shift_right_arithmetic3A_1707, %select_n3A_1702 : vector<16xi1>, vector<16xi32>
      %select_n3A_1711 = arith.select %le3A_1709, %select_n3A_1703, %shift_right_arithmetic3A_1707 : vector<16xi1>, vector<16xi32>
      %add3A_1712 = arith.addi %select_n3A_1710, %select_n3A_1711 : vector<16xi32>
      %shift_right_arithmetic3A_1713 = arith.constant 1 : i32
      %shift_right_arithmetic3A_1714 = vector.broadcast %shift_right_arithmetic3A_1713 : i32 to vector<16xi32>
      %shift_right_arithmetic3A_1715 = arith.shrsi %add3A_1712, %shift_right_arithmetic3A_1714 : vector<16xi32>
      %gather3A_1716 = tpu.vector_load_idx %arg11[%shift_right_arithmetic3A_1715] : memref<640xi32, #tpu.memory_space<vmem>>[vector<16xi32>], vector<16xi32>,
      %le3A_1717 = arith.cmpi sle, %gather3A_1716, %add3A_1639 : vector<16xi32>
      %select_n3A_1718 = arith.select %le3A_1717, %shift_right_arithmetic3A_1715, %select_n3A_1710 : vector<16xi1>, vector<16xi32>
      %select_n3A_1719 = arith.select %le3A_1717, %select_n3A_1711, %shift_right_arithmetic3A_1715 : vector<16xi1>, vector<16xi32>
      %add3A_1720 = arith.addi %select_n3A_1718, %select_n3A_1719 : vector<16xi32>
      %shift_right_arithmetic3A_1721 = arith.constant 1 : i32
      %shift_right_arithmetic3A_1722 = vector.broadcast %shift_right_arithmetic3A_1721 : i32 to vector<16xi32>
      %shift_right_arithmetic3A_1723 = arith.shrsi %add3A_1720, %shift_right_arithmetic3A_1722 : vector<16xi32>
      %gather3A_1724 = tpu.vector_load_idx %arg11[%shift_right_arithmetic3A_1723] : memref<640xi32, #tpu.memory_space<vmem>>[vector<16xi32>], vector<16xi32>,
      %le3A_1725 = arith.cmpi sle, %gather3A_1724, %add3A_1639 : vector<16xi32>
      %select_n3A_1726 = arith.select %le3A_1725, %shift_right_arithmetic3A_1723, %select_n3A_1718 : vector<16xi1>, vector<16xi32>
      %select_n3A_1727 = arith.select %le3A_1725, %select_n3A_1719, %shift_right_arithmetic3A_1723 : vector<16xi1>, vector<16xi32>
      %add3A_1728 = arith.addi %select_n3A_1726, %select_n3A_1727 : vector<16xi32>
      %shift_right_arithmetic3A_1729 = arith.constant 1 : i32
      %shift_right_arithmetic3A_1730 = vector.broadcast %shift_right_arithmetic3A_1729 : i32 to vector<16xi32>
      %shift_right_arithmetic3A_1731 = arith.shrsi %add3A_1728, %shift_right_arithmetic3A_1730 : vector<16xi32>
      %gather3A_1732 = tpu.vector_load_idx %arg11[%shift_right_arithmetic3A_1731] : memref<640xi32, #tpu.memory_space<vmem>>[vector<16xi32>], vector<16xi32>,
      %le3A_1733 = arith.cmpi sle, %gather3A_1732, %add3A_1639 : vector<16xi32>
      %select_n3A_1734 = arith.select %le3A_1733, %shift_right_arithmetic3A_1731, %select_n3A_1726 : vector<16xi1>, vector<16xi32>
      %select_n3A_1735 = arith.select %le3A_1733, %select_n3A_1727, %shift_right_arithmetic3A_1731 : vector<16xi1>, vector<16xi32>
      %add3A_1736 = vector.broadcast %mul3A_4 : i32 to vector<16xi32>
      %add3A_1737 = arith.addi %select_n3A_1734, %add3A_1736 : vector<16xi32>
      %swap3A_1738 = arith.constant 112 : index
      %swap3A_1739 = tpu.vector_load %arg17[%swap3A_1738] {strides = array<i32>} : memref<128xi32, #tpu.memory_space<vmem>>, vector<16xi32>,
      tpu.vector_store %arg17[%swap3A_1738], %add3A_1737 {strides = array<i32>} : memref<128xi32, #tpu.memory_space<vmem>>, vector<16xi32>,
      %dma_wait3A_1740 = arith.constant 0 : i32
      %dma_wait3A_1741 = arith.constant 0 : i32
      %dma_wait3A_1742 = tpu.memref_slice %arg6[%dma_wait3A_1740, %dma_wait3A_1741] : memref<10000x128xf32, #tpu.memory_space<hbm>> -> memref<10000x128xf32, #tpu.memory_space<hbm>>
      tpu.wait_indirect_dma semaphore(%arg20 : memref<!tpu.dma_semaphore, #tpu.memory_space<semaphore_mem>>) src(%dma_wait3A_1742 : memref<10000x128xf32, #tpu.memory_space<hbm>>) dst(%arg9 : memref<128x128xf32, #tpu.memory_space<vmem>>)
      %parallel_loop3A = arith.constant 0 : i32
      %parallel_loop3A_1743 = arith.constant 128 : i32
      %parallel_loop3A_1744 = arith.constant 1 : i32
      scf.for %parallel_loop3A_1758 = %parallel_loop3A to %parallel_loop3A_1743 step %parallel_loop3A_1744  : i32 {
        %parallel_loop3A_1759 = vector.broadcast %parallel_loop3A_1758 : i32 to vector<16xi32>
        %parallel_loop3A_1760 = tpu.vector_load_idx %arg14[%parallel_loop3A_1759] : memref<128xf32, #tpu.memory_space<vmem>>[vector<16xi32>], vector<16xf32>,
        %parallel_loop3A_1761 = arith.index_cast %parallel_loop3A_1758 : i32 to index
        %parallel_loop3A_1762 = arith.constant 0 : index
        %parallel_loop3A_1763 = tpu.vector_load %arg9[%parallel_loop3A_1761, %parallel_loop3A_1762] {strides = array<i32>} : memref<128x128xf32, #tpu.memory_space<vmem>>, vector<16xf32>,
        %parallel_loop3A_1764 = arith.mulf %parallel_loop3A_1763, %parallel_loop3A_1760 : vector<16xf32>
        %parallel_loop3A_1765 = arith.index_cast %parallel_loop3A_1758 : i32 to index
        %parallel_loop3A_1766 = arith.constant 0 : index
        %parallel_loop3A_1767 = tpu.vector_load %arg9[%parallel_loop3A_1765, %parallel_loop3A_1766] {strides = array<i32>} : memref<128x128xf32, #tpu.memory_space<vmem>>, vector<16xf32>,
        tpu.vector_store %arg9[%parallel_loop3A_1765, %parallel_loop3A_1766], %parallel_loop3A_1764 {strides = array<i32>} : memref<128x128xf32, #tpu.memory_space<vmem>>, vector<16xf32>,
        %parallel_loop3A_1768 = arith.index_cast %parallel_loop3A_1758 : i32 to index
        %parallel_loop3A_1769 = arith.constant 16 : index
        %parallel_loop3A_1770 = tpu.vector_load %arg9[%parallel_loop3A_1768, %parallel_loop3A_1769] {strides = array<i32>} : memref<128x128xf32, #tpu.memory_space<vmem>>, vector<16xf32>,
        %parallel_loop3A_1771 = arith.mulf %parallel_loop3A_1770, %parallel_loop3A_1760 : vector<16xf32>
        %parallel_loop3A_1772 = arith.index_cast %parallel_loop3A_1758 : i32 to index
        %parallel_loop3A_1773 = arith.constant 16 : index
        %parallel_loop3A_1774 = tpu.vector_load %arg9[%parallel_loop3A_1772, %parallel_loop3A_1773] {strides = array<i32>} : memref<128x128xf32, #tpu.memory_space<vmem>>, vector<16xf32>,
        tpu.vector_store %arg9[%parallel_loop3A_1772, %parallel_loop3A_1773], %parallel_loop3A_1771 {strides = array<i32>} : memref<128x128xf32, #tpu.memory_space<vmem>>, vector<16xf32>,
        %parallel_loop3A_1775 = arith.index_cast %parallel_loop3A_1758 : i32 to index
        %parallel_loop3A_1776 = arith.constant 32 : index
        %parallel_loop3A_1777 = tpu.vector_load %arg9[%parallel_loop3A_1775, %parallel_loop3A_1776] {strides = array<i32>} : memref<128x128xf32, #tpu.memory_space<vmem>>, vector<16xf32>,
        %parallel_loop3A_1778 = arith.mulf %parallel_loop3A_1777, %parallel_loop3A_1760 : vector<16xf32>
        %parallel_loop3A_1779 = arith.index_cast %parallel_loop3A_1758 : i32 to index
        %parallel_loop3A_1780 = arith.constant 32 : index
        %parallel_loop3A_1781 = tpu.vector_load %arg9[%parallel_loop3A_1779, %parallel_loop3A_1780] {strides = array<i32>} : memref<128x128xf32, #tpu.memory_space<vmem>>, vector<16xf32>,
        tpu.vector_store %arg9[%parallel_loop3A_1779, %parallel_loop3A_1780], %parallel_loop3A_1778 {strides = array<i32>} : memref<128x128xf32, #tpu.memory_space<vmem>>, vector<16xf32>,
        %parallel_loop3A_1782 = arith.index_cast %parallel_loop3A_1758 : i32 to index
        %parallel_loop3A_1783 = arith.constant 48 : index
        %parallel_loop3A_1784 = tpu.vector_load %arg9[%parallel_loop3A_1782, %parallel_loop3A_1783] {strides = array<i32>} : memref<128x128xf32, #tpu.memory_space<vmem>>, vector<16xf32>,
        %parallel_loop3A_1785 = arith.mulf %parallel_loop3A_1784, %parallel_loop3A_1760 : vector<16xf32>
        %parallel_loop3A_1786 = arith.index_cast %parallel_loop3A_1758 : i32 to index
        %parallel_loop3A_1787 = arith.constant 48 : index
        %parallel_loop3A_1788 = tpu.vector_load %arg9[%parallel_loop3A_1786, %parallel_loop3A_1787] {strides = array<i32>} : memref<128x128xf32, #tpu.memory_space<vmem>>, vector<16xf32>,
        tpu.vector_store %arg9[%parallel_loop3A_1786, %parallel_loop3A_1787], %parallel_loop3A_1785 {strides = array<i32>} : memref<128x128xf32, #tpu.memory_space<vmem>>, vector<16xf32>,
        %parallel_loop3A_1789 = arith.index_cast %parallel_loop3A_1758 : i32 to index
        %parallel_loop3A_1790 = arith.constant 64 : index
        %parallel_loop3A_1791 = tpu.vector_load %arg9[%parallel_loop3A_1789, %parallel_loop3A_1790] {strides = array<i32>} : memref<128x128xf32, #tpu.memory_space<vmem>>, vector<16xf32>,
        %parallel_loop3A_1792 = arith.mulf %parallel_loop3A_1791, %parallel_loop3A_1760 : vector<16xf32>
        %parallel_loop3A_1793 = arith.index_cast %parallel_loop3A_1758 : i32 to index
        %parallel_loop3A_1794 = arith.constant 64 : index
        %parallel_loop3A_1795 = tpu.vector_load %arg9[%parallel_loop3A_1793, %parallel_loop3A_1794] {strides = array<i32>} : memref<128x128xf32, #tpu.memory_space<vmem>>, vector<16xf32>,
        tpu.vector_store %arg9[%parallel_loop3A_1793, %parallel_loop3A_1794], %parallel_loop3A_1792 {strides = array<i32>} : memref<128x128xf32, #tpu.memory_space<vmem>>, vector<16xf32>,
        %parallel_loop3A_1796 = arith.index_cast %parallel_loop3A_1758 : i32 to index
        %parallel_loop3A_1797 = arith.constant 80 : index
        %parallel_loop3A_1798 = tpu.vector_load %arg9[%parallel_loop3A_1796, %parallel_loop3A_1797] {strides = array<i32>} : memref<128x128xf32, #tpu.memory_space<vmem>>, vector<16xf32>,
        %parallel_loop3A_1799 = arith.mulf %parallel_loop3A_1798, %parallel_loop3A_1760 : vector<16xf32>
        %parallel_loop3A_1800 = arith.index_cast %parallel_loop3A_1758 : i32 to index
        %parallel_loop3A_1801 = arith.constant 80 : index
        %parallel_loop3A_1802 = tpu.vector_load %arg9[%parallel_loop3A_1800, %parallel_loop3A_1801] {strides = array<i32>} : memref<128x128xf32, #tpu.memory_space<vmem>>, vector<16xf32>,
        tpu.vector_store %arg9[%parallel_loop3A_1800, %parallel_loop3A_1801], %parallel_loop3A_1799 {strides = array<i32>} : memref<128x128xf32, #tpu.memory_space<vmem>>, vector<16xf32>,
        %parallel_loop3A_1803 = arith.index_cast %parallel_loop3A_1758 : i32 to index
        %parallel_loop3A_1804 = arith.constant 96 : index
        %parallel_loop3A_1805 = tpu.vector_load %arg9[%parallel_loop3A_1803, %parallel_loop3A_1804] {strides = array<i32>} : memref<128x128xf32, #tpu.memory_space<vmem>>, vector<16xf32>,
        %parallel_loop3A_1806 = arith.mulf %parallel_loop3A_1805, %parallel_loop3A_1760 : vector<16xf32>
        %parallel_loop3A_1807 = arith.index_cast %parallel_loop3A_1758 : i32 to index
        %parallel_loop3A_1808 = arith.constant 96 : index
        %parallel_loop3A_1809 = tpu.vector_load %arg9[%parallel_loop3A_1807, %parallel_loop3A_1808] {strides = array<i32>} : memref<128x128xf32, #tpu.memory_space<vmem>>, vector<16xf32>,
        tpu.vector_store %arg9[%parallel_loop3A_1807, %parallel_loop3A_1808], %parallel_loop3A_1806 {strides = array<i32>} : memref<128x128xf32, #tpu.memory_space<vmem>>, vector<16xf32>,
        %parallel_loop3A_1810 = arith.index_cast %parallel_loop3A_1758 : i32 to index
        %parallel_loop3A_1811 = arith.constant 112 : index
        %parallel_loop3A_1812 = tpu.vector_load %arg9[%parallel_loop3A_1810, %parallel_loop3A_1811] {strides = array<i32>} : memref<128x128xf32, #tpu.memory_space<vmem>>, vector<16xf32>,
        %parallel_loop3A_1813 = arith.mulf %parallel_loop3A_1812, %parallel_loop3A_1760 : vector<16xf32>
        %parallel_loop3A_1814 = arith.index_cast %parallel_loop3A_1758 : i32 to index
        %parallel_loop3A_1815 = arith.constant 112 : index
        %parallel_loop3A_1816 = tpu.vector_load %arg9[%parallel_loop3A_1814, %parallel_loop3A_1815] {strides = array<i32>} : memref<128x128xf32, #tpu.memory_space<vmem>>, vector<16xf32>,
        tpu.vector_store %arg9[%parallel_loop3A_1814, %parallel_loop3A_1815], %parallel_loop3A_1813 {strides = array<i32>} : memref<128x128xf32, #tpu.memory_space<vmem>>, vector<16xf32>,
      } {sc.loop_unroll_factor = 4 : i64, sc.parallel_access}
      %dma_start3A_1745 = arith.constant 0 : i32
      %dma_start3A_1746 = arith.constant 0 : i32
      %dma_start3A_1747 = tpu.memref_slice %arg8[%dma_start3A_1745, %dma_start3A_1746] : memref<10112x128xf32, #tpu.memory_space<vmem_shared>> -> memref<10112x128xf32, #tpu.memory_space<vmem_shared>>
      tpu.enqueue_indirect_dma source(%arg9 : memref<128x128xf32, #tpu.memory_space<vmem>>) target(%dma_start3A_1747 : memref<10112x128xf32, #tpu.memory_space<vmem_shared>>) offsets(%arg16 : memref<128xi32, #tpu.memory_space<vmem>>) semaphore(%arg22 : memref<!tpu.dma_semaphore, #tpu.memory_space<semaphore_mem>>) {add = true}
      %dma_wait3A_1748 = arith.constant 0 : i32
      %dma_wait3A_1749 = arith.constant 0 : i32
      %dma_wait3A_1750 = tpu.memref_slice %arg6[%dma_wait3A_1748, %dma_wait3A_1749] : memref<10000x128xf32, #tpu.memory_space<hbm>> -> memref<10000x128xf32, #tpu.memory_space<hbm>>
      tpu.wait_indirect_dma semaphore(%arg21 : memref<!tpu.dma_semaphore, #tpu.memory_space<semaphore_mem>>) src(%dma_wait3A_1750 : memref<10000x128xf32, #tpu.memory_space<hbm>>) dst(%arg10 : memref<128x128xf32, #tpu.memory_space<vmem>>)
      %parallel_loop3A_1751 = arith.constant 0 : i32
      %parallel_loop3A_1752 = arith.constant 128 : i32
      %parallel_loop3A_1753 = arith.constant 1 : i32
      scf.for %parallel_loop3A_1758 = %parallel_loop3A_1751 to %parallel_loop3A_1752 step %parallel_loop3A_1753  : i32 {
        %parallel_loop3A_1759 = vector.broadcast %parallel_loop3A_1758 : i32 to vector<16xi32>
        %parallel_loop3A_1760 = tpu.vector_load_idx %arg15[%parallel_loop3A_1759] : memref<128xf32, #tpu.memory_space<vmem>>[vector<16xi32>], vector<16xf32>,
        %parallel_loop3A_1761 = arith.index_cast %parallel_loop3A_1758 : i32 to index
        %parallel_loop3A_1762 = arith.constant 0 : index
        %parallel_loop3A_1763 = tpu.vector_load %arg10[%parallel_loop3A_1761, %parallel_loop3A_1762] {strides = array<i32>} : memref<128x128xf32, #tpu.memory_space<vmem>>, vector<16xf32>,
        %parallel_loop3A_1764 = arith.mulf %parallel_loop3A_1763, %parallel_loop3A_1760 : vector<16xf32>
        %parallel_loop3A_1765 = arith.index_cast %parallel_loop3A_1758 : i32 to index
        %parallel_loop3A_1766 = arith.constant 0 : index
        %parallel_loop3A_1767 = tpu.vector_load %arg10[%parallel_loop3A_1765, %parallel_loop3A_1766] {strides = array<i32>} : memref<128x128xf32, #tpu.memory_space<vmem>>, vector<16xf32>,
        tpu.vector_store %arg10[%parallel_loop3A_1765, %parallel_loop3A_1766], %parallel_loop3A_1764 {strides = array<i32>} : memref<128x128xf32, #tpu.memory_space<vmem>>, vector<16xf32>,
        %parallel_loop3A_1768 = arith.index_cast %parallel_loop3A_1758 : i32 to index
        %parallel_loop3A_1769 = arith.constant 16 : index
        %parallel_loop3A_1770 = tpu.vector_load %arg10[%parallel_loop3A_1768, %parallel_loop3A_1769] {strides = array<i32>} : memref<128x128xf32, #tpu.memory_space<vmem>>, vector<16xf32>,
        %parallel_loop3A_1771 = arith.mulf %parallel_loop3A_1770, %parallel_loop3A_1760 : vector<16xf32>
        %parallel_loop3A_1772 = arith.index_cast %parallel_loop3A_1758 : i32 to index
        %parallel_loop3A_1773 = arith.constant 16 : index
        %parallel_loop3A_1774 = tpu.vector_load %arg10[%parallel_loop3A_1772, %parallel_loop3A_1773] {strides = array<i32>} : memref<128x128xf32, #tpu.memory_space<vmem>>, vector<16xf32>,
        tpu.vector_store %arg10[%parallel_loop3A_1772, %parallel_loop3A_1773], %parallel_loop3A_1771 {strides = array<i32>} : memref<128x128xf32, #tpu.memory_space<vmem>>, vector<16xf32>,
        %parallel_loop3A_1775 = arith.index_cast %parallel_loop3A_1758 : i32 to index
        %parallel_loop3A_1776 = arith.constant 32 : index
        %parallel_loop3A_1777 = tpu.vector_load %arg10[%parallel_loop3A_1775, %parallel_loop3A_1776] {strides = array<i32>} : memref<128x128xf32, #tpu.memory_space<vmem>>, vector<16xf32>,
        %parallel_loop3A_1778 = arith.mulf %parallel_loop3A_1777, %parallel_loop3A_1760 : vector<16xf32>
        %parallel_loop3A_1779 = arith.index_cast %parallel_loop3A_1758 : i32 to index
        %parallel_loop3A_1780 = arith.constant 32 : index
        %parallel_loop3A_1781 = tpu.vector_load %arg10[%parallel_loop3A_1779, %parallel_loop3A_1780] {strides = array<i32>} : memref<128x128xf32, #tpu.memory_space<vmem>>, vector<16xf32>,
        tpu.vector_store %arg10[%parallel_loop3A_1779, %parallel_loop3A_1780], %parallel_loop3A_1778 {strides = array<i32>} : memref<128x128xf32, #tpu.memory_space<vmem>>, vector<16xf32>,
        %parallel_loop3A_1782 = arith.index_cast %parallel_loop3A_1758 : i32 to index
        %parallel_loop3A_1783 = arith.constant 48 : index
        %parallel_loop3A_1784 = tpu.vector_load %arg10[%parallel_loop3A_1782, %parallel_loop3A_1783] {strides = array<i32>} : memref<128x128xf32, #tpu.memory_space<vmem>>, vector<16xf32>,
        %parallel_loop3A_1785 = arith.mulf %parallel_loop3A_1784, %parallel_loop3A_1760 : vector<16xf32>
        %parallel_loop3A_1786 = arith.index_cast %parallel_loop3A_1758 : i32 to index
        %parallel_loop3A_1787 = arith.constant 48 : index
        %parallel_loop3A_1788 = tpu.vector_load %arg10[%parallel_loop3A_1786, %parallel_loop3A_1787] {strides = array<i32>} : memref<128x128xf32, #tpu.memory_space<vmem>>, vector<16xf32>,
        tpu.vector_store %arg10[%parallel_loop3A_1786, %parallel_loop3A_1787], %parallel_loop3A_1785 {strides = array<i32>} : memref<128x128xf32, #tpu.memory_space<vmem>>, vector<16xf32>,
        %parallel_loop3A_1789 = arith.index_cast %parallel_loop3A_1758 : i32 to index
        %parallel_loop3A_1790 = arith.constant 64 : index
        %parallel_loop3A_1791 = tpu.vector_load %arg10[%parallel_loop3A_1789, %parallel_loop3A_1790] {strides = array<i32>} : memref<128x128xf32, #tpu.memory_space<vmem>>, vector<16xf32>,
        %parallel_loop3A_1792 = arith.mulf %parallel_loop3A_1791, %parallel_loop3A_1760 : vector<16xf32>
        %parallel_loop3A_1793 = arith.index_cast %parallel_loop3A_1758 : i32 to index
        %parallel_loop3A_1794 = arith.constant 64 : index
        %parallel_loop3A_1795 = tpu.vector_load %arg10[%parallel_loop3A_1793, %parallel_loop3A_1794] {strides = array<i32>} : memref<128x128xf32, #tpu.memory_space<vmem>>, vector<16xf32>,
        tpu.vector_store %arg10[%parallel_loop3A_1793, %parallel_loop3A_1794], %parallel_loop3A_1792 {strides = array<i32>} : memref<128x128xf32, #tpu.memory_space<vmem>>, vector<16xf32>,
        %parallel_loop3A_1796 = arith.index_cast %parallel_loop3A_1758 : i32 to index
        %parallel_loop3A_1797 = arith.constant 80 : index
        %parallel_loop3A_1798 = tpu.vector_load %arg10[%parallel_loop3A_1796, %parallel_loop3A_1797] {strides = array<i32>} : memref<128x128xf32, #tpu.memory_space<vmem>>, vector<16xf32>,
        %parallel_loop3A_1799 = arith.mulf %parallel_loop3A_1798, %parallel_loop3A_1760 : vector<16xf32>
        %parallel_loop3A_1800 = arith.index_cast %parallel_loop3A_1758 : i32 to index
        %parallel_loop3A_1801 = arith.constant 80 : index
        %parallel_loop3A_1802 = tpu.vector_load %arg10[%parallel_loop3A_1800, %parallel_loop3A_1801] {strides = array<i32>} : memref<128x128xf32, #tpu.memory_space<vmem>>, vector<16xf32>,
        tpu.vector_store %arg10[%parallel_loop3A_1800, %parallel_loop3A_1801], %parallel_loop3A_1799 {strides = array<i32>} : memref<128x128xf32, #tpu.memory_space<vmem>>, vector<16xf32>,
        %parallel_loop3A_1803 = arith.index_cast %parallel_loop3A_1758 : i32 to index
        %parallel_loop3A_1804 = arith.constant 96 : index
        %parallel_loop3A_1805 = tpu.vector_load %arg10[%parallel_loop3A_1803, %parallel_loop3A_1804] {strides = array<i32>} : memref<128x128xf32, #tpu.memory_space<vmem>>, vector<16xf32>,
        %parallel_loop3A_1806 = arith.mulf %parallel_loop3A_1805, %parallel_loop3A_1760 : vector<16xf32>
        %parallel_loop3A_1807 = arith.index_cast %parallel_loop3A_1758 : i32 to index
        %parallel_loop3A_1808 = arith.constant 96 : index
        %parallel_loop3A_1809 = tpu.vector_load %arg10[%parallel_loop3A_1807, %parallel_loop3A_1808] {strides = array<i32>} : memref<128x128xf32, #tpu.memory_space<vmem>>, vector<16xf32>,
        tpu.vector_store %arg10[%parallel_loop3A_1807, %parallel_loop3A_1808], %parallel_loop3A_1806 {strides = array<i32>} : memref<128x128xf32, #tpu.memory_space<vmem>>, vector<16xf32>,
        %parallel_loop3A_1810 = arith.index_cast %parallel_loop3A_1758 : i32 to index
        %parallel_loop3A_1811 = arith.constant 112 : index
        %parallel_loop3A_1812 = tpu.vector_load %arg10[%parallel_loop3A_1810, %parallel_loop3A_1811] {strides = array<i32>} : memref<128x128xf32, #tpu.memory_space<vmem>>, vector<16xf32>,
        %parallel_loop3A_1813 = arith.mulf %parallel_loop3A_1812, %parallel_loop3A_1760 : vector<16xf32>
        %parallel_loop3A_1814 = arith.index_cast %parallel_loop3A_1758 : i32 to index
        %parallel_loop3A_1815 = arith.constant 112 : index
        %parallel_loop3A_1816 = tpu.vector_load %arg10[%parallel_loop3A_1814, %parallel_loop3A_1815] {strides = array<i32>} : memref<128x128xf32, #tpu.memory_space<vmem>>, vector<16xf32>,
        tpu.vector_store %arg10[%parallel_loop3A_1814, %parallel_loop3A_1815], %parallel_loop3A_1813 {strides = array<i32>} : memref<128x128xf32, #tpu.memory_space<vmem>>, vector<16xf32>,
      } {sc.loop_unroll_factor = 4 : i64, sc.parallel_access}
      %dma_start3A_1754 = arith.constant 0 : i32
      %dma_start3A_1755 = arith.constant 0 : i32
      %dma_start3A_1756 = tpu.memref_slice %arg8[%dma_start3A_1754, %dma_start3A_1755] : memref<10112x128xf32, #tpu.memory_space<vmem_shared>> -> memref<10112x128xf32, #tpu.memory_space<vmem_shared>>
      tpu.enqueue_indirect_dma source(%arg10 : memref<128x128xf32, #tpu.memory_space<vmem>>) target(%dma_start3A_1756 : memref<10112x128xf32, #tpu.memory_space<vmem_shared>>) offsets(%arg17 : memref<128xi32, #tpu.memory_space<vmem>>) semaphore(%arg23 : memref<!tpu.dma_semaphore, #tpu.memory_space<semaphore_mem>>) {add = true}
      %while3A_1757 = arith.constant 0 : i32
      scf.yield %while3A_1757 : i32
    }
    %while3A_44 = arith.constant 1 : i32
    %while3A_45 = scf.for %while3A_48 = %while3A_41 to %while3A_37 step %while3A_44 iter_args(%while3A_49 = %while3A_43) -> (i32)  : i32 {
      %gt3A_50 = arith.constant 0 : i32
      %gt3A_51 = arith.cmpi sgt, %while3A_48, %gt3A_50 : i32
      %convert_element_type3A_52 = arith.extui %gt3A_51 : i1 to i32
      %cond3A_53 = arith.constant 0 : i32
      %cond3A_54 = arith.cmpi ne, %convert_element_type3A_52, %cond3A_53 : i32
      scf.if %cond3A_54 {
        %dma_wait3A_1758 = arith.constant 0 : i32
        %dma_wait3A_1759 = arith.constant 0 : i32
        %dma_wait3A_1760 = tpu.memref_slice %arg8[%dma_wait3A_1758, %dma_wait3A_1759] : memref<10112x128xf32, #tpu.memory_space<vmem_shared>> -> memref<10112x128xf32, #tpu.memory_space<vmem_shared>>
        tpu.wait_indirect_dma semaphore(%arg22 : memref<!tpu.dma_semaphore, #tpu.memory_space<semaphore_mem>>) src(%arg9 : memref<128x128xf32, #tpu.memory_space<vmem>>) dst(%dma_wait3A_1760 : memref<10112x128xf32, #tpu.memory_space<vmem_shared>>)
        %dma_wait3A_1761 = arith.constant 0 : i32
        %dma_wait3A_1762 = arith.constant 0 : i32
        %dma_wait3A_1763 = tpu.memref_slice %arg8[%dma_wait3A_1761, %dma_wait3A_1762] : memref<10112x128xf32, #tpu.memory_space<vmem_shared>> -> memref<10112x128xf32, #tpu.memory_space<vmem_shared>>
        tpu.wait_indirect_dma semaphore(%arg23 : memref<!tpu.dma_semaphore, #tpu.memory_space<semaphore_mem>>) src(%arg10 : memref<128x128xf32, #tpu.memory_space<vmem>>) dst(%dma_wait3A_1763 : memref<10112x128xf32, #tpu.memory_space<vmem_shared>>)
      } else {
      }
      %mul3A_55 = arith.constant 256 : i32
      %mul3A_56 = arith.muli %while3A_48, %mul3A_55 : i32
      %add3A_57 = arith.addi %shift_left3A_13, %mul3A_56 : i32
      %multiple_of3A_58 = tpu.assume_multiple %add3A_57, 8 : i32
      %add3A_59 = arith.constant 128 : i32
      %add3A_60 = arith.addi %multiple_of3A_58, %add3A_59 : i32
      %multiple_of3A_61 = tpu.assume_multiple %add3A_60, 8 : i32
      %dma_start3A = tpu.memref_slice %arg4[%multiple_of3A_58] : memref<80264xi32, #tpu.memory_space<hbm>> -> memref<128xi32, #tpu.memory_space<hbm>>
      %dma_start3A_62 = tpu.memref_slice %arg4[%multiple_of3A_58] : memref<80264xi32, #tpu.memory_space<hbm>> -> memref<128xi32, #tpu.memory_space<hbm>>
      tpu.enqueue_dma source(%dma_start3A_62 : memref<128xi32, #tpu.memory_space<hbm>>) target(%arg12 : memref<128xi32, #tpu.memory_space<vmem>>) target_semaphore(%arg18 : memref<!tpu.dma_semaphore, #tpu.memory_space<semaphore_mem>>)
      %dma_start3A_63 = tpu.memref_slice %arg5[%multiple_of3A_58] : memref<80264xf32, #tpu.memory_space<hbm>> -> memref<128xf32, #tpu.memory_space<hbm>>
      %dma_start3A_64 = tpu.memref_slice %arg5[%multiple_of3A_58] : memref<80264xf32, #tpu.memory_space<hbm>> -> memref<128xf32, #tpu.memory_space<hbm>>
      tpu.enqueue_dma source(%dma_start3A_64 : memref<128xf32, #tpu.memory_space<hbm>>) target(%arg14 : memref<128xf32, #tpu.memory_space<vmem>>) target_semaphore(%arg18 : memref<!tpu.dma_semaphore, #tpu.memory_space<semaphore_mem>>)
      %dma_start3A_65 = tpu.memref_slice %arg4[%multiple_of3A_61] : memref<80264xi32, #tpu.memory_space<hbm>> -> memref<128xi32, #tpu.memory_space<hbm>>
      %dma_start3A_66 = tpu.memref_slice %arg4[%multiple_of3A_61] : memref<80264xi32, #tpu.memory_space<hbm>> -> memref<128xi32, #tpu.memory_space<hbm>>
      tpu.enqueue_dma source(%dma_start3A_66 : memref<128xi32, #tpu.memory_space<hbm>>) target(%arg13 : memref<128xi32, #tpu.memory_space<vmem>>) target_semaphore(%arg19 : memref<!tpu.dma_semaphore, #tpu.memory_space<semaphore_mem>>)
      %dma_start3A_67 = tpu.memref_slice %arg5[%multiple_of3A_61] : memref<80264xf32, #tpu.memory_space<hbm>> -> memref<128xf32, #tpu.memory_space<hbm>>
      %dma_start3A_68 = tpu.memref_slice %arg5[%multiple_of3A_61] : memref<80264xf32, #tpu.memory_space<hbm>> -> memref<128xf32, #tpu.memory_space<hbm>>
      tpu.enqueue_dma source(%dma_start3A_68 : memref<128xf32, #tpu.memory_space<hbm>>) target(%arg15 : memref<128xf32, #tpu.memory_space<vmem>>) target_semaphore(%arg19 : memref<!tpu.dma_semaphore, #tpu.memory_space<semaphore_mem>>)
      %dma_wait3A = tpu.memref_slice %arg4[%multiple_of3A_58] : memref<80264xi32, #tpu.memory_space<hbm>> -> memref<128xi32, #tpu.memory_space<hbm>>
      %dma_wait3A_69 = tpu.memref_slice %arg4[%multiple_of3A_58] : memref<80264xi32, #tpu.memory_space<hbm>> -> memref<128xi32, #tpu.memory_space<hbm>>
      tpu.wait_dma2 semaphore(%arg18 : memref<!tpu.dma_semaphore, #tpu.memory_space<semaphore_mem>>) src(%dma_wait3A_69 : memref<128xi32, #tpu.memory_space<hbm>>) dst(%arg12 : memref<128xi32, #tpu.memory_space<vmem>>)
      %dma_wait3A_70 = tpu.memref_slice %arg5[%multiple_of3A_58] : memref<80264xf32, #tpu.memory_space<hbm>> -> memref<128xf32, #tpu.memory_space<hbm>>
      %dma_wait3A_71 = tpu.memref_slice %arg5[%multiple_of3A_58] : memref<80264xf32, #tpu.memory_space<hbm>> -> memref<128xf32, #tpu.memory_space<hbm>>
      tpu.wait_dma2 semaphore(%arg18 : memref<!tpu.dma_semaphore, #tpu.memory_space<semaphore_mem>>) src(%dma_wait3A_71 : memref<128xf32, #tpu.memory_space<hbm>>) dst(%arg14 : memref<128xf32, #tpu.memory_space<vmem>>)
      %dma_start3A_72 = arith.constant 0 : i32
      %dma_start3A_73 = arith.constant 0 : i32
      %dma_start3A_74 = tpu.memref_slice %arg6[%dma_start3A_72, %dma_start3A_73] : memref<10000x128xf32, #tpu.memory_space<hbm>> -> memref<10000x128xf32, #tpu.memory_space<hbm>>
      tpu.enqueue_indirect_dma source(%dma_start3A_74 : memref<10000x128xf32, #tpu.memory_space<hbm>>) target(%arg9 : memref<128x128xf32, #tpu.memory_space<vmem>>) offsets(%arg12 : memref<128xi32, #tpu.memory_space<vmem>>) semaphore(%arg20 : memref<!tpu.dma_semaphore, #tpu.memory_space<semaphore_mem>>)
      %add3A_75 = arith.constant 0 : i32
      %add3A_76 = arith.addi %multiple_of3A_58, %add3A_75 : i32
      %broadcast_in_dim3A = vector.broadcast %add3A_76 : i32 to vector<16xi32>
      %add3A_77 = arith.addi %broadcast_in_dim3A, %iota3A : vector<16xi32>
      %ge3A = vector.broadcast %squeeze3A : i32 to vector<16xi32>
      %ge3A_78 = arith.cmpi sge, %add3A_77, %ge3A : vector<16xi32>
      %lt3A = vector.broadcast %squeeze3A_11 : i32 to vector<16xi32>
      %lt3A_79 = arith.cmpi slt, %add3A_77, %lt3A : vector<16xi32>
      %and3A_80 = arith.andi %ge3A_78, %lt3A_79 : vector<16xi1>
      %get3A_81 = arith.constant 0 : index
      %get3A_82 = tpu.vector_load %arg14[%get3A_81] {strides = array<i32>} : memref<128xf32, #tpu.memory_space<vmem>>, vector<16xf32>,
      %jit3A_83 = arith.constant 0.000000e+00 : f32
      %broadcast_in_dim3A_84 = vector.broadcast %jit3A_83 : f32 to vector<16xf32>
      %select_n3A_85 = arith.select %and3A_80, %get3A_82, %broadcast_in_dim3A_84 : vector<16xi1>, vector<16xf32>
      %swap3A = arith.constant 0 : index
      %swap3A_86 = tpu.vector_load %arg14[%swap3A] {strides = array<i32>} : memref<128xf32, #tpu.memory_space<vmem>>, vector<16xf32>,
      tpu.vector_store %arg14[%swap3A], %select_n3A_85 {strides = array<i32>} : memref<128xf32, #tpu.memory_space<vmem>>, vector<16xf32>,
      %broadcast_in_dim3A_87 = arith.constant 0 : i32
      %broadcast_in_dim3A_88 = vector.broadcast %broadcast_in_dim3A_87 : i32 to vector<16xi32>
      %broadcast_in_dim3A_89 = arith.constant 632 : i32
      %broadcast_in_dim3A_90 = vector.broadcast %broadcast_in_dim3A_89 : i32 to vector<16xi32>
      %add3A_91 = arith.addi %broadcast_in_dim3A_88, %broadcast_in_dim3A_90 : vector<16xi32>
      %shift_right_arithmetic3A_92 = arith.constant 1 : i32
      %shift_right_arithmetic3A_93 = vector.broadcast %shift_right_arithmetic3A_92 : i32 to vector<16xi32>
      %shift_right_arithmetic3A_94 = arith.shrsi %add3A_91, %shift_right_arithmetic3A_93 : vector<16xi32>
      %gather3A = tpu.vector_load_idx %arg11[%shift_right_arithmetic3A_94] : memref<640xi32, #tpu.memory_space<vmem>>[vector<16xi32>], vector<16xi32>,
      %le3A = arith.cmpi sle, %gather3A, %add3A_77 : vector<16xi32>
      %select_n3A_95 = arith.select %le3A, %shift_right_arithmetic3A_94, %broadcast_in_dim3A_88 : vector<16xi1>, vector<16xi32>
      %select_n3A_96 = arith.select %le3A, %broadcast_in_dim3A_90, %shift_right_arithmetic3A_94 : vector<16xi1>, vector<16xi32>
      %add3A_97 = arith.addi %select_n3A_95, %select_n3A_96 : vector<16xi32>
      %shift_right_arithmetic3A_98 = arith.constant 1 : i32
      %shift_right_arithmetic3A_99 = vector.broadcast %shift_right_arithmetic3A_98 : i32 to vector<16xi32>
      %shift_right_arithmetic3A_100 = arith.shrsi %add3A_97, %shift_right_arithmetic3A_99 : vector<16xi32>
      %gather3A_101 = tpu.vector_load_idx %arg11[%shift_right_arithmetic3A_100] : memref<640xi32, #tpu.memory_space<vmem>>[vector<16xi32>], vector<16xi32>,
      %le3A_102 = arith.cmpi sle, %gather3A_101, %add3A_77 : vector<16xi32>
      %select_n3A_103 = arith.select %le3A_102, %shift_right_arithmetic3A_100, %select_n3A_95 : vector<16xi1>, vector<16xi32>
      %select_n3A_104 = arith.select %le3A_102, %select_n3A_96, %shift_right_arithmetic3A_100 : vector<16xi1>, vector<16xi32>
      %add3A_105 = arith.addi %select_n3A_103, %select_n3A_104 : vector<16xi32>
      %shift_right_arithmetic3A_106 = arith.constant 1 : i32
      %shift_right_arithmetic3A_107 = vector.broadcast %shift_right_arithmetic3A_106 : i32 to vector<16xi32>
      %shift_right_arithmetic3A_108 = arith.shrsi %add3A_105, %shift_right_arithmetic3A_107 : vector<16xi32>
      %gather3A_109 = tpu.vector_load_idx %arg11[%shift_right_arithmetic3A_108] : memref<640xi32, #tpu.memory_space<vmem>>[vector<16xi32>], vector<16xi32>,
      %le3A_110 = arith.cmpi sle, %gather3A_109, %add3A_77 : vector<16xi32>
      %select_n3A_111 = arith.select %le3A_110, %shift_right_arithmetic3A_108, %select_n3A_103 : vector<16xi1>, vector<16xi32>
      %select_n3A_112 = arith.select %le3A_110, %select_n3A_104, %shift_right_arithmetic3A_108 : vector<16xi1>, vector<16xi32>
      %add3A_113 = arith.addi %select_n3A_111, %select_n3A_112 : vector<16xi32>
      %shift_right_arithmetic3A_114 = arith.constant 1 : i32
      %shift_right_arithmetic3A_115 = vector.broadcast %shift_right_arithmetic3A_114 : i32 to vector<16xi32>
      %shift_right_arithmetic3A_116 = arith.shrsi %add3A_113, %shift_right_arithmetic3A_115 : vector<16xi32>
      %gather3A_117 = tpu.vector_load_idx %arg11[%shift_right_arithmetic3A_116] : memref<640xi32, #tpu.memory_space<vmem>>[vector<16xi32>], vector<16xi32>,
      %le3A_118 = arith.cmpi sle, %gather3A_117, %add3A_77 : vector<16xi32>
      %select_n3A_119 = arith.select %le3A_118, %shift_right_arithmetic3A_116, %select_n3A_111 : vector<16xi1>, vector<16xi32>
      %select_n3A_120 = arith.select %le3A_118, %select_n3A_112, %shift_right_arithmetic3A_116 : vector<16xi1>, vector<16xi32>
      %add3A_121 = arith.addi %select_n3A_119, %select_n3A_120 : vector<16xi32>
      %shift_right_arithmetic3A_122 = arith.constant 1 : i32
      %shift_right_arithmetic3A_123 = vector.broadcast %shift_right_arithmetic3A_122 : i32 to vector<16xi32>
      %shift_right_arithmetic3A_124 = arith.shrsi %add3A_121, %shift_right_arithmetic3A_123 : vector<16xi32>
      %gather3A_125 = tpu.vector_load_idx %arg11[%shift_right_arithmetic3A_124] : memref<640xi32, #tpu.memory_space<vmem>>[vector<16xi32>], vector<16xi32>,
      %le3A_126 = arith.cmpi sle, %gather3A_125, %add3A_77 : vector<16xi32>
      %select_n3A_127 = arith.select %le3A_126, %shift_right_arithmetic3A_124, %select_n3A_119 : vector<16xi1>, vector<16xi32>
      %select_n3A_128 = arith.select %le3A_126, %select_n3A_120, %shift_right_arithmetic3A_124 : vector<16xi1>, vector<16xi32>
      %add3A_129 = arith.addi %select_n3A_127, %select_n3A_128 : vector<16xi32>
      %shift_right_arithmetic3A_130 = arith.constant 1 : i32
      %shift_right_arithmetic3A_131 = vector.broadcast %shift_right_arithmetic3A_130 : i32 to vector<16xi32>
      %shift_right_arithmetic3A_132 = arith.shrsi %add3A_129, %shift_right_arithmetic3A_131 : vector<16xi32>
      %gather3A_133 = tpu.vector_load_idx %arg11[%shift_right_arithmetic3A_132] : memref<640xi32, #tpu.memory_space<vmem>>[vector<16xi32>], vector<16xi32>,
      %le3A_134 = arith.cmpi sle, %gather3A_133, %add3A_77 : vector<16xi32>
      %select_n3A_135 = arith.select %le3A_134, %shift_right_arithmetic3A_132, %select_n3A_127 : vector<16xi1>, vector<16xi32>
      %select_n3A_136 = arith.select %le3A_134, %select_n3A_128, %shift_right_arithmetic3A_132 : vector<16xi1>, vector<16xi32>
      %add3A_137 = arith.addi %select_n3A_135, %select_n3A_136 : vector<16xi32>
      %shift_right_arithmetic3A_138 = arith.constant 1 : i32
      %shift_right_arithmetic3A_139 = vector.broadcast %shift_right_arithmetic3A_138 : i32 to vector<16xi32>
      %shift_right_arithmetic3A_140 = arith.shrsi %add3A_137, %shift_right_arithmetic3A_139 : vector<16xi32>
      %gather3A_141 = tpu.vector_load_idx %arg11[%shift_right_arithmetic3A_140] : memref<640xi32, #tpu.memory_space<vmem>>[vector<16xi32>], vector<16xi32>,
      %le3A_142 = arith.cmpi sle, %gather3A_141, %add3A_77 : vector<16xi32>
      %select_n3A_143 = arith.select %le3A_142, %shift_right_arithmetic3A_140, %select_n3A_135 : vector<16xi1>, vector<16xi32>
      %select_n3A_144 = arith.select %le3A_142, %select_n3A_136, %shift_right_arithmetic3A_140 : vector<16xi1>, vector<16xi32>
      %add3A_145 = arith.addi %select_n3A_143, %select_n3A_144 : vector<16xi32>
      %shift_right_arithmetic3A_146 = arith.constant 1 : i32
      %shift_right_arithmetic3A_147 = vector.broadcast %shift_right_arithmetic3A_146 : i32 to vector<16xi32>
      %shift_right_arithmetic3A_148 = arith.shrsi %add3A_145, %shift_right_arithmetic3A_147 : vector<16xi32>
      %gather3A_149 = tpu.vector_load_idx %arg11[%shift_right_arithmetic3A_148] : memref<640xi32, #tpu.memory_space<vmem>>[vector<16xi32>], vector<16xi32>,
      %le3A_150 = arith.cmpi sle, %gather3A_149, %add3A_77 : vector<16xi32>
      %select_n3A_151 = arith.select %le3A_150, %shift_right_arithmetic3A_148, %select_n3A_143 : vector<16xi1>, vector<16xi32>
      %select_n3A_152 = arith.select %le3A_150, %select_n3A_144, %shift_right_arithmetic3A_148 : vector<16xi1>, vector<16xi32>
      %add3A_153 = arith.addi %select_n3A_151, %select_n3A_152 : vector<16xi32>
      %shift_right_arithmetic3A_154 = arith.constant 1 : i32
      %shift_right_arithmetic3A_155 = vector.broadcast %shift_right_arithmetic3A_154 : i32 to vector<16xi32>
      %shift_right_arithmetic3A_156 = arith.shrsi %add3A_153, %shift_right_arithmetic3A_155 : vector<16xi32>
      %gather3A_157 = tpu.vector_load_idx %arg11[%shift_right_arithmetic3A_156] : memref<640xi32, #tpu.memory_space<vmem>>[vector<16xi32>], vector<16xi32>,
      %le3A_158 = arith.cmpi sle, %gather3A_157, %add3A_77 : vector<16xi32>
      %select_n3A_159 = arith.select %le3A_158, %shift_right_arithmetic3A_156, %select_n3A_151 : vector<16xi1>, vector<16xi32>
      %select_n3A_160 = arith.select %le3A_158, %select_n3A_152, %shift_right_arithmetic3A_156 : vector<16xi1>, vector<16xi32>
      %add3A_161 = arith.addi %select_n3A_159, %select_n3A_160 : vector<16xi32>
      %shift_right_arithmetic3A_162 = arith.constant 1 : i32
      %shift_right_arithmetic3A_163 = vector.broadcast %shift_right_arithmetic3A_162 : i32 to vector<16xi32>
      %shift_right_arithmetic3A_164 = arith.shrsi %add3A_161, %shift_right_arithmetic3A_163 : vector<16xi32>
      %gather3A_165 = tpu.vector_load_idx %arg11[%shift_right_arithmetic3A_164] : memref<640xi32, #tpu.memory_space<vmem>>[vector<16xi32>], vector<16xi32>,
      %le3A_166 = arith.cmpi sle, %gather3A_165, %add3A_77 : vector<16xi32>
      %select_n3A_167 = arith.select %le3A_166, %shift_right_arithmetic3A_164, %select_n3A_159 : vector<16xi1>, vector<16xi32>
      %select_n3A_168 = arith.select %le3A_166, %select_n3A_160, %shift_right_arithmetic3A_164 : vector<16xi1>, vector<16xi32>
      %add3A_169 = vector.broadcast %mul3A_4 : i32 to vector<16xi32>
      %add3A_170 = arith.addi %select_n3A_167, %add3A_169 : vector<16xi32>
      %swap3A_171 = arith.constant 0 : index
      %swap3A_172 = tpu.vector_load %arg16[%swap3A_171] {strides = array<i32>} : memref<128xi32, #tpu.memory_space<vmem>>, vector<16xi32>,
      tpu.vector_store %arg16[%swap3A_171], %add3A_170 {strides = array<i32>} : memref<128xi32, #tpu.memory_space<vmem>>, vector<16xi32>,
      %add3A_173 = arith.constant 16 : i32
      %add3A_174 = arith.addi %multiple_of3A_58, %add3A_173 : i32
      %broadcast_in_dim3A_175 = vector.broadcast %add3A_174 : i32 to vector<16xi32>
      %add3A_176 = arith.addi %broadcast_in_dim3A_175, %iota3A : vector<16xi32>
      %ge3A_177 = vector.broadcast %squeeze3A : i32 to vector<16xi32>
      %ge3A_178 = arith.cmpi sge, %add3A_176, %ge3A_177 : vector<16xi32>
      %lt3A_179 = vector.broadcast %squeeze3A_11 : i32 to vector<16xi32>
      %lt3A_180 = arith.cmpi slt, %add3A_176, %lt3A_179 : vector<16xi32>
      %and3A_181 = arith.andi %ge3A_178, %lt3A_180 : vector<16xi1>
      %get3A_182 = arith.constant 16 : index
      %get3A_183 = tpu.vector_load %arg14[%get3A_182] {strides = array<i32>} : memref<128xf32, #tpu.memory_space<vmem>>, vector<16xf32>,
      %jit3A_184 = arith.constant 0.000000e+00 : f32
      %broadcast_in_dim3A_185 = vector.broadcast %jit3A_184 : f32 to vector<16xf32>
      %select_n3A_186 = arith.select %and3A_181, %get3A_183, %broadcast_in_dim3A_185 : vector<16xi1>, vector<16xf32>
      %swap3A_187 = arith.constant 16 : index
      %swap3A_188 = tpu.vector_load %arg14[%swap3A_187] {strides = array<i32>} : memref<128xf32, #tpu.memory_space<vmem>>, vector<16xf32>,
      tpu.vector_store %arg14[%swap3A_187], %select_n3A_186 {strides = array<i32>} : memref<128xf32, #tpu.memory_space<vmem>>, vector<16xf32>,
      %broadcast_in_dim3A_189 = arith.constant 0 : i32
      %broadcast_in_dim3A_190 = vector.broadcast %broadcast_in_dim3A_189 : i32 to vector<16xi32>
      %broadcast_in_dim3A_191 = arith.constant 632 : i32
      %broadcast_in_dim3A_192 = vector.broadcast %broadcast_in_dim3A_191 : i32 to vector<16xi32>
      %add3A_193 = arith.addi %broadcast_in_dim3A_190, %broadcast_in_dim3A_192 : vector<16xi32>
      %shift_right_arithmetic3A_194 = arith.constant 1 : i32
      %shift_right_arithmetic3A_195 = vector.broadcast %shift_right_arithmetic3A_194 : i32 to vector<16xi32>
      %shift_right_arithmetic3A_196 = arith.shrsi %add3A_193, %shift_right_arithmetic3A_195 : vector<16xi32>
      %gather3A_197 = tpu.vector_load_idx %arg11[%shift_right_arithmetic3A_196] : memref<640xi32, #tpu.memory_space<vmem>>[vector<16xi32>], vector<16xi32>,
      %le3A_198 = arith.cmpi sle, %gather3A_197, %add3A_176 : vector<16xi32>
      %select_n3A_199 = arith.select %le3A_198, %shift_right_arithmetic3A_196, %broadcast_in_dim3A_190 : vector<16xi1>, vector<16xi32>
      %select_n3A_200 = arith.select %le3A_198, %broadcast_in_dim3A_192, %shift_right_arithmetic3A_196 : vector<16xi1>, vector<16xi32>
      %add3A_201 = arith.addi %select_n3A_199, %select_n3A_200 : vector<16xi32>
      %shift_right_arithmetic3A_202 = arith.constant 1 : i32
      %shift_right_arithmetic3A_203 = vector.broadcast %shift_right_arithmetic3A_202 : i32 to vector<16xi32>
      %shift_right_arithmetic3A_204 = arith.shrsi %add3A_201, %shift_right_arithmetic3A_203 : vector<16xi32>
      %gather3A_205 = tpu.vector_load_idx %arg11[%shift_right_arithmetic3A_204] : memref<640xi32, #tpu.memory_space<vmem>>[vector<16xi32>], vector<16xi32>,
      %le3A_206 = arith.cmpi sle, %gather3A_205, %add3A_176 : vector<16xi32>
      %select_n3A_207 = arith.select %le3A_206, %shift_right_arithmetic3A_204, %select_n3A_199 : vector<16xi1>, vector<16xi32>
      %select_n3A_208 = arith.select %le3A_206, %select_n3A_200, %shift_right_arithmetic3A_204 : vector<16xi1>, vector<16xi32>
      %add3A_209 = arith.addi %select_n3A_207, %select_n3A_208 : vector<16xi32>
      %shift_right_arithmetic3A_210 = arith.constant 1 : i32
      %shift_right_arithmetic3A_211 = vector.broadcast %shift_right_arithmetic3A_210 : i32 to vector<16xi32>
      %shift_right_arithmetic3A_212 = arith.shrsi %add3A_209, %shift_right_arithmetic3A_211 : vector<16xi32>
      %gather3A_213 = tpu.vector_load_idx %arg11[%shift_right_arithmetic3A_212] : memref<640xi32, #tpu.memory_space<vmem>>[vector<16xi32>], vector<16xi32>,
      %le3A_214 = arith.cmpi sle, %gather3A_213, %add3A_176 : vector<16xi32>
      %select_n3A_215 = arith.select %le3A_214, %shift_right_arithmetic3A_212, %select_n3A_207 : vector<16xi1>, vector<16xi32>
      %select_n3A_216 = arith.select %le3A_214, %select_n3A_208, %shift_right_arithmetic3A_212 : vector<16xi1>, vector<16xi32>
      %add3A_217 = arith.addi %select_n3A_215, %select_n3A_216 : vector<16xi32>
      %shift_right_arithmetic3A_218 = arith.constant 1 : i32
      %shift_right_arithmetic3A_219 = vector.broadcast %shift_right_arithmetic3A_218 : i32 to vector<16xi32>
      %shift_right_arithmetic3A_220 = arith.shrsi %add3A_217, %shift_right_arithmetic3A_219 : vector<16xi32>
      %gather3A_221 = tpu.vector_load_idx %arg11[%shift_right_arithmetic3A_220] : memref<640xi32, #tpu.memory_space<vmem>>[vector<16xi32>], vector<16xi32>,
      %le3A_222 = arith.cmpi sle, %gather3A_221, %add3A_176 : vector<16xi32>
      %select_n3A_223 = arith.select %le3A_222, %shift_right_arithmetic3A_220, %select_n3A_215 : vector<16xi1>, vector<16xi32>
      %select_n3A_224 = arith.select %le3A_222, %select_n3A_216, %shift_right_arithmetic3A_220 : vector<16xi1>, vector<16xi32>
      %add3A_225 = arith.addi %select_n3A_223, %select_n3A_224 : vector<16xi32>
      %shift_right_arithmetic3A_226 = arith.constant 1 : i32
      %shift_right_arithmetic3A_227 = vector.broadcast %shift_right_arithmetic3A_226 : i32 to vector<16xi32>
      %shift_right_arithmetic3A_228 = arith.shrsi %add3A_225, %shift_right_arithmetic3A_227 : vector<16xi32>
      %gather3A_229 = tpu.vector_load_idx %arg11[%shift_right_arithmetic3A_228] : memref<640xi32, #tpu.memory_space<vmem>>[vector<16xi32>], vector<16xi32>,
      %le3A_230 = arith.cmpi sle, %gather3A_229, %add3A_176 : vector<16xi32>
      %select_n3A_231 = arith.select %le3A_230, %shift_right_arithmetic3A_228, %select_n3A_223 : vector<16xi1>, vector<16xi32>
      %select_n3A_232 = arith.select %le3A_230, %select_n3A_224, %shift_right_arithmetic3A_228 : vector<16xi1>, vector<16xi32>
      %add3A_233 = arith.addi %select_n3A_231, %select_n3A_232 : vector<16xi32>
      %shift_right_arithmetic3A_234 = arith.constant 1 : i32
      %shift_right_arithmetic3A_235 = vector.broadcast %shift_right_arithmetic3A_234 : i32 to vector<16xi32>
      %shift_right_arithmetic3A_236 = arith.shrsi %add3A_233, %shift_right_arithmetic3A_235 : vector<16xi32>
      %gather3A_237 = tpu.vector_load_idx %arg11[%shift_right_arithmetic3A_236] : memref<640xi32, #tpu.memory_space<vmem>>[vector<16xi32>], vector<16xi32>,
      %le3A_238 = arith.cmpi sle, %gather3A_237, %add3A_176 : vector<16xi32>
      %select_n3A_239 = arith.select %le3A_238, %shift_right_arithmetic3A_236, %select_n3A_231 : vector<16xi1>, vector<16xi32>
      %select_n3A_240 = arith.select %le3A_238, %select_n3A_232, %shift_right_arithmetic3A_236 : vector<16xi1>, vector<16xi32>
      %add3A_241 = arith.addi %select_n3A_239, %select_n3A_240 : vector<16xi32>
      %shift_right_arithmetic3A_242 = arith.constant 1 : i32
      %shift_right_arithmetic3A_243 = vector.broadcast %shift_right_arithmetic3A_242 : i32 to vector<16xi32>
      %shift_right_arithmetic3A_244 = arith.shrsi %add3A_241, %shift_right_arithmetic3A_243 : vector<16xi32>
      %gather3A_245 = tpu.vector_load_idx %arg11[%shift_right_arithmetic3A_244] : memref<640xi32, #tpu.memory_space<vmem>>[vector<16xi32>], vector<16xi32>,
      %le3A_246 = arith.cmpi sle, %gather3A_245, %add3A_176 : vector<16xi32>
      %select_n3A_247 = arith.select %le3A_246, %shift_right_arithmetic3A_244, %select_n3A_239 : vector<16xi1>, vector<16xi32>
      %select_n3A_248 = arith.select %le3A_246, %select_n3A_240, %shift_right_arithmetic3A_244 : vector<16xi1>, vector<16xi32>
      %add3A_249 = arith.addi %select_n3A_247, %select_n3A_248 : vector<16xi32>
      %shift_right_arithmetic3A_250 = arith.constant 1 : i32
      %shift_right_arithmetic3A_251 = vector.broadcast %shift_right_arithmetic3A_250 : i32 to vector<16xi32>
      %shift_right_arithmetic3A_252 = arith.shrsi %add3A_249, %shift_right_arithmetic3A_251 : vector<16xi32>
      %gather3A_253 = tpu.vector_load_idx %arg11[%shift_right_arithmetic3A_252] : memref<640xi32, #tpu.memory_space<vmem>>[vector<16xi32>], vector<16xi32>,
      %le3A_254 = arith.cmpi sle, %gather3A_253, %add3A_176 : vector<16xi32>
      %select_n3A_255 = arith.select %le3A_254, %shift_right_arithmetic3A_252, %select_n3A_247 : vector<16xi1>, vector<16xi32>
      %select_n3A_256 = arith.select %le3A_254, %select_n3A_248, %shift_right_arithmetic3A_252 : vector<16xi1>, vector<16xi32>
      %add3A_257 = arith.addi %select_n3A_255, %select_n3A_256 : vector<16xi32>
      %shift_right_arithmetic3A_258 = arith.constant 1 : i32
      %shift_right_arithmetic3A_259 = vector.broadcast %shift_right_arithmetic3A_258 : i32 to vector<16xi32>
      %shift_right_arithmetic3A_260 = arith.shrsi %add3A_257, %shift_right_arithmetic3A_259 : vector<16xi32>
      %gather3A_261 = tpu.vector_load_idx %arg11[%shift_right_arithmetic3A_260] : memref<640xi32, #tpu.memory_space<vmem>>[vector<16xi32>], vector<16xi32>,
      %le3A_262 = arith.cmpi sle, %gather3A_261, %add3A_176 : vector<16xi32>
      %select_n3A_263 = arith.select %le3A_262, %shift_right_arithmetic3A_260, %select_n3A_255 : vector<16xi1>, vector<16xi32>
      %select_n3A_264 = arith.select %le3A_262, %select_n3A_256, %shift_right_arithmetic3A_260 : vector<16xi1>, vector<16xi32>
      %add3A_265 = arith.addi %select_n3A_263, %select_n3A_264 : vector<16xi32>
      %shift_right_arithmetic3A_266 = arith.constant 1 : i32
      %shift_right_arithmetic3A_267 = vector.broadcast %shift_right_arithmetic3A_266 : i32 to vector<16xi32>
      %shift_right_arithmetic3A_268 = arith.shrsi %add3A_265, %shift_right_arithmetic3A_267 : vector<16xi32>
      %gather3A_269 = tpu.vector_load_idx %arg11[%shift_right_arithmetic3A_268] : memref<640xi32, #tpu.memory_space<vmem>>[vector<16xi32>], vector<16xi32>,
      %le3A_270 = arith.cmpi sle, %gather3A_269, %add3A_176 : vector<16xi32>
      %select_n3A_271 = arith.select %le3A_270, %shift_right_arithmetic3A_268, %select_n3A_263 : vector<16xi1>, vector<16xi32>
      %select_n3A_272 = arith.select %le3A_270, %select_n3A_264, %shift_right_arithmetic3A_268 : vector<16xi1>, vector<16xi32>
      %add3A_273 = vector.broadcast %mul3A_4 : i32 to vector<16xi32>
      %add3A_274 = arith.addi %select_n3A_271, %add3A_273 : vector<16xi32>
      %swap3A_275 = arith.constant 16 : index
      %swap3A_276 = tpu.vector_load %arg16[%swap3A_275] {strides = array<i32>} : memref<128xi32, #tpu.memory_space<vmem>>, vector<16xi32>,
      tpu.vector_store %arg16[%swap3A_275], %add3A_274 {strides = array<i32>} : memref<128xi32, #tpu.memory_space<vmem>>, vector<16xi32>,
      %add3A_277 = arith.constant 32 : i32
      %add3A_278 = arith.addi %multiple_of3A_58, %add3A_277 : i32
      %broadcast_in_dim3A_279 = vector.broadcast %add3A_278 : i32 to vector<16xi32>
      %add3A_280 = arith.addi %broadcast_in_dim3A_279, %iota3A : vector<16xi32>
      %ge3A_281 = vector.broadcast %squeeze3A : i32 to vector<16xi32>
      %ge3A_282 = arith.cmpi sge, %add3A_280, %ge3A_281 : vector<16xi32>
      %lt3A_283 = vector.broadcast %squeeze3A_11 : i32 to vector<16xi32>
      %lt3A_284 = arith.cmpi slt, %add3A_280, %lt3A_283 : vector<16xi32>
      %and3A_285 = arith.andi %ge3A_282, %lt3A_284 : vector<16xi1>
      %get3A_286 = arith.constant 32 : index
      %get3A_287 = tpu.vector_load %arg14[%get3A_286] {strides = array<i32>} : memref<128xf32, #tpu.memory_space<vmem>>, vector<16xf32>,
      %jit3A_288 = arith.constant 0.000000e+00 : f32
      %broadcast_in_dim3A_289 = vector.broadcast %jit3A_288 : f32 to vector<16xf32>
      %select_n3A_290 = arith.select %and3A_285, %get3A_287, %broadcast_in_dim3A_289 : vector<16xi1>, vector<16xf32>
      %swap3A_291 = arith.constant 32 : index
      %swap3A_292 = tpu.vector_load %arg14[%swap3A_291] {strides = array<i32>} : memref<128xf32, #tpu.memory_space<vmem>>, vector<16xf32>,
      tpu.vector_store %arg14[%swap3A_291], %select_n3A_290 {strides = array<i32>} : memref<128xf32, #tpu.memory_space<vmem>>, vector<16xf32>,
      %broadcast_in_dim3A_293 = arith.constant 0 : i32
      %broadcast_in_dim3A_294 = vector.broadcast %broadcast_in_dim3A_293 : i32 to vector<16xi32>
      %broadcast_in_dim3A_295 = arith.constant 632 : i32
      %broadcast_in_dim3A_296 = vector.broadcast %broadcast_in_dim3A_295 : i32 to vector<16xi32>
      %add3A_297 = arith.addi %broadcast_in_dim3A_294, %broadcast_in_dim3A_296 : vector<16xi32>
      %shift_right_arithmetic3A_298 = arith.constant 1 : i32
      %shift_right_arithmetic3A_299 = vector.broadcast %shift_right_arithmetic3A_298 : i32 to vector<16xi32>
      %shift_right_arithmetic3A_300 = arith.shrsi %add3A_297, %shift_right_arithmetic3A_299 : vector<16xi32>
      %gather3A_301 = tpu.vector_load_idx %arg11[%shift_right_arithmetic3A_300] : memref<640xi32, #tpu.memory_space<vmem>>[vector<16xi32>], vector<16xi32>,
      %le3A_302 = arith.cmpi sle, %gather3A_301, %add3A_280 : vector<16xi32>
      %select_n3A_303 = arith.select %le3A_302, %shift_right_arithmetic3A_300, %broadcast_in_dim3A_294 : vector<16xi1>, vector<16xi32>
      %select_n3A_304 = arith.select %le3A_302, %broadcast_in_dim3A_296, %shift_right_arithmetic3A_300 : vector<16xi1>, vector<16xi32>
      %add3A_305 = arith.addi %select_n3A_303, %select_n3A_304 : vector<16xi32>
      %shift_right_arithmetic3A_306 = arith.constant 1 : i32
      %shift_right_arithmetic3A_307 = vector.broadcast %shift_right_arithmetic3A_306 : i32 to vector<16xi32>
      %shift_right_arithmetic3A_308 = arith.shrsi %add3A_305, %shift_right_arithmetic3A_307 : vector<16xi32>
      %gather3A_309 = tpu.vector_load_idx %arg11[%shift_right_arithmetic3A_308] : memref<640xi32, #tpu.memory_space<vmem>>[vector<16xi32>], vector<16xi32>,
      %le3A_310 = arith.cmpi sle, %gather3A_309, %add3A_280 : vector<16xi32>
      %select_n3A_311 = arith.select %le3A_310, %shift_right_arithmetic3A_308, %select_n3A_303 : vector<16xi1>, vector<16xi32>
      %select_n3A_312 = arith.select %le3A_310, %select_n3A_304, %shift_right_arithmetic3A_308 : vector<16xi1>, vector<16xi32>
      %add3A_313 = arith.addi %select_n3A_311, %select_n3A_312 : vector<16xi32>
      %shift_right_arithmetic3A_314 = arith.constant 1 : i32
      %shift_right_arithmetic3A_315 = vector.broadcast %shift_right_arithmetic3A_314 : i32 to vector<16xi32>
      %shift_right_arithmetic3A_316 = arith.shrsi %add3A_313, %shift_right_arithmetic3A_315 : vector<16xi32>
      %gather3A_317 = tpu.vector_load_idx %arg11[%shift_right_arithmetic3A_316] : memref<640xi32, #tpu.memory_space<vmem>>[vector<16xi32>], vector<16xi32>,
      %le3A_318 = arith.cmpi sle, %gather3A_317, %add3A_280 : vector<16xi32>
      %select_n3A_319 = arith.select %le3A_318, %shift_right_arithmetic3A_316, %select_n3A_311 : vector<16xi1>, vector<16xi32>
      %select_n3A_320 = arith.select %le3A_318, %select_n3A_312, %shift_right_arithmetic3A_316 : vector<16xi1>, vector<16xi32>
      %add3A_321 = arith.addi %select_n3A_319, %select_n3A_320 : vector<16xi32>
      %shift_right_arithmetic3A_322 = arith.constant 1 : i32
      %shift_right_arithmetic3A_323 = vector.broadcast %shift_right_arithmetic3A_322 : i32 to vector<16xi32>
      %shift_right_arithmetic3A_324 = arith.shrsi %add3A_321, %shift_right_arithmetic3A_323 : vector<16xi32>
      %gather3A_325 = tpu.vector_load_idx %arg11[%shift_right_arithmetic3A_324] : memref<640xi32, #tpu.memory_space<vmem>>[vector<16xi32>], vector<16xi32>,
      %le3A_326 = arith.cmpi sle, %gather3A_325, %add3A_280 : vector<16xi32>
      %select_n3A_327 = arith.select %le3A_326, %shift_right_arithmetic3A_324, %select_n3A_319 : vector<16xi1>, vector<16xi32>
      %select_n3A_328 = arith.select %le3A_326, %select_n3A_320, %shift_right_arithmetic3A_324 : vector<16xi1>, vector<16xi32>
      %add3A_329 = arith.addi %select_n3A_327, %select_n3A_328 : vector<16xi32>
      %shift_right_arithmetic3A_330 = arith.constant 1 : i32
      %shift_right_arithmetic3A_331 = vector.broadcast %shift_right_arithmetic3A_330 : i32 to vector<16xi32>
      %shift_right_arithmetic3A_332 = arith.shrsi %add3A_329, %shift_right_arithmetic3A_331 : vector<16xi32>
      %gather3A_333 = tpu.vector_load_idx %arg11[%shift_right_arithmetic3A_332] : memref<640xi32, #tpu.memory_space<vmem>>[vector<16xi32>], vector<16xi32>,
      %le3A_334 = arith.cmpi sle, %gather3A_333, %add3A_280 : vector<16xi32>
      %select_n3A_335 = arith.select %le3A_334, %shift_right_arithmetic3A_332, %select_n3A_327 : vector<16xi1>, vector<16xi32>
      %select_n3A_336 = arith.select %le3A_334, %select_n3A_328, %shift_right_arithmetic3A_332 : vector<16xi1>, vector<16xi32>
      %add3A_337 = arith.addi %select_n3A_335, %select_n3A_336 : vector<16xi32>
      %shift_right_arithmetic3A_338 = arith.constant 1 : i32
      %shift_right_arithmetic3A_339 = vector.broadcast %shift_right_arithmetic3A_338 : i32 to vector<16xi32>
      %shift_right_arithmetic3A_340 = arith.shrsi %add3A_337, %shift_right_arithmetic3A_339 : vector<16xi32>
      %gather3A_341 = tpu.vector_load_idx %arg11[%shift_right_arithmetic3A_340] : memref<640xi32, #tpu.memory_space<vmem>>[vector<16xi32>], vector<16xi32>,
      %le3A_342 = arith.cmpi sle, %gather3A_341, %add3A_280 : vector<16xi32>
      %select_n3A_343 = arith.select %le3A_342, %shift_right_arithmetic3A_340, %select_n3A_335 : vector<16xi1>, vector<16xi32>
      %select_n3A_344 = arith.select %le3A_342, %select_n3A_336, %shift_right_arithmetic3A_340 : vector<16xi1>, vector<16xi32>
      %add3A_345 = arith.addi %select_n3A_343, %select_n3A_344 : vector<16xi32>
      %shift_right_arithmetic3A_346 = arith.constant 1 : i32
      %shift_right_arithmetic3A_347 = vector.broadcast %shift_right_arithmetic3A_346 : i32 to vector<16xi32>
      %shift_right_arithmetic3A_348 = arith.shrsi %add3A_345, %shift_right_arithmetic3A_347 : vector<16xi32>
      %gather3A_349 = tpu.vector_load_idx %arg11[%shift_right_arithmetic3A_348] : memref<640xi32, #tpu.memory_space<vmem>>[vector<16xi32>], vector<16xi32>,
      %le3A_350 = arith.cmpi sle, %gather3A_349, %add3A_280 : vector<16xi32>
      %select_n3A_351 = arith.select %le3A_350, %shift_right_arithmetic3A_348, %select_n3A_343 : vector<16xi1>, vector<16xi32>
      %select_n3A_352 = arith.select %le3A_350, %select_n3A_344, %shift_right_arithmetic3A_348 : vector<16xi1>, vector<16xi32>
      %add3A_353 = arith.addi %select_n3A_351, %select_n3A_352 : vector<16xi32>
      %shift_right_arithmetic3A_354 = arith.constant 1 : i32
      %shift_right_arithmetic3A_355 = vector.broadcast %shift_right_arithmetic3A_354 : i32 to vector<16xi32>
      %shift_right_arithmetic3A_356 = arith.shrsi %add3A_353, %shift_right_arithmetic3A_355 : vector<16xi32>
      %gather3A_357 = tpu.vector_load_idx %arg11[%shift_right_arithmetic3A_356] : memref<640xi32, #tpu.memory_space<vmem>>[vector<16xi32>], vector<16xi32>,
      %le3A_358 = arith.cmpi sle, %gather3A_357, %add3A_280 : vector<16xi32>
      %select_n3A_359 = arith.select %le3A_358, %shift_right_arithmetic3A_356, %select_n3A_351 : vector<16xi1>, vector<16xi32>
      %select_n3A_360 = arith.select %le3A_358, %select_n3A_352, %shift_right_arithmetic3A_356 : vector<16xi1>, vector<16xi32>
      %add3A_361 = arith.addi %select_n3A_359, %select_n3A_360 : vector<16xi32>
      %shift_right_arithmetic3A_362 = arith.constant 1 : i32
      %shift_right_arithmetic3A_363 = vector.broadcast %shift_right_arithmetic3A_362 : i32 to vector<16xi32>
      %shift_right_arithmetic3A_364 = arith.shrsi %add3A_361, %shift_right_arithmetic3A_363 : vector<16xi32>
      %gather3A_365 = tpu.vector_load_idx %arg11[%shift_right_arithmetic3A_364] : memref<640xi32, #tpu.memory_space<vmem>>[vector<16xi32>], vector<16xi32>,
      %le3A_366 = arith.cmpi sle, %gather3A_365, %add3A_280 : vector<16xi32>
      %select_n3A_367 = arith.select %le3A_366, %shift_right_arithmetic3A_364, %select_n3A_359 : vector<16xi1>, vector<16xi32>
      %select_n3A_368 = arith.select %le3A_366, %select_n3A_360, %shift_right_arithmetic3A_364 : vector<16xi1>, vector<16xi32>
      %add3A_369 = arith.addi %select_n3A_367, %select_n3A_368 : vector<16xi32>
      %shift_right_arithmetic3A_370 = arith.constant 1 : i32
      %shift_right_arithmetic3A_371 = vector.broadcast %shift_right_arithmetic3A_370 : i32 to vector<16xi32>
      %shift_right_arithmetic3A_372 = arith.shrsi %add3A_369, %shift_right_arithmetic3A_371 : vector<16xi32>
      %gather3A_373 = tpu.vector_load_idx %arg11[%shift_right_arithmetic3A_372] : memref<640xi32, #tpu.memory_space<vmem>>[vector<16xi32>], vector<16xi32>,
      %le3A_374 = arith.cmpi sle, %gather3A_373, %add3A_280 : vector<16xi32>
      %select_n3A_375 = arith.select %le3A_374, %shift_right_arithmetic3A_372, %select_n3A_367 : vector<16xi1>, vector<16xi32>
      %select_n3A_376 = arith.select %le3A_374, %select_n3A_368, %shift_right_arithmetic3A_372 : vector<16xi1>, vector<16xi32>
      %add3A_377 = vector.broadcast %mul3A_4 : i32 to vector<16xi32>
      %add3A_378 = arith.addi %select_n3A_375, %add3A_377 : vector<16xi32>
      %swap3A_379 = arith.constant 32 : index
      %swap3A_380 = tpu.vector_load %arg16[%swap3A_379] {strides = array<i32>} : memref<128xi32, #tpu.memory_space<vmem>>, vector<16xi32>,
      tpu.vector_store %arg16[%swap3A_379], %add3A_378 {strides = array<i32>} : memref<128xi32, #tpu.memory_space<vmem>>, vector<16xi32>,
      %add3A_381 = arith.constant 48 : i32
      %add3A_382 = arith.addi %multiple_of3A_58, %add3A_381 : i32
      %broadcast_in_dim3A_383 = vector.broadcast %add3A_382 : i32 to vector<16xi32>
      %add3A_384 = arith.addi %broadcast_in_dim3A_383, %iota3A : vector<16xi32>
      %ge3A_385 = vector.broadcast %squeeze3A : i32 to vector<16xi32>
      %ge3A_386 = arith.cmpi sge, %add3A_384, %ge3A_385 : vector<16xi32>
      %lt3A_387 = vector.broadcast %squeeze3A_11 : i32 to vector<16xi32>
      %lt3A_388 = arith.cmpi slt, %add3A_384, %lt3A_387 : vector<16xi32>
      %and3A_389 = arith.andi %ge3A_386, %lt3A_388 : vector<16xi1>
      %get3A_390 = arith.constant 48 : index
      %get3A_391 = tpu.vector_load %arg14[%get3A_390] {strides = array<i32>} : memref<128xf32, #tpu.memory_space<vmem>>, vector<16xf32>,
      %jit3A_392 = arith.constant 0.000000e+00 : f32
      %broadcast_in_dim3A_393 = vector.broadcast %jit3A_392 : f32 to vector<16xf32>
      %select_n3A_394 = arith.select %and3A_389, %get3A_391, %broadcast_in_dim3A_393 : vector<16xi1>, vector<16xf32>
      %swap3A_395 = arith.constant 48 : index
      %swap3A_396 = tpu.vector_load %arg14[%swap3A_395] {strides = array<i32>} : memref<128xf32, #tpu.memory_space<vmem>>, vector<16xf32>,
      tpu.vector_store %arg14[%swap3A_395], %select_n3A_394 {strides = array<i32>} : memref<128xf32, #tpu.memory_space<vmem>>, vector<16xf32>,
      %broadcast_in_dim3A_397 = arith.constant 0 : i32
      %broadcast_in_dim3A_398 = vector.broadcast %broadcast_in_dim3A_397 : i32 to vector<16xi32>
      %broadcast_in_dim3A_399 = arith.constant 632 : i32
      %broadcast_in_dim3A_400 = vector.broadcast %broadcast_in_dim3A_399 : i32 to vector<16xi32>
      %add3A_401 = arith.addi %broadcast_in_dim3A_398, %broadcast_in_dim3A_400 : vector<16xi32>
      %shift_right_arithmetic3A_402 = arith.constant 1 : i32
      %shift_right_arithmetic3A_403 = vector.broadcast %shift_right_arithmetic3A_402 : i32 to vector<16xi32>
      %shift_right_arithmetic3A_404 = arith.shrsi %add3A_401, %shift_right_arithmetic3A_403 : vector<16xi32>
      %gather3A_405 = tpu.vector_load_idx %arg11[%shift_right_arithmetic3A_404] : memref<640xi32, #tpu.memory_space<vmem>>[vector<16xi32>], vector<16xi32>,
      %le3A_406 = arith.cmpi sle, %gather3A_405, %add3A_384 : vector<16xi32>
      %select_n3A_407 = arith.select %le3A_406, %shift_right_arithmetic3A_404, %broadcast_in_dim3A_398 : vector<16xi1>, vector<16xi32>
      %select_n3A_408 = arith.select %le3A_406, %broadcast_in_dim3A_400, %shift_right_arithmetic3A_404 : vector<16xi1>, vector<16xi32>
      %add3A_409 = arith.addi %select_n3A_407, %select_n3A_408 : vector<16xi32>
      %shift_right_arithmetic3A_410 = arith.constant 1 : i32
      %shift_right_arithmetic3A_411 = vector.broadcast %shift_right_arithmetic3A_410 : i32 to vector<16xi32>
      %shift_right_arithmetic3A_412 = arith.shrsi %add3A_409, %shift_right_arithmetic3A_411 : vector<16xi32>
      %gather3A_413 = tpu.vector_load_idx %arg11[%shift_right_arithmetic3A_412] : memref<640xi32, #tpu.memory_space<vmem>>[vector<16xi32>], vector<16xi32>,
      %le3A_414 = arith.cmpi sle, %gather3A_413, %add3A_384 : vector<16xi32>
      %select_n3A_415 = arith.select %le3A_414, %shift_right_arithmetic3A_412, %select_n3A_407 : vector<16xi1>, vector<16xi32>
      %select_n3A_416 = arith.select %le3A_414, %select_n3A_408, %shift_right_arithmetic3A_412 : vector<16xi1>, vector<16xi32>
      %add3A_417 = arith.addi %select_n3A_415, %select_n3A_416 : vector<16xi32>
      %shift_right_arithmetic3A_418 = arith.constant 1 : i32
      %shift_right_arithmetic3A_419 = vector.broadcast %shift_right_arithmetic3A_418 : i32 to vector<16xi32>
      %shift_right_arithmetic3A_420 = arith.shrsi %add3A_417, %shift_right_arithmetic3A_419 : vector<16xi32>
      %gather3A_421 = tpu.vector_load_idx %arg11[%shift_right_arithmetic3A_420] : memref<640xi32, #tpu.memory_space<vmem>>[vector<16xi32>], vector<16xi32>,
      %le3A_422 = arith.cmpi sle, %gather3A_421, %add3A_384 : vector<16xi32>
      %select_n3A_423 = arith.select %le3A_422, %shift_right_arithmetic3A_420, %select_n3A_415 : vector<16xi1>, vector<16xi32>
      %select_n3A_424 = arith.select %le3A_422, %select_n3A_416, %shift_right_arithmetic3A_420 : vector<16xi1>, vector<16xi32>
      %add3A_425 = arith.addi %select_n3A_423, %select_n3A_424 : vector<16xi32>
      %shift_right_arithmetic3A_426 = arith.constant 1 : i32
      %shift_right_arithmetic3A_427 = vector.broadcast %shift_right_arithmetic3A_426 : i32 to vector<16xi32>
      %shift_right_arithmetic3A_428 = arith.shrsi %add3A_425, %shift_right_arithmetic3A_427 : vector<16xi32>
      %gather3A_429 = tpu.vector_load_idx %arg11[%shift_right_arithmetic3A_428] : memref<640xi32, #tpu.memory_space<vmem>>[vector<16xi32>], vector<16xi32>,
      %le3A_430 = arith.cmpi sle, %gather3A_429, %add3A_384 : vector<16xi32>
      %select_n3A_431 = arith.select %le3A_430, %shift_right_arithmetic3A_428, %select_n3A_423 : vector<16xi1>, vector<16xi32>
      %select_n3A_432 = arith.select %le3A_430, %select_n3A_424, %shift_right_arithmetic3A_428 : vector<16xi1>, vector<16xi32>
      %add3A_433 = arith.addi %select_n3A_431, %select_n3A_432 : vector<16xi32>
      %shift_right_arithmetic3A_434 = arith.constant 1 : i32
      %shift_right_arithmetic3A_435 = vector.broadcast %shift_right_arithmetic3A_434 : i32 to vector<16xi32>
      %shift_right_arithmetic3A_436 = arith.shrsi %add3A_433, %shift_right_arithmetic3A_435 : vector<16xi32>
      %gather3A_437 = tpu.vector_load_idx %arg11[%shift_right_arithmetic3A_436] : memref<640xi32, #tpu.memory_space<vmem>>[vector<16xi32>], vector<16xi32>,
      %le3A_438 = arith.cmpi sle, %gather3A_437, %add3A_384 : vector<16xi32>
      %select_n3A_439 = arith.select %le3A_438, %shift_right_arithmetic3A_436, %select_n3A_431 : vector<16xi1>, vector<16xi32>
      %select_n3A_440 = arith.select %le3A_438, %select_n3A_432, %shift_right_arithmetic3A_436 : vector<16xi1>, vector<16xi32>
      %add3A_441 = arith.addi %select_n3A_439, %select_n3A_440 : vector<16xi32>
      %shift_right_arithmetic3A_442 = arith.constant 1 : i32
      %shift_right_arithmetic3A_443 = vector.broadcast %shift_right_arithmetic3A_442 : i32 to vector<16xi32>
      %shift_right_arithmetic3A_444 = arith.shrsi %add3A_441, %shift_right_arithmetic3A_443 : vector<16xi32>
      %gather3A_445 = tpu.vector_load_idx %arg11[%shift_right_arithmetic3A_444] : memref<640xi32, #tpu.memory_space<vmem>>[vector<16xi32>], vector<16xi32>,
      %le3A_446 = arith.cmpi sle, %gather3A_445, %add3A_384 : vector<16xi32>
      %select_n3A_447 = arith.select %le3A_446, %shift_right_arithmetic3A_444, %select_n3A_439 : vector<16xi1>, vector<16xi32>
      %select_n3A_448 = arith.select %le3A_446, %select_n3A_440, %shift_right_arithmetic3A_444 : vector<16xi1>, vector<16xi32>
      %add3A_449 = arith.addi %select_n3A_447, %select_n3A_448 : vector<16xi32>
      %shift_right_arithmetic3A_450 = arith.constant 1 : i32
      %shift_right_arithmetic3A_451 = vector.broadcast %shift_right_arithmetic3A_450 : i32 to vector<16xi32>
      %shift_right_arithmetic3A_452 = arith.shrsi %add3A_449, %shift_right_arithmetic3A_451 : vector<16xi32>
      %gather3A_453 = tpu.vector_load_idx %arg11[%shift_right_arithmetic3A_452] : memref<640xi32, #tpu.memory_space<vmem>>[vector<16xi32>], vector<16xi32>,
      %le3A_454 = arith.cmpi sle, %gather3A_453, %add3A_384 : vector<16xi32>
      %select_n3A_455 = arith.select %le3A_454, %shift_right_arithmetic3A_452, %select_n3A_447 : vector<16xi1>, vector<16xi32>
      %select_n3A_456 = arith.select %le3A_454, %select_n3A_448, %shift_right_arithmetic3A_452 : vector<16xi1>, vector<16xi32>
      %add3A_457 = arith.addi %select_n3A_455, %select_n3A_456 : vector<16xi32>
      %shift_right_arithmetic3A_458 = arith.constant 1 : i32
      %shift_right_arithmetic3A_459 = vector.broadcast %shift_right_arithmetic3A_458 : i32 to vector<16xi32>
      %shift_right_arithmetic3A_460 = arith.shrsi %add3A_457, %shift_right_arithmetic3A_459 : vector<16xi32>
      %gather3A_461 = tpu.vector_load_idx %arg11[%shift_right_arithmetic3A_460] : memref<640xi32, #tpu.memory_space<vmem>>[vector<16xi32>], vector<16xi32>,
      %le3A_462 = arith.cmpi sle, %gather3A_461, %add3A_384 : vector<16xi32>
      %select_n3A_463 = arith.select %le3A_462, %shift_right_arithmetic3A_460, %select_n3A_455 : vector<16xi1>, vector<16xi32>
      %select_n3A_464 = arith.select %le3A_462, %select_n3A_456, %shift_right_arithmetic3A_460 : vector<16xi1>, vector<16xi32>
      %add3A_465 = arith.addi %select_n3A_463, %select_n3A_464 : vector<16xi32>
      %shift_right_arithmetic3A_466 = arith.constant 1 : i32
      %shift_right_arithmetic3A_467 = vector.broadcast %shift_right_arithmetic3A_466 : i32 to vector<16xi32>
      %shift_right_arithmetic3A_468 = arith.shrsi %add3A_465, %shift_right_arithmetic3A_467 : vector<16xi32>
      %gather3A_469 = tpu.vector_load_idx %arg11[%shift_right_arithmetic3A_468] : memref<640xi32, #tpu.memory_space<vmem>>[vector<16xi32>], vector<16xi32>,
      %le3A_470 = arith.cmpi sle, %gather3A_469, %add3A_384 : vector<16xi32>
      %select_n3A_471 = arith.select %le3A_470, %shift_right_arithmetic3A_468, %select_n3A_463 : vector<16xi1>, vector<16xi32>
      %select_n3A_472 = arith.select %le3A_470, %select_n3A_464, %shift_right_arithmetic3A_468 : vector<16xi1>, vector<16xi32>
      %add3A_473 = arith.addi %select_n3A_471, %select_n3A_472 : vector<16xi32>
      %shift_right_arithmetic3A_474 = arith.constant 1 : i32
      %shift_right_arithmetic3A_475 = vector.broadcast %shift_right_arithmetic3A_474 : i32 to vector<16xi32>
      %shift_right_arithmetic3A_476 = arith.shrsi %add3A_473, %shift_right_arithmetic3A_475 : vector<16xi32>
      %gather3A_477 = tpu.vector_load_idx %arg11[%shift_right_arithmetic3A_476] : memref<640xi32, #tpu.memory_space<vmem>>[vector<16xi32>], vector<16xi32>,
      %le3A_478 = arith.cmpi sle, %gather3A_477, %add3A_384 : vector<16xi32>
      %select_n3A_479 = arith.select %le3A_478, %shift_right_arithmetic3A_476, %select_n3A_471 : vector<16xi1>, vector<16xi32>
      %select_n3A_480 = arith.select %le3A_478, %select_n3A_472, %shift_right_arithmetic3A_476 : vector<16xi1>, vector<16xi32>
      %add3A_481 = vector.broadcast %mul3A_4 : i32 to vector<16xi32>
      %add3A_482 = arith.addi %select_n3A_479, %add3A_481 : vector<16xi32>
      %swap3A_483 = arith.constant 48 : index
      %swap3A_484 = tpu.vector_load %arg16[%swap3A_483] {strides = array<i32>} : memref<128xi32, #tpu.memory_space<vmem>>, vector<16xi32>,
      tpu.vector_store %arg16[%swap3A_483], %add3A_482 {strides = array<i32>} : memref<128xi32, #tpu.memory_space<vmem>>, vector<16xi32>,
      %add3A_485 = arith.constant 64 : i32
      %add3A_486 = arith.addi %multiple_of3A_58, %add3A_485 : i32
      %broadcast_in_dim3A_487 = vector.broadcast %add3A_486 : i32 to vector<16xi32>
      %add3A_488 = arith.addi %broadcast_in_dim3A_487, %iota3A : vector<16xi32>
      %ge3A_489 = vector.broadcast %squeeze3A : i32 to vector<16xi32>
      %ge3A_490 = arith.cmpi sge, %add3A_488, %ge3A_489 : vector<16xi32>
      %lt3A_491 = vector.broadcast %squeeze3A_11 : i32 to vector<16xi32>
      %lt3A_492 = arith.cmpi slt, %add3A_488, %lt3A_491 : vector<16xi32>
      %and3A_493 = arith.andi %ge3A_490, %lt3A_492 : vector<16xi1>
      %get3A_494 = arith.constant 64 : index
      %get3A_495 = tpu.vector_load %arg14[%get3A_494] {strides = array<i32>} : memref<128xf32, #tpu.memory_space<vmem>>, vector<16xf32>,
      %jit3A_496 = arith.constant 0.000000e+00 : f32
      %broadcast_in_dim3A_497 = vector.broadcast %jit3A_496 : f32 to vector<16xf32>
      %select_n3A_498 = arith.select %and3A_493, %get3A_495, %broadcast_in_dim3A_497 : vector<16xi1>, vector<16xf32>
      %swap3A_499 = arith.constant 64 : index
      %swap3A_500 = tpu.vector_load %arg14[%swap3A_499] {strides = array<i32>} : memref<128xf32, #tpu.memory_space<vmem>>, vector<16xf32>,
      tpu.vector_store %arg14[%swap3A_499], %select_n3A_498 {strides = array<i32>} : memref<128xf32, #tpu.memory_space<vmem>>, vector<16xf32>,
      %broadcast_in_dim3A_501 = arith.constant 0 : i32
      %broadcast_in_dim3A_502 = vector.broadcast %broadcast_in_dim3A_501 : i32 to vector<16xi32>
      %broadcast_in_dim3A_503 = arith.constant 632 : i32
      %broadcast_in_dim3A_504 = vector.broadcast %broadcast_in_dim3A_503 : i32 to vector<16xi32>
      %add3A_505 = arith.addi %broadcast_in_dim3A_502, %broadcast_in_dim3A_504 : vector<16xi32>
      %shift_right_arithmetic3A_506 = arith.constant 1 : i32
      %shift_right_arithmetic3A_507 = vector.broadcast %shift_right_arithmetic3A_506 : i32 to vector<16xi32>
      %shift_right_arithmetic3A_508 = arith.shrsi %add3A_505, %shift_right_arithmetic3A_507 : vector<16xi32>
      %gather3A_509 = tpu.vector_load_idx %arg11[%shift_right_arithmetic3A_508] : memref<640xi32, #tpu.memory_space<vmem>>[vector<16xi32>], vector<16xi32>,
      %le3A_510 = arith.cmpi sle, %gather3A_509, %add3A_488 : vector<16xi32>
      %select_n3A_511 = arith.select %le3A_510, %shift_right_arithmetic3A_508, %broadcast_in_dim3A_502 : vector<16xi1>, vector<16xi32>
      %select_n3A_512 = arith.select %le3A_510, %broadcast_in_dim3A_504, %shift_right_arithmetic3A_508 : vector<16xi1>, vector<16xi32>
      %add3A_513 = arith.addi %select_n3A_511, %select_n3A_512 : vector<16xi32>
      %shift_right_arithmetic3A_514 = arith.constant 1 : i32
      %shift_right_arithmetic3A_515 = vector.broadcast %shift_right_arithmetic3A_514 : i32 to vector<16xi32>
      %shift_right_arithmetic3A_516 = arith.shrsi %add3A_513, %shift_right_arithmetic3A_515 : vector<16xi32>
      %gather3A_517 = tpu.vector_load_idx %arg11[%shift_right_arithmetic3A_516] : memref<640xi32, #tpu.memory_space<vmem>>[vector<16xi32>], vector<16xi32>,
      %le3A_518 = arith.cmpi sle, %gather3A_517, %add3A_488 : vector<16xi32>
      %select_n3A_519 = arith.select %le3A_518, %shift_right_arithmetic3A_516, %select_n3A_511 : vector<16xi1>, vector<16xi32>
      %select_n3A_520 = arith.select %le3A_518, %select_n3A_512, %shift_right_arithmetic3A_516 : vector<16xi1>, vector<16xi32>
      %add3A_521 = arith.addi %select_n3A_519, %select_n3A_520 : vector<16xi32>
      %shift_right_arithmetic3A_522 = arith.constant 1 : i32
      %shift_right_arithmetic3A_523 = vector.broadcast %shift_right_arithmetic3A_522 : i32 to vector<16xi32>
      %shift_right_arithmetic3A_524 = arith.shrsi %add3A_521, %shift_right_arithmetic3A_523 : vector<16xi32>
      %gather3A_525 = tpu.vector_load_idx %arg11[%shift_right_arithmetic3A_524] : memref<640xi32, #tpu.memory_space<vmem>>[vector<16xi32>], vector<16xi32>,
      %le3A_526 = arith.cmpi sle, %gather3A_525, %add3A_488 : vector<16xi32>
      %select_n3A_527 = arith.select %le3A_526, %shift_right_arithmetic3A_524, %select_n3A_519 : vector<16xi1>, vector<16xi32>
      %select_n3A_528 = arith.select %le3A_526, %select_n3A_520, %shift_right_arithmetic3A_524 : vector<16xi1>, vector<16xi32>
      %add3A_529 = arith.addi %select_n3A_527, %select_n3A_528 : vector<16xi32>
      %shift_right_arithmetic3A_530 = arith.constant 1 : i32
      %shift_right_arithmetic3A_531 = vector.broadcast %shift_right_arithmetic3A_530 : i32 to vector<16xi32>
      %shift_right_arithmetic3A_532 = arith.shrsi %add3A_529, %shift_right_arithmetic3A_531 : vector<16xi32>
      %gather3A_533 = tpu.vector_load_idx %arg11[%shift_right_arithmetic3A_532] : memref<640xi32, #tpu.memory_space<vmem>>[vector<16xi32>], vector<16xi32>,
      %le3A_534 = arith.cmpi sle, %gather3A_533, %add3A_488 : vector<16xi32>
      %select_n3A_535 = arith.select %le3A_534, %shift_right_arithmetic3A_532, %select_n3A_527 : vector<16xi1>, vector<16xi32>
      %select_n3A_536 = arith.select %le3A_534, %select_n3A_528, %shift_right_arithmetic3A_532 : vector<16xi1>, vector<16xi32>
      %add3A_537 = arith.addi %select_n3A_535, %select_n3A_536 : vector<16xi32>
      %shift_right_arithmetic3A_538 = arith.constant 1 : i32
      %shift_right_arithmetic3A_539 = vector.broadcast %shift_right_arithmetic3A_538 : i32 to vector<16xi32>
      %shift_right_arithmetic3A_540 = arith.shrsi %add3A_537, %shift_right_arithmetic3A_539 : vector<16xi32>
      %gather3A_541 = tpu.vector_load_idx %arg11[%shift_right_arithmetic3A_540] : memref<640xi32, #tpu.memory_space<vmem>>[vector<16xi32>], vector<16xi32>,
      %le3A_542 = arith.cmpi sle, %gather3A_541, %add3A_488 : vector<16xi32>
      %select_n3A_543 = arith.select %le3A_542, %shift_right_arithmetic3A_540, %select_n3A_535 : vector<16xi1>, vector<16xi32>
      %select_n3A_544 = arith.select %le3A_542, %select_n3A_536, %shift_right_arithmetic3A_540 : vector<16xi1>, vector<16xi32>
      %add3A_545 = arith.addi %select_n3A_543, %select_n3A_544 : vector<16xi32>
      %shift_right_arithmetic3A_546 = arith.constant 1 : i32
      %shift_right_arithmetic3A_547 = vector.broadcast %shift_right_arithmetic3A_546 : i32 to vector<16xi32>
      %shift_right_arithmetic3A_548 = arith.shrsi %add3A_545, %shift_right_arithmetic3A_547 : vector<16xi32>
      %gather3A_549 = tpu.vector_load_idx %arg11[%shift_right_arithmetic3A_548] : memref<640xi32, #tpu.memory_space<vmem>>[vector<16xi32>], vector<16xi32>,
      %le3A_550 = arith.cmpi sle, %gather3A_549, %add3A_488 : vector<16xi32>
      %select_n3A_551 = arith.select %le3A_550, %shift_right_arithmetic3A_548, %select_n3A_543 : vector<16xi1>, vector<16xi32>
      %select_n3A_552 = arith.select %le3A_550, %select_n3A_544, %shift_right_arithmetic3A_548 : vector<16xi1>, vector<16xi32>
      %add3A_553 = arith.addi %select_n3A_551, %select_n3A_552 : vector<16xi32>
      %shift_right_arithmetic3A_554 = arith.constant 1 : i32
      %shift_right_arithmetic3A_555 = vector.broadcast %shift_right_arithmetic3A_554 : i32 to vector<16xi32>
      %shift_right_arithmetic3A_556 = arith.shrsi %add3A_553, %shift_right_arithmetic3A_555 : vector<16xi32>
      %gather3A_557 = tpu.vector_load_idx %arg11[%shift_right_arithmetic3A_556] : memref<640xi32, #tpu.memory_space<vmem>>[vector<16xi32>], vector<16xi32>,
      %le3A_558 = arith.cmpi sle, %gather3A_557, %add3A_488 : vector<16xi32>
      %select_n3A_559 = arith.select %le3A_558, %shift_right_arithmetic3A_556, %select_n3A_551 : vector<16xi1>, vector<16xi32>
      %select_n3A_560 = arith.select %le3A_558, %select_n3A_552, %shift_right_arithmetic3A_556 : vector<16xi1>, vector<16xi32>
      %add3A_561 = arith.addi %select_n3A_559, %select_n3A_560 : vector<16xi32>
      %shift_right_arithmetic3A_562 = arith.constant 1 : i32
      %shift_right_arithmetic3A_563 = vector.broadcast %shift_right_arithmetic3A_562 : i32 to vector<16xi32>
      %shift_right_arithmetic3A_564 = arith.shrsi %add3A_561, %shift_right_arithmetic3A_563 : vector<16xi32>
      %gather3A_565 = tpu.vector_load_idx %arg11[%shift_right_arithmetic3A_564] : memref<640xi32, #tpu.memory_space<vmem>>[vector<16xi32>], vector<16xi32>,
      %le3A_566 = arith.cmpi sle, %gather3A_565, %add3A_488 : vector<16xi32>
      %select_n3A_567 = arith.select %le3A_566, %shift_right_arithmetic3A_564, %select_n3A_559 : vector<16xi1>, vector<16xi32>
      %select_n3A_568 = arith.select %le3A_566, %select_n3A_560, %shift_right_arithmetic3A_564 : vector<16xi1>, vector<16xi32>
      %add3A_569 = arith.addi %select_n3A_567, %select_n3A_568 : vector<16xi32>
      %shift_right_arithmetic3A_570 = arith.constant 1 : i32
      %shift_right_arithmetic3A_571 = vector.broadcast %shift_right_arithmetic3A_570 : i32 to vector<16xi32>
      %shift_right_arithmetic3A_572 = arith.shrsi %add3A_569, %shift_right_arithmetic3A_571 : vector<16xi32>
      %gather3A_573 = tpu.vector_load_idx %arg11[%shift_right_arithmetic3A_572] : memref<640xi32, #tpu.memory_space<vmem>>[vector<16xi32>], vector<16xi32>,
      %le3A_574 = arith.cmpi sle, %gather3A_573, %add3A_488 : vector<16xi32>
      %select_n3A_575 = arith.select %le3A_574, %shift_right_arithmetic3A_572, %select_n3A_567 : vector<16xi1>, vector<16xi32>
      %select_n3A_576 = arith.select %le3A_574, %select_n3A_568, %shift_right_arithmetic3A_572 : vector<16xi1>, vector<16xi32>
      %add3A_577 = arith.addi %select_n3A_575, %select_n3A_576 : vector<16xi32>
      %shift_right_arithmetic3A_578 = arith.constant 1 : i32
      %shift_right_arithmetic3A_579 = vector.broadcast %shift_right_arithmetic3A_578 : i32 to vector<16xi32>
      %shift_right_arithmetic3A_580 = arith.shrsi %add3A_577, %shift_right_arithmetic3A_579 : vector<16xi32>
      %gather3A_581 = tpu.vector_load_idx %arg11[%shift_right_arithmetic3A_580] : memref<640xi32, #tpu.memory_space<vmem>>[vector<16xi32>], vector<16xi32>,
      %le3A_582 = arith.cmpi sle, %gather3A_581, %add3A_488 : vector<16xi32>
      %select_n3A_583 = arith.select %le3A_582, %shift_right_arithmetic3A_580, %select_n3A_575 : vector<16xi1>, vector<16xi32>
      %select_n3A_584 = arith.select %le3A_582, %select_n3A_576, %shift_right_arithmetic3A_580 : vector<16xi1>, vector<16xi32>
      %add3A_585 = vector.broadcast %mul3A_4 : i32 to vector<16xi32>
      %add3A_586 = arith.addi %select_n3A_583, %add3A_585 : vector<16xi32>
      %swap3A_587 = arith.constant 64 : index
      %swap3A_588 = tpu.vector_load %arg16[%swap3A_587] {strides = array<i32>} : memref<128xi32, #tpu.memory_space<vmem>>, vector<16xi32>,
      tpu.vector_store %arg16[%swap3A_587], %add3A_586 {strides = array<i32>} : memref<128xi32, #tpu.memory_space<vmem>>, vector<16xi32>,
      %add3A_589 = arith.constant 80 : i32
      %add3A_590 = arith.addi %multiple_of3A_58, %add3A_589 : i32
      %broadcast_in_dim3A_591 = vector.broadcast %add3A_590 : i32 to vector<16xi32>
      %add3A_592 = arith.addi %broadcast_in_dim3A_591, %iota3A : vector<16xi32>
      %ge3A_593 = vector.broadcast %squeeze3A : i32 to vector<16xi32>
      %ge3A_594 = arith.cmpi sge, %add3A_592, %ge3A_593 : vector<16xi32>
      %lt3A_595 = vector.broadcast %squeeze3A_11 : i32 to vector<16xi32>
      %lt3A_596 = arith.cmpi slt, %add3A_592, %lt3A_595 : vector<16xi32>
      %and3A_597 = arith.andi %ge3A_594, %lt3A_596 : vector<16xi1>
      %get3A_598 = arith.constant 80 : index
      %get3A_599 = tpu.vector_load %arg14[%get3A_598] {strides = array<i32>} : memref<128xf32, #tpu.memory_space<vmem>>, vector<16xf32>,
      %jit3A_600 = arith.constant 0.000000e+00 : f32
      %broadcast_in_dim3A_601 = vector.broadcast %jit3A_600 : f32 to vector<16xf32>
      %select_n3A_602 = arith.select %and3A_597, %get3A_599, %broadcast_in_dim3A_601 : vector<16xi1>, vector<16xf32>
      %swap3A_603 = arith.constant 80 : index
      %swap3A_604 = tpu.vector_load %arg14[%swap3A_603] {strides = array<i32>} : memref<128xf32, #tpu.memory_space<vmem>>, vector<16xf32>,
      tpu.vector_store %arg14[%swap3A_603], %select_n3A_602 {strides = array<i32>} : memref<128xf32, #tpu.memory_space<vmem>>, vector<16xf32>,
      %broadcast_in_dim3A_605 = arith.constant 0 : i32
      %broadcast_in_dim3A_606 = vector.broadcast %broadcast_in_dim3A_605 : i32 to vector<16xi32>
      %broadcast_in_dim3A_607 = arith.constant 632 : i32
      %broadcast_in_dim3A_608 = vector.broadcast %broadcast_in_dim3A_607 : i32 to vector<16xi32>
      %add3A_609 = arith.addi %broadcast_in_dim3A_606, %broadcast_in_dim3A_608 : vector<16xi32>
      %shift_right_arithmetic3A_610 = arith.constant 1 : i32
      %shift_right_arithmetic3A_611 = vector.broadcast %shift_right_arithmetic3A_610 : i32 to vector<16xi32>
      %shift_right_arithmetic3A_612 = arith.shrsi %add3A_609, %shift_right_arithmetic3A_611 : vector<16xi32>
      %gather3A_613 = tpu.vector_load_idx %arg11[%shift_right_arithmetic3A_612] : memref<640xi32, #tpu.memory_space<vmem>>[vector<16xi32>], vector<16xi32>,
      %le3A_614 = arith.cmpi sle, %gather3A_613, %add3A_592 : vector<16xi32>
      %select_n3A_615 = arith.select %le3A_614, %shift_right_arithmetic3A_612, %broadcast_in_dim3A_606 : vector<16xi1>, vector<16xi32>
      %select_n3A_616 = arith.select %le3A_614, %broadcast_in_dim3A_608, %shift_right_arithmetic3A_612 : vector<16xi1>, vector<16xi32>
      %add3A_617 = arith.addi %select_n3A_615, %select_n3A_616 : vector<16xi32>
      %shift_right_arithmetic3A_618 = arith.constant 1 : i32
      %shift_right_arithmetic3A_619 = vector.broadcast %shift_right_arithmetic3A_618 : i32 to vector<16xi32>
      %shift_right_arithmetic3A_620 = arith.shrsi %add3A_617, %shift_right_arithmetic3A_619 : vector<16xi32>
      %gather3A_621 = tpu.vector_load_idx %arg11[%shift_right_arithmetic3A_620] : memref<640xi32, #tpu.memory_space<vmem>>[vector<16xi32>], vector<16xi32>,
      %le3A_622 = arith.cmpi sle, %gather3A_621, %add3A_592 : vector<16xi32>
      %select_n3A_623 = arith.select %le3A_622, %shift_right_arithmetic3A_620, %select_n3A_615 : vector<16xi1>, vector<16xi32>
      %select_n3A_624 = arith.select %le3A_622, %select_n3A_616, %shift_right_arithmetic3A_620 : vector<16xi1>, vector<16xi32>
      %add3A_625 = arith.addi %select_n3A_623, %select_n3A_624 : vector<16xi32>
      %shift_right_arithmetic3A_626 = arith.constant 1 : i32
      %shift_right_arithmetic3A_627 = vector.broadcast %shift_right_arithmetic3A_626 : i32 to vector<16xi32>
      %shift_right_arithmetic3A_628 = arith.shrsi %add3A_625, %shift_right_arithmetic3A_627 : vector<16xi32>
      %gather3A_629 = tpu.vector_load_idx %arg11[%shift_right_arithmetic3A_628] : memref<640xi32, #tpu.memory_space<vmem>>[vector<16xi32>], vector<16xi32>,
      %le3A_630 = arith.cmpi sle, %gather3A_629, %add3A_592 : vector<16xi32>
      %select_n3A_631 = arith.select %le3A_630, %shift_right_arithmetic3A_628, %select_n3A_623 : vector<16xi1>, vector<16xi32>
      %select_n3A_632 = arith.select %le3A_630, %select_n3A_624, %shift_right_arithmetic3A_628 : vector<16xi1>, vector<16xi32>
      %add3A_633 = arith.addi %select_n3A_631, %select_n3A_632 : vector<16xi32>
      %shift_right_arithmetic3A_634 = arith.constant 1 : i32
      %shift_right_arithmetic3A_635 = vector.broadcast %shift_right_arithmetic3A_634 : i32 to vector<16xi32>
      %shift_right_arithmetic3A_636 = arith.shrsi %add3A_633, %shift_right_arithmetic3A_635 : vector<16xi32>
      %gather3A_637 = tpu.vector_load_idx %arg11[%shift_right_arithmetic3A_636] : memref<640xi32, #tpu.memory_space<vmem>>[vector<16xi32>], vector<16xi32>,
      %le3A_638 = arith.cmpi sle, %gather3A_637, %add3A_592 : vector<16xi32>
      %select_n3A_639 = arith.select %le3A_638, %shift_right_arithmetic3A_636, %select_n3A_631 : vector<16xi1>, vector<16xi32>
      %select_n3A_640 = arith.select %le3A_638, %select_n3A_632, %shift_right_arithmetic3A_636 : vector<16xi1>, vector<16xi32>
      %add3A_641 = arith.addi %select_n3A_639, %select_n3A_640 : vector<16xi32>
      %shift_right_arithmetic3A_642 = arith.constant 1 : i32
      %shift_right_arithmetic3A_643 = vector.broadcast %shift_right_arithmetic3A_642 : i32 to vector<16xi32>
      %shift_right_arithmetic3A_644 = arith.shrsi %add3A_641, %shift_right_arithmetic3A_643 : vector<16xi32>
      %gather3A_645 = tpu.vector_load_idx %arg11[%shift_right_arithmetic3A_644] : memref<640xi32, #tpu.memory_space<vmem>>[vector<16xi32>], vector<16xi32>,
      %le3A_646 = arith.cmpi sle, %gather3A_645, %add3A_592 : vector<16xi32>
      %select_n3A_647 = arith.select %le3A_646, %shift_right_arithmetic3A_644, %select_n3A_639 : vector<16xi1>, vector<16xi32>
      %select_n3A_648 = arith.select %le3A_646, %select_n3A_640, %shift_right_arithmetic3A_644 : vector<16xi1>, vector<16xi32>
      %add3A_649 = arith.addi %select_n3A_647, %select_n3A_648 : vector<16xi32>
      %shift_right_arithmetic3A_650 = arith.constant 1 : i32
      %shift_right_arithmetic3A_651 = vector.broadcast %shift_right_arithmetic3A_650 : i32 to vector<16xi32>
      %shift_right_arithmetic3A_652 = arith.shrsi %add3A_649, %shift_right_arithmetic3A_651 : vector<16xi32>
      %gather3A_653 = tpu.vector_load_idx %arg11[%shift_right_arithmetic3A_652] : memref<640xi32, #tpu.memory_space<vmem>>[vector<16xi32>], vector<16xi32>,
      %le3A_654 = arith.cmpi sle, %gather3A_653, %add3A_592 : vector<16xi32>
      %select_n3A_655 = arith.select %le3A_654, %shift_right_arithmetic3A_652, %select_n3A_647 : vector<16xi1>, vector<16xi32>
      %select_n3A_656 = arith.select %le3A_654, %select_n3A_648, %shift_right_arithmetic3A_652 : vector<16xi1>, vector<16xi32>
      %add3A_657 = arith.addi %select_n3A_655, %select_n3A_656 : vector<16xi32>
      %shift_right_arithmetic3A_658 = arith.constant 1 : i32
      %shift_right_arithmetic3A_659 = vector.broadcast %shift_right_arithmetic3A_658 : i32 to vector<16xi32>
      %shift_right_arithmetic3A_660 = arith.shrsi %add3A_657, %shift_right_arithmetic3A_659 : vector<16xi32>
      %gather3A_661 = tpu.vector_load_idx %arg11[%shift_right_arithmetic3A_660] : memref<640xi32, #tpu.memory_space<vmem>>[vector<16xi32>], vector<16xi32>,
      %le3A_662 = arith.cmpi sle, %gather3A_661, %add3A_592 : vector<16xi32>
      %select_n3A_663 = arith.select %le3A_662, %shift_right_arithmetic3A_660, %select_n3A_655 : vector<16xi1>, vector<16xi32>
      %select_n3A_664 = arith.select %le3A_662, %select_n3A_656, %shift_right_arithmetic3A_660 : vector<16xi1>, vector<16xi32>
      %add3A_665 = arith.addi %select_n3A_663, %select_n3A_664 : vector<16xi32>
      %shift_right_arithmetic3A_666 = arith.constant 1 : i32
      %shift_right_arithmetic3A_667 = vector.broadcast %shift_right_arithmetic3A_666 : i32 to vector<16xi32>
      %shift_right_arithmetic3A_668 = arith.shrsi %add3A_665, %shift_right_arithmetic3A_667 : vector<16xi32>
      %gather3A_669 = tpu.vector_load_idx %arg11[%shift_right_arithmetic3A_668] : memref<640xi32, #tpu.memory_space<vmem>>[vector<16xi32>], vector<16xi32>,
      %le3A_670 = arith.cmpi sle, %gather3A_669, %add3A_592 : vector<16xi32>
      %select_n3A_671 = arith.select %le3A_670, %shift_right_arithmetic3A_668, %select_n3A_663 : vector<16xi1>, vector<16xi32>
      %select_n3A_672 = arith.select %le3A_670, %select_n3A_664, %shift_right_arithmetic3A_668 : vector<16xi1>, vector<16xi32>
      %add3A_673 = arith.addi %select_n3A_671, %select_n3A_672 : vector<16xi32>
      %shift_right_arithmetic3A_674 = arith.constant 1 : i32
      %shift_right_arithmetic3A_675 = vector.broadcast %shift_right_arithmetic3A_674 : i32 to vector<16xi32>
      %shift_right_arithmetic3A_676 = arith.shrsi %add3A_673, %shift_right_arithmetic3A_675 : vector<16xi32>
      %gather3A_677 = tpu.vector_load_idx %arg11[%shift_right_arithmetic3A_676] : memref<640xi32, #tpu.memory_space<vmem>>[vector<16xi32>], vector<16xi32>,
      %le3A_678 = arith.cmpi sle, %gather3A_677, %add3A_592 : vector<16xi32>
      %select_n3A_679 = arith.select %le3A_678, %shift_right_arithmetic3A_676, %select_n3A_671 : vector<16xi1>, vector<16xi32>
      %select_n3A_680 = arith.select %le3A_678, %select_n3A_672, %shift_right_arithmetic3A_676 : vector<16xi1>, vector<16xi32>
      %add3A_681 = arith.addi %select_n3A_679, %select_n3A_680 : vector<16xi32>
      %shift_right_arithmetic3A_682 = arith.constant 1 : i32
      %shift_right_arithmetic3A_683 = vector.broadcast %shift_right_arithmetic3A_682 : i32 to vector<16xi32>
      %shift_right_arithmetic3A_684 = arith.shrsi %add3A_681, %shift_right_arithmetic3A_683 : vector<16xi32>
      %gather3A_685 = tpu.vector_load_idx %arg11[%shift_right_arithmetic3A_684] : memref<640xi32, #tpu.memory_space<vmem>>[vector<16xi32>], vector<16xi32>,
      %le3A_686 = arith.cmpi sle, %gather3A_685, %add3A_592 : vector<16xi32>
      %select_n3A_687 = arith.select %le3A_686, %shift_right_arithmetic3A_684, %select_n3A_679 : vector<16xi1>, vector<16xi32>
      %select_n3A_688 = arith.select %le3A_686, %select_n3A_680, %shift_right_arithmetic3A_684 : vector<16xi1>, vector<16xi32>
      %add3A_689 = vector.broadcast %mul3A_4 : i32 to vector<16xi32>
      %add3A_690 = arith.addi %select_n3A_687, %add3A_689 : vector<16xi32>
      %swap3A_691 = arith.constant 80 : index
      %swap3A_692 = tpu.vector_load %arg16[%swap3A_691] {strides = array<i32>} : memref<128xi32, #tpu.memory_space<vmem>>, vector<16xi32>,
      tpu.vector_store %arg16[%swap3A_691], %add3A_690 {strides = array<i32>} : memref<128xi32, #tpu.memory_space<vmem>>, vector<16xi32>,
      %add3A_693 = arith.constant 96 : i32
      %add3A_694 = arith.addi %multiple_of3A_58, %add3A_693 : i32
      %broadcast_in_dim3A_695 = vector.broadcast %add3A_694 : i32 to vector<16xi32>
      %add3A_696 = arith.addi %broadcast_in_dim3A_695, %iota3A : vector<16xi32>
      %ge3A_697 = vector.broadcast %squeeze3A : i32 to vector<16xi32>
      %ge3A_698 = arith.cmpi sge, %add3A_696, %ge3A_697 : vector<16xi32>
      %lt3A_699 = vector.broadcast %squeeze3A_11 : i32 to vector<16xi32>
      %lt3A_700 = arith.cmpi slt, %add3A_696, %lt3A_699 : vector<16xi32>
      %and3A_701 = arith.andi %ge3A_698, %lt3A_700 : vector<16xi1>
      %get3A_702 = arith.constant 96 : index
      %get3A_703 = tpu.vector_load %arg14[%get3A_702] {strides = array<i32>} : memref<128xf32, #tpu.memory_space<vmem>>, vector<16xf32>,
      %jit3A_704 = arith.constant 0.000000e+00 : f32
      %broadcast_in_dim3A_705 = vector.broadcast %jit3A_704 : f32 to vector<16xf32>
      %select_n3A_706 = arith.select %and3A_701, %get3A_703, %broadcast_in_dim3A_705 : vector<16xi1>, vector<16xf32>
      %swap3A_707 = arith.constant 96 : index
      %swap3A_708 = tpu.vector_load %arg14[%swap3A_707] {strides = array<i32>} : memref<128xf32, #tpu.memory_space<vmem>>, vector<16xf32>,
      tpu.vector_store %arg14[%swap3A_707], %select_n3A_706 {strides = array<i32>} : memref<128xf32, #tpu.memory_space<vmem>>, vector<16xf32>,
      %broadcast_in_dim3A_709 = arith.constant 0 : i32
      %broadcast_in_dim3A_710 = vector.broadcast %broadcast_in_dim3A_709 : i32 to vector<16xi32>
      %broadcast_in_dim3A_711 = arith.constant 632 : i32
      %broadcast_in_dim3A_712 = vector.broadcast %broadcast_in_dim3A_711 : i32 to vector<16xi32>
      %add3A_713 = arith.addi %broadcast_in_dim3A_710, %broadcast_in_dim3A_712 : vector<16xi32>
      %shift_right_arithmetic3A_714 = arith.constant 1 : i32
      %shift_right_arithmetic3A_715 = vector.broadcast %shift_right_arithmetic3A_714 : i32 to vector<16xi32>
      %shift_right_arithmetic3A_716 = arith.shrsi %add3A_713, %shift_right_arithmetic3A_715 : vector<16xi32>
      %gather3A_717 = tpu.vector_load_idx %arg11[%shift_right_arithmetic3A_716] : memref<640xi32, #tpu.memory_space<vmem>>[vector<16xi32>], vector<16xi32>,
      %le3A_718 = arith.cmpi sle, %gather3A_717, %add3A_696 : vector<16xi32>
      %select_n3A_719 = arith.select %le3A_718, %shift_right_arithmetic3A_716, %broadcast_in_dim3A_710 : vector<16xi1>, vector<16xi32>
      %select_n3A_720 = arith.select %le3A_718, %broadcast_in_dim3A_712, %shift_right_arithmetic3A_716 : vector<16xi1>, vector<16xi32>
      %add3A_721 = arith.addi %select_n3A_719, %select_n3A_720 : vector<16xi32>
      %shift_right_arithmetic3A_722 = arith.constant 1 : i32
      %shift_right_arithmetic3A_723 = vector.broadcast %shift_right_arithmetic3A_722 : i32 to vector<16xi32>
      %shift_right_arithmetic3A_724 = arith.shrsi %add3A_721, %shift_right_arithmetic3A_723 : vector<16xi32>
      %gather3A_725 = tpu.vector_load_idx %arg11[%shift_right_arithmetic3A_724] : memref<640xi32, #tpu.memory_space<vmem>>[vector<16xi32>], vector<16xi32>,
      %le3A_726 = arith.cmpi sle, %gather3A_725, %add3A_696 : vector<16xi32>
      %select_n3A_727 = arith.select %le3A_726, %shift_right_arithmetic3A_724, %select_n3A_719 : vector<16xi1>, vector<16xi32>
      %select_n3A_728 = arith.select %le3A_726, %select_n3A_720, %shift_right_arithmetic3A_724 : vector<16xi1>, vector<16xi32>
      %add3A_729 = arith.addi %select_n3A_727, %select_n3A_728 : vector<16xi32>
      %shift_right_arithmetic3A_730 = arith.constant 1 : i32
      %shift_right_arithmetic3A_731 = vector.broadcast %shift_right_arithmetic3A_730 : i32 to vector<16xi32>
      %shift_right_arithmetic3A_732 = arith.shrsi %add3A_729, %shift_right_arithmetic3A_731 : vector<16xi32>
      %gather3A_733 = tpu.vector_load_idx %arg11[%shift_right_arithmetic3A_732] : memref<640xi32, #tpu.memory_space<vmem>>[vector<16xi32>], vector<16xi32>,
      %le3A_734 = arith.cmpi sle, %gather3A_733, %add3A_696 : vector<16xi32>
      %select_n3A_735 = arith.select %le3A_734, %shift_right_arithmetic3A_732, %select_n3A_727 : vector<16xi1>, vector<16xi32>
      %select_n3A_736 = arith.select %le3A_734, %select_n3A_728, %shift_right_arithmetic3A_732 : vector<16xi1>, vector<16xi32>
      %add3A_737 = arith.addi %select_n3A_735, %select_n3A_736 : vector<16xi32>
      %shift_right_arithmetic3A_738 = arith.constant 1 : i32
      %shift_right_arithmetic3A_739 = vector.broadcast %shift_right_arithmetic3A_738 : i32 to vector<16xi32>
      %shift_right_arithmetic3A_740 = arith.shrsi %add3A_737, %shift_right_arithmetic3A_739 : vector<16xi32>
      %gather3A_741 = tpu.vector_load_idx %arg11[%shift_right_arithmetic3A_740] : memref<640xi32, #tpu.memory_space<vmem>>[vector<16xi32>], vector<16xi32>,
      %le3A_742 = arith.cmpi sle, %gather3A_741, %add3A_696 : vector<16xi32>
      %select_n3A_743 = arith.select %le3A_742, %shift_right_arithmetic3A_740, %select_n3A_735 : vector<16xi1>, vector<16xi32>
      %select_n3A_744 = arith.select %le3A_742, %select_n3A_736, %shift_right_arithmetic3A_740 : vector<16xi1>, vector<16xi32>
      %add3A_745 = arith.addi %select_n3A_743, %select_n3A_744 : vector<16xi32>
      %shift_right_arithmetic3A_746 = arith.constant 1 : i32
      %shift_right_arithmetic3A_747 = vector.broadcast %shift_right_arithmetic3A_746 : i32 to vector<16xi32>
      %shift_right_arithmetic3A_748 = arith.shrsi %add3A_745, %shift_right_arithmetic3A_747 : vector<16xi32>
      %gather3A_749 = tpu.vector_load_idx %arg11[%shift_right_arithmetic3A_748] : memref<640xi32, #tpu.memory_space<vmem>>[vector<16xi32>], vector<16xi32>,
      %le3A_750 = arith.cmpi sle, %gather3A_749, %add3A_696 : vector<16xi32>
      %select_n3A_751 = arith.select %le3A_750, %shift_right_arithmetic3A_748, %select_n3A_743 : vector<16xi1>, vector<16xi32>
      %select_n3A_752 = arith.select %le3A_750, %select_n3A_744, %shift_right_arithmetic3A_748 : vector<16xi1>, vector<16xi32>
      %add3A_753 = arith.addi %select_n3A_751, %select_n3A_752 : vector<16xi32>
      %shift_right_arithmetic3A_754 = arith.constant 1 : i32
      %shift_right_arithmetic3A_755 = vector.broadcast %shift_right_arithmetic3A_754 : i32 to vector<16xi32>
      %shift_right_arithmetic3A_756 = arith.shrsi %add3A_753, %shift_right_arithmetic3A_755 : vector<16xi32>
      %gather3A_757 = tpu.vector_load_idx %arg11[%shift_right_arithmetic3A_756] : memref<640xi32, #tpu.memory_space<vmem>>[vector<16xi32>], vector<16xi32>,
      %le3A_758 = arith.cmpi sle, %gather3A_757, %add3A_696 : vector<16xi32>
      %select_n3A_759 = arith.select %le3A_758, %shift_right_arithmetic3A_756, %select_n3A_751 : vector<16xi1>, vector<16xi32>
      %select_n3A_760 = arith.select %le3A_758, %select_n3A_752, %shift_right_arithmetic3A_756 : vector<16xi1>, vector<16xi32>
      %add3A_761 = arith.addi %select_n3A_759, %select_n3A_760 : vector<16xi32>
      %shift_right_arithmetic3A_762 = arith.constant 1 : i32
      %shift_right_arithmetic3A_763 = vector.broadcast %shift_right_arithmetic3A_762 : i32 to vector<16xi32>
      %shift_right_arithmetic3A_764 = arith.shrsi %add3A_761, %shift_right_arithmetic3A_763 : vector<16xi32>
      %gather3A_765 = tpu.vector_load_idx %arg11[%shift_right_arithmetic3A_764] : memref<640xi32, #tpu.memory_space<vmem>>[vector<16xi32>], vector<16xi32>,
      %le3A_766 = arith.cmpi sle, %gather3A_765, %add3A_696 : vector<16xi32>
      %select_n3A_767 = arith.select %le3A_766, %shift_right_arithmetic3A_764, %select_n3A_759 : vector<16xi1>, vector<16xi32>
      %select_n3A_768 = arith.select %le3A_766, %select_n3A_760, %shift_right_arithmetic3A_764 : vector<16xi1>, vector<16xi32>
      %add3A_769 = arith.addi %select_n3A_767, %select_n3A_768 : vector<16xi32>
      %shift_right_arithmetic3A_770 = arith.constant 1 : i32
      %shift_right_arithmetic3A_771 = vector.broadcast %shift_right_arithmetic3A_770 : i32 to vector<16xi32>
      %shift_right_arithmetic3A_772 = arith.shrsi %add3A_769, %shift_right_arithmetic3A_771 : vector<16xi32>
      %gather3A_773 = tpu.vector_load_idx %arg11[%shift_right_arithmetic3A_772] : memref<640xi32, #tpu.memory_space<vmem>>[vector<16xi32>], vector<16xi32>,
      %le3A_774 = arith.cmpi sle, %gather3A_773, %add3A_696 : vector<16xi32>
      %select_n3A_775 = arith.select %le3A_774, %shift_right_arithmetic3A_772, %select_n3A_767 : vector<16xi1>, vector<16xi32>
      %select_n3A_776 = arith.select %le3A_774, %select_n3A_768, %shift_right_arithmetic3A_772 : vector<16xi1>, vector<16xi32>
      %add3A_777 = arith.addi %select_n3A_775, %select_n3A_776 : vector<16xi32>
      %shift_right_arithmetic3A_778 = arith.constant 1 : i32
      %shift_right_arithmetic3A_779 = vector.broadcast %shift_right_arithmetic3A_778 : i32 to vector<16xi32>
      %shift_right_arithmetic3A_780 = arith.shrsi %add3A_777, %shift_right_arithmetic3A_779 : vector<16xi32>
      %gather3A_781 = tpu.vector_load_idx %arg11[%shift_right_arithmetic3A_780] : memref<640xi32, #tpu.memory_space<vmem>>[vector<16xi32>], vector<16xi32>,
      %le3A_782 = arith.cmpi sle, %gather3A_781, %add3A_696 : vector<16xi32>
      %select_n3A_783 = arith.select %le3A_782, %shift_right_arithmetic3A_780, %select_n3A_775 : vector<16xi1>, vector<16xi32>
      %select_n3A_784 = arith.select %le3A_782, %select_n3A_776, %shift_right_arithmetic3A_780 : vector<16xi1>, vector<16xi32>
      %add3A_785 = arith.addi %select_n3A_783, %select_n3A_784 : vector<16xi32>
      %shift_right_arithmetic3A_786 = arith.constant 1 : i32
      %shift_right_arithmetic3A_787 = vector.broadcast %shift_right_arithmetic3A_786 : i32 to vector<16xi32>
      %shift_right_arithmetic3A_788 = arith.shrsi %add3A_785, %shift_right_arithmetic3A_787 : vector<16xi32>
      %gather3A_789 = tpu.vector_load_idx %arg11[%shift_right_arithmetic3A_788] : memref<640xi32, #tpu.memory_space<vmem>>[vector<16xi32>], vector<16xi32>,
      %le3A_790 = arith.cmpi sle, %gather3A_789, %add3A_696 : vector<16xi32>
      %select_n3A_791 = arith.select %le3A_790, %shift_right_arithmetic3A_788, %select_n3A_783 : vector<16xi1>, vector<16xi32>
      %select_n3A_792 = arith.select %le3A_790, %select_n3A_784, %shift_right_arithmetic3A_788 : vector<16xi1>, vector<16xi32>
      %add3A_793 = vector.broadcast %mul3A_4 : i32 to vector<16xi32>
      %add3A_794 = arith.addi %select_n3A_791, %add3A_793 : vector<16xi32>
      %swap3A_795 = arith.constant 96 : index
      %swap3A_796 = tpu.vector_load %arg16[%swap3A_795] {strides = array<i32>} : memref<128xi32, #tpu.memory_space<vmem>>, vector<16xi32>,
      tpu.vector_store %arg16[%swap3A_795], %add3A_794 {strides = array<i32>} : memref<128xi32, #tpu.memory_space<vmem>>, vector<16xi32>,
      %add3A_797 = arith.constant 112 : i32
      %add3A_798 = arith.addi %multiple_of3A_58, %add3A_797 : i32
      %broadcast_in_dim3A_799 = vector.broadcast %add3A_798 : i32 to vector<16xi32>
      %add3A_800 = arith.addi %broadcast_in_dim3A_799, %iota3A : vector<16xi32>
      %ge3A_801 = vector.broadcast %squeeze3A : i32 to vector<16xi32>
      %ge3A_802 = arith.cmpi sge, %add3A_800, %ge3A_801 : vector<16xi32>
      %lt3A_803 = vector.broadcast %squeeze3A_11 : i32 to vector<16xi32>
      %lt3A_804 = arith.cmpi slt, %add3A_800, %lt3A_803 : vector<16xi32>
      %and3A_805 = arith.andi %ge3A_802, %lt3A_804 : vector<16xi1>
      %get3A_806 = arith.constant 112 : index
      %get3A_807 = tpu.vector_load %arg14[%get3A_806] {strides = array<i32>} : memref<128xf32, #tpu.memory_space<vmem>>, vector<16xf32>,
      %jit3A_808 = arith.constant 0.000000e+00 : f32
      %broadcast_in_dim3A_809 = vector.broadcast %jit3A_808 : f32 to vector<16xf32>
      %select_n3A_810 = arith.select %and3A_805, %get3A_807, %broadcast_in_dim3A_809 : vector<16xi1>, vector<16xf32>
      %swap3A_811 = arith.constant 112 : index
      %swap3A_812 = tpu.vector_load %arg14[%swap3A_811] {strides = array<i32>} : memref<128xf32, #tpu.memory_space<vmem>>, vector<16xf32>,
      tpu.vector_store %arg14[%swap3A_811], %select_n3A_810 {strides = array<i32>} : memref<128xf32, #tpu.memory_space<vmem>>, vector<16xf32>,
      %broadcast_in_dim3A_813 = arith.constant 0 : i32
      %broadcast_in_dim3A_814 = vector.broadcast %broadcast_in_dim3A_813 : i32 to vector<16xi32>
      %broadcast_in_dim3A_815 = arith.constant 632 : i32
      %broadcast_in_dim3A_816 = vector.broadcast %broadcast_in_dim3A_815 : i32 to vector<16xi32>
      %add3A_817 = arith.addi %broadcast_in_dim3A_814, %broadcast_in_dim3A_816 : vector<16xi32>
      %shift_right_arithmetic3A_818 = arith.constant 1 : i32
      %shift_right_arithmetic3A_819 = vector.broadcast %shift_right_arithmetic3A_818 : i32 to vector<16xi32>
      %shift_right_arithmetic3A_820 = arith.shrsi %add3A_817, %shift_right_arithmetic3A_819 : vector<16xi32>
      %gather3A_821 = tpu.vector_load_idx %arg11[%shift_right_arithmetic3A_820] : memref<640xi32, #tpu.memory_space<vmem>>[vector<16xi32>], vector<16xi32>,
      %le3A_822 = arith.cmpi sle, %gather3A_821, %add3A_800 : vector<16xi32>
      %select_n3A_823 = arith.select %le3A_822, %shift_right_arithmetic3A_820, %broadcast_in_dim3A_814 : vector<16xi1>, vector<16xi32>
      %select_n3A_824 = arith.select %le3A_822, %broadcast_in_dim3A_816, %shift_right_arithmetic3A_820 : vector<16xi1>, vector<16xi32>
      %add3A_825 = arith.addi %select_n3A_823, %select_n3A_824 : vector<16xi32>
      %shift_right_arithmetic3A_826 = arith.constant 1 : i32
      %shift_right_arithmetic3A_827 = vector.broadcast %shift_right_arithmetic3A_826 : i32 to vector<16xi32>
      %shift_right_arithmetic3A_828 = arith.shrsi %add3A_825, %shift_right_arithmetic3A_827 : vector<16xi32>
      %gather3A_829 = tpu.vector_load_idx %arg11[%shift_right_arithmetic3A_828] : memref<640xi32, #tpu.memory_space<vmem>>[vector<16xi32>], vector<16xi32>,
      %le3A_830 = arith.cmpi sle, %gather3A_829, %add3A_800 : vector<16xi32>
      %select_n3A_831 = arith.select %le3A_830, %shift_right_arithmetic3A_828, %select_n3A_823 : vector<16xi1>, vector<16xi32>
      %select_n3A_832 = arith.select %le3A_830, %select_n3A_824, %shift_right_arithmetic3A_828 : vector<16xi1>, vector<16xi32>
      %add3A_833 = arith.addi %select_n3A_831, %select_n3A_832 : vector<16xi32>
      %shift_right_arithmetic3A_834 = arith.constant 1 : i32
      %shift_right_arithmetic3A_835 = vector.broadcast %shift_right_arithmetic3A_834 : i32 to vector<16xi32>
      %shift_right_arithmetic3A_836 = arith.shrsi %add3A_833, %shift_right_arithmetic3A_835 : vector<16xi32>
      %gather3A_837 = tpu.vector_load_idx %arg11[%shift_right_arithmetic3A_836] : memref<640xi32, #tpu.memory_space<vmem>>[vector<16xi32>], vector<16xi32>,
      %le3A_838 = arith.cmpi sle, %gather3A_837, %add3A_800 : vector<16xi32>
      %select_n3A_839 = arith.select %le3A_838, %shift_right_arithmetic3A_836, %select_n3A_831 : vector<16xi1>, vector<16xi32>
      %select_n3A_840 = arith.select %le3A_838, %select_n3A_832, %shift_right_arithmetic3A_836 : vector<16xi1>, vector<16xi32>
      %add3A_841 = arith.addi %select_n3A_839, %select_n3A_840 : vector<16xi32>
      %shift_right_arithmetic3A_842 = arith.constant 1 : i32
      %shift_right_arithmetic3A_843 = vector.broadcast %shift_right_arithmetic3A_842 : i32 to vector<16xi32>
      %shift_right_arithmetic3A_844 = arith.shrsi %add3A_841, %shift_right_arithmetic3A_843 : vector<16xi32>
      %gather3A_845 = tpu.vector_load_idx %arg11[%shift_right_arithmetic3A_844] : memref<640xi32, #tpu.memory_space<vmem>>[vector<16xi32>], vector<16xi32>,
      %le3A_846 = arith.cmpi sle, %gather3A_845, %add3A_800 : vector<16xi32>
      %select_n3A_847 = arith.select %le3A_846, %shift_right_arithmetic3A_844, %select_n3A_839 : vector<16xi1>, vector<16xi32>
      %select_n3A_848 = arith.select %le3A_846, %select_n3A_840, %shift_right_arithmetic3A_844 : vector<16xi1>, vector<16xi32>
      %add3A_849 = arith.addi %select_n3A_847, %select_n3A_848 : vector<16xi32>
      %shift_right_arithmetic3A_850 = arith.constant 1 : i32
      %shift_right_arithmetic3A_851 = vector.broadcast %shift_right_arithmetic3A_850 : i32 to vector<16xi32>
      %shift_right_arithmetic3A_852 = arith.shrsi %add3A_849, %shift_right_arithmetic3A_851 : vector<16xi32>
      %gather3A_853 = tpu.vector_load_idx %arg11[%shift_right_arithmetic3A_852] : memref<640xi32, #tpu.memory_space<vmem>>[vector<16xi32>], vector<16xi32>,
      %le3A_854 = arith.cmpi sle, %gather3A_853, %add3A_800 : vector<16xi32>
      %select_n3A_855 = arith.select %le3A_854, %shift_right_arithmetic3A_852, %select_n3A_847 : vector<16xi1>, vector<16xi32>
      %select_n3A_856 = arith.select %le3A_854, %select_n3A_848, %shift_right_arithmetic3A_852 : vector<16xi1>, vector<16xi32>
      %add3A_857 = arith.addi %select_n3A_855, %select_n3A_856 : vector<16xi32>
      %shift_right_arithmetic3A_858 = arith.constant 1 : i32
      %shift_right_arithmetic3A_859 = vector.broadcast %shift_right_arithmetic3A_858 : i32 to vector<16xi32>
      %shift_right_arithmetic3A_860 = arith.shrsi %add3A_857, %shift_right_arithmetic3A_859 : vector<16xi32>
      %gather3A_861 = tpu.vector_load_idx %arg11[%shift_right_arithmetic3A_860] : memref<640xi32, #tpu.memory_space<vmem>>[vector<16xi32>], vector<16xi32>,
      %le3A_862 = arith.cmpi sle, %gather3A_861, %add3A_800 : vector<16xi32>
      %select_n3A_863 = arith.select %le3A_862, %shift_right_arithmetic3A_860, %select_n3A_855 : vector<16xi1>, vector<16xi32>
      %select_n3A_864 = arith.select %le3A_862, %select_n3A_856, %shift_right_arithmetic3A_860 : vector<16xi1>, vector<16xi32>
      %add3A_865 = arith.addi %select_n3A_863, %select_n3A_864 : vector<16xi32>
      %shift_right_arithmetic3A_866 = arith.constant 1 : i32
      %shift_right_arithmetic3A_867 = vector.broadcast %shift_right_arithmetic3A_866 : i32 to vector<16xi32>
      %shift_right_arithmetic3A_868 = arith.shrsi %add3A_865, %shift_right_arithmetic3A_867 : vector<16xi32>
      %gather3A_869 = tpu.vector_load_idx %arg11[%shift_right_arithmetic3A_868] : memref<640xi32, #tpu.memory_space<vmem>>[vector<16xi32>], vector<16xi32>,
      %le3A_870 = arith.cmpi sle, %gather3A_869, %add3A_800 : vector<16xi32>
      %select_n3A_871 = arith.select %le3A_870, %shift_right_arithmetic3A_868, %select_n3A_863 : vector<16xi1>, vector<16xi32>
      %select_n3A_872 = arith.select %le3A_870, %select_n3A_864, %shift_right_arithmetic3A_868 : vector<16xi1>, vector<16xi32>
      %add3A_873 = arith.addi %select_n3A_871, %select_n3A_872 : vector<16xi32>
      %shift_right_arithmetic3A_874 = arith.constant 1 : i32
      %shift_right_arithmetic3A_875 = vector.broadcast %shift_right_arithmetic3A_874 : i32 to vector<16xi32>
      %shift_right_arithmetic3A_876 = arith.shrsi %add3A_873, %shift_right_arithmetic3A_875 : vector<16xi32>
      %gather3A_877 = tpu.vector_load_idx %arg11[%shift_right_arithmetic3A_876] : memref<640xi32, #tpu.memory_space<vmem>>[vector<16xi32>], vector<16xi32>,
      %le3A_878 = arith.cmpi sle, %gather3A_877, %add3A_800 : vector<16xi32>
      %select_n3A_879 = arith.select %le3A_878, %shift_right_arithmetic3A_876, %select_n3A_871 : vector<16xi1>, vector<16xi32>
      %select_n3A_880 = arith.select %le3A_878, %select_n3A_872, %shift_right_arithmetic3A_876 : vector<16xi1>, vector<16xi32>
      %add3A_881 = arith.addi %select_n3A_879, %select_n3A_880 : vector<16xi32>
      %shift_right_arithmetic3A_882 = arith.constant 1 : i32
      %shift_right_arithmetic3A_883 = vector.broadcast %shift_right_arithmetic3A_882 : i32 to vector<16xi32>
      %shift_right_arithmetic3A_884 = arith.shrsi %add3A_881, %shift_right_arithmetic3A_883 : vector<16xi32>
      %gather3A_885 = tpu.vector_load_idx %arg11[%shift_right_arithmetic3A_884] : memref<640xi32, #tpu.memory_space<vmem>>[vector<16xi32>], vector<16xi32>,
      %le3A_886 = arith.cmpi sle, %gather3A_885, %add3A_800 : vector<16xi32>
      %select_n3A_887 = arith.select %le3A_886, %shift_right_arithmetic3A_884, %select_n3A_879 : vector<16xi1>, vector<16xi32>
      %select_n3A_888 = arith.select %le3A_886, %select_n3A_880, %shift_right_arithmetic3A_884 : vector<16xi1>, vector<16xi32>
      %add3A_889 = arith.addi %select_n3A_887, %select_n3A_888 : vector<16xi32>
      %shift_right_arithmetic3A_890 = arith.constant 1 : i32
      %shift_right_arithmetic3A_891 = vector.broadcast %shift_right_arithmetic3A_890 : i32 to vector<16xi32>
      %shift_right_arithmetic3A_892 = arith.shrsi %add3A_889, %shift_right_arithmetic3A_891 : vector<16xi32>
      %gather3A_893 = tpu.vector_load_idx %arg11[%shift_right_arithmetic3A_892] : memref<640xi32, #tpu.memory_space<vmem>>[vector<16xi32>], vector<16xi32>,
      %le3A_894 = arith.cmpi sle, %gather3A_893, %add3A_800 : vector<16xi32>
      %select_n3A_895 = arith.select %le3A_894, %shift_right_arithmetic3A_892, %select_n3A_887 : vector<16xi1>, vector<16xi32>
      %select_n3A_896 = arith.select %le3A_894, %select_n3A_888, %shift_right_arithmetic3A_892 : vector<16xi1>, vector<16xi32>
      %add3A_897 = vector.broadcast %mul3A_4 : i32 to vector<16xi32>
      %add3A_898 = arith.addi %select_n3A_895, %add3A_897 : vector<16xi32>
      %swap3A_899 = arith.constant 112 : index
      %swap3A_900 = tpu.vector_load %arg16[%swap3A_899] {strides = array<i32>} : memref<128xi32, #tpu.memory_space<vmem>>, vector<16xi32>,
      tpu.vector_store %arg16[%swap3A_899], %add3A_898 {strides = array<i32>} : memref<128xi32, #tpu.memory_space<vmem>>, vector<16xi32>,
      %dma_wait3A_901 = tpu.memref_slice %arg4[%multiple_of3A_61] : memref<80264xi32, #tpu.memory_space<hbm>> -> memref<128xi32, #tpu.memory_space<hbm>>
      %dma_wait3A_902 = tpu.memref_slice %arg4[%multiple_of3A_61] : memref<80264xi32, #tpu.memory_space<hbm>> -> memref<128xi32, #tpu.memory_space<hbm>>
      tpu.wait_dma2 semaphore(%arg19 : memref<!tpu.dma_semaphore, #tpu.memory_space<semaphore_mem>>) src(%dma_wait3A_902 : memref<128xi32, #tpu.memory_space<hbm>>) dst(%arg13 : memref<128xi32, #tpu.memory_space<vmem>>)
      %dma_wait3A_903 = tpu.memref_slice %arg5[%multiple_of3A_61] : memref<80264xf32, #tpu.memory_space<hbm>> -> memref<128xf32, #tpu.memory_space<hbm>>
      %dma_wait3A_904 = tpu.memref_slice %arg5[%multiple_of3A_61] : memref<80264xf32, #tpu.memory_space<hbm>> -> memref<128xf32, #tpu.memory_space<hbm>>
      tpu.wait_dma2 semaphore(%arg19 : memref<!tpu.dma_semaphore, #tpu.memory_space<semaphore_mem>>) src(%dma_wait3A_904 : memref<128xf32, #tpu.memory_space<hbm>>) dst(%arg15 : memref<128xf32, #tpu.memory_space<vmem>>)
      %dma_start3A_905 = arith.constant 0 : i32
      %dma_start3A_906 = arith.constant 0 : i32
      %dma_start3A_907 = tpu.memref_slice %arg6[%dma_start3A_905, %dma_start3A_906] : memref<10000x128xf32, #tpu.memory_space<hbm>> -> memref<10000x128xf32, #tpu.memory_space<hbm>>
      tpu.enqueue_indirect_dma source(%dma_start3A_907 : memref<10000x128xf32, #tpu.memory_space<hbm>>) target(%arg10 : memref<128x128xf32, #tpu.memory_space<vmem>>) offsets(%arg13 : memref<128xi32, #tpu.memory_space<vmem>>) semaphore(%arg21 : memref<!tpu.dma_semaphore, #tpu.memory_space<semaphore_mem>>)
      %add3A_908 = arith.constant 0 : i32
      %add3A_909 = arith.addi %multiple_of3A_61, %add3A_908 : i32
      %broadcast_in_dim3A_910 = vector.broadcast %add3A_909 : i32 to vector<16xi32>
      %add3A_911 = arith.addi %broadcast_in_dim3A_910, %iota3A : vector<16xi32>
      %ge3A_912 = vector.broadcast %squeeze3A : i32 to vector<16xi32>
      %ge3A_913 = arith.cmpi sge, %add3A_911, %ge3A_912 : vector<16xi32>
      %lt3A_914 = vector.broadcast %squeeze3A_11 : i32 to vector<16xi32>
      %lt3A_915 = arith.cmpi slt, %add3A_911, %lt3A_914 : vector<16xi32>
      %and3A_916 = arith.andi %ge3A_913, %lt3A_915 : vector<16xi1>
      %get3A_917 = arith.constant 0 : index
      %get3A_918 = tpu.vector_load %arg15[%get3A_917] {strides = array<i32>} : memref<128xf32, #tpu.memory_space<vmem>>, vector<16xf32>,
      %jit3A_919 = arith.constant 0.000000e+00 : f32
      %broadcast_in_dim3A_920 = vector.broadcast %jit3A_919 : f32 to vector<16xf32>
      %select_n3A_921 = arith.select %and3A_916, %get3A_918, %broadcast_in_dim3A_920 : vector<16xi1>, vector<16xf32>
      %swap3A_922 = arith.constant 0 : index
      %swap3A_923 = tpu.vector_load %arg15[%swap3A_922] {strides = array<i32>} : memref<128xf32, #tpu.memory_space<vmem>>, vector<16xf32>,
      tpu.vector_store %arg15[%swap3A_922], %select_n3A_921 {strides = array<i32>} : memref<128xf32, #tpu.memory_space<vmem>>, vector<16xf32>,
      %broadcast_in_dim3A_924 = arith.constant 0 : i32
      %broadcast_in_dim3A_925 = vector.broadcast %broadcast_in_dim3A_924 : i32 to vector<16xi32>
      %broadcast_in_dim3A_926 = arith.constant 632 : i32
      %broadcast_in_dim3A_927 = vector.broadcast %broadcast_in_dim3A_926 : i32 to vector<16xi32>
      %add3A_928 = arith.addi %broadcast_in_dim3A_925, %broadcast_in_dim3A_927 : vector<16xi32>
      %shift_right_arithmetic3A_929 = arith.constant 1 : i32
      %shift_right_arithmetic3A_930 = vector.broadcast %shift_right_arithmetic3A_929 : i32 to vector<16xi32>
      %shift_right_arithmetic3A_931 = arith.shrsi %add3A_928, %shift_right_arithmetic3A_930 : vector<16xi32>
      %gather3A_932 = tpu.vector_load_idx %arg11[%shift_right_arithmetic3A_931] : memref<640xi32, #tpu.memory_space<vmem>>[vector<16xi32>], vector<16xi32>,
      %le3A_933 = arith.cmpi sle, %gather3A_932, %add3A_911 : vector<16xi32>
      %select_n3A_934 = arith.select %le3A_933, %shift_right_arithmetic3A_931, %broadcast_in_dim3A_925 : vector<16xi1>, vector<16xi32>
      %select_n3A_935 = arith.select %le3A_933, %broadcast_in_dim3A_927, %shift_right_arithmetic3A_931 : vector<16xi1>, vector<16xi32>
      %add3A_936 = arith.addi %select_n3A_934, %select_n3A_935 : vector<16xi32>
      %shift_right_arithmetic3A_937 = arith.constant 1 : i32
      %shift_right_arithmetic3A_938 = vector.broadcast %shift_right_arithmetic3A_937 : i32 to vector<16xi32>
      %shift_right_arithmetic3A_939 = arith.shrsi %add3A_936, %shift_right_arithmetic3A_938 : vector<16xi32>
      %gather3A_940 = tpu.vector_load_idx %arg11[%shift_right_arithmetic3A_939] : memref<640xi32, #tpu.memory_space<vmem>>[vector<16xi32>], vector<16xi32>,
      %le3A_941 = arith.cmpi sle, %gather3A_940, %add3A_911 : vector<16xi32>
      %select_n3A_942 = arith.select %le3A_941, %shift_right_arithmetic3A_939, %select_n3A_934 : vector<16xi1>, vector<16xi32>
      %select_n3A_943 = arith.select %le3A_941, %select_n3A_935, %shift_right_arithmetic3A_939 : vector<16xi1>, vector<16xi32>
      %add3A_944 = arith.addi %select_n3A_942, %select_n3A_943 : vector<16xi32>
      %shift_right_arithmetic3A_945 = arith.constant 1 : i32
      %shift_right_arithmetic3A_946 = vector.broadcast %shift_right_arithmetic3A_945 : i32 to vector<16xi32>
      %shift_right_arithmetic3A_947 = arith.shrsi %add3A_944, %shift_right_arithmetic3A_946 : vector<16xi32>
      %gather3A_948 = tpu.vector_load_idx %arg11[%shift_right_arithmetic3A_947] : memref<640xi32, #tpu.memory_space<vmem>>[vector<16xi32>], vector<16xi32>,
      %le3A_949 = arith.cmpi sle, %gather3A_948, %add3A_911 : vector<16xi32>
      %select_n3A_950 = arith.select %le3A_949, %shift_right_arithmetic3A_947, %select_n3A_942 : vector<16xi1>, vector<16xi32>
      %select_n3A_951 = arith.select %le3A_949, %select_n3A_943, %shift_right_arithmetic3A_947 : vector<16xi1>, vector<16xi32>
      %add3A_952 = arith.addi %select_n3A_950, %select_n3A_951 : vector<16xi32>
      %shift_right_arithmetic3A_953 = arith.constant 1 : i32
      %shift_right_arithmetic3A_954 = vector.broadcast %shift_right_arithmetic3A_953 : i32 to vector<16xi32>
      %shift_right_arithmetic3A_955 = arith.shrsi %add3A_952, %shift_right_arithmetic3A_954 : vector<16xi32>
      %gather3A_956 = tpu.vector_load_idx %arg11[%shift_right_arithmetic3A_955] : memref<640xi32, #tpu.memory_space<vmem>>[vector<16xi32>], vector<16xi32>,
      %le3A_957 = arith.cmpi sle, %gather3A_956, %add3A_911 : vector<16xi32>
      %select_n3A_958 = arith.select %le3A_957, %shift_right_arithmetic3A_955, %select_n3A_950 : vector<16xi1>, vector<16xi32>
      %select_n3A_959 = arith.select %le3A_957, %select_n3A_951, %shift_right_arithmetic3A_955 : vector<16xi1>, vector<16xi32>
      %add3A_960 = arith.addi %select_n3A_958, %select_n3A_959 : vector<16xi32>
      %shift_right_arithmetic3A_961 = arith.constant 1 : i32
      %shift_right_arithmetic3A_962 = vector.broadcast %shift_right_arithmetic3A_961 : i32 to vector<16xi32>
      %shift_right_arithmetic3A_963 = arith.shrsi %add3A_960, %shift_right_arithmetic3A_962 : vector<16xi32>
      %gather3A_964 = tpu.vector_load_idx %arg11[%shift_right_arithmetic3A_963] : memref<640xi32, #tpu.memory_space<vmem>>[vector<16xi32>], vector<16xi32>,
      %le3A_965 = arith.cmpi sle, %gather3A_964, %add3A_911 : vector<16xi32>
      %select_n3A_966 = arith.select %le3A_965, %shift_right_arithmetic3A_963, %select_n3A_958 : vector<16xi1>, vector<16xi32>
      %select_n3A_967 = arith.select %le3A_965, %select_n3A_959, %shift_right_arithmetic3A_963 : vector<16xi1>, vector<16xi32>
      %add3A_968 = arith.addi %select_n3A_966, %select_n3A_967 : vector<16xi32>
      %shift_right_arithmetic3A_969 = arith.constant 1 : i32
      %shift_right_arithmetic3A_970 = vector.broadcast %shift_right_arithmetic3A_969 : i32 to vector<16xi32>
      %shift_right_arithmetic3A_971 = arith.shrsi %add3A_968, %shift_right_arithmetic3A_970 : vector<16xi32>
      %gather3A_972 = tpu.vector_load_idx %arg11[%shift_right_arithmetic3A_971] : memref<640xi32, #tpu.memory_space<vmem>>[vector<16xi32>], vector<16xi32>,
      %le3A_973 = arith.cmpi sle, %gather3A_972, %add3A_911 : vector<16xi32>
      %select_n3A_974 = arith.select %le3A_973, %shift_right_arithmetic3A_971, %select_n3A_966 : vector<16xi1>, vector<16xi32>
      %select_n3A_975 = arith.select %le3A_973, %select_n3A_967, %shift_right_arithmetic3A_971 : vector<16xi1>, vector<16xi32>
      %add3A_976 = arith.addi %select_n3A_974, %select_n3A_975 : vector<16xi32>
      %shift_right_arithmetic3A_977 = arith.constant 1 : i32
      %shift_right_arithmetic3A_978 = vector.broadcast %shift_right_arithmetic3A_977 : i32 to vector<16xi32>
      %shift_right_arithmetic3A_979 = arith.shrsi %add3A_976, %shift_right_arithmetic3A_978 : vector<16xi32>
      %gather3A_980 = tpu.vector_load_idx %arg11[%shift_right_arithmetic3A_979] : memref<640xi32, #tpu.memory_space<vmem>>[vector<16xi32>], vector<16xi32>,
      %le3A_981 = arith.cmpi sle, %gather3A_980, %add3A_911 : vector<16xi32>
      %select_n3A_982 = arith.select %le3A_981, %shift_right_arithmetic3A_979, %select_n3A_974 : vector<16xi1>, vector<16xi32>
      %select_n3A_983 = arith.select %le3A_981, %select_n3A_975, %shift_right_arithmetic3A_979 : vector<16xi1>, vector<16xi32>
      %add3A_984 = arith.addi %select_n3A_982, %select_n3A_983 : vector<16xi32>
      %shift_right_arithmetic3A_985 = arith.constant 1 : i32
      %shift_right_arithmetic3A_986 = vector.broadcast %shift_right_arithmetic3A_985 : i32 to vector<16xi32>
      %shift_right_arithmetic3A_987 = arith.shrsi %add3A_984, %shift_right_arithmetic3A_986 : vector<16xi32>
      %gather3A_988 = tpu.vector_load_idx %arg11[%shift_right_arithmetic3A_987] : memref<640xi32, #tpu.memory_space<vmem>>[vector<16xi32>], vector<16xi32>,
      %le3A_989 = arith.cmpi sle, %gather3A_988, %add3A_911 : vector<16xi32>
      %select_n3A_990 = arith.select %le3A_989, %shift_right_arithmetic3A_987, %select_n3A_982 : vector<16xi1>, vector<16xi32>
      %select_n3A_991 = arith.select %le3A_989, %select_n3A_983, %shift_right_arithmetic3A_987 : vector<16xi1>, vector<16xi32>
      %add3A_992 = arith.addi %select_n3A_990, %select_n3A_991 : vector<16xi32>
      %shift_right_arithmetic3A_993 = arith.constant 1 : i32
      %shift_right_arithmetic3A_994 = vector.broadcast %shift_right_arithmetic3A_993 : i32 to vector<16xi32>
      %shift_right_arithmetic3A_995 = arith.shrsi %add3A_992, %shift_right_arithmetic3A_994 : vector<16xi32>
      %gather3A_996 = tpu.vector_load_idx %arg11[%shift_right_arithmetic3A_995] : memref<640xi32, #tpu.memory_space<vmem>>[vector<16xi32>], vector<16xi32>,
      %le3A_997 = arith.cmpi sle, %gather3A_996, %add3A_911 : vector<16xi32>
      %select_n3A_998 = arith.select %le3A_997, %shift_right_arithmetic3A_995, %select_n3A_990 : vector<16xi1>, vector<16xi32>
      %select_n3A_999 = arith.select %le3A_997, %select_n3A_991, %shift_right_arithmetic3A_995 : vector<16xi1>, vector<16xi32>
      %add3A_1000 = arith.addi %select_n3A_998, %select_n3A_999 : vector<16xi32>
      %shift_right_arithmetic3A_1001 = arith.constant 1 : i32
      %shift_right_arithmetic3A_1002 = vector.broadcast %shift_right_arithmetic3A_1001 : i32 to vector<16xi32>
      %shift_right_arithmetic3A_1003 = arith.shrsi %add3A_1000, %shift_right_arithmetic3A_1002 : vector<16xi32>
      %gather3A_1004 = tpu.vector_load_idx %arg11[%shift_right_arithmetic3A_1003] : memref<640xi32, #tpu.memory_space<vmem>>[vector<16xi32>], vector<16xi32>,
      %le3A_1005 = arith.cmpi sle, %gather3A_1004, %add3A_911 : vector<16xi32>
      %select_n3A_1006 = arith.select %le3A_1005, %shift_right_arithmetic3A_1003, %select_n3A_998 : vector<16xi1>, vector<16xi32>
      %select_n3A_1007 = arith.select %le3A_1005, %select_n3A_999, %shift_right_arithmetic3A_1003 : vector<16xi1>, vector<16xi32>
      %add3A_1008 = vector.broadcast %mul3A_4 : i32 to vector<16xi32>
      %add3A_1009 = arith.addi %select_n3A_1006, %add3A_1008 : vector<16xi32>
      %swap3A_1010 = arith.constant 0 : index
      %swap3A_1011 = tpu.vector_load %arg17[%swap3A_1010] {strides = array<i32>} : memref<128xi32, #tpu.memory_space<vmem>>, vector<16xi32>,
      tpu.vector_store %arg17[%swap3A_1010], %add3A_1009 {strides = array<i32>} : memref<128xi32, #tpu.memory_space<vmem>>, vector<16xi32>,
      %add3A_1012 = arith.constant 16 : i32
      %add3A_1013 = arith.addi %multiple_of3A_61, %add3A_1012 : i32
      %broadcast_in_dim3A_1014 = vector.broadcast %add3A_1013 : i32 to vector<16xi32>
      %add3A_1015 = arith.addi %broadcast_in_dim3A_1014, %iota3A : vector<16xi32>
      %ge3A_1016 = vector.broadcast %squeeze3A : i32 to vector<16xi32>
      %ge3A_1017 = arith.cmpi sge, %add3A_1015, %ge3A_1016 : vector<16xi32>
      %lt3A_1018 = vector.broadcast %squeeze3A_11 : i32 to vector<16xi32>
      %lt3A_1019 = arith.cmpi slt, %add3A_1015, %lt3A_1018 : vector<16xi32>
      %and3A_1020 = arith.andi %ge3A_1017, %lt3A_1019 : vector<16xi1>
      %get3A_1021 = arith.constant 16 : index
      %get3A_1022 = tpu.vector_load %arg15[%get3A_1021] {strides = array<i32>} : memref<128xf32, #tpu.memory_space<vmem>>, vector<16xf32>,
      %jit3A_1023 = arith.constant 0.000000e+00 : f32
      %broadcast_in_dim3A_1024 = vector.broadcast %jit3A_1023 : f32 to vector<16xf32>
      %select_n3A_1025 = arith.select %and3A_1020, %get3A_1022, %broadcast_in_dim3A_1024 : vector<16xi1>, vector<16xf32>
      %swap3A_1026 = arith.constant 16 : index
      %swap3A_1027 = tpu.vector_load %arg15[%swap3A_1026] {strides = array<i32>} : memref<128xf32, #tpu.memory_space<vmem>>, vector<16xf32>,
      tpu.vector_store %arg15[%swap3A_1026], %select_n3A_1025 {strides = array<i32>} : memref<128xf32, #tpu.memory_space<vmem>>, vector<16xf32>,
      %broadcast_in_dim3A_1028 = arith.constant 0 : i32
      %broadcast_in_dim3A_1029 = vector.broadcast %broadcast_in_dim3A_1028 : i32 to vector<16xi32>
      %broadcast_in_dim3A_1030 = arith.constant 632 : i32
      %broadcast_in_dim3A_1031 = vector.broadcast %broadcast_in_dim3A_1030 : i32 to vector<16xi32>
      %add3A_1032 = arith.addi %broadcast_in_dim3A_1029, %broadcast_in_dim3A_1031 : vector<16xi32>
      %shift_right_arithmetic3A_1033 = arith.constant 1 : i32
      %shift_right_arithmetic3A_1034 = vector.broadcast %shift_right_arithmetic3A_1033 : i32 to vector<16xi32>
      %shift_right_arithmetic3A_1035 = arith.shrsi %add3A_1032, %shift_right_arithmetic3A_1034 : vector<16xi32>
      %gather3A_1036 = tpu.vector_load_idx %arg11[%shift_right_arithmetic3A_1035] : memref<640xi32, #tpu.memory_space<vmem>>[vector<16xi32>], vector<16xi32>,
      %le3A_1037 = arith.cmpi sle, %gather3A_1036, %add3A_1015 : vector<16xi32>
      %select_n3A_1038 = arith.select %le3A_1037, %shift_right_arithmetic3A_1035, %broadcast_in_dim3A_1029 : vector<16xi1>, vector<16xi32>
      %select_n3A_1039 = arith.select %le3A_1037, %broadcast_in_dim3A_1031, %shift_right_arithmetic3A_1035 : vector<16xi1>, vector<16xi32>
      %add3A_1040 = arith.addi %select_n3A_1038, %select_n3A_1039 : vector<16xi32>
      %shift_right_arithmetic3A_1041 = arith.constant 1 : i32
      %shift_right_arithmetic3A_1042 = vector.broadcast %shift_right_arithmetic3A_1041 : i32 to vector<16xi32>
      %shift_right_arithmetic3A_1043 = arith.shrsi %add3A_1040, %shift_right_arithmetic3A_1042 : vector<16xi32>
      %gather3A_1044 = tpu.vector_load_idx %arg11[%shift_right_arithmetic3A_1043] : memref<640xi32, #tpu.memory_space<vmem>>[vector<16xi32>], vector<16xi32>,
      %le3A_1045 = arith.cmpi sle, %gather3A_1044, %add3A_1015 : vector<16xi32>
      %select_n3A_1046 = arith.select %le3A_1045, %shift_right_arithmetic3A_1043, %select_n3A_1038 : vector<16xi1>, vector<16xi32>
      %select_n3A_1047 = arith.select %le3A_1045, %select_n3A_1039, %shift_right_arithmetic3A_1043 : vector<16xi1>, vector<16xi32>
      %add3A_1048 = arith.addi %select_n3A_1046, %select_n3A_1047 : vector<16xi32>
      %shift_right_arithmetic3A_1049 = arith.constant 1 : i32
      %shift_right_arithmetic3A_1050 = vector.broadcast %shift_right_arithmetic3A_1049 : i32 to vector<16xi32>
      %shift_right_arithmetic3A_1051 = arith.shrsi %add3A_1048, %shift_right_arithmetic3A_1050 : vector<16xi32>
      %gather3A_1052 = tpu.vector_load_idx %arg11[%shift_right_arithmetic3A_1051] : memref<640xi32, #tpu.memory_space<vmem>>[vector<16xi32>], vector<16xi32>,
      %le3A_1053 = arith.cmpi sle, %gather3A_1052, %add3A_1015 : vector<16xi32>
      %select_n3A_1054 = arith.select %le3A_1053, %shift_right_arithmetic3A_1051, %select_n3A_1046 : vector<16xi1>, vector<16xi32>
      %select_n3A_1055 = arith.select %le3A_1053, %select_n3A_1047, %shift_right_arithmetic3A_1051 : vector<16xi1>, vector<16xi32>
      %add3A_1056 = arith.addi %select_n3A_1054, %select_n3A_1055 : vector<16xi32>
      %shift_right_arithmetic3A_1057 = arith.constant 1 : i32
      %shift_right_arithmetic3A_1058 = vector.broadcast %shift_right_arithmetic3A_1057 : i32 to vector<16xi32>
      %shift_right_arithmetic3A_1059 = arith.shrsi %add3A_1056, %shift_right_arithmetic3A_1058 : vector<16xi32>
      %gather3A_1060 = tpu.vector_load_idx %arg11[%shift_right_arithmetic3A_1059] : memref<640xi32, #tpu.memory_space<vmem>>[vector<16xi32>], vector<16xi32>,
      %le3A_1061 = arith.cmpi sle, %gather3A_1060, %add3A_1015 : vector<16xi32>
      %select_n3A_1062 = arith.select %le3A_1061, %shift_right_arithmetic3A_1059, %select_n3A_1054 : vector<16xi1>, vector<16xi32>
      %select_n3A_1063 = arith.select %le3A_1061, %select_n3A_1055, %shift_right_arithmetic3A_1059 : vector<16xi1>, vector<16xi32>
      %add3A_1064 = arith.addi %select_n3A_1062, %select_n3A_1063 : vector<16xi32>
      %shift_right_arithmetic3A_1065 = arith.constant 1 : i32
      %shift_right_arithmetic3A_1066 = vector.broadcast %shift_right_arithmetic3A_1065 : i32 to vector<16xi32>
      %shift_right_arithmetic3A_1067 = arith.shrsi %add3A_1064, %shift_right_arithmetic3A_1066 : vector<16xi32>
      %gather3A_1068 = tpu.vector_load_idx %arg11[%shift_right_arithmetic3A_1067] : memref<640xi32, #tpu.memory_space<vmem>>[vector<16xi32>], vector<16xi32>,
      %le3A_1069 = arith.cmpi sle, %gather3A_1068, %add3A_1015 : vector<16xi32>
      %select_n3A_1070 = arith.select %le3A_1069, %shift_right_arithmetic3A_1067, %select_n3A_1062 : vector<16xi1>, vector<16xi32>
      %select_n3A_1071 = arith.select %le3A_1069, %select_n3A_1063, %shift_right_arithmetic3A_1067 : vector<16xi1>, vector<16xi32>
      %add3A_1072 = arith.addi %select_n3A_1070, %select_n3A_1071 : vector<16xi32>
      %shift_right_arithmetic3A_1073 = arith.constant 1 : i32
      %shift_right_arithmetic3A_1074 = vector.broadcast %shift_right_arithmetic3A_1073 : i32 to vector<16xi32>
      %shift_right_arithmetic3A_1075 = arith.shrsi %add3A_1072, %shift_right_arithmetic3A_1074 : vector<16xi32>
      %gather3A_1076 = tpu.vector_load_idx %arg11[%shift_right_arithmetic3A_1075] : memref<640xi32, #tpu.memory_space<vmem>>[vector<16xi32>], vector<16xi32>,
      %le3A_1077 = arith.cmpi sle, %gather3A_1076, %add3A_1015 : vector<16xi32>
      %select_n3A_1078 = arith.select %le3A_1077, %shift_right_arithmetic3A_1075, %select_n3A_1070 : vector<16xi1>, vector<16xi32>
      %select_n3A_1079 = arith.select %le3A_1077, %select_n3A_1071, %shift_right_arithmetic3A_1075 : vector<16xi1>, vector<16xi32>
      %add3A_1080 = arith.addi %select_n3A_1078, %select_n3A_1079 : vector<16xi32>
      %shift_right_arithmetic3A_1081 = arith.constant 1 : i32
      %shift_right_arithmetic3A_1082 = vector.broadcast %shift_right_arithmetic3A_1081 : i32 to vector<16xi32>
      %shift_right_arithmetic3A_1083 = arith.shrsi %add3A_1080, %shift_right_arithmetic3A_1082 : vector<16xi32>
      %gather3A_1084 = tpu.vector_load_idx %arg11[%shift_right_arithmetic3A_1083] : memref<640xi32, #tpu.memory_space<vmem>>[vector<16xi32>], vector<16xi32>,
      %le3A_1085 = arith.cmpi sle, %gather3A_1084, %add3A_1015 : vector<16xi32>
      %select_n3A_1086 = arith.select %le3A_1085, %shift_right_arithmetic3A_1083, %select_n3A_1078 : vector<16xi1>, vector<16xi32>
      %select_n3A_1087 = arith.select %le3A_1085, %select_n3A_1079, %shift_right_arithmetic3A_1083 : vector<16xi1>, vector<16xi32>
      %add3A_1088 = arith.addi %select_n3A_1086, %select_n3A_1087 : vector<16xi32>
      %shift_right_arithmetic3A_1089 = arith.constant 1 : i32
      %shift_right_arithmetic3A_1090 = vector.broadcast %shift_right_arithmetic3A_1089 : i32 to vector<16xi32>
      %shift_right_arithmetic3A_1091 = arith.shrsi %add3A_1088, %shift_right_arithmetic3A_1090 : vector<16xi32>
      %gather3A_1092 = tpu.vector_load_idx %arg11[%shift_right_arithmetic3A_1091] : memref<640xi32, #tpu.memory_space<vmem>>[vector<16xi32>], vector<16xi32>,
      %le3A_1093 = arith.cmpi sle, %gather3A_1092, %add3A_1015 : vector<16xi32>
      %select_n3A_1094 = arith.select %le3A_1093, %shift_right_arithmetic3A_1091, %select_n3A_1086 : vector<16xi1>, vector<16xi32>
      %select_n3A_1095 = arith.select %le3A_1093, %select_n3A_1087, %shift_right_arithmetic3A_1091 : vector<16xi1>, vector<16xi32>
      %add3A_1096 = arith.addi %select_n3A_1094, %select_n3A_1095 : vector<16xi32>
      %shift_right_arithmetic3A_1097 = arith.constant 1 : i32
      %shift_right_arithmetic3A_1098 = vector.broadcast %shift_right_arithmetic3A_1097 : i32 to vector<16xi32>
      %shift_right_arithmetic3A_1099 = arith.shrsi %add3A_1096, %shift_right_arithmetic3A_1098 : vector<16xi32>
      %gather3A_1100 = tpu.vector_load_idx %arg11[%shift_right_arithmetic3A_1099] : memref<640xi32, #tpu.memory_space<vmem>>[vector<16xi32>], vector<16xi32>,
      %le3A_1101 = arith.cmpi sle, %gather3A_1100, %add3A_1015 : vector<16xi32>
      %select_n3A_1102 = arith.select %le3A_1101, %shift_right_arithmetic3A_1099, %select_n3A_1094 : vector<16xi1>, vector<16xi32>
      %select_n3A_1103 = arith.select %le3A_1101, %select_n3A_1095, %shift_right_arithmetic3A_1099 : vector<16xi1>, vector<16xi32>
      %add3A_1104 = arith.addi %select_n3A_1102, %select_n3A_1103 : vector<16xi32>
      %shift_right_arithmetic3A_1105 = arith.constant 1 : i32
      %shift_right_arithmetic3A_1106 = vector.broadcast %shift_right_arithmetic3A_1105 : i32 to vector<16xi32>
      %shift_right_arithmetic3A_1107 = arith.shrsi %add3A_1104, %shift_right_arithmetic3A_1106 : vector<16xi32>
      %gather3A_1108 = tpu.vector_load_idx %arg11[%shift_right_arithmetic3A_1107] : memref<640xi32, #tpu.memory_space<vmem>>[vector<16xi32>], vector<16xi32>,
      %le3A_1109 = arith.cmpi sle, %gather3A_1108, %add3A_1015 : vector<16xi32>
      %select_n3A_1110 = arith.select %le3A_1109, %shift_right_arithmetic3A_1107, %select_n3A_1102 : vector<16xi1>, vector<16xi32>
      %select_n3A_1111 = arith.select %le3A_1109, %select_n3A_1103, %shift_right_arithmetic3A_1107 : vector<16xi1>, vector<16xi32>
      %add3A_1112 = vector.broadcast %mul3A_4 : i32 to vector<16xi32>
      %add3A_1113 = arith.addi %select_n3A_1110, %add3A_1112 : vector<16xi32>
      %swap3A_1114 = arith.constant 16 : index
      %swap3A_1115 = tpu.vector_load %arg17[%swap3A_1114] {strides = array<i32>} : memref<128xi32, #tpu.memory_space<vmem>>, vector<16xi32>,
      tpu.vector_store %arg17[%swap3A_1114], %add3A_1113 {strides = array<i32>} : memref<128xi32, #tpu.memory_space<vmem>>, vector<16xi32>,
      %add3A_1116 = arith.constant 32 : i32
      %add3A_1117 = arith.addi %multiple_of3A_61, %add3A_1116 : i32
      %broadcast_in_dim3A_1118 = vector.broadcast %add3A_1117 : i32 to vector<16xi32>
      %add3A_1119 = arith.addi %broadcast_in_dim3A_1118, %iota3A : vector<16xi32>
      %ge3A_1120 = vector.broadcast %squeeze3A : i32 to vector<16xi32>
      %ge3A_1121 = arith.cmpi sge, %add3A_1119, %ge3A_1120 : vector<16xi32>
      %lt3A_1122 = vector.broadcast %squeeze3A_11 : i32 to vector<16xi32>
      %lt3A_1123 = arith.cmpi slt, %add3A_1119, %lt3A_1122 : vector<16xi32>
      %and3A_1124 = arith.andi %ge3A_1121, %lt3A_1123 : vector<16xi1>
      %get3A_1125 = arith.constant 32 : index
      %get3A_1126 = tpu.vector_load %arg15[%get3A_1125] {strides = array<i32>} : memref<128xf32, #tpu.memory_space<vmem>>, vector<16xf32>,
      %jit3A_1127 = arith.constant 0.000000e+00 : f32
      %broadcast_in_dim3A_1128 = vector.broadcast %jit3A_1127 : f32 to vector<16xf32>
      %select_n3A_1129 = arith.select %and3A_1124, %get3A_1126, %broadcast_in_dim3A_1128 : vector<16xi1>, vector<16xf32>
      %swap3A_1130 = arith.constant 32 : index
      %swap3A_1131 = tpu.vector_load %arg15[%swap3A_1130] {strides = array<i32>} : memref<128xf32, #tpu.memory_space<vmem>>, vector<16xf32>,
      tpu.vector_store %arg15[%swap3A_1130], %select_n3A_1129 {strides = array<i32>} : memref<128xf32, #tpu.memory_space<vmem>>, vector<16xf32>,
      %broadcast_in_dim3A_1132 = arith.constant 0 : i32
      %broadcast_in_dim3A_1133 = vector.broadcast %broadcast_in_dim3A_1132 : i32 to vector<16xi32>
      %broadcast_in_dim3A_1134 = arith.constant 632 : i32
      %broadcast_in_dim3A_1135 = vector.broadcast %broadcast_in_dim3A_1134 : i32 to vector<16xi32>
      %add3A_1136 = arith.addi %broadcast_in_dim3A_1133, %broadcast_in_dim3A_1135 : vector<16xi32>
      %shift_right_arithmetic3A_1137 = arith.constant 1 : i32
      %shift_right_arithmetic3A_1138 = vector.broadcast %shift_right_arithmetic3A_1137 : i32 to vector<16xi32>
      %shift_right_arithmetic3A_1139 = arith.shrsi %add3A_1136, %shift_right_arithmetic3A_1138 : vector<16xi32>
      %gather3A_1140 = tpu.vector_load_idx %arg11[%shift_right_arithmetic3A_1139] : memref<640xi32, #tpu.memory_space<vmem>>[vector<16xi32>], vector<16xi32>,
      %le3A_1141 = arith.cmpi sle, %gather3A_1140, %add3A_1119 : vector<16xi32>
      %select_n3A_1142 = arith.select %le3A_1141, %shift_right_arithmetic3A_1139, %broadcast_in_dim3A_1133 : vector<16xi1>, vector<16xi32>
      %select_n3A_1143 = arith.select %le3A_1141, %broadcast_in_dim3A_1135, %shift_right_arithmetic3A_1139 : vector<16xi1>, vector<16xi32>
      %add3A_1144 = arith.addi %select_n3A_1142, %select_n3A_1143 : vector<16xi32>
      %shift_right_arithmetic3A_1145 = arith.constant 1 : i32
      %shift_right_arithmetic3A_1146 = vector.broadcast %shift_right_arithmetic3A_1145 : i32 to vector<16xi32>
      %shift_right_arithmetic3A_1147 = arith.shrsi %add3A_1144, %shift_right_arithmetic3A_1146 : vector<16xi32>
      %gather3A_1148 = tpu.vector_load_idx %arg11[%shift_right_arithmetic3A_1147] : memref<640xi32, #tpu.memory_space<vmem>>[vector<16xi32>], vector<16xi32>,
      %le3A_1149 = arith.cmpi sle, %gather3A_1148, %add3A_1119 : vector<16xi32>
      %select_n3A_1150 = arith.select %le3A_1149, %shift_right_arithmetic3A_1147, %select_n3A_1142 : vector<16xi1>, vector<16xi32>
      %select_n3A_1151 = arith.select %le3A_1149, %select_n3A_1143, %shift_right_arithmetic3A_1147 : vector<16xi1>, vector<16xi32>
      %add3A_1152 = arith.addi %select_n3A_1150, %select_n3A_1151 : vector<16xi32>
      %shift_right_arithmetic3A_1153 = arith.constant 1 : i32
      %shift_right_arithmetic3A_1154 = vector.broadcast %shift_right_arithmetic3A_1153 : i32 to vector<16xi32>
      %shift_right_arithmetic3A_1155 = arith.shrsi %add3A_1152, %shift_right_arithmetic3A_1154 : vector<16xi32>
      %gather3A_1156 = tpu.vector_load_idx %arg11[%shift_right_arithmetic3A_1155] : memref<640xi32, #tpu.memory_space<vmem>>[vector<16xi32>], vector<16xi32>,
      %le3A_1157 = arith.cmpi sle, %gather3A_1156, %add3A_1119 : vector<16xi32>
      %select_n3A_1158 = arith.select %le3A_1157, %shift_right_arithmetic3A_1155, %select_n3A_1150 : vector<16xi1>, vector<16xi32>
      %select_n3A_1159 = arith.select %le3A_1157, %select_n3A_1151, %shift_right_arithmetic3A_1155 : vector<16xi1>, vector<16xi32>
      %add3A_1160 = arith.addi %select_n3A_1158, %select_n3A_1159 : vector<16xi32>
      %shift_right_arithmetic3A_1161 = arith.constant 1 : i32
      %shift_right_arithmetic3A_1162 = vector.broadcast %shift_right_arithmetic3A_1161 : i32 to vector<16xi32>
      %shift_right_arithmetic3A_1163 = arith.shrsi %add3A_1160, %shift_right_arithmetic3A_1162 : vector<16xi32>
      %gather3A_1164 = tpu.vector_load_idx %arg11[%shift_right_arithmetic3A_1163] : memref<640xi32, #tpu.memory_space<vmem>>[vector<16xi32>], vector<16xi32>,
      %le3A_1165 = arith.cmpi sle, %gather3A_1164, %add3A_1119 : vector<16xi32>
      %select_n3A_1166 = arith.select %le3A_1165, %shift_right_arithmetic3A_1163, %select_n3A_1158 : vector<16xi1>, vector<16xi32>
      %select_n3A_1167 = arith.select %le3A_1165, %select_n3A_1159, %shift_right_arithmetic3A_1163 : vector<16xi1>, vector<16xi32>
      %add3A_1168 = arith.addi %select_n3A_1166, %select_n3A_1167 : vector<16xi32>
      %shift_right_arithmetic3A_1169 = arith.constant 1 : i32
      %shift_right_arithmetic3A_1170 = vector.broadcast %shift_right_arithmetic3A_1169 : i32 to vector<16xi32>
      %shift_right_arithmetic3A_1171 = arith.shrsi %add3A_1168, %shift_right_arithmetic3A_1170 : vector<16xi32>
      %gather3A_1172 = tpu.vector_load_idx %arg11[%shift_right_arithmetic3A_1171] : memref<640xi32, #tpu.memory_space<vmem>>[vector<16xi32>], vector<16xi32>,
      %le3A_1173 = arith.cmpi sle, %gather3A_1172, %add3A_1119 : vector<16xi32>
      %select_n3A_1174 = arith.select %le3A_1173, %shift_right_arithmetic3A_1171, %select_n3A_1166 : vector<16xi1>, vector<16xi32>
      %select_n3A_1175 = arith.select %le3A_1173, %select_n3A_1167, %shift_right_arithmetic3A_1171 : vector<16xi1>, vector<16xi32>
      %add3A_1176 = arith.addi %select_n3A_1174, %select_n3A_1175 : vector<16xi32>
      %shift_right_arithmetic3A_1177 = arith.constant 1 : i32
      %shift_right_arithmetic3A_1178 = vector.broadcast %shift_right_arithmetic3A_1177 : i32 to vector<16xi32>
      %shift_right_arithmetic3A_1179 = arith.shrsi %add3A_1176, %shift_right_arithmetic3A_1178 : vector<16xi32>
      %gather3A_1180 = tpu.vector_load_idx %arg11[%shift_right_arithmetic3A_1179] : memref<640xi32, #tpu.memory_space<vmem>>[vector<16xi32>], vector<16xi32>,
      %le3A_1181 = arith.cmpi sle, %gather3A_1180, %add3A_1119 : vector<16xi32>
      %select_n3A_1182 = arith.select %le3A_1181, %shift_right_arithmetic3A_1179, %select_n3A_1174 : vector<16xi1>, vector<16xi32>
      %select_n3A_1183 = arith.select %le3A_1181, %select_n3A_1175, %shift_right_arithmetic3A_1179 : vector<16xi1>, vector<16xi32>
      %add3A_1184 = arith.addi %select_n3A_1182, %select_n3A_1183 : vector<16xi32>
      %shift_right_arithmetic3A_1185 = arith.constant 1 : i32
      %shift_right_arithmetic3A_1186 = vector.broadcast %shift_right_arithmetic3A_1185 : i32 to vector<16xi32>
      %shift_right_arithmetic3A_1187 = arith.shrsi %add3A_1184, %shift_right_arithmetic3A_1186 : vector<16xi32>
      %gather3A_1188 = tpu.vector_load_idx %arg11[%shift_right_arithmetic3A_1187] : memref<640xi32, #tpu.memory_space<vmem>>[vector<16xi32>], vector<16xi32>,
      %le3A_1189 = arith.cmpi sle, %gather3A_1188, %add3A_1119 : vector<16xi32>
      %select_n3A_1190 = arith.select %le3A_1189, %shift_right_arithmetic3A_1187, %select_n3A_1182 : vector<16xi1>, vector<16xi32>
      %select_n3A_1191 = arith.select %le3A_1189, %select_n3A_1183, %shift_right_arithmetic3A_1187 : vector<16xi1>, vector<16xi32>
      %add3A_1192 = arith.addi %select_n3A_1190, %select_n3A_1191 : vector<16xi32>
      %shift_right_arithmetic3A_1193 = arith.constant 1 : i32
      %shift_right_arithmetic3A_1194 = vector.broadcast %shift_right_arithmetic3A_1193 : i32 to vector<16xi32>
      %shift_right_arithmetic3A_1195 = arith.shrsi %add3A_1192, %shift_right_arithmetic3A_1194 : vector<16xi32>
      %gather3A_1196 = tpu.vector_load_idx %arg11[%shift_right_arithmetic3A_1195] : memref<640xi32, #tpu.memory_space<vmem>>[vector<16xi32>], vector<16xi32>,
      %le3A_1197 = arith.cmpi sle, %gather3A_1196, %add3A_1119 : vector<16xi32>
      %select_n3A_1198 = arith.select %le3A_1197, %shift_right_arithmetic3A_1195, %select_n3A_1190 : vector<16xi1>, vector<16xi32>
      %select_n3A_1199 = arith.select %le3A_1197, %select_n3A_1191, %shift_right_arithmetic3A_1195 : vector<16xi1>, vector<16xi32>
      %add3A_1200 = arith.addi %select_n3A_1198, %select_n3A_1199 : vector<16xi32>
      %shift_right_arithmetic3A_1201 = arith.constant 1 : i32
      %shift_right_arithmetic3A_1202 = vector.broadcast %shift_right_arithmetic3A_1201 : i32 to vector<16xi32>
      %shift_right_arithmetic3A_1203 = arith.shrsi %add3A_1200, %shift_right_arithmetic3A_1202 : vector<16xi32>
      %gather3A_1204 = tpu.vector_load_idx %arg11[%shift_right_arithmetic3A_1203] : memref<640xi32, #tpu.memory_space<vmem>>[vector<16xi32>], vector<16xi32>,
      %le3A_1205 = arith.cmpi sle, %gather3A_1204, %add3A_1119 : vector<16xi32>
      %select_n3A_1206 = arith.select %le3A_1205, %shift_right_arithmetic3A_1203, %select_n3A_1198 : vector<16xi1>, vector<16xi32>
      %select_n3A_1207 = arith.select %le3A_1205, %select_n3A_1199, %shift_right_arithmetic3A_1203 : vector<16xi1>, vector<16xi32>
      %add3A_1208 = arith.addi %select_n3A_1206, %select_n3A_1207 : vector<16xi32>
      %shift_right_arithmetic3A_1209 = arith.constant 1 : i32
      %shift_right_arithmetic3A_1210 = vector.broadcast %shift_right_arithmetic3A_1209 : i32 to vector<16xi32>
      %shift_right_arithmetic3A_1211 = arith.shrsi %add3A_1208, %shift_right_arithmetic3A_1210 : vector<16xi32>
      %gather3A_1212 = tpu.vector_load_idx %arg11[%shift_right_arithmetic3A_1211] : memref<640xi32, #tpu.memory_space<vmem>>[vector<16xi32>], vector<16xi32>,
      %le3A_1213 = arith.cmpi sle, %gather3A_1212, %add3A_1119 : vector<16xi32>
      %select_n3A_1214 = arith.select %le3A_1213, %shift_right_arithmetic3A_1211, %select_n3A_1206 : vector<16xi1>, vector<16xi32>
      %select_n3A_1215 = arith.select %le3A_1213, %select_n3A_1207, %shift_right_arithmetic3A_1211 : vector<16xi1>, vector<16xi32>
      %add3A_1216 = vector.broadcast %mul3A_4 : i32 to vector<16xi32>
      %add3A_1217 = arith.addi %select_n3A_1214, %add3A_1216 : vector<16xi32>
      %swap3A_1218 = arith.constant 32 : index
      %swap3A_1219 = tpu.vector_load %arg17[%swap3A_1218] {strides = array<i32>} : memref<128xi32, #tpu.memory_space<vmem>>, vector<16xi32>,
      tpu.vector_store %arg17[%swap3A_1218], %add3A_1217 {strides = array<i32>} : memref<128xi32, #tpu.memory_space<vmem>>, vector<16xi32>,
      %add3A_1220 = arith.constant 48 : i32
      %add3A_1221 = arith.addi %multiple_of3A_61, %add3A_1220 : i32
      %broadcast_in_dim3A_1222 = vector.broadcast %add3A_1221 : i32 to vector<16xi32>
      %add3A_1223 = arith.addi %broadcast_in_dim3A_1222, %iota3A : vector<16xi32>
      %ge3A_1224 = vector.broadcast %squeeze3A : i32 to vector<16xi32>
      %ge3A_1225 = arith.cmpi sge, %add3A_1223, %ge3A_1224 : vector<16xi32>
      %lt3A_1226 = vector.broadcast %squeeze3A_11 : i32 to vector<16xi32>
      %lt3A_1227 = arith.cmpi slt, %add3A_1223, %lt3A_1226 : vector<16xi32>
      %and3A_1228 = arith.andi %ge3A_1225, %lt3A_1227 : vector<16xi1>
      %get3A_1229 = arith.constant 48 : index
      %get3A_1230 = tpu.vector_load %arg15[%get3A_1229] {strides = array<i32>} : memref<128xf32, #tpu.memory_space<vmem>>, vector<16xf32>,
      %jit3A_1231 = arith.constant 0.000000e+00 : f32
      %broadcast_in_dim3A_1232 = vector.broadcast %jit3A_1231 : f32 to vector<16xf32>
      %select_n3A_1233 = arith.select %and3A_1228, %get3A_1230, %broadcast_in_dim3A_1232 : vector<16xi1>, vector<16xf32>
      %swap3A_1234 = arith.constant 48 : index
      %swap3A_1235 = tpu.vector_load %arg15[%swap3A_1234] {strides = array<i32>} : memref<128xf32, #tpu.memory_space<vmem>>, vector<16xf32>,
      tpu.vector_store %arg15[%swap3A_1234], %select_n3A_1233 {strides = array<i32>} : memref<128xf32, #tpu.memory_space<vmem>>, vector<16xf32>,
      %broadcast_in_dim3A_1236 = arith.constant 0 : i32
      %broadcast_in_dim3A_1237 = vector.broadcast %broadcast_in_dim3A_1236 : i32 to vector<16xi32>
      %broadcast_in_dim3A_1238 = arith.constant 632 : i32
      %broadcast_in_dim3A_1239 = vector.broadcast %broadcast_in_dim3A_1238 : i32 to vector<16xi32>
      %add3A_1240 = arith.addi %broadcast_in_dim3A_1237, %broadcast_in_dim3A_1239 : vector<16xi32>
      %shift_right_arithmetic3A_1241 = arith.constant 1 : i32
      %shift_right_arithmetic3A_1242 = vector.broadcast %shift_right_arithmetic3A_1241 : i32 to vector<16xi32>
      %shift_right_arithmetic3A_1243 = arith.shrsi %add3A_1240, %shift_right_arithmetic3A_1242 : vector<16xi32>
      %gather3A_1244 = tpu.vector_load_idx %arg11[%shift_right_arithmetic3A_1243] : memref<640xi32, #tpu.memory_space<vmem>>[vector<16xi32>], vector<16xi32>,
      %le3A_1245 = arith.cmpi sle, %gather3A_1244, %add3A_1223 : vector<16xi32>
      %select_n3A_1246 = arith.select %le3A_1245, %shift_right_arithmetic3A_1243, %broadcast_in_dim3A_1237 : vector<16xi1>, vector<16xi32>
      %select_n3A_1247 = arith.select %le3A_1245, %broadcast_in_dim3A_1239, %shift_right_arithmetic3A_1243 : vector<16xi1>, vector<16xi32>
      %add3A_1248 = arith.addi %select_n3A_1246, %select_n3A_1247 : vector<16xi32>
      %shift_right_arithmetic3A_1249 = arith.constant 1 : i32
      %shift_right_arithmetic3A_1250 = vector.broadcast %shift_right_arithmetic3A_1249 : i32 to vector<16xi32>
      %shift_right_arithmetic3A_1251 = arith.shrsi %add3A_1248, %shift_right_arithmetic3A_1250 : vector<16xi32>
      %gather3A_1252 = tpu.vector_load_idx %arg11[%shift_right_arithmetic3A_1251] : memref<640xi32, #tpu.memory_space<vmem>>[vector<16xi32>], vector<16xi32>,
      %le3A_1253 = arith.cmpi sle, %gather3A_1252, %add3A_1223 : vector<16xi32>
      %select_n3A_1254 = arith.select %le3A_1253, %shift_right_arithmetic3A_1251, %select_n3A_1246 : vector<16xi1>, vector<16xi32>
      %select_n3A_1255 = arith.select %le3A_1253, %select_n3A_1247, %shift_right_arithmetic3A_1251 : vector<16xi1>, vector<16xi32>
      %add3A_1256 = arith.addi %select_n3A_1254, %select_n3A_1255 : vector<16xi32>
      %shift_right_arithmetic3A_1257 = arith.constant 1 : i32
      %shift_right_arithmetic3A_1258 = vector.broadcast %shift_right_arithmetic3A_1257 : i32 to vector<16xi32>
      %shift_right_arithmetic3A_1259 = arith.shrsi %add3A_1256, %shift_right_arithmetic3A_1258 : vector<16xi32>
      %gather3A_1260 = tpu.vector_load_idx %arg11[%shift_right_arithmetic3A_1259] : memref<640xi32, #tpu.memory_space<vmem>>[vector<16xi32>], vector<16xi32>,
      %le3A_1261 = arith.cmpi sle, %gather3A_1260, %add3A_1223 : vector<16xi32>
      %select_n3A_1262 = arith.select %le3A_1261, %shift_right_arithmetic3A_1259, %select_n3A_1254 : vector<16xi1>, vector<16xi32>
      %select_n3A_1263 = arith.select %le3A_1261, %select_n3A_1255, %shift_right_arithmetic3A_1259 : vector<16xi1>, vector<16xi32>
      %add3A_1264 = arith.addi %select_n3A_1262, %select_n3A_1263 : vector<16xi32>
      %shift_right_arithmetic3A_1265 = arith.constant 1 : i32
      %shift_right_arithmetic3A_1266 = vector.broadcast %shift_right_arithmetic3A_1265 : i32 to vector<16xi32>
      %shift_right_arithmetic3A_1267 = arith.shrsi %add3A_1264, %shift_right_arithmetic3A_1266 : vector<16xi32>
      %gather3A_1268 = tpu.vector_load_idx %arg11[%shift_right_arithmetic3A_1267] : memref<640xi32, #tpu.memory_space<vmem>>[vector<16xi32>], vector<16xi32>,
      %le3A_1269 = arith.cmpi sle, %gather3A_1268, %add3A_1223 : vector<16xi32>
      %select_n3A_1270 = arith.select %le3A_1269, %shift_right_arithmetic3A_1267, %select_n3A_1262 : vector<16xi1>, vector<16xi32>
      %select_n3A_1271 = arith.select %le3A_1269, %select_n3A_1263, %shift_right_arithmetic3A_1267 : vector<16xi1>, vector<16xi32>
      %add3A_1272 = arith.addi %select_n3A_1270, %select_n3A_1271 : vector<16xi32>
      %shift_right_arithmetic3A_1273 = arith.constant 1 : i32
      %shift_right_arithmetic3A_1274 = vector.broadcast %shift_right_arithmetic3A_1273 : i32 to vector<16xi32>
      %shift_right_arithmetic3A_1275 = arith.shrsi %add3A_1272, %shift_right_arithmetic3A_1274 : vector<16xi32>
      %gather3A_1276 = tpu.vector_load_idx %arg11[%shift_right_arithmetic3A_1275] : memref<640xi32, #tpu.memory_space<vmem>>[vector<16xi32>], vector<16xi32>,
      %le3A_1277 = arith.cmpi sle, %gather3A_1276, %add3A_1223 : vector<16xi32>
      %select_n3A_1278 = arith.select %le3A_1277, %shift_right_arithmetic3A_1275, %select_n3A_1270 : vector<16xi1>, vector<16xi32>
      %select_n3A_1279 = arith.select %le3A_1277, %select_n3A_1271, %shift_right_arithmetic3A_1275 : vector<16xi1>, vector<16xi32>
      %add3A_1280 = arith.addi %select_n3A_1278, %select_n3A_1279 : vector<16xi32>
      %shift_right_arithmetic3A_1281 = arith.constant 1 : i32
      %shift_right_arithmetic3A_1282 = vector.broadcast %shift_right_arithmetic3A_1281 : i32 to vector<16xi32>
      %shift_right_arithmetic3A_1283 = arith.shrsi %add3A_1280, %shift_right_arithmetic3A_1282 : vector<16xi32>
      %gather3A_1284 = tpu.vector_load_idx %arg11[%shift_right_arithmetic3A_1283] : memref<640xi32, #tpu.memory_space<vmem>>[vector<16xi32>], vector<16xi32>,
      %le3A_1285 = arith.cmpi sle, %gather3A_1284, %add3A_1223 : vector<16xi32>
      %select_n3A_1286 = arith.select %le3A_1285, %shift_right_arithmetic3A_1283, %select_n3A_1278 : vector<16xi1>, vector<16xi32>
      %select_n3A_1287 = arith.select %le3A_1285, %select_n3A_1279, %shift_right_arithmetic3A_1283 : vector<16xi1>, vector<16xi32>
      %add3A_1288 = arith.addi %select_n3A_1286, %select_n3A_1287 : vector<16xi32>
      %shift_right_arithmetic3A_1289 = arith.constant 1 : i32
      %shift_right_arithmetic3A_1290 = vector.broadcast %shift_right_arithmetic3A_1289 : i32 to vector<16xi32>
      %shift_right_arithmetic3A_1291 = arith.shrsi %add3A_1288, %shift_right_arithmetic3A_1290 : vector<16xi32>
      %gather3A_1292 = tpu.vector_load_idx %arg11[%shift_right_arithmetic3A_1291] : memref<640xi32, #tpu.memory_space<vmem>>[vector<16xi32>], vector<16xi32>,
      %le3A_1293 = arith.cmpi sle, %gather3A_1292, %add3A_1223 : vector<16xi32>
      %select_n3A_1294 = arith.select %le3A_1293, %shift_right_arithmetic3A_1291, %select_n3A_1286 : vector<16xi1>, vector<16xi32>
      %select_n3A_1295 = arith.select %le3A_1293, %select_n3A_1287, %shift_right_arithmetic3A_1291 : vector<16xi1>, vector<16xi32>
      %add3A_1296 = arith.addi %select_n3A_1294, %select_n3A_1295 : vector<16xi32>
      %shift_right_arithmetic3A_1297 = arith.constant 1 : i32
      %shift_right_arithmetic3A_1298 = vector.broadcast %shift_right_arithmetic3A_1297 : i32 to vector<16xi32>
      %shift_right_arithmetic3A_1299 = arith.shrsi %add3A_1296, %shift_right_arithmetic3A_1298 : vector<16xi32>
      %gather3A_1300 = tpu.vector_load_idx %arg11[%shift_right_arithmetic3A_1299] : memref<640xi32, #tpu.memory_space<vmem>>[vector<16xi32>], vector<16xi32>,
      %le3A_1301 = arith.cmpi sle, %gather3A_1300, %add3A_1223 : vector<16xi32>
      %select_n3A_1302 = arith.select %le3A_1301, %shift_right_arithmetic3A_1299, %select_n3A_1294 : vector<16xi1>, vector<16xi32>
      %select_n3A_1303 = arith.select %le3A_1301, %select_n3A_1295, %shift_right_arithmetic3A_1299 : vector<16xi1>, vector<16xi32>
      %add3A_1304 = arith.addi %select_n3A_1302, %select_n3A_1303 : vector<16xi32>
      %shift_right_arithmetic3A_1305 = arith.constant 1 : i32
      %shift_right_arithmetic3A_1306 = vector.broadcast %shift_right_arithmetic3A_1305 : i32 to vector<16xi32>
      %shift_right_arithmetic3A_1307 = arith.shrsi %add3A_1304, %shift_right_arithmetic3A_1306 : vector<16xi32>
      %gather3A_1308 = tpu.vector_load_idx %arg11[%shift_right_arithmetic3A_1307] : memref<640xi32, #tpu.memory_space<vmem>>[vector<16xi32>], vector<16xi32>,
      %le3A_1309 = arith.cmpi sle, %gather3A_1308, %add3A_1223 : vector<16xi32>
      %select_n3A_1310 = arith.select %le3A_1309, %shift_right_arithmetic3A_1307, %select_n3A_1302 : vector<16xi1>, vector<16xi32>
      %select_n3A_1311 = arith.select %le3A_1309, %select_n3A_1303, %shift_right_arithmetic3A_1307 : vector<16xi1>, vector<16xi32>
      %add3A_1312 = arith.addi %select_n3A_1310, %select_n3A_1311 : vector<16xi32>
      %shift_right_arithmetic3A_1313 = arith.constant 1 : i32
      %shift_right_arithmetic3A_1314 = vector.broadcast %shift_right_arithmetic3A_1313 : i32 to vector<16xi32>
      %shift_right_arithmetic3A_1315 = arith.shrsi %add3A_1312, %shift_right_arithmetic3A_1314 : vector<16xi32>
      %gather3A_1316 = tpu.vector_load_idx %arg11[%shift_right_arithmetic3A_1315] : memref<640xi32, #tpu.memory_space<vmem>>[vector<16xi32>], vector<16xi32>,
      %le3A_1317 = arith.cmpi sle, %gather3A_1316, %add3A_1223 : vector<16xi32>
      %select_n3A_1318 = arith.select %le3A_1317, %shift_right_arithmetic3A_1315, %select_n3A_1310 : vector<16xi1>, vector<16xi32>
      %select_n3A_1319 = arith.select %le3A_1317, %select_n3A_1311, %shift_right_arithmetic3A_1315 : vector<16xi1>, vector<16xi32>
      %add3A_1320 = vector.broadcast %mul3A_4 : i32 to vector<16xi32>
      %add3A_1321 = arith.addi %select_n3A_1318, %add3A_1320 : vector<16xi32>
      %swap3A_1322 = arith.constant 48 : index
      %swap3A_1323 = tpu.vector_load %arg17[%swap3A_1322] {strides = array<i32>} : memref<128xi32, #tpu.memory_space<vmem>>, vector<16xi32>,
      tpu.vector_store %arg17[%swap3A_1322], %add3A_1321 {strides = array<i32>} : memref<128xi32, #tpu.memory_space<vmem>>, vector<16xi32>,
      %add3A_1324 = arith.constant 64 : i32
      %add3A_1325 = arith.addi %multiple_of3A_61, %add3A_1324 : i32
      %broadcast_in_dim3A_1326 = vector.broadcast %add3A_1325 : i32 to vector<16xi32>
      %add3A_1327 = arith.addi %broadcast_in_dim3A_1326, %iota3A : vector<16xi32>
      %ge3A_1328 = vector.broadcast %squeeze3A : i32 to vector<16xi32>
      %ge3A_1329 = arith.cmpi sge, %add3A_1327, %ge3A_1328 : vector<16xi32>
      %lt3A_1330 = vector.broadcast %squeeze3A_11 : i32 to vector<16xi32>
      %lt3A_1331 = arith.cmpi slt, %add3A_1327, %lt3A_1330 : vector<16xi32>
      %and3A_1332 = arith.andi %ge3A_1329, %lt3A_1331 : vector<16xi1>
      %get3A_1333 = arith.constant 64 : index
      %get3A_1334 = tpu.vector_load %arg15[%get3A_1333] {strides = array<i32>} : memref<128xf32, #tpu.memory_space<vmem>>, vector<16xf32>,
      %jit3A_1335 = arith.constant 0.000000e+00 : f32
      %broadcast_in_dim3A_1336 = vector.broadcast %jit3A_1335 : f32 to vector<16xf32>
      %select_n3A_1337 = arith.select %and3A_1332, %get3A_1334, %broadcast_in_dim3A_1336 : vector<16xi1>, vector<16xf32>
      %swap3A_1338 = arith.constant 64 : index
      %swap3A_1339 = tpu.vector_load %arg15[%swap3A_1338] {strides = array<i32>} : memref<128xf32, #tpu.memory_space<vmem>>, vector<16xf32>,
      tpu.vector_store %arg15[%swap3A_1338], %select_n3A_1337 {strides = array<i32>} : memref<128xf32, #tpu.memory_space<vmem>>, vector<16xf32>,
      %broadcast_in_dim3A_1340 = arith.constant 0 : i32
      %broadcast_in_dim3A_1341 = vector.broadcast %broadcast_in_dim3A_1340 : i32 to vector<16xi32>
      %broadcast_in_dim3A_1342 = arith.constant 632 : i32
      %broadcast_in_dim3A_1343 = vector.broadcast %broadcast_in_dim3A_1342 : i32 to vector<16xi32>
      %add3A_1344 = arith.addi %broadcast_in_dim3A_1341, %broadcast_in_dim3A_1343 : vector<16xi32>
      %shift_right_arithmetic3A_1345 = arith.constant 1 : i32
      %shift_right_arithmetic3A_1346 = vector.broadcast %shift_right_arithmetic3A_1345 : i32 to vector<16xi32>
      %shift_right_arithmetic3A_1347 = arith.shrsi %add3A_1344, %shift_right_arithmetic3A_1346 : vector<16xi32>
      %gather3A_1348 = tpu.vector_load_idx %arg11[%shift_right_arithmetic3A_1347] : memref<640xi32, #tpu.memory_space<vmem>>[vector<16xi32>], vector<16xi32>,
      %le3A_1349 = arith.cmpi sle, %gather3A_1348, %add3A_1327 : vector<16xi32>
      %select_n3A_1350 = arith.select %le3A_1349, %shift_right_arithmetic3A_1347, %broadcast_in_dim3A_1341 : vector<16xi1>, vector<16xi32>
      %select_n3A_1351 = arith.select %le3A_1349, %broadcast_in_dim3A_1343, %shift_right_arithmetic3A_1347 : vector<16xi1>, vector<16xi32>
      %add3A_1352 = arith.addi %select_n3A_1350, %select_n3A_1351 : vector<16xi32>
      %shift_right_arithmetic3A_1353 = arith.constant 1 : i32
      %shift_right_arithmetic3A_1354 = vector.broadcast %shift_right_arithmetic3A_1353 : i32 to vector<16xi32>
      %shift_right_arithmetic3A_1355 = arith.shrsi %add3A_1352, %shift_right_arithmetic3A_1354 : vector<16xi32>
      %gather3A_1356 = tpu.vector_load_idx %arg11[%shift_right_arithmetic3A_1355] : memref<640xi32, #tpu.memory_space<vmem>>[vector<16xi32>], vector<16xi32>,
      %le3A_1357 = arith.cmpi sle, %gather3A_1356, %add3A_1327 : vector<16xi32>
      %select_n3A_1358 = arith.select %le3A_1357, %shift_right_arithmetic3A_1355, %select_n3A_1350 : vector<16xi1>, vector<16xi32>
      %select_n3A_1359 = arith.select %le3A_1357, %select_n3A_1351, %shift_right_arithmetic3A_1355 : vector<16xi1>, vector<16xi32>
      %add3A_1360 = arith.addi %select_n3A_1358, %select_n3A_1359 : vector<16xi32>
      %shift_right_arithmetic3A_1361 = arith.constant 1 : i32
      %shift_right_arithmetic3A_1362 = vector.broadcast %shift_right_arithmetic3A_1361 : i32 to vector<16xi32>
      %shift_right_arithmetic3A_1363 = arith.shrsi %add3A_1360, %shift_right_arithmetic3A_1362 : vector<16xi32>
      %gather3A_1364 = tpu.vector_load_idx %arg11[%shift_right_arithmetic3A_1363] : memref<640xi32, #tpu.memory_space<vmem>>[vector<16xi32>], vector<16xi32>,
      %le3A_1365 = arith.cmpi sle, %gather3A_1364, %add3A_1327 : vector<16xi32>
      %select_n3A_1366 = arith.select %le3A_1365, %shift_right_arithmetic3A_1363, %select_n3A_1358 : vector<16xi1>, vector<16xi32>
      %select_n3A_1367 = arith.select %le3A_1365, %select_n3A_1359, %shift_right_arithmetic3A_1363 : vector<16xi1>, vector<16xi32>
      %add3A_1368 = arith.addi %select_n3A_1366, %select_n3A_1367 : vector<16xi32>
      %shift_right_arithmetic3A_1369 = arith.constant 1 : i32
      %shift_right_arithmetic3A_1370 = vector.broadcast %shift_right_arithmetic3A_1369 : i32 to vector<16xi32>
      %shift_right_arithmetic3A_1371 = arith.shrsi %add3A_1368, %shift_right_arithmetic3A_1370 : vector<16xi32>
      %gather3A_1372 = tpu.vector_load_idx %arg11[%shift_right_arithmetic3A_1371] : memref<640xi32, #tpu.memory_space<vmem>>[vector<16xi32>], vector<16xi32>,
      %le3A_1373 = arith.cmpi sle, %gather3A_1372, %add3A_1327 : vector<16xi32>
      %select_n3A_1374 = arith.select %le3A_1373, %shift_right_arithmetic3A_1371, %select_n3A_1366 : vector<16xi1>, vector<16xi32>
      %select_n3A_1375 = arith.select %le3A_1373, %select_n3A_1367, %shift_right_arithmetic3A_1371 : vector<16xi1>, vector<16xi32>
      %add3A_1376 = arith.addi %select_n3A_1374, %select_n3A_1375 : vector<16xi32>
      %shift_right_arithmetic3A_1377 = arith.constant 1 : i32
      %shift_right_arithmetic3A_1378 = vector.broadcast %shift_right_arithmetic3A_1377 : i32 to vector<16xi32>
      %shift_right_arithmetic3A_1379 = arith.shrsi %add3A_1376, %shift_right_arithmetic3A_1378 : vector<16xi32>
      %gather3A_1380 = tpu.vector_load_idx %arg11[%shift_right_arithmetic3A_1379] : memref<640xi32, #tpu.memory_space<vmem>>[vector<16xi32>], vector<16xi32>,
      %le3A_1381 = arith.cmpi sle, %gather3A_1380, %add3A_1327 : vector<16xi32>
      %select_n3A_1382 = arith.select %le3A_1381, %shift_right_arithmetic3A_1379, %select_n3A_1374 : vector<16xi1>, vector<16xi32>
      %select_n3A_1383 = arith.select %le3A_1381, %select_n3A_1375, %shift_right_arithmetic3A_1379 : vector<16xi1>, vector<16xi32>
      %add3A_1384 = arith.addi %select_n3A_1382, %select_n3A_1383 : vector<16xi32>
      %shift_right_arithmetic3A_1385 = arith.constant 1 : i32
      %shift_right_arithmetic3A_1386 = vector.broadcast %shift_right_arithmetic3A_1385 : i32 to vector<16xi32>
      %shift_right_arithmetic3A_1387 = arith.shrsi %add3A_1384, %shift_right_arithmetic3A_1386 : vector<16xi32>
      %gather3A_1388 = tpu.vector_load_idx %arg11[%shift_right_arithmetic3A_1387] : memref<640xi32, #tpu.memory_space<vmem>>[vector<16xi32>], vector<16xi32>,
      %le3A_1389 = arith.cmpi sle, %gather3A_1388, %add3A_1327 : vector<16xi32>
      %select_n3A_1390 = arith.select %le3A_1389, %shift_right_arithmetic3A_1387, %select_n3A_1382 : vector<16xi1>, vector<16xi32>
      %select_n3A_1391 = arith.select %le3A_1389, %select_n3A_1383, %shift_right_arithmetic3A_1387 : vector<16xi1>, vector<16xi32>
      %add3A_1392 = arith.addi %select_n3A_1390, %select_n3A_1391 : vector<16xi32>
      %shift_right_arithmetic3A_1393 = arith.constant 1 : i32
      %shift_right_arithmetic3A_1394 = vector.broadcast %shift_right_arithmetic3A_1393 : i32 to vector<16xi32>
      %shift_right_arithmetic3A_1395 = arith.shrsi %add3A_1392, %shift_right_arithmetic3A_1394 : vector<16xi32>
      %gather3A_1396 = tpu.vector_load_idx %arg11[%shift_right_arithmetic3A_1395] : memref<640xi32, #tpu.memory_space<vmem>>[vector<16xi32>], vector<16xi32>,
      %le3A_1397 = arith.cmpi sle, %gather3A_1396, %add3A_1327 : vector<16xi32>
      %select_n3A_1398 = arith.select %le3A_1397, %shift_right_arithmetic3A_1395, %select_n3A_1390 : vector<16xi1>, vector<16xi32>
      %select_n3A_1399 = arith.select %le3A_1397, %select_n3A_1391, %shift_right_arithmetic3A_1395 : vector<16xi1>, vector<16xi32>
      %add3A_1400 = arith.addi %select_n3A_1398, %select_n3A_1399 : vector<16xi32>
      %shift_right_arithmetic3A_1401 = arith.constant 1 : i32
      %shift_right_arithmetic3A_1402 = vector.broadcast %shift_right_arithmetic3A_1401 : i32 to vector<16xi32>
      %shift_right_arithmetic3A_1403 = arith.shrsi %add3A_1400, %shift_right_arithmetic3A_1402 : vector<16xi32>
      %gather3A_1404 = tpu.vector_load_idx %arg11[%shift_right_arithmetic3A_1403] : memref<640xi32, #tpu.memory_space<vmem>>[vector<16xi32>], vector<16xi32>,
      %le3A_1405 = arith.cmpi sle, %gather3A_1404, %add3A_1327 : vector<16xi32>
      %select_n3A_1406 = arith.select %le3A_1405, %shift_right_arithmetic3A_1403, %select_n3A_1398 : vector<16xi1>, vector<16xi32>
      %select_n3A_1407 = arith.select %le3A_1405, %select_n3A_1399, %shift_right_arithmetic3A_1403 : vector<16xi1>, vector<16xi32>
      %add3A_1408 = arith.addi %select_n3A_1406, %select_n3A_1407 : vector<16xi32>
      %shift_right_arithmetic3A_1409 = arith.constant 1 : i32
      %shift_right_arithmetic3A_1410 = vector.broadcast %shift_right_arithmetic3A_1409 : i32 to vector<16xi32>
      %shift_right_arithmetic3A_1411 = arith.shrsi %add3A_1408, %shift_right_arithmetic3A_1410 : vector<16xi32>
      %gather3A_1412 = tpu.vector_load_idx %arg11[%shift_right_arithmetic3A_1411] : memref<640xi32, #tpu.memory_space<vmem>>[vector<16xi32>], vector<16xi32>,
      %le3A_1413 = arith.cmpi sle, %gather3A_1412, %add3A_1327 : vector<16xi32>
      %select_n3A_1414 = arith.select %le3A_1413, %shift_right_arithmetic3A_1411, %select_n3A_1406 : vector<16xi1>, vector<16xi32>
      %select_n3A_1415 = arith.select %le3A_1413, %select_n3A_1407, %shift_right_arithmetic3A_1411 : vector<16xi1>, vector<16xi32>
      %add3A_1416 = arith.addi %select_n3A_1414, %select_n3A_1415 : vector<16xi32>
      %shift_right_arithmetic3A_1417 = arith.constant 1 : i32
      %shift_right_arithmetic3A_1418 = vector.broadcast %shift_right_arithmetic3A_1417 : i32 to vector<16xi32>
      %shift_right_arithmetic3A_1419 = arith.shrsi %add3A_1416, %shift_right_arithmetic3A_1418 : vector<16xi32>
      %gather3A_1420 = tpu.vector_load_idx %arg11[%shift_right_arithmetic3A_1419] : memref<640xi32, #tpu.memory_space<vmem>>[vector<16xi32>], vector<16xi32>,
      %le3A_1421 = arith.cmpi sle, %gather3A_1420, %add3A_1327 : vector<16xi32>
      %select_n3A_1422 = arith.select %le3A_1421, %shift_right_arithmetic3A_1419, %select_n3A_1414 : vector<16xi1>, vector<16xi32>
      %select_n3A_1423 = arith.select %le3A_1421, %select_n3A_1415, %shift_right_arithmetic3A_1419 : vector<16xi1>, vector<16xi32>
      %add3A_1424 = vector.broadcast %mul3A_4 : i32 to vector<16xi32>
      %add3A_1425 = arith.addi %select_n3A_1422, %add3A_1424 : vector<16xi32>
      %swap3A_1426 = arith.constant 64 : index
      %swap3A_1427 = tpu.vector_load %arg17[%swap3A_1426] {strides = array<i32>} : memref<128xi32, #tpu.memory_space<vmem>>, vector<16xi32>,
      tpu.vector_store %arg17[%swap3A_1426], %add3A_1425 {strides = array<i32>} : memref<128xi32, #tpu.memory_space<vmem>>, vector<16xi32>,
      %add3A_1428 = arith.constant 80 : i32
      %add3A_1429 = arith.addi %multiple_of3A_61, %add3A_1428 : i32
      %broadcast_in_dim3A_1430 = vector.broadcast %add3A_1429 : i32 to vector<16xi32>
      %add3A_1431 = arith.addi %broadcast_in_dim3A_1430, %iota3A : vector<16xi32>
      %ge3A_1432 = vector.broadcast %squeeze3A : i32 to vector<16xi32>
      %ge3A_1433 = arith.cmpi sge, %add3A_1431, %ge3A_1432 : vector<16xi32>
      %lt3A_1434 = vector.broadcast %squeeze3A_11 : i32 to vector<16xi32>
      %lt3A_1435 = arith.cmpi slt, %add3A_1431, %lt3A_1434 : vector<16xi32>
      %and3A_1436 = arith.andi %ge3A_1433, %lt3A_1435 : vector<16xi1>
      %get3A_1437 = arith.constant 80 : index
      %get3A_1438 = tpu.vector_load %arg15[%get3A_1437] {strides = array<i32>} : memref<128xf32, #tpu.memory_space<vmem>>, vector<16xf32>,
      %jit3A_1439 = arith.constant 0.000000e+00 : f32
      %broadcast_in_dim3A_1440 = vector.broadcast %jit3A_1439 : f32 to vector<16xf32>
      %select_n3A_1441 = arith.select %and3A_1436, %get3A_1438, %broadcast_in_dim3A_1440 : vector<16xi1>, vector<16xf32>
      %swap3A_1442 = arith.constant 80 : index
      %swap3A_1443 = tpu.vector_load %arg15[%swap3A_1442] {strides = array<i32>} : memref<128xf32, #tpu.memory_space<vmem>>, vector<16xf32>,
      tpu.vector_store %arg15[%swap3A_1442], %select_n3A_1441 {strides = array<i32>} : memref<128xf32, #tpu.memory_space<vmem>>, vector<16xf32>,
      %broadcast_in_dim3A_1444 = arith.constant 0 : i32
      %broadcast_in_dim3A_1445 = vector.broadcast %broadcast_in_dim3A_1444 : i32 to vector<16xi32>
      %broadcast_in_dim3A_1446 = arith.constant 632 : i32
      %broadcast_in_dim3A_1447 = vector.broadcast %broadcast_in_dim3A_1446 : i32 to vector<16xi32>
      %add3A_1448 = arith.addi %broadcast_in_dim3A_1445, %broadcast_in_dim3A_1447 : vector<16xi32>
      %shift_right_arithmetic3A_1449 = arith.constant 1 : i32
      %shift_right_arithmetic3A_1450 = vector.broadcast %shift_right_arithmetic3A_1449 : i32 to vector<16xi32>
      %shift_right_arithmetic3A_1451 = arith.shrsi %add3A_1448, %shift_right_arithmetic3A_1450 : vector<16xi32>
      %gather3A_1452 = tpu.vector_load_idx %arg11[%shift_right_arithmetic3A_1451] : memref<640xi32, #tpu.memory_space<vmem>>[vector<16xi32>], vector<16xi32>,
      %le3A_1453 = arith.cmpi sle, %gather3A_1452, %add3A_1431 : vector<16xi32>
      %select_n3A_1454 = arith.select %le3A_1453, %shift_right_arithmetic3A_1451, %broadcast_in_dim3A_1445 : vector<16xi1>, vector<16xi32>
      %select_n3A_1455 = arith.select %le3A_1453, %broadcast_in_dim3A_1447, %shift_right_arithmetic3A_1451 : vector<16xi1>, vector<16xi32>
      %add3A_1456 = arith.addi %select_n3A_1454, %select_n3A_1455 : vector<16xi32>
      %shift_right_arithmetic3A_1457 = arith.constant 1 : i32
      %shift_right_arithmetic3A_1458 = vector.broadcast %shift_right_arithmetic3A_1457 : i32 to vector<16xi32>
      %shift_right_arithmetic3A_1459 = arith.shrsi %add3A_1456, %shift_right_arithmetic3A_1458 : vector<16xi32>
      %gather3A_1460 = tpu.vector_load_idx %arg11[%shift_right_arithmetic3A_1459] : memref<640xi32, #tpu.memory_space<vmem>>[vector<16xi32>], vector<16xi32>,
      %le3A_1461 = arith.cmpi sle, %gather3A_1460, %add3A_1431 : vector<16xi32>
      %select_n3A_1462 = arith.select %le3A_1461, %shift_right_arithmetic3A_1459, %select_n3A_1454 : vector<16xi1>, vector<16xi32>
      %select_n3A_1463 = arith.select %le3A_1461, %select_n3A_1455, %shift_right_arithmetic3A_1459 : vector<16xi1>, vector<16xi32>
      %add3A_1464 = arith.addi %select_n3A_1462, %select_n3A_1463 : vector<16xi32>
      %shift_right_arithmetic3A_1465 = arith.constant 1 : i32
      %shift_right_arithmetic3A_1466 = vector.broadcast %shift_right_arithmetic3A_1465 : i32 to vector<16xi32>
      %shift_right_arithmetic3A_1467 = arith.shrsi %add3A_1464, %shift_right_arithmetic3A_1466 : vector<16xi32>
      %gather3A_1468 = tpu.vector_load_idx %arg11[%shift_right_arithmetic3A_1467] : memref<640xi32, #tpu.memory_space<vmem>>[vector<16xi32>], vector<16xi32>,
      %le3A_1469 = arith.cmpi sle, %gather3A_1468, %add3A_1431 : vector<16xi32>
      %select_n3A_1470 = arith.select %le3A_1469, %shift_right_arithmetic3A_1467, %select_n3A_1462 : vector<16xi1>, vector<16xi32>
      %select_n3A_1471 = arith.select %le3A_1469, %select_n3A_1463, %shift_right_arithmetic3A_1467 : vector<16xi1>, vector<16xi32>
      %add3A_1472 = arith.addi %select_n3A_1470, %select_n3A_1471 : vector<16xi32>
      %shift_right_arithmetic3A_1473 = arith.constant 1 : i32
      %shift_right_arithmetic3A_1474 = vector.broadcast %shift_right_arithmetic3A_1473 : i32 to vector<16xi32>
      %shift_right_arithmetic3A_1475 = arith.shrsi %add3A_1472, %shift_right_arithmetic3A_1474 : vector<16xi32>
      %gather3A_1476 = tpu.vector_load_idx %arg11[%shift_right_arithmetic3A_1475] : memref<640xi32, #tpu.memory_space<vmem>>[vector<16xi32>], vector<16xi32>,
      %le3A_1477 = arith.cmpi sle, %gather3A_1476, %add3A_1431 : vector<16xi32>
      %select_n3A_1478 = arith.select %le3A_1477, %shift_right_arithmetic3A_1475, %select_n3A_1470 : vector<16xi1>, vector<16xi32>
      %select_n3A_1479 = arith.select %le3A_1477, %select_n3A_1471, %shift_right_arithmetic3A_1475 : vector<16xi1>, vector<16xi32>
      %add3A_1480 = arith.addi %select_n3A_1478, %select_n3A_1479 : vector<16xi32>
      %shift_right_arithmetic3A_1481 = arith.constant 1 : i32
      %shift_right_arithmetic3A_1482 = vector.broadcast %shift_right_arithmetic3A_1481 : i32 to vector<16xi32>
      %shift_right_arithmetic3A_1483 = arith.shrsi %add3A_1480, %shift_right_arithmetic3A_1482 : vector<16xi32>
      %gather3A_1484 = tpu.vector_load_idx %arg11[%shift_right_arithmetic3A_1483] : memref<640xi32, #tpu.memory_space<vmem>>[vector<16xi32>], vector<16xi32>,
      %le3A_1485 = arith.cmpi sle, %gather3A_1484, %add3A_1431 : vector<16xi32>
      %select_n3A_1486 = arith.select %le3A_1485, %shift_right_arithmetic3A_1483, %select_n3A_1478 : vector<16xi1>, vector<16xi32>
      %select_n3A_1487 = arith.select %le3A_1485, %select_n3A_1479, %shift_right_arithmetic3A_1483 : vector<16xi1>, vector<16xi32>
      %add3A_1488 = arith.addi %select_n3A_1486, %select_n3A_1487 : vector<16xi32>
      %shift_right_arithmetic3A_1489 = arith.constant 1 : i32
      %shift_right_arithmetic3A_1490 = vector.broadcast %shift_right_arithmetic3A_1489 : i32 to vector<16xi32>
      %shift_right_arithmetic3A_1491 = arith.shrsi %add3A_1488, %shift_right_arithmetic3A_1490 : vector<16xi32>
      %gather3A_1492 = tpu.vector_load_idx %arg11[%shift_right_arithmetic3A_1491] : memref<640xi32, #tpu.memory_space<vmem>>[vector<16xi32>], vector<16xi32>,
      %le3A_1493 = arith.cmpi sle, %gather3A_1492, %add3A_1431 : vector<16xi32>
      %select_n3A_1494 = arith.select %le3A_1493, %shift_right_arithmetic3A_1491, %select_n3A_1486 : vector<16xi1>, vector<16xi32>
      %select_n3A_1495 = arith.select %le3A_1493, %select_n3A_1487, %shift_right_arithmetic3A_1491 : vector<16xi1>, vector<16xi32>
      %add3A_1496 = arith.addi %select_n3A_1494, %select_n3A_1495 : vector<16xi32>
      %shift_right_arithmetic3A_1497 = arith.constant 1 : i32
      %shift_right_arithmetic3A_1498 = vector.broadcast %shift_right_arithmetic3A_1497 : i32 to vector<16xi32>
      %shift_right_arithmetic3A_1499 = arith.shrsi %add3A_1496, %shift_right_arithmetic3A_1498 : vector<16xi32>
      %gather3A_1500 = tpu.vector_load_idx %arg11[%shift_right_arithmetic3A_1499] : memref<640xi32, #tpu.memory_space<vmem>>[vector<16xi32>], vector<16xi32>,
      %le3A_1501 = arith.cmpi sle, %gather3A_1500, %add3A_1431 : vector<16xi32>
      %select_n3A_1502 = arith.select %le3A_1501, %shift_right_arithmetic3A_1499, %select_n3A_1494 : vector<16xi1>, vector<16xi32>
      %select_n3A_1503 = arith.select %le3A_1501, %select_n3A_1495, %shift_right_arithmetic3A_1499 : vector<16xi1>, vector<16xi32>
      %add3A_1504 = arith.addi %select_n3A_1502, %select_n3A_1503 : vector<16xi32>
      %shift_right_arithmetic3A_1505 = arith.constant 1 : i32
      %shift_right_arithmetic3A_1506 = vector.broadcast %shift_right_arithmetic3A_1505 : i32 to vector<16xi32>
      %shift_right_arithmetic3A_1507 = arith.shrsi %add3A_1504, %shift_right_arithmetic3A_1506 : vector<16xi32>
      %gather3A_1508 = tpu.vector_load_idx %arg11[%shift_right_arithmetic3A_1507] : memref<640xi32, #tpu.memory_space<vmem>>[vector<16xi32>], vector<16xi32>,
      %le3A_1509 = arith.cmpi sle, %gather3A_1508, %add3A_1431 : vector<16xi32>
      %select_n3A_1510 = arith.select %le3A_1509, %shift_right_arithmetic3A_1507, %select_n3A_1502 : vector<16xi1>, vector<16xi32>
      %select_n3A_1511 = arith.select %le3A_1509, %select_n3A_1503, %shift_right_arithmetic3A_1507 : vector<16xi1>, vector<16xi32>
      %add3A_1512 = arith.addi %select_n3A_1510, %select_n3A_1511 : vector<16xi32>
      %shift_right_arithmetic3A_1513 = arith.constant 1 : i32
      %shift_right_arithmetic3A_1514 = vector.broadcast %shift_right_arithmetic3A_1513 : i32 to vector<16xi32>
      %shift_right_arithmetic3A_1515 = arith.shrsi %add3A_1512, %shift_right_arithmetic3A_1514 : vector<16xi32>
      %gather3A_1516 = tpu.vector_load_idx %arg11[%shift_right_arithmetic3A_1515] : memref<640xi32, #tpu.memory_space<vmem>>[vector<16xi32>], vector<16xi32>,
      %le3A_1517 = arith.cmpi sle, %gather3A_1516, %add3A_1431 : vector<16xi32>
      %select_n3A_1518 = arith.select %le3A_1517, %shift_right_arithmetic3A_1515, %select_n3A_1510 : vector<16xi1>, vector<16xi32>
      %select_n3A_1519 = arith.select %le3A_1517, %select_n3A_1511, %shift_right_arithmetic3A_1515 : vector<16xi1>, vector<16xi32>
      %add3A_1520 = arith.addi %select_n3A_1518, %select_n3A_1519 : vector<16xi32>
      %shift_right_arithmetic3A_1521 = arith.constant 1 : i32
      %shift_right_arithmetic3A_1522 = vector.broadcast %shift_right_arithmetic3A_1521 : i32 to vector<16xi32>
      %shift_right_arithmetic3A_1523 = arith.shrsi %add3A_1520, %shift_right_arithmetic3A_1522 : vector<16xi32>
      %gather3A_1524 = tpu.vector_load_idx %arg11[%shift_right_arithmetic3A_1523] : memref<640xi32, #tpu.memory_space<vmem>>[vector<16xi32>], vector<16xi32>,
      %le3A_1525 = arith.cmpi sle, %gather3A_1524, %add3A_1431 : vector<16xi32>
      %select_n3A_1526 = arith.select %le3A_1525, %shift_right_arithmetic3A_1523, %select_n3A_1518 : vector<16xi1>, vector<16xi32>
      %select_n3A_1527 = arith.select %le3A_1525, %select_n3A_1519, %shift_right_arithmetic3A_1523 : vector<16xi1>, vector<16xi32>
      %add3A_1528 = vector.broadcast %mul3A_4 : i32 to vector<16xi32>
      %add3A_1529 = arith.addi %select_n3A_1526, %add3A_1528 : vector<16xi32>
      %swap3A_1530 = arith.constant 80 : index
      %swap3A_1531 = tpu.vector_load %arg17[%swap3A_1530] {strides = array<i32>} : memref<128xi32, #tpu.memory_space<vmem>>, vector<16xi32>,
      tpu.vector_store %arg17[%swap3A_1530], %add3A_1529 {strides = array<i32>} : memref<128xi32, #tpu.memory_space<vmem>>, vector<16xi32>,
      %add3A_1532 = arith.constant 96 : i32
      %add3A_1533 = arith.addi %multiple_of3A_61, %add3A_1532 : i32
      %broadcast_in_dim3A_1534 = vector.broadcast %add3A_1533 : i32 to vector<16xi32>
      %add3A_1535 = arith.addi %broadcast_in_dim3A_1534, %iota3A : vector<16xi32>
      %ge3A_1536 = vector.broadcast %squeeze3A : i32 to vector<16xi32>
      %ge3A_1537 = arith.cmpi sge, %add3A_1535, %ge3A_1536 : vector<16xi32>
      %lt3A_1538 = vector.broadcast %squeeze3A_11 : i32 to vector<16xi32>
      %lt3A_1539 = arith.cmpi slt, %add3A_1535, %lt3A_1538 : vector<16xi32>
      %and3A_1540 = arith.andi %ge3A_1537, %lt3A_1539 : vector<16xi1>
      %get3A_1541 = arith.constant 96 : index
      %get3A_1542 = tpu.vector_load %arg15[%get3A_1541] {strides = array<i32>} : memref<128xf32, #tpu.memory_space<vmem>>, vector<16xf32>,
      %jit3A_1543 = arith.constant 0.000000e+00 : f32
      %broadcast_in_dim3A_1544 = vector.broadcast %jit3A_1543 : f32 to vector<16xf32>
      %select_n3A_1545 = arith.select %and3A_1540, %get3A_1542, %broadcast_in_dim3A_1544 : vector<16xi1>, vector<16xf32>
      %swap3A_1546 = arith.constant 96 : index
      %swap3A_1547 = tpu.vector_load %arg15[%swap3A_1546] {strides = array<i32>} : memref<128xf32, #tpu.memory_space<vmem>>, vector<16xf32>,
      tpu.vector_store %arg15[%swap3A_1546], %select_n3A_1545 {strides = array<i32>} : memref<128xf32, #tpu.memory_space<vmem>>, vector<16xf32>,
      %broadcast_in_dim3A_1548 = arith.constant 0 : i32
      %broadcast_in_dim3A_1549 = vector.broadcast %broadcast_in_dim3A_1548 : i32 to vector<16xi32>
      %broadcast_in_dim3A_1550 = arith.constant 632 : i32
      %broadcast_in_dim3A_1551 = vector.broadcast %broadcast_in_dim3A_1550 : i32 to vector<16xi32>
      %add3A_1552 = arith.addi %broadcast_in_dim3A_1549, %broadcast_in_dim3A_1551 : vector<16xi32>
      %shift_right_arithmetic3A_1553 = arith.constant 1 : i32
      %shift_right_arithmetic3A_1554 = vector.broadcast %shift_right_arithmetic3A_1553 : i32 to vector<16xi32>
      %shift_right_arithmetic3A_1555 = arith.shrsi %add3A_1552, %shift_right_arithmetic3A_1554 : vector<16xi32>
      %gather3A_1556 = tpu.vector_load_idx %arg11[%shift_right_arithmetic3A_1555] : memref<640xi32, #tpu.memory_space<vmem>>[vector<16xi32>], vector<16xi32>,
      %le3A_1557 = arith.cmpi sle, %gather3A_1556, %add3A_1535 : vector<16xi32>
      %select_n3A_1558 = arith.select %le3A_1557, %shift_right_arithmetic3A_1555, %broadcast_in_dim3A_1549 : vector<16xi1>, vector<16xi32>
      %select_n3A_1559 = arith.select %le3A_1557, %broadcast_in_dim3A_1551, %shift_right_arithmetic3A_1555 : vector<16xi1>, vector<16xi32>
      %add3A_1560 = arith.addi %select_n3A_1558, %select_n3A_1559 : vector<16xi32>
      %shift_right_arithmetic3A_1561 = arith.constant 1 : i32
      %shift_right_arithmetic3A_1562 = vector.broadcast %shift_right_arithmetic3A_1561 : i32 to vector<16xi32>
      %shift_right_arithmetic3A_1563 = arith.shrsi %add3A_1560, %shift_right_arithmetic3A_1562 : vector<16xi32>
      %gather3A_1564 = tpu.vector_load_idx %arg11[%shift_right_arithmetic3A_1563] : memref<640xi32, #tpu.memory_space<vmem>>[vector<16xi32>], vector<16xi32>,
      %le3A_1565 = arith.cmpi sle, %gather3A_1564, %add3A_1535 : vector<16xi32>
      %select_n3A_1566 = arith.select %le3A_1565, %shift_right_arithmetic3A_1563, %select_n3A_1558 : vector<16xi1>, vector<16xi32>
      %select_n3A_1567 = arith.select %le3A_1565, %select_n3A_1559, %shift_right_arithmetic3A_1563 : vector<16xi1>, vector<16xi32>
      %add3A_1568 = arith.addi %select_n3A_1566, %select_n3A_1567 : vector<16xi32>
      %shift_right_arithmetic3A_1569 = arith.constant 1 : i32
      %shift_right_arithmetic3A_1570 = vector.broadcast %shift_right_arithmetic3A_1569 : i32 to vector<16xi32>
      %shift_right_arithmetic3A_1571 = arith.shrsi %add3A_1568, %shift_right_arithmetic3A_1570 : vector<16xi32>
      %gather3A_1572 = tpu.vector_load_idx %arg11[%shift_right_arithmetic3A_1571] : memref<640xi32, #tpu.memory_space<vmem>>[vector<16xi32>], vector<16xi32>,
      %le3A_1573 = arith.cmpi sle, %gather3A_1572, %add3A_1535 : vector<16xi32>
      %select_n3A_1574 = arith.select %le3A_1573, %shift_right_arithmetic3A_1571, %select_n3A_1566 : vector<16xi1>, vector<16xi32>
      %select_n3A_1575 = arith.select %le3A_1573, %select_n3A_1567, %shift_right_arithmetic3A_1571 : vector<16xi1>, vector<16xi32>
      %add3A_1576 = arith.addi %select_n3A_1574, %select_n3A_1575 : vector<16xi32>
      %shift_right_arithmetic3A_1577 = arith.constant 1 : i32
      %shift_right_arithmetic3A_1578 = vector.broadcast %shift_right_arithmetic3A_1577 : i32 to vector<16xi32>
      %shift_right_arithmetic3A_1579 = arith.shrsi %add3A_1576, %shift_right_arithmetic3A_1578 : vector<16xi32>
      %gather3A_1580 = tpu.vector_load_idx %arg11[%shift_right_arithmetic3A_1579] : memref<640xi32, #tpu.memory_space<vmem>>[vector<16xi32>], vector<16xi32>,
      %le3A_1581 = arith.cmpi sle, %gather3A_1580, %add3A_1535 : vector<16xi32>
      %select_n3A_1582 = arith.select %le3A_1581, %shift_right_arithmetic3A_1579, %select_n3A_1574 : vector<16xi1>, vector<16xi32>
      %select_n3A_1583 = arith.select %le3A_1581, %select_n3A_1575, %shift_right_arithmetic3A_1579 : vector<16xi1>, vector<16xi32>
      %add3A_1584 = arith.addi %select_n3A_1582, %select_n3A_1583 : vector<16xi32>
      %shift_right_arithmetic3A_1585 = arith.constant 1 : i32
      %shift_right_arithmetic3A_1586 = vector.broadcast %shift_right_arithmetic3A_1585 : i32 to vector<16xi32>
      %shift_right_arithmetic3A_1587 = arith.shrsi %add3A_1584, %shift_right_arithmetic3A_1586 : vector<16xi32>
      %gather3A_1588 = tpu.vector_load_idx %arg11[%shift_right_arithmetic3A_1587] : memref<640xi32, #tpu.memory_space<vmem>>[vector<16xi32>], vector<16xi32>,
      %le3A_1589 = arith.cmpi sle, %gather3A_1588, %add3A_1535 : vector<16xi32>
      %select_n3A_1590 = arith.select %le3A_1589, %shift_right_arithmetic3A_1587, %select_n3A_1582 : vector<16xi1>, vector<16xi32>
      %select_n3A_1591 = arith.select %le3A_1589, %select_n3A_1583, %shift_right_arithmetic3A_1587 : vector<16xi1>, vector<16xi32>
      %add3A_1592 = arith.addi %select_n3A_1590, %select_n3A_1591 : vector<16xi32>
      %shift_right_arithmetic3A_1593 = arith.constant 1 : i32
      %shift_right_arithmetic3A_1594 = vector.broadcast %shift_right_arithmetic3A_1593 : i32 to vector<16xi32>
      %shift_right_arithmetic3A_1595 = arith.shrsi %add3A_1592, %shift_right_arithmetic3A_1594 : vector<16xi32>
      %gather3A_1596 = tpu.vector_load_idx %arg11[%shift_right_arithmetic3A_1595] : memref<640xi32, #tpu.memory_space<vmem>>[vector<16xi32>], vector<16xi32>,
      %le3A_1597 = arith.cmpi sle, %gather3A_1596, %add3A_1535 : vector<16xi32>
      %select_n3A_1598 = arith.select %le3A_1597, %shift_right_arithmetic3A_1595, %select_n3A_1590 : vector<16xi1>, vector<16xi32>
      %select_n3A_1599 = arith.select %le3A_1597, %select_n3A_1591, %shift_right_arithmetic3A_1595 : vector<16xi1>, vector<16xi32>
      %add3A_1600 = arith.addi %select_n3A_1598, %select_n3A_1599 : vector<16xi32>
      %shift_right_arithmetic3A_1601 = arith.constant 1 : i32
      %shift_right_arithmetic3A_1602 = vector.broadcast %shift_right_arithmetic3A_1601 : i32 to vector<16xi32>
      %shift_right_arithmetic3A_1603 = arith.shrsi %add3A_1600, %shift_right_arithmetic3A_1602 : vector<16xi32>
      %gather3A_1604 = tpu.vector_load_idx %arg11[%shift_right_arithmetic3A_1603] : memref<640xi32, #tpu.memory_space<vmem>>[vector<16xi32>], vector<16xi32>,
      %le3A_1605 = arith.cmpi sle, %gather3A_1604, %add3A_1535 : vector<16xi32>
      %select_n3A_1606 = arith.select %le3A_1605, %shift_right_arithmetic3A_1603, %select_n3A_1598 : vector<16xi1>, vector<16xi32>
      %select_n3A_1607 = arith.select %le3A_1605, %select_n3A_1599, %shift_right_arithmetic3A_1603 : vector<16xi1>, vector<16xi32>
      %add3A_1608 = arith.addi %select_n3A_1606, %select_n3A_1607 : vector<16xi32>
      %shift_right_arithmetic3A_1609 = arith.constant 1 : i32
      %shift_right_arithmetic3A_1610 = vector.broadcast %shift_right_arithmetic3A_1609 : i32 to vector<16xi32>
      %shift_right_arithmetic3A_1611 = arith.shrsi %add3A_1608, %shift_right_arithmetic3A_1610 : vector<16xi32>
      %gather3A_1612 = tpu.vector_load_idx %arg11[%shift_right_arithmetic3A_1611] : memref<640xi32, #tpu.memory_space<vmem>>[vector<16xi32>], vector<16xi32>,
      %le3A_1613 = arith.cmpi sle, %gather3A_1612, %add3A_1535 : vector<16xi32>
      %select_n3A_1614 = arith.select %le3A_1613, %shift_right_arithmetic3A_1611, %select_n3A_1606 : vector<16xi1>, vector<16xi32>
      %select_n3A_1615 = arith.select %le3A_1613, %select_n3A_1607, %shift_right_arithmetic3A_1611 : vector<16xi1>, vector<16xi32>
      %add3A_1616 = arith.addi %select_n3A_1614, %select_n3A_1615 : vector<16xi32>
      %shift_right_arithmetic3A_1617 = arith.constant 1 : i32
      %shift_right_arithmetic3A_1618 = vector.broadcast %shift_right_arithmetic3A_1617 : i32 to vector<16xi32>
      %shift_right_arithmetic3A_1619 = arith.shrsi %add3A_1616, %shift_right_arithmetic3A_1618 : vector<16xi32>
      %gather3A_1620 = tpu.vector_load_idx %arg11[%shift_right_arithmetic3A_1619] : memref<640xi32, #tpu.memory_space<vmem>>[vector<16xi32>], vector<16xi32>,
      %le3A_1621 = arith.cmpi sle, %gather3A_1620, %add3A_1535 : vector<16xi32>
      %select_n3A_1622 = arith.select %le3A_1621, %shift_right_arithmetic3A_1619, %select_n3A_1614 : vector<16xi1>, vector<16xi32>
      %select_n3A_1623 = arith.select %le3A_1621, %select_n3A_1615, %shift_right_arithmetic3A_1619 : vector<16xi1>, vector<16xi32>
      %add3A_1624 = arith.addi %select_n3A_1622, %select_n3A_1623 : vector<16xi32>
      %shift_right_arithmetic3A_1625 = arith.constant 1 : i32
      %shift_right_arithmetic3A_1626 = vector.broadcast %shift_right_arithmetic3A_1625 : i32 to vector<16xi32>
      %shift_right_arithmetic3A_1627 = arith.shrsi %add3A_1624, %shift_right_arithmetic3A_1626 : vector<16xi32>
      %gather3A_1628 = tpu.vector_load_idx %arg11[%shift_right_arithmetic3A_1627] : memref<640xi32, #tpu.memory_space<vmem>>[vector<16xi32>], vector<16xi32>,
      %le3A_1629 = arith.cmpi sle, %gather3A_1628, %add3A_1535 : vector<16xi32>
      %select_n3A_1630 = arith.select %le3A_1629, %shift_right_arithmetic3A_1627, %select_n3A_1622 : vector<16xi1>, vector<16xi32>
      %select_n3A_1631 = arith.select %le3A_1629, %select_n3A_1623, %shift_right_arithmetic3A_1627 : vector<16xi1>, vector<16xi32>
      %add3A_1632 = vector.broadcast %mul3A_4 : i32 to vector<16xi32>
      %add3A_1633 = arith.addi %select_n3A_1630, %add3A_1632 : vector<16xi32>
      %swap3A_1634 = arith.constant 96 : index
      %swap3A_1635 = tpu.vector_load %arg17[%swap3A_1634] {strides = array<i32>} : memref<128xi32, #tpu.memory_space<vmem>>, vector<16xi32>,
      tpu.vector_store %arg17[%swap3A_1634], %add3A_1633 {strides = array<i32>} : memref<128xi32, #tpu.memory_space<vmem>>, vector<16xi32>,
      %add3A_1636 = arith.constant 112 : i32
      %add3A_1637 = arith.addi %multiple_of3A_61, %add3A_1636 : i32
      %broadcast_in_dim3A_1638 = vector.broadcast %add3A_1637 : i32 to vector<16xi32>
      %add3A_1639 = arith.addi %broadcast_in_dim3A_1638, %iota3A : vector<16xi32>
      %ge3A_1640 = vector.broadcast %squeeze3A : i32 to vector<16xi32>
      %ge3A_1641 = arith.cmpi sge, %add3A_1639, %ge3A_1640 : vector<16xi32>
      %lt3A_1642 = vector.broadcast %squeeze3A_11 : i32 to vector<16xi32>
      %lt3A_1643 = arith.cmpi slt, %add3A_1639, %lt3A_1642 : vector<16xi32>
      %and3A_1644 = arith.andi %ge3A_1641, %lt3A_1643 : vector<16xi1>
      %get3A_1645 = arith.constant 112 : index
      %get3A_1646 = tpu.vector_load %arg15[%get3A_1645] {strides = array<i32>} : memref<128xf32, #tpu.memory_space<vmem>>, vector<16xf32>,
      %jit3A_1647 = arith.constant 0.000000e+00 : f32
      %broadcast_in_dim3A_1648 = vector.broadcast %jit3A_1647 : f32 to vector<16xf32>
      %select_n3A_1649 = arith.select %and3A_1644, %get3A_1646, %broadcast_in_dim3A_1648 : vector<16xi1>, vector<16xf32>
      %swap3A_1650 = arith.constant 112 : index
      %swap3A_1651 = tpu.vector_load %arg15[%swap3A_1650] {strides = array<i32>} : memref<128xf32, #tpu.memory_space<vmem>>, vector<16xf32>,
      tpu.vector_store %arg15[%swap3A_1650], %select_n3A_1649 {strides = array<i32>} : memref<128xf32, #tpu.memory_space<vmem>>, vector<16xf32>,
      %broadcast_in_dim3A_1652 = arith.constant 0 : i32
      %broadcast_in_dim3A_1653 = vector.broadcast %broadcast_in_dim3A_1652 : i32 to vector<16xi32>
      %broadcast_in_dim3A_1654 = arith.constant 632 : i32
      %broadcast_in_dim3A_1655 = vector.broadcast %broadcast_in_dim3A_1654 : i32 to vector<16xi32>
      %add3A_1656 = arith.addi %broadcast_in_dim3A_1653, %broadcast_in_dim3A_1655 : vector<16xi32>
      %shift_right_arithmetic3A_1657 = arith.constant 1 : i32
      %shift_right_arithmetic3A_1658 = vector.broadcast %shift_right_arithmetic3A_1657 : i32 to vector<16xi32>
      %shift_right_arithmetic3A_1659 = arith.shrsi %add3A_1656, %shift_right_arithmetic3A_1658 : vector<16xi32>
      %gather3A_1660 = tpu.vector_load_idx %arg11[%shift_right_arithmetic3A_1659] : memref<640xi32, #tpu.memory_space<vmem>>[vector<16xi32>], vector<16xi32>,
      %le3A_1661 = arith.cmpi sle, %gather3A_1660, %add3A_1639 : vector<16xi32>
      %select_n3A_1662 = arith.select %le3A_1661, %shift_right_arithmetic3A_1659, %broadcast_in_dim3A_1653 : vector<16xi1>, vector<16xi32>
      %select_n3A_1663 = arith.select %le3A_1661, %broadcast_in_dim3A_1655, %shift_right_arithmetic3A_1659 : vector<16xi1>, vector<16xi32>
      %add3A_1664 = arith.addi %select_n3A_1662, %select_n3A_1663 : vector<16xi32>
      %shift_right_arithmetic3A_1665 = arith.constant 1 : i32
      %shift_right_arithmetic3A_1666 = vector.broadcast %shift_right_arithmetic3A_1665 : i32 to vector<16xi32>
      %shift_right_arithmetic3A_1667 = arith.shrsi %add3A_1664, %shift_right_arithmetic3A_1666 : vector<16xi32>
      %gather3A_1668 = tpu.vector_load_idx %arg11[%shift_right_arithmetic3A_1667] : memref<640xi32, #tpu.memory_space<vmem>>[vector<16xi32>], vector<16xi32>,
      %le3A_1669 = arith.cmpi sle, %gather3A_1668, %add3A_1639 : vector<16xi32>
      %select_n3A_1670 = arith.select %le3A_1669, %shift_right_arithmetic3A_1667, %select_n3A_1662 : vector<16xi1>, vector<16xi32>
      %select_n3A_1671 = arith.select %le3A_1669, %select_n3A_1663, %shift_right_arithmetic3A_1667 : vector<16xi1>, vector<16xi32>
      %add3A_1672 = arith.addi %select_n3A_1670, %select_n3A_1671 : vector<16xi32>
      %shift_right_arithmetic3A_1673 = arith.constant 1 : i32
      %shift_right_arithmetic3A_1674 = vector.broadcast %shift_right_arithmetic3A_1673 : i32 to vector<16xi32>
      %shift_right_arithmetic3A_1675 = arith.shrsi %add3A_1672, %shift_right_arithmetic3A_1674 : vector<16xi32>
      %gather3A_1676 = tpu.vector_load_idx %arg11[%shift_right_arithmetic3A_1675] : memref<640xi32, #tpu.memory_space<vmem>>[vector<16xi32>], vector<16xi32>,
      %le3A_1677 = arith.cmpi sle, %gather3A_1676, %add3A_1639 : vector<16xi32>
      %select_n3A_1678 = arith.select %le3A_1677, %shift_right_arithmetic3A_1675, %select_n3A_1670 : vector<16xi1>, vector<16xi32>
      %select_n3A_1679 = arith.select %le3A_1677, %select_n3A_1671, %shift_right_arithmetic3A_1675 : vector<16xi1>, vector<16xi32>
      %add3A_1680 = arith.addi %select_n3A_1678, %select_n3A_1679 : vector<16xi32>
      %shift_right_arithmetic3A_1681 = arith.constant 1 : i32
      %shift_right_arithmetic3A_1682 = vector.broadcast %shift_right_arithmetic3A_1681 : i32 to vector<16xi32>
      %shift_right_arithmetic3A_1683 = arith.shrsi %add3A_1680, %shift_right_arithmetic3A_1682 : vector<16xi32>
      %gather3A_1684 = tpu.vector_load_idx %arg11[%shift_right_arithmetic3A_1683] : memref<640xi32, #tpu.memory_space<vmem>>[vector<16xi32>], vector<16xi32>,
      %le3A_1685 = arith.cmpi sle, %gather3A_1684, %add3A_1639 : vector<16xi32>
      %select_n3A_1686 = arith.select %le3A_1685, %shift_right_arithmetic3A_1683, %select_n3A_1678 : vector<16xi1>, vector<16xi32>
      %select_n3A_1687 = arith.select %le3A_1685, %select_n3A_1679, %shift_right_arithmetic3A_1683 : vector<16xi1>, vector<16xi32>
      %add3A_1688 = arith.addi %select_n3A_1686, %select_n3A_1687 : vector<16xi32>
      %shift_right_arithmetic3A_1689 = arith.constant 1 : i32
      %shift_right_arithmetic3A_1690 = vector.broadcast %shift_right_arithmetic3A_1689 : i32 to vector<16xi32>
      %shift_right_arithmetic3A_1691 = arith.shrsi %add3A_1688, %shift_right_arithmetic3A_1690 : vector<16xi32>
      %gather3A_1692 = tpu.vector_load_idx %arg11[%shift_right_arithmetic3A_1691] : memref<640xi32, #tpu.memory_space<vmem>>[vector<16xi32>], vector<16xi32>,
      %le3A_1693 = arith.cmpi sle, %gather3A_1692, %add3A_1639 : vector<16xi32>
      %select_n3A_1694 = arith.select %le3A_1693, %shift_right_arithmetic3A_1691, %select_n3A_1686 : vector<16xi1>, vector<16xi32>
      %select_n3A_1695 = arith.select %le3A_1693, %select_n3A_1687, %shift_right_arithmetic3A_1691 : vector<16xi1>, vector<16xi32>
      %add3A_1696 = arith.addi %select_n3A_1694, %select_n3A_1695 : vector<16xi32>
      %shift_right_arithmetic3A_1697 = arith.constant 1 : i32
      %shift_right_arithmetic3A_1698 = vector.broadcast %shift_right_arithmetic3A_1697 : i32 to vector<16xi32>
      %shift_right_arithmetic3A_1699 = arith.shrsi %add3A_1696, %shift_right_arithmetic3A_1698 : vector<16xi32>
      %gather3A_1700 = tpu.vector_load_idx %arg11[%shift_right_arithmetic3A_1699] : memref<640xi32, #tpu.memory_space<vmem>>[vector<16xi32>], vector<16xi32>,
      %le3A_1701 = arith.cmpi sle, %gather3A_1700, %add3A_1639 : vector<16xi32>
      %select_n3A_1702 = arith.select %le3A_1701, %shift_right_arithmetic3A_1699, %select_n3A_1694 : vector<16xi1>, vector<16xi32>
      %select_n3A_1703 = arith.select %le3A_1701, %select_n3A_1695, %shift_right_arithmetic3A_1699 : vector<16xi1>, vector<16xi32>
      %add3A_1704 = arith.addi %select_n3A_1702, %select_n3A_1703 : vector<16xi32>
      %shift_right_arithmetic3A_1705 = arith.constant 1 : i32
      %shift_right_arithmetic3A_1706 = vector.broadcast %shift_right_arithmetic3A_1705 : i32 to vector<16xi32>
      %shift_right_arithmetic3A_1707 = arith.shrsi %add3A_1704, %shift_right_arithmetic3A_1706 : vector<16xi32>
      %gather3A_1708 = tpu.vector_load_idx %arg11[%shift_right_arithmetic3A_1707] : memref<640xi32, #tpu.memory_space<vmem>>[vector<16xi32>], vector<16xi32>,
      %le3A_1709 = arith.cmpi sle, %gather3A_1708, %add3A_1639 : vector<16xi32>
      %select_n3A_1710 = arith.select %le3A_1709, %shift_right_arithmetic3A_1707, %select_n3A_1702 : vector<16xi1>, vector<16xi32>
      %select_n3A_1711 = arith.select %le3A_1709, %select_n3A_1703, %shift_right_arithmetic3A_1707 : vector<16xi1>, vector<16xi32>
      %add3A_1712 = arith.addi %select_n3A_1710, %select_n3A_1711 : vector<16xi32>
      %shift_right_arithmetic3A_1713 = arith.constant 1 : i32
      %shift_right_arithmetic3A_1714 = vector.broadcast %shift_right_arithmetic3A_1713 : i32 to vector<16xi32>
      %shift_right_arithmetic3A_1715 = arith.shrsi %add3A_1712, %shift_right_arithmetic3A_1714 : vector<16xi32>
      %gather3A_1716 = tpu.vector_load_idx %arg11[%shift_right_arithmetic3A_1715] : memref<640xi32, #tpu.memory_space<vmem>>[vector<16xi32>], vector<16xi32>,
      %le3A_1717 = arith.cmpi sle, %gather3A_1716, %add3A_1639 : vector<16xi32>
      %select_n3A_1718 = arith.select %le3A_1717, %shift_right_arithmetic3A_1715, %select_n3A_1710 : vector<16xi1>, vector<16xi32>
      %select_n3A_1719 = arith.select %le3A_1717, %select_n3A_1711, %shift_right_arithmetic3A_1715 : vector<16xi1>, vector<16xi32>
      %add3A_1720 = arith.addi %select_n3A_1718, %select_n3A_1719 : vector<16xi32>
      %shift_right_arithmetic3A_1721 = arith.constant 1 : i32
      %shift_right_arithmetic3A_1722 = vector.broadcast %shift_right_arithmetic3A_1721 : i32 to vector<16xi32>
      %shift_right_arithmetic3A_1723 = arith.shrsi %add3A_1720, %shift_right_arithmetic3A_1722 : vector<16xi32>
      %gather3A_1724 = tpu.vector_load_idx %arg11[%shift_right_arithmetic3A_1723] : memref<640xi32, #tpu.memory_space<vmem>>[vector<16xi32>], vector<16xi32>,
      %le3A_1725 = arith.cmpi sle, %gather3A_1724, %add3A_1639 : vector<16xi32>
      %select_n3A_1726 = arith.select %le3A_1725, %shift_right_arithmetic3A_1723, %select_n3A_1718 : vector<16xi1>, vector<16xi32>
      %select_n3A_1727 = arith.select %le3A_1725, %select_n3A_1719, %shift_right_arithmetic3A_1723 : vector<16xi1>, vector<16xi32>
      %add3A_1728 = arith.addi %select_n3A_1726, %select_n3A_1727 : vector<16xi32>
      %shift_right_arithmetic3A_1729 = arith.constant 1 : i32
      %shift_right_arithmetic3A_1730 = vector.broadcast %shift_right_arithmetic3A_1729 : i32 to vector<16xi32>
      %shift_right_arithmetic3A_1731 = arith.shrsi %add3A_1728, %shift_right_arithmetic3A_1730 : vector<16xi32>
      %gather3A_1732 = tpu.vector_load_idx %arg11[%shift_right_arithmetic3A_1731] : memref<640xi32, #tpu.memory_space<vmem>>[vector<16xi32>], vector<16xi32>,
      %le3A_1733 = arith.cmpi sle, %gather3A_1732, %add3A_1639 : vector<16xi32>
      %select_n3A_1734 = arith.select %le3A_1733, %shift_right_arithmetic3A_1731, %select_n3A_1726 : vector<16xi1>, vector<16xi32>
      %select_n3A_1735 = arith.select %le3A_1733, %select_n3A_1727, %shift_right_arithmetic3A_1731 : vector<16xi1>, vector<16xi32>
      %add3A_1736 = vector.broadcast %mul3A_4 : i32 to vector<16xi32>
      %add3A_1737 = arith.addi %select_n3A_1734, %add3A_1736 : vector<16xi32>
      %swap3A_1738 = arith.constant 112 : index
      %swap3A_1739 = tpu.vector_load %arg17[%swap3A_1738] {strides = array<i32>} : memref<128xi32, #tpu.memory_space<vmem>>, vector<16xi32>,
      tpu.vector_store %arg17[%swap3A_1738], %add3A_1737 {strides = array<i32>} : memref<128xi32, #tpu.memory_space<vmem>>, vector<16xi32>,
      %dma_wait3A_1740 = arith.constant 0 : i32
      %dma_wait3A_1741 = arith.constant 0 : i32
      %dma_wait3A_1742 = tpu.memref_slice %arg6[%dma_wait3A_1740, %dma_wait3A_1741] : memref<10000x128xf32, #tpu.memory_space<hbm>> -> memref<10000x128xf32, #tpu.memory_space<hbm>>
      tpu.wait_indirect_dma semaphore(%arg20 : memref<!tpu.dma_semaphore, #tpu.memory_space<semaphore_mem>>) src(%dma_wait3A_1742 : memref<10000x128xf32, #tpu.memory_space<hbm>>) dst(%arg9 : memref<128x128xf32, #tpu.memory_space<vmem>>)
      %parallel_loop3A = arith.constant 0 : i32
      %parallel_loop3A_1743 = arith.constant 128 : i32
      %parallel_loop3A_1744 = arith.constant 1 : i32
      scf.for %parallel_loop3A_1758 = %parallel_loop3A to %parallel_loop3A_1743 step %parallel_loop3A_1744  : i32 {
        %parallel_loop3A_1759 = vector.broadcast %parallel_loop3A_1758 : i32 to vector<16xi32>
        %parallel_loop3A_1760 = tpu.vector_load_idx %arg14[%parallel_loop3A_1759] : memref<128xf32, #tpu.memory_space<vmem>>[vector<16xi32>], vector<16xf32>,
        %parallel_loop3A_1761 = arith.index_cast %parallel_loop3A_1758 : i32 to index
        %parallel_loop3A_1762 = arith.constant 0 : index
        %parallel_loop3A_1763 = tpu.vector_load %arg9[%parallel_loop3A_1761, %parallel_loop3A_1762] {strides = array<i32>} : memref<128x128xf32, #tpu.memory_space<vmem>>, vector<16xf32>,
        %parallel_loop3A_1764 = arith.mulf %parallel_loop3A_1763, %parallel_loop3A_1760 : vector<16xf32>
        %parallel_loop3A_1765 = arith.index_cast %parallel_loop3A_1758 : i32 to index
        %parallel_loop3A_1766 = arith.constant 0 : index
        %parallel_loop3A_1767 = tpu.vector_load %arg9[%parallel_loop3A_1765, %parallel_loop3A_1766] {strides = array<i32>} : memref<128x128xf32, #tpu.memory_space<vmem>>, vector<16xf32>,
        tpu.vector_store %arg9[%parallel_loop3A_1765, %parallel_loop3A_1766], %parallel_loop3A_1764 {strides = array<i32>} : memref<128x128xf32, #tpu.memory_space<vmem>>, vector<16xf32>,
        %parallel_loop3A_1768 = arith.index_cast %parallel_loop3A_1758 : i32 to index
        %parallel_loop3A_1769 = arith.constant 16 : index
        %parallel_loop3A_1770 = tpu.vector_load %arg9[%parallel_loop3A_1768, %parallel_loop3A_1769] {strides = array<i32>} : memref<128x128xf32, #tpu.memory_space<vmem>>, vector<16xf32>,
        %parallel_loop3A_1771 = arith.mulf %parallel_loop3A_1770, %parallel_loop3A_1760 : vector<16xf32>
        %parallel_loop3A_1772 = arith.index_cast %parallel_loop3A_1758 : i32 to index
        %parallel_loop3A_1773 = arith.constant 16 : index
        %parallel_loop3A_1774 = tpu.vector_load %arg9[%parallel_loop3A_1772, %parallel_loop3A_1773] {strides = array<i32>} : memref<128x128xf32, #tpu.memory_space<vmem>>, vector<16xf32>,
        tpu.vector_store %arg9[%parallel_loop3A_1772, %parallel_loop3A_1773], %parallel_loop3A_1771 {strides = array<i32>} : memref<128x128xf32, #tpu.memory_space<vmem>>, vector<16xf32>,
        %parallel_loop3A_1775 = arith.index_cast %parallel_loop3A_1758 : i32 to index
        %parallel_loop3A_1776 = arith.constant 32 : index
        %parallel_loop3A_1777 = tpu.vector_load %arg9[%parallel_loop3A_1775, %parallel_loop3A_1776] {strides = array<i32>} : memref<128x128xf32, #tpu.memory_space<vmem>>, vector<16xf32>,
        %parallel_loop3A_1778 = arith.mulf %parallel_loop3A_1777, %parallel_loop3A_1760 : vector<16xf32>
        %parallel_loop3A_1779 = arith.index_cast %parallel_loop3A_1758 : i32 to index
        %parallel_loop3A_1780 = arith.constant 32 : index
        %parallel_loop3A_1781 = tpu.vector_load %arg9[%parallel_loop3A_1779, %parallel_loop3A_1780] {strides = array<i32>} : memref<128x128xf32, #tpu.memory_space<vmem>>, vector<16xf32>,
        tpu.vector_store %arg9[%parallel_loop3A_1779, %parallel_loop3A_1780], %parallel_loop3A_1778 {strides = array<i32>} : memref<128x128xf32, #tpu.memory_space<vmem>>, vector<16xf32>,
        %parallel_loop3A_1782 = arith.index_cast %parallel_loop3A_1758 : i32 to index
        %parallel_loop3A_1783 = arith.constant 48 : index
        %parallel_loop3A_1784 = tpu.vector_load %arg9[%parallel_loop3A_1782, %parallel_loop3A_1783] {strides = array<i32>} : memref<128x128xf32, #tpu.memory_space<vmem>>, vector<16xf32>,
        %parallel_loop3A_1785 = arith.mulf %parallel_loop3A_1784, %parallel_loop3A_1760 : vector<16xf32>
        %parallel_loop3A_1786 = arith.index_cast %parallel_loop3A_1758 : i32 to index
        %parallel_loop3A_1787 = arith.constant 48 : index
        %parallel_loop3A_1788 = tpu.vector_load %arg9[%parallel_loop3A_1786, %parallel_loop3A_1787] {strides = array<i32>} : memref<128x128xf32, #tpu.memory_space<vmem>>, vector<16xf32>,
        tpu.vector_store %arg9[%parallel_loop3A_1786, %parallel_loop3A_1787], %parallel_loop3A_1785 {strides = array<i32>} : memref<128x128xf32, #tpu.memory_space<vmem>>, vector<16xf32>,
        %parallel_loop3A_1789 = arith.index_cast %parallel_loop3A_1758 : i32 to index
        %parallel_loop3A_1790 = arith.constant 64 : index
        %parallel_loop3A_1791 = tpu.vector_load %arg9[%parallel_loop3A_1789, %parallel_loop3A_1790] {strides = array<i32>} : memref<128x128xf32, #tpu.memory_space<vmem>>, vector<16xf32>,
        %parallel_loop3A_1792 = arith.mulf %parallel_loop3A_1791, %parallel_loop3A_1760 : vector<16xf32>
        %parallel_loop3A_1793 = arith.index_cast %parallel_loop3A_1758 : i32 to index
        %parallel_loop3A_1794 = arith.constant 64 : index
        %parallel_loop3A_1795 = tpu.vector_load %arg9[%parallel_loop3A_1793, %parallel_loop3A_1794] {strides = array<i32>} : memref<128x128xf32, #tpu.memory_space<vmem>>, vector<16xf32>,
        tpu.vector_store %arg9[%parallel_loop3A_1793, %parallel_loop3A_1794], %parallel_loop3A_1792 {strides = array<i32>} : memref<128x128xf32, #tpu.memory_space<vmem>>, vector<16xf32>,
        %parallel_loop3A_1796 = arith.index_cast %parallel_loop3A_1758 : i32 to index
        %parallel_loop3A_1797 = arith.constant 80 : index
        %parallel_loop3A_1798 = tpu.vector_load %arg9[%parallel_loop3A_1796, %parallel_loop3A_1797] {strides = array<i32>} : memref<128x128xf32, #tpu.memory_space<vmem>>, vector<16xf32>,
        %parallel_loop3A_1799 = arith.mulf %parallel_loop3A_1798, %parallel_loop3A_1760 : vector<16xf32>
        %parallel_loop3A_1800 = arith.index_cast %parallel_loop3A_1758 : i32 to index
        %parallel_loop3A_1801 = arith.constant 80 : index
        %parallel_loop3A_1802 = tpu.vector_load %arg9[%parallel_loop3A_1800, %parallel_loop3A_1801] {strides = array<i32>} : memref<128x128xf32, #tpu.memory_space<vmem>>, vector<16xf32>,
        tpu.vector_store %arg9[%parallel_loop3A_1800, %parallel_loop3A_1801], %parallel_loop3A_1799 {strides = array<i32>} : memref<128x128xf32, #tpu.memory_space<vmem>>, vector<16xf32>,
        %parallel_loop3A_1803 = arith.index_cast %parallel_loop3A_1758 : i32 to index
        %parallel_loop3A_1804 = arith.constant 96 : index
        %parallel_loop3A_1805 = tpu.vector_load %arg9[%parallel_loop3A_1803, %parallel_loop3A_1804] {strides = array<i32>} : memref<128x128xf32, #tpu.memory_space<vmem>>, vector<16xf32>,
        %parallel_loop3A_1806 = arith.mulf %parallel_loop3A_1805, %parallel_loop3A_1760 : vector<16xf32>
        %parallel_loop3A_1807 = arith.index_cast %parallel_loop3A_1758 : i32 to index
        %parallel_loop3A_1808 = arith.constant 96 : index
        %parallel_loop3A_1809 = tpu.vector_load %arg9[%parallel_loop3A_1807, %parallel_loop3A_1808] {strides = array<i32>} : memref<128x128xf32, #tpu.memory_space<vmem>>, vector<16xf32>,
        tpu.vector_store %arg9[%parallel_loop3A_1807, %parallel_loop3A_1808], %parallel_loop3A_1806 {strides = array<i32>} : memref<128x128xf32, #tpu.memory_space<vmem>>, vector<16xf32>,
        %parallel_loop3A_1810 = arith.index_cast %parallel_loop3A_1758 : i32 to index
        %parallel_loop3A_1811 = arith.constant 112 : index
        %parallel_loop3A_1812 = tpu.vector_load %arg9[%parallel_loop3A_1810, %parallel_loop3A_1811] {strides = array<i32>} : memref<128x128xf32, #tpu.memory_space<vmem>>, vector<16xf32>,
        %parallel_loop3A_1813 = arith.mulf %parallel_loop3A_1812, %parallel_loop3A_1760 : vector<16xf32>
        %parallel_loop3A_1814 = arith.index_cast %parallel_loop3A_1758 : i32 to index
        %parallel_loop3A_1815 = arith.constant 112 : index
        %parallel_loop3A_1816 = tpu.vector_load %arg9[%parallel_loop3A_1814, %parallel_loop3A_1815] {strides = array<i32>} : memref<128x128xf32, #tpu.memory_space<vmem>>, vector<16xf32>,
        tpu.vector_store %arg9[%parallel_loop3A_1814, %parallel_loop3A_1815], %parallel_loop3A_1813 {strides = array<i32>} : memref<128x128xf32, #tpu.memory_space<vmem>>, vector<16xf32>,
      } {sc.loop_unroll_factor = 4 : i64, sc.parallel_access}
      %dma_start3A_1745 = arith.constant 0 : i32
      %dma_start3A_1746 = arith.constant 0 : i32
      %dma_start3A_1747 = tpu.memref_slice %arg8[%dma_start3A_1745, %dma_start3A_1746] : memref<10112x128xf32, #tpu.memory_space<vmem_shared>> -> memref<10112x128xf32, #tpu.memory_space<vmem_shared>>
      tpu.enqueue_indirect_dma source(%arg9 : memref<128x128xf32, #tpu.memory_space<vmem>>) target(%dma_start3A_1747 : memref<10112x128xf32, #tpu.memory_space<vmem_shared>>) offsets(%arg16 : memref<128xi32, #tpu.memory_space<vmem>>) semaphore(%arg22 : memref<!tpu.dma_semaphore, #tpu.memory_space<semaphore_mem>>) {add = true}
      %dma_wait3A_1748 = arith.constant 0 : i32
      %dma_wait3A_1749 = arith.constant 0 : i32
      %dma_wait3A_1750 = tpu.memref_slice %arg6[%dma_wait3A_1748, %dma_wait3A_1749] : memref<10000x128xf32, #tpu.memory_space<hbm>> -> memref<10000x128xf32, #tpu.memory_space<hbm>>
      tpu.wait_indirect_dma semaphore(%arg21 : memref<!tpu.dma_semaphore, #tpu.memory_space<semaphore_mem>>) src(%dma_wait3A_1750 : memref<10000x128xf32, #tpu.memory_space<hbm>>) dst(%arg10 : memref<128x128xf32, #tpu.memory_space<vmem>>)
      %parallel_loop3A_1751 = arith.constant 0 : i32
      %parallel_loop3A_1752 = arith.constant 128 : i32
      %parallel_loop3A_1753 = arith.constant 1 : i32
      scf.for %parallel_loop3A_1758 = %parallel_loop3A_1751 to %parallel_loop3A_1752 step %parallel_loop3A_1753  : i32 {
        %parallel_loop3A_1759 = vector.broadcast %parallel_loop3A_1758 : i32 to vector<16xi32>
        %parallel_loop3A_1760 = tpu.vector_load_idx %arg15[%parallel_loop3A_1759] : memref<128xf32, #tpu.memory_space<vmem>>[vector<16xi32>], vector<16xf32>,
        %parallel_loop3A_1761 = arith.index_cast %parallel_loop3A_1758 : i32 to index
        %parallel_loop3A_1762 = arith.constant 0 : index
        %parallel_loop3A_1763 = tpu.vector_load %arg10[%parallel_loop3A_1761, %parallel_loop3A_1762] {strides = array<i32>} : memref<128x128xf32, #tpu.memory_space<vmem>>, vector<16xf32>,
        %parallel_loop3A_1764 = arith.mulf %parallel_loop3A_1763, %parallel_loop3A_1760 : vector<16xf32>
        %parallel_loop3A_1765 = arith.index_cast %parallel_loop3A_1758 : i32 to index
        %parallel_loop3A_1766 = arith.constant 0 : index
        %parallel_loop3A_1767 = tpu.vector_load %arg10[%parallel_loop3A_1765, %parallel_loop3A_1766] {strides = array<i32>} : memref<128x128xf32, #tpu.memory_space<vmem>>, vector<16xf32>,
        tpu.vector_store %arg10[%parallel_loop3A_1765, %parallel_loop3A_1766], %parallel_loop3A_1764 {strides = array<i32>} : memref<128x128xf32, #tpu.memory_space<vmem>>, vector<16xf32>,
        %parallel_loop3A_1768 = arith.index_cast %parallel_loop3A_1758 : i32 to index
        %parallel_loop3A_1769 = arith.constant 16 : index
        %parallel_loop3A_1770 = tpu.vector_load %arg10[%parallel_loop3A_1768, %parallel_loop3A_1769] {strides = array<i32>} : memref<128x128xf32, #tpu.memory_space<vmem>>, vector<16xf32>,
        %parallel_loop3A_1771 = arith.mulf %parallel_loop3A_1770, %parallel_loop3A_1760 : vector<16xf32>
        %parallel_loop3A_1772 = arith.index_cast %parallel_loop3A_1758 : i32 to index
        %parallel_loop3A_1773 = arith.constant 16 : index
        %parallel_loop3A_1774 = tpu.vector_load %arg10[%parallel_loop3A_1772, %parallel_loop3A_1773] {strides = array<i32>} : memref<128x128xf32, #tpu.memory_space<vmem>>, vector<16xf32>,
        tpu.vector_store %arg10[%parallel_loop3A_1772, %parallel_loop3A_1773], %parallel_loop3A_1771 {strides = array<i32>} : memref<128x128xf32, #tpu.memory_space<vmem>>, vector<16xf32>,
        %parallel_loop3A_1775 = arith.index_cast %parallel_loop3A_1758 : i32 to index
        %parallel_loop3A_1776 = arith.constant 32 : index
        %parallel_loop3A_1777 = tpu.vector_load %arg10[%parallel_loop3A_1775, %parallel_loop3A_1776] {strides = array<i32>} : memref<128x128xf32, #tpu.memory_space<vmem>>, vector<16xf32>,
        %parallel_loop3A_1778 = arith.mulf %parallel_loop3A_1777, %parallel_loop3A_1760 : vector<16xf32>
        %parallel_loop3A_1779 = arith.index_cast %parallel_loop3A_1758 : i32 to index
        %parallel_loop3A_1780 = arith.constant 32 : index
        %parallel_loop3A_1781 = tpu.vector_load %arg10[%parallel_loop3A_1779, %parallel_loop3A_1780] {strides = array<i32>} : memref<128x128xf32, #tpu.memory_space<vmem>>, vector<16xf32>,
        tpu.vector_store %arg10[%parallel_loop3A_1779, %parallel_loop3A_1780], %parallel_loop3A_1778 {strides = array<i32>} : memref<128x128xf32, #tpu.memory_space<vmem>>, vector<16xf32>,
        %parallel_loop3A_1782 = arith.index_cast %parallel_loop3A_1758 : i32 to index
        %parallel_loop3A_1783 = arith.constant 48 : index
        %parallel_loop3A_1784 = tpu.vector_load %arg10[%parallel_loop3A_1782, %parallel_loop3A_1783] {strides = array<i32>} : memref<128x128xf32, #tpu.memory_space<vmem>>, vector<16xf32>,
        %parallel_loop3A_1785 = arith.mulf %parallel_loop3A_1784, %parallel_loop3A_1760 : vector<16xf32>
        %parallel_loop3A_1786 = arith.index_cast %parallel_loop3A_1758 : i32 to index
        %parallel_loop3A_1787 = arith.constant 48 : index
        %parallel_loop3A_1788 = tpu.vector_load %arg10[%parallel_loop3A_1786, %parallel_loop3A_1787] {strides = array<i32>} : memref<128x128xf32, #tpu.memory_space<vmem>>, vector<16xf32>,
        tpu.vector_store %arg10[%parallel_loop3A_1786, %parallel_loop3A_1787], %parallel_loop3A_1785 {strides = array<i32>} : memref<128x128xf32, #tpu.memory_space<vmem>>, vector<16xf32>,
        %parallel_loop3A_1789 = arith.index_cast %parallel_loop3A_1758 : i32 to index
        %parallel_loop3A_1790 = arith.constant 64 : index
        %parallel_loop3A_1791 = tpu.vector_load %arg10[%parallel_loop3A_1789, %parallel_loop3A_1790] {strides = array<i32>} : memref<128x128xf32, #tpu.memory_space<vmem>>, vector<16xf32>,
        %parallel_loop3A_1792 = arith.mulf %parallel_loop3A_1791, %parallel_loop3A_1760 : vector<16xf32>
        %parallel_loop3A_1793 = arith.index_cast %parallel_loop3A_1758 : i32 to index
        %parallel_loop3A_1794 = arith.constant 64 : index
        %parallel_loop3A_1795 = tpu.vector_load %arg10[%parallel_loop3A_1793, %parallel_loop3A_1794] {strides = array<i32>} : memref<128x128xf32, #tpu.memory_space<vmem>>, vector<16xf32>,
        tpu.vector_store %arg10[%parallel_loop3A_1793, %parallel_loop3A_1794], %parallel_loop3A_1792 {strides = array<i32>} : memref<128x128xf32, #tpu.memory_space<vmem>>, vector<16xf32>,
        %parallel_loop3A_1796 = arith.index_cast %parallel_loop3A_1758 : i32 to index
        %parallel_loop3A_1797 = arith.constant 80 : index
        %parallel_loop3A_1798 = tpu.vector_load %arg10[%parallel_loop3A_1796, %parallel_loop3A_1797] {strides = array<i32>} : memref<128x128xf32, #tpu.memory_space<vmem>>, vector<16xf32>,
        %parallel_loop3A_1799 = arith.mulf %parallel_loop3A_1798, %parallel_loop3A_1760 : vector<16xf32>
        %parallel_loop3A_1800 = arith.index_cast %parallel_loop3A_1758 : i32 to index
        %parallel_loop3A_1801 = arith.constant 80 : index
        %parallel_loop3A_1802 = tpu.vector_load %arg10[%parallel_loop3A_1800, %parallel_loop3A_1801] {strides = array<i32>} : memref<128x128xf32, #tpu.memory_space<vmem>>, vector<16xf32>,
        tpu.vector_store %arg10[%parallel_loop3A_1800, %parallel_loop3A_1801], %parallel_loop3A_1799 {strides = array<i32>} : memref<128x128xf32, #tpu.memory_space<vmem>>, vector<16xf32>,
        %parallel_loop3A_1803 = arith.index_cast %parallel_loop3A_1758 : i32 to index
        %parallel_loop3A_1804 = arith.constant 96 : index
        %parallel_loop3A_1805 = tpu.vector_load %arg10[%parallel_loop3A_1803, %parallel_loop3A_1804] {strides = array<i32>} : memref<128x128xf32, #tpu.memory_space<vmem>>, vector<16xf32>,
        %parallel_loop3A_1806 = arith.mulf %parallel_loop3A_1805, %parallel_loop3A_1760 : vector<16xf32>
        %parallel_loop3A_1807 = arith.index_cast %parallel_loop3A_1758 : i32 to index
        %parallel_loop3A_1808 = arith.constant 96 : index
        %parallel_loop3A_1809 = tpu.vector_load %arg10[%parallel_loop3A_1807, %parallel_loop3A_1808] {strides = array<i32>} : memref<128x128xf32, #tpu.memory_space<vmem>>, vector<16xf32>,
        tpu.vector_store %arg10[%parallel_loop3A_1807, %parallel_loop3A_1808], %parallel_loop3A_1806 {strides = array<i32>} : memref<128x128xf32, #tpu.memory_space<vmem>>, vector<16xf32>,
        %parallel_loop3A_1810 = arith.index_cast %parallel_loop3A_1758 : i32 to index
        %parallel_loop3A_1811 = arith.constant 112 : index
        %parallel_loop3A_1812 = tpu.vector_load %arg10[%parallel_loop3A_1810, %parallel_loop3A_1811] {strides = array<i32>} : memref<128x128xf32, #tpu.memory_space<vmem>>, vector<16xf32>,
        %parallel_loop3A_1813 = arith.mulf %parallel_loop3A_1812, %parallel_loop3A_1760 : vector<16xf32>
        %parallel_loop3A_1814 = arith.index_cast %parallel_loop3A_1758 : i32 to index
        %parallel_loop3A_1815 = arith.constant 112 : index
        %parallel_loop3A_1816 = tpu.vector_load %arg10[%parallel_loop3A_1814, %parallel_loop3A_1815] {strides = array<i32>} : memref<128x128xf32, #tpu.memory_space<vmem>>, vector<16xf32>,
        tpu.vector_store %arg10[%parallel_loop3A_1814, %parallel_loop3A_1815], %parallel_loop3A_1813 {strides = array<i32>} : memref<128x128xf32, #tpu.memory_space<vmem>>, vector<16xf32>,
      } {sc.loop_unroll_factor = 4 : i64, sc.parallel_access}
      %dma_start3A_1754 = arith.constant 0 : i32
      %dma_start3A_1755 = arith.constant 0 : i32
      %dma_start3A_1756 = tpu.memref_slice %arg8[%dma_start3A_1754, %dma_start3A_1755] : memref<10112x128xf32, #tpu.memory_space<vmem_shared>> -> memref<10112x128xf32, #tpu.memory_space<vmem_shared>>
      tpu.enqueue_indirect_dma source(%arg10 : memref<128x128xf32, #tpu.memory_space<vmem>>) target(%dma_start3A_1756 : memref<10112x128xf32, #tpu.memory_space<vmem_shared>>) offsets(%arg17 : memref<128xi32, #tpu.memory_space<vmem>>) semaphore(%arg23 : memref<!tpu.dma_semaphore, #tpu.memory_space<semaphore_mem>>) {add = true}
      %while3A_1757 = arith.constant 0 : i32
      scf.yield %while3A_1757 : i32
    }
    %gt3A = arith.constant 0 : i32
    %gt3A_46 = arith.cmpi sgt, %select_n3A, %gt3A : i32
    %convert_element_type3A = arith.extui %gt3A_46 : i1 to i32
    %cond3A = arith.constant 0 : i32
    %cond3A_47 = arith.cmpi ne, %convert_element_type3A, %cond3A : i32
    scf.if %cond3A_47 {
      %dma_wait3A = arith.constant 0 : i32
      %dma_wait3A_48 = arith.constant 0 : i32
      %dma_wait3A_49 = tpu.memref_slice %arg8[%dma_wait3A, %dma_wait3A_48] : memref<10112x128xf32, #tpu.memory_space<vmem_shared>> -> memref<10112x128xf32, #tpu.memory_space<vmem_shared>>
      tpu.wait_indirect_dma semaphore(%arg22 : memref<!tpu.dma_semaphore, #tpu.memory_space<semaphore_mem>>) src(%arg9 : memref<128x128xf32, #tpu.memory_space<vmem>>) dst(%dma_wait3A_49 : memref<10112x128xf32, #tpu.memory_space<vmem_shared>>)
      %dma_wait3A_50 = arith.constant 0 : i32
      %dma_wait3A_51 = arith.constant 0 : i32
      %dma_wait3A_52 = tpu.memref_slice %arg8[%dma_wait3A_50, %dma_wait3A_51] : memref<10112x128xf32, #tpu.memory_space<vmem_shared>> -> memref<10112x128xf32, #tpu.memory_space<vmem_shared>>
      tpu.wait_indirect_dma semaphore(%arg23 : memref<!tpu.dma_semaphore, #tpu.memory_space<semaphore_mem>>) src(%arg10 : memref<128x128xf32, #tpu.memory_space<vmem>>) dst(%dma_wait3A_52 : memref<10112x128xf32, #tpu.memory_space<vmem_shared>>)
    } else {
    }
    "tpu.region"() ({
      %run_scoped3A = tpu.sem_alloc : memref<!tpu.dma_semaphore, #tpu.memory_space<semaphore_mem>>
      %dma_start3A = arith.constant 0 : i32
      %dma_start3A_48 = tpu.memref_slice %arg7[%mul3A_2, %dma_start3A] : memref<20224x128xf32, #tpu.memory_space<hbm>> -> memref<632x128xf32, #tpu.memory_space<hbm>>
      %dma_start3A_49 = arith.constant 0 : i32
      %dma_start3A_50 = tpu.memref_slice %arg8[%mul3A_4, %dma_start3A_49] : memref<10112x128xf32, #tpu.memory_space<vmem_shared>> -> memref<632x128xf32, #tpu.memory_space<vmem_shared>>
      tpu.enqueue_dma source(%dma_start3A_50 : memref<632x128xf32, #tpu.memory_space<vmem_shared>>) target(%dma_start3A_48 : memref<632x128xf32, #tpu.memory_space<hbm>>) target_semaphore(%run_scoped3A : memref<!tpu.dma_semaphore, #tpu.memory_space<semaphore_mem>>)
      %dma_wait3A = arith.constant 0 : i32
      %dma_wait3A_51 = tpu.memref_slice %arg7[%mul3A_2, %dma_wait3A] : memref<20224x128xf32, #tpu.memory_space<hbm>> -> memref<632x128xf32, #tpu.memory_space<hbm>>
      %dma_wait3A_52 = arith.constant 0 : i32
      %dma_wait3A_53 = tpu.memref_slice %arg8[%mul3A_4, %dma_wait3A_52] : memref<10112x128xf32, #tpu.memory_space<vmem_shared>> -> memref<632x128xf32, #tpu.memory_space<vmem_shared>>
      tpu.wait_dma2 semaphore(%run_scoped3A : memref<!tpu.dma_semaphore, #tpu.memory_space<semaphore_mem>>) src(%dma_wait3A_53 : memref<632x128xf32, #tpu.memory_space<vmem_shared>>) dst(%dma_wait3A_51 : memref<632x128xf32, #tpu.memory_space<hbm>>)
      tpu.yield
    }) : () -> ()
    return
  }
}

</mosaic_0001>

<sc_bundles>
// kernel: _spmm_single.3.cloned.1.call-start
scs
__scs_entry_jumppad:
0x0: {  	(pc) =	sbr.rel $0x88, $3  }
0x1: {  	(tag) =	ssettag $0x0;
	lr =	simm.s32 $0x1  }
0x2: {  	[smem:$0x3F9C] =	sst lr;
	_ =	strace $0xD0000000  }
0x3: {  	_ = 	snop  }
0x4: {  	_ = 	snop  }
0x5: {  	_ = 	snop  }
0x6: {  	_ = 	snop  }
0x7: {  	_ = 	snop  }
__scs_overlays_trampoline_lowered:
0x8: {  	[smem:$0x3FAB] =	sst s0  }
0x9: {  	[smem:$0x3FAC] =	sst s1  }
0xa: {  	[smem:$0x3FAD] =	sst s2  }
0xb: {  	[smem:$0x3FAE] =	sst s3  }
0xc: {  	[smem:$0x3FAF] =	sst s4  }
0xd: {  	[smem:$0x3FB0] =	sst s5  }
0xe: {  	[smem:$0x3FB1] =	sst s6  }
0xf: {  	[smem:$0x3FB2] =	sst s7  }
0x10: {  	[smem:$0x3FB3] =	sst s8  }
0x11: {  	[smem:$0x3FB4] =	sst s9;
	s0 =	simm.s32 @!p0 $0x0  }
0x12: {  	s1 =	sld [smem:$0x3F9A];
	s0 =	simm.s32 @p0 $0x1  }
0x13: {  	[smem:$0x3FB5] =	sst s0;
	s0 =	simm.s32 @!p1 $0x0  }
0x14: {  	s2 =	sld [smem:$0x3F99];
	s0 =	simm.s32 @p1 $0x1  }
0x15: {  	[smem:$0x3FB6] =	sst s0;
	s0 =	simm.s32 @!p2 $0x0  }
0x16: {  	s3 =	sld [smem:$0x3FDB];
	s0 =	simm.s32 @p2 $0x1  }
0x17: {  	s4 =	simm.s32 $0x1BF5;
	[smem:$0x3FB8] =	sst s0  }
0x18: {  	s0 =	sld [smem:$0x3F9B];
	_ =	swait.ge [sflag:s4], $0x0  }
0x19: {  	s7 =	sld [smem:$0x3F9C]  }
0x1a: {  	s8 =	sadd.s32 $0xFFFFE003, lr  }
0x1b: {  	s9 =	sadd.s32 $0xFFFFFEF7, lr;
	s5 =	simm.s32 $0xFFFFFFFF;
	p2 =	slt.u32 s8, $0xFFFFF086  }
0x1c: {  	p1 =	slt.u32 s9, $0xF7A;
	s5 =	simm.s32 @!p2 $0x0  }
0x1d: {  	s5 =	simm.s32 @p1 $0x1;
	p0 =	seq.s32 s7, s2  }
0x1e: {  	s7 =	smul.u32 @!p0 $0xF7A, s2;
	p2 =	seq.s32 @!p0 s5, $0x0  }
0x1f: {  	s9 =	smul.u32 $0xF7A, s1;
	s8 =	simm.s32 @!p0 $0x1BF5;
	p2 =	por !p2, p0  }
0x20: {  	[sflag:s8] =	ssyncset.s32 @!p0 $0xFFFFF086;
	s6 =	sadd.s32 @!p0 s3, s7;
	s7 =	simm.s32 @!p0 $0x108  }
0x21: {  	s3 =	sadd.s32 s3, s9;
	s6 =	sadd.s32 @!p0 $0x88, s6;
	s7 =	simm.s32 @p2 $0x1082  }
0x22: {  	[simem:s7], [sflag:s8] =	dma.local @!p0 [hbm:s6], $0xF7A  }
0x23: {  	s9 =	sor.u32 $0xD0000000, s2;
	s6 =	simm.s32 $0x108;
	_ =	swait.ge @!p0 [sflag:s8], $0x0  }
0x24: {  	s3 =	sadd.s32 $0x88, s3;
	s6 =	simm.s32 @!p1 $0x1082;
	[sflag:s4] =	ssyncset.s32 $0xFFFFF086  }
0x25: {  	[simem:s6], [sflag:s4] =	dma.local [hbm:s3], $0xF7A  }
0x26: {  	[smem:$0x3F9C] =	sst s1;
	(tag) =	ssettag s2;
	_ =	strace s9  }
0x27: {  	s1 =	sld [smem:$0x3FAC]  }
0x28: {  	s2 =	sld [smem:$0x3FAD]  }
0x29: {  	s4 =	sld [smem:$0x3FAF]  }
0x2a: {  	p0 =	seq.s32 s5, $0x0;
	s5 =	sld [smem:$0x3FB0]  }
0x2b: {  	s6 =	sld [smem:$0x3FB1]  }
0x2c: {  	s7 =	sld [smem:$0x3FB2]  }
0x2d: {  	s3 =	simm.s32 $0x108;
	s8 =	sld [smem:$0x3FB3]  }
0x2e: {  	s3 =	simm.s32 @!p0 $0x1082;
	s9 =	sld [smem:$0x3FB4]  }
0x2f: {  	lr =	sadd.s32 s0, s3;
	s0 =	sld [smem:$0x3FAB]  }
0x30: {  	s3 =	sld [smem:$0x3FAE]  }
0x31: {  	[smem:$0x3FB7] =	sst s10  }
0x32: {  	s10 =	sld [smem:$0x3FB5];
	_ =	sdelay $0x3  }
0x33: {  	p0 =	seq.s32 s10, $0x1;
	s10 =	sld [smem:$0x3FB7];
	_ =	sdelay $0x3  }
0x34: {  	[smem:$0x3FB7] =	sst s10  }
0x35: {  	s10 =	sld [smem:$0x3FB6];
	_ =	sdelay $0x3  }
0x36: {  	p1 =	seq.s32 s10, $0x1;
	s10 =	sld [smem:$0x3FB7];
	_ =	sdelay $0x3  }
0x37: {  	[smem:$0x3FB7] =	sst s10  }
0x38: {  	s10 =	sld [smem:$0x3FB8]  }
0x39: {  	_ = 	snop;
	(pc) =	sbr.ind lr, $3  }
0x3a: {  	_ = 	snop  }
0x3b: {  	_ = 	snop  }
0x3c: {  	p2 =	seq.s32 s10, $0x1;
	s10 =	sld [smem:$0x3FB7]  }
0x3d: {  	_ =	shalt  }
0x3e: {  	_ =	shalt  }
0x3f: {  	_ =	shalt  }
0x40: {  	_ =	shalt  }
0x41: {  	_ =	shalt  }
0x42: {  	_ =	shalt  }
0x43: {  	_ =	shalt  }
0x44: {  	_ =	shalt  }
0x45: {  	_ =	shalt  }
0x46: {  	_ =	shalt  }
0x47: {  	_ =	shalt  }
0x48: {  	_ =	shalt  }
0x49: {  	_ =	shalt  }
0x4a: {  	_ =	shalt  }
0x4b: {  	_ =	shalt  }
0x4c: {  	_ =	shalt  }
0x4d: {  	_ =	shalt  }
0x4e: {  	_ =	shalt  }
0x4f: {  	_ =	shalt  }
0x50: {  	_ =	shalt  }
0x51: {  	_ =	shalt  }
0x52: {  	_ =	shalt  }
0x53: {  	_ =	shalt  }
0x54: {  	_ =	shalt  }
0x55: {  	_ =	shalt  }
0x56: {  	_ =	shalt  }
0x57: {  	_ =	shalt  }
0x58: {  	_ =	shalt  }
0x59: {  	_ =	shalt  }
0x5a: {  	_ =	shalt  }
0x5b: {  	_ =	shalt  }
0x5c: {  	_ =	shalt  }
0x5d: {  	_ =	shalt  }
0x5e: {  	_ =	shalt  }
0x5f: {  	_ =	shalt  }
0x60: {  	_ =	shalt  }
0x61: {  	_ =	shalt  }
0x62: {  	_ =	shalt  }
0x63: {  	_ =	shalt  }
0x64: {  	_ =	shalt  }
0x65: {  	_ =	shalt  }
0x66: {  	_ =	shalt  }
0x67: {  	_ =	shalt  }
0x68: {  	_ =	shalt  }
0x69: {  	_ =	shalt  }
0x6a: {  	_ =	shalt  }
0x6b: {  	_ =	shalt  }
0x6c: {  	_ =	shalt  }
0x6d: {  	_ =	shalt  }
0x6e: {  	_ =	shalt  }
0x6f: {  	_ =	shalt  }
0x70: {  	_ =	shalt  }
0x71: {  	_ =	shalt  }
0x72: {  	_ =	shalt  }
0x73: {  	_ =	shalt  }
0x74: {  	_ =	shalt  }
0x75: {  	_ =	shalt  }
0x76: {  	_ =	shalt  }
0x77: {  	_ =	shalt  }
0x78: {  	_ =	shalt  }
0x79: {  	_ =	shalt  }
0x7a: {  	_ =	shalt  }
0x7b: {  	_ =	shalt  }
0x7c: {  	_ =	shalt  }
0x7d: {  	_ =	shalt  }
0x7e: {  	_ =	shalt  }
0x7f: {  	_ =	shalt  }
0x80: {  	_ =	shalt  }
0x81: {  	_ =	shalt  }
0x82: {  	_ =	shalt  }
0x83: {  	_ =	shalt  }
0x84: {  	_ =	shalt  }
0x85: {  	_ =	shalt  }
0x86: {  	_ =	shalt  }
0x87: {  	_ =	shalt  }
.Lfunc_end0:
.L_simem_size_0:
called_computation_lowered:
.L_overlay_start_0:
0x88: {  	s2 =	sld [smem:$0x3FD9]  }
0x89: {  	s3 =	sld [smem:$0x3FFE];
	_ =	sdelay $0x1  }
0x8a: {  	s1 =	srdreg.scid  }
0x8b: {  	s0 =	sand.u32 $0x1, s1  }
0x8c: {  	s18 =	sshll.u32 s0, $0xA;
	s2 =	sadd.s32 s3, s2  }
0x8d: {  	s2 =	sadd.s32 s2, s18  }
0x8e: {  	[smem:$0x3FC3] =	sst s2  }
0x8f: {  	_ = 	snop  }
0x90: {  	s2 =	sld [smem:$0x3FC9]  }
0x91: {  	s19 =	sld [smem:$0x3FC8]  }
0x92: {  	s4 =	sld [smem:$0x3FC7]  }
0x93: {  	s5 =	sld [smem:$0x3FC6]  }
0x94: {  	s6 =	sld [smem:$0x3FC5]  }
0x95: {  	s7 =	sld [smem:$0x3FD0];
	(tm) =	ssettm $0x1  }
0x96: {  	s8 =	sld [smem:$0x3FFB];
	_ =	sdelay $0x3  }
0x97: {  	_ =	strace s8  }
0x98: {  	s8 =	sld [smem:$0x3FFC];
	_ =	sdelay $0x3  }
0x99: {  	_ =	strace s8  }
0x9a: {  	s8 =	sld [smem:$0x3FFD];
	_ =	sdelay $0x3  }
0x9b: {  	_ =	strace s8  }
0x9c: {  	_ =	strace $0x8FFFFFFF  }
0x9d: {  	s20 =	sld [smem:$0x3FDB];
	_ =	sdelay $0x1  }
0x9e: {  	s9 =	simm.s32 $_scs_section_size  }
0x9f: {  	s10 =	simm.s32 $_size__tile_overlayer_lowered;
	s11 =	simm.s32 $_tile_overlayer_lowered  }
0xa0: {  	s23 =	simm.s32 $0x1BFF;
	s22 =	sshll.u32 s11, $0x1;
	s8 =	sadd.s32 s9, s20  }
0xa1: {  	s12 =	simm.s32 $0x0;
	s21 =	sshll.u32 s10, $0x1;
	s10 =	sadd.s32 s22, s8  }
0xa2: {  	[timem:s12], [sflag:s23] =	dma.local [hbm:s10], s21  }
0xa3: {  	_ =	swait.ge [sflag:s23], s21  }
0xa4: {  	s9 =	ssub.s32 $0x0, s21;
	[sflag:s23] =	ssyncset.done $0x0  }
0xa5: {  	[sflag:s23] =	ssyncadd.s32 s9;
	_ =	sdelay $0x1  }
0xa6: {  	s24 =	simm.s32 $0x1B8B  }
0xa7: {  	_ =	swait.ge [sflag:s24], $0x1  }
0xa8: {  	[sflag:s24] =	ssyncset.done $0x0  }
0xa9: {  	s25 =	simm.s32 $0x1B8E;
	[sflag:s24] =	ssyncadd.s32 $0xFFFFFFFF  }
0xaa: {  	s26 =	simm.s32 $execute0_lowered;
	[smem:$0x3FD2] =	sst s25  }
0xab: {  	s9 =	sshll.u32 s26, $0x1;
	_ =	strace $0x80000046;
	[dreg:$0x1] =	wrdreg $0xFFFFFFFF  }
0xac: {  	s28 =	simm.s32 $_size_execute0_lowered;
	s8 =	sadd.s32 s8, s9;
	[dreg:$0x0] =	wrdreg $0x0  }
0xad: {  	s9 =	sshll.u32 s28, $0x1;
	[dreg:$0x2] =	wrdreg s8  }
0xae: {  	[dreg:$0x3] =	wrdreg s9  }
0xaf: {  	[dreg:$0x4] =	wrdreg $0xC0  }
0xb0: {  	_ =	task [dreg:s12], $0x5FFFF  }
0xb1: {  	[dreg:$0x1] =	wrdreg $0xFFFFFFFF  }
0xb2: {  	[dreg:$0x0] =	wrdreg $0x60  }
0xb3: {  	[dreg:$0x2] =	wrdreg s2  }
0xb4: {  	[dreg:$0x3] =	wrdreg s19  }
0xb5: {  	[dreg:$0x4] =	wrdreg s4  }
0xb6: {  	[dreg:$0x5] =	wrdreg s5  }
0xb7: {  	[dreg:$0x6] =	wrdreg s6  }
0xb8: {  	[dreg:$0x7] =	wrdreg s7  }
0xb9: {  	[dreg:$0x8] =	wrdreg $0x0  }
0xba: {  	[dreg:$0x9] =	wrdreg $0x9  }
0xbb: {  	_ =	task.clear_ibuf [dreg:s12], $0xAFFFF;
	_ =	strace $0x90000046  }
0xbc: {  	s29 =	simm.s32 $0x9;
	_ =	strace $0x80000048  }
0xbd: {  	_ =	swait.ge [sflag:s29], $0x1  }
0xbe: {  	[sflag:s29] =	ssyncadd.s32 $0xFFFFFFFF  }
0xbf: {  	_ =	strace $0x90000048  }
0xc0: {  	_ =	sfence  }
0xc1: {  	s30 =	sld [smem:$0x0];
	_ =	sdelay $0x2  }
0xc2: {  	s31 =	sshll.u32 s1, $0xD;
	s1 =	sshrl.u32 s1, $0x2  }
0xc3: {  	s3 =	sand.u32 $0x4000, s31;
	s1 =	sadd.s32 s1, s30  }
0xc4: {  	s0 =	sor.u32 s3, s0;
	s1 =	sshll.u32 s1, $0x11  }
0xc5: {  	s0 =	sor.u32 s1, s0  }
0xc6: {  	s0 =	sadd.s32 $0x8F2B, s0  }
0xc7: {  	[sflag:s0] =	ssyncadd.remote.s32 $0x1  }
0xc8: {  	_ =	sfence.sel $0xFFFF  }
0xc9: {  	[dreg:$0x0] =	wrdreg $0xFFFFFFFF;
	(pc) =	sbr.abs _section_cstart, $3  }
0xca: {  	[dreg:$0x1] =	wrdreg $0xFFFFFFFF  }
0xcb: {  	_ =	task.clear_ibuf [dreg:s12], $0x2FFFF;
	_ =	strace $0x9FFFFFFF  }
0xcc: {  	(tm) =	ssettm $0x7FFFFFFF  }
0xcd: {  	_ =	shalt  }
tec
execute0_lowered:
.L_overlay_start_1:
0x0: {  	(tag) =	ssettag $0x1  }
0x1: {  	s0 =	rddreg [dreg:$0x0]  }
0x2: {  	s5 =	rddreg [dreg:$0x1]  }
0x3: {  	s1 =	rddreg [dreg:$0x2]  }
0x4: {  	s2 =	rddreg [dreg:$0x3]  }
0x5: {  	s3 =	rddreg [dreg:$0x4]  }
0x6: {  	s6 =	rddreg [dreg:$0x5]  }
0x7: {  	s4 =	rddreg [dreg:$0x6]  }
0x8: {  	s7 =	srdreg.scid;
	s8 =	simm.s32 $0x0;
	s12 =	stileid.u32  }
0x9: {  	s13 =	simm.s32 $0x7;
	s14 =	simm.s32 $0x1BC00;
	s15 =	simm.s32 $0x1  }
0xa: {  	s16 =	simm.s32 $0x1BE80;
	s17 =	simm.s32 $0x1BF80;
	s18 =	simm.s32 $0x1BF00  }
0xb: {  	s19 =	simm.s32 $0x1C000;
	s20 =	simm.s32 $0x80;
	s21 =	simm.s32 $0x13C00  }
0xc: {  	s28 =	simm.s32 $0x1C100;
	s31 =	simm.s32 $0x0;
	s9 =	smul.u32 $0x4F000, s12  }
0xd: {  	s7 =	sand.u32 $0x1, s7;
	[smem:$0x7FF] =	sst s8;
	s25 =	smul.u32 $0x278, s12  }
0xe: {  	s24 =	sshll.u32 s12, $0x6;
	s22 =	sshll.u32 s7, $0x4;
	s7 =	ssub.s32 $0x2, s7  }
0xf: {  	_ =	strace $0x80000047;
	s8 =	sor.u32 s12, s22;
	s10 =	sshrl.u32 s7, $0x1  }
0x10: {  	s9 =	sshrl.u32 s9, $0x2;
	s22 =	simm.s32 $0x2;
	s11 =	smul.u32 $0x2780, s8  }
0x11: {  	v0 =	vmov s25;
	s25 =	simm.s32 $0x1C080;
	s7 =	ssub.s32 s7, s10;
	s23 =	smul.u32 $0x50, s8  }
.Ltmp0:
0x12: {  	s9 =	sadd.s32 s9, s4;
	s30 =	smax.u32 s7, $0x1;
	(pc) =	sbr.rel .LBB2_1-.Ltmp0, $4  }
0x13: {  	s8 =	sor.u32 $0x1C07, s24;
	s0 =	sadd.s32 s0, s11;
	[dreg:$0xb] =	wrdreg s30  }
0x14: {  	s24 =	simm.s32 $0x3;
	s26 =	sadd.s32 s5, s23;
	[dreg:$0x8] =	wrdreg s0  }
0x15: {  	v1 =	vlaneseq.u32;
	v2 =	vimm.s32 $0x13C;
	s12 =	sshrl.u32 s9, $0x3;
	s29 =	sadd.s32 s6, s11;
	[dreg:$0x9] =	wrdreg s26  }
0x16: {  	v3 =	vimm.s32 $0x278;
	v4 =	vimm.s32 $0x1DA;
	v5 =	vimm.s32 $0xFFFFFFFF;
	s23 =	simm.s32 $0x17C00;
	[dreg:$0xa] =	wrdreg s29;
	s26 =	simm.s32 $0x4  }
.LBB2_9:
0x17: {  	s0 =	rddreg [dreg:$0xa]  }
0x18: {  	[hbm:s0], [sflag:s8] =	dma.local [spmem:s12], $0x2780  }
0x19: {  	_ =	swait.ge [sflag:s13], $0x2780  }
0x1a: {  	s31 =	sadd.s32 $0x1, s31;
	s30 =	rddreg [dreg:$0xb]  }
0x1b: {  	p0 =	sne.s32 s31, s30  }
.Ltmp1:
0x1c: {  	_ = 	snop;
	(pc) =	sbr.rel @!p0 .LBB2_10-.Ltmp1, $3  }
0x1d: {  	_ =	sdelay $0x1  }
0x1e: {  	[sflag:s13] =	ssyncset.done $0x0  }
0x1f: {  	[sflag:s13] =	ssyncadd.s32 $0xFFFFD880  }
.LBB2_1:
0x20: {  	s0 =	rddreg [dreg:$0x8]  }
0x21: {  	[spmem:s12], [sflag:s8] =	dma.local [hbm:s0], $0x2780  }
0x22: {  	_ =	swait.ge [sflag:s13], $0x2780  }
0x23: {  	[sflag:s13] =	ssyncset.done $0x0  }
0x24: {  	s10 =	simm.s32 $0x0;
	s5 =	rddreg [dreg:$0x9];
	[sflag:s13] =	ssyncadd.s32 $0xFFFFD880  }
0x25: {  	[tilespmem:s14], [sflag:$0x7] =	stream.linear.gather [hbm4b:s5+s10], $0x280, $0x38;
	[tilespmem:$0x1C180] =	vst v63  }
0x26: {  	_ =	swait.ge [sflag:s13], $0x280  }
0x27: {  	[sflag:s13] =	ssyncset.done $0x0  }
0x28: {  	[sflag:s13] =	ssyncadd.s32 $0xFFFFFD80  }
0x29: {  	v6 =	vld [tilespmem:$0x1BC00]  }
0x2a: {  	v7 =	vld [tilespmem:$0x1BE70];
	_ =	sdelay $0x3  }
0x2b: {  	(v2sf) =	vpush v6, $0x0  }
0x2c: {  	(v2sf) =	vpush v7, $0x8;
	_ =	sdelay $0xd  }
0x2d: {  	s11 =	spop (v2sf)  }
0x2e: {  	s29 =	spop (v2sf);
	s0 =	sand.u32 $0xFFFFFFF8, s11  }
0x2f: {  	s5 =	ssub.s32 s29, s0  }
0x30: {  	s5 =	sadd.s32 $0xFF, s5  }
0x31: {  	s6 =	sand.u32 $0xFF, s5  }
0x32: {  	s30 =	sshra.s32 s5, $0x1F;
	p1 =	slt.s32 s5, $0x1;
	p0 =	sne.s32 s6, $0x0  }
0x33: {  	s6 =	sshrl.u32 s30, $0x18;
	p0 =	por !p1, !p0  }
0x34: {  	s5 =	sadd.s32 s6, s5;
	s6 =	simm.s32 $0x1;
	p0 =	por !p0, !p0  }
0x35: {  	s5 =	sshra.s32 s5, $0x8;
	s6 =	simm.s32 @!p0 $0x0  }
0x36: {  	s5 =	ssub.s32 s5, s6  }
0x37: {  	p0 =	slt.s32 s5, $0x1  }
.Ltmp2:
0x38: {  	_ = 	snop;
	(pc) =	sbr.rel @p0 .LBB2_9-.Ltmp2, $1  }
0x39: {  	_ =	sdelay $0x3  }
0x3a: {  	v6 =	vbroadcast v6, $0x0;
	v7 =	vbroadcast v7, $0x8;
	s6 =	simm.s32 $0x0;
	s29 =	simm.s32 $0x0  }
.LBB2_3:
0x3b: {  	p0 =	seq.s32 s29, $0x0  }
0x3c: {  	s7 =	simm.s32 @!p0 $0x5  }
0x3d: {  	_ =	swait.ge @!p0 [sflag:s7], $0x4000  }
0x3e: {  	[sflag:s7] =	ssyncset.done @!p0 $0x0  }
0x3f: {  	s9 =	sshll.u32 s29, $0x8;
	[sflag:s7] =	ssyncadd.s32 @!p0 $0xFFFFC000;
	s7 =	simm.s32 @!p0 $0x6  }
0x40: {  	s30 =	sadd.s32 s0, s9;
	_ =	swait.ge @!p0 [sflag:s7], $0x4000  }
0x41: {  	s9 =	sshrl.u32 s30, $0x3;
	[sflag:s7] =	ssyncset.done @!p0 $0x0  }
0x42: {  	s10 =	sadd.s32 s1, s9;
	[sflag:s7] =	ssyncadd.s32 @!p0 $0xFFFFC000;
	s7 =	sadd.s32 $0x80, s30  }
0x43: {  	[tilespmem:s16], [sflag:$0x1] =	stream.linear.gather [hbm4b:s10+s6], $0x80, $0x38;
	[tilespmem:$0x1C180] =	vst v63  }
0x44: {  	s9 =	sadd.s32 s2, s9;
	s11 =	sshrl.u32 s7, $0x3  }
0x45: {  	[tilespmem:s17], [sflag:$0x1] =	stream.linear.gather [hbm4b:s9+s6], $0x80, $0x38;
	[tilespmem:$0x1C180] =	vst v63  }
0x46: {  	s10 =	sadd.s32 s1, s11  }
0x47: {  	[tilespmem:s18], [sflag:$0x2] =	stream.linear.gather [hbm4b:s10+s6], $0x80, $0x38;
	[tilespmem:$0x1C180] =	vst v63  }
0x48: {  	s9 =	sadd.s32 s2, s11  }
0x49: {  	[tilespmem:s19], [sflag:$0x2] =	stream.linear.gather [hbm4b:s9+s6], $0x80, $0x38;
	[tilespmem:$0x1C180] =	vst v63  }
0x4a: {  	_ =	swait.ge [sflag:s15], $0x80  }
0x4b: {  	[sflag:s15] =	ssyncset.done $0x0  }
0x4c: {  	[sflag:s15] =	ssyncadd.s32 $0xFFFFFF80  }
0x4d: {  	_ =	swait.ge [sflag:s15], $0x80  }
0x4e: {  	[sflag:s15] =	ssyncset.done $0x0  }
0x4f: {  	[sflag:s15] =	ssyncadd.s32 $0xFFFFFF80  }
0x50: {  	[tilespmem:s21], [sflag:$0x3] =	stream.indirect.gather [hbm4b:s3+s20], $0x80, s16, s20, $0xb8;
	[tilespmem:$0x1C180] =	vst v63  }
0x51: {  	v8 =	vld [tilespmem:$0x1BF80];
	_ =	sdelay $0x1  }
0x52: {  	v9 =	vadd.s32 s30, v1  }
0x53: {  	vm0 =	vge.s32 v9, v6;
	vm1 =	vlt.s32 v9, v7  }
0x54: {  	vm0 =	vmand vm0, vm1  }
0x55: {  	v8 =	vnsel vm0, $0x0, v8  }
0x56: {  	[tilespmem:$0x1BF80] =	vst v8  }
0x57: {  	v8 =	vld.idx.msk [tilespmem:v2+s14+$0x0], $0xffff;
	_ =	sdelay $0x4  }
0x58: {  	vm6 =	vgt.s32 v8, v9  }
0x59: {  	v8 =	vsel vm6, $0x9E, v4;
	_ =	sdelay $0x4  }
0x5a: {  	v10 =	vld.idx.msk [tilespmem:v8+s14+$0x0], $0xffff;
	_ =	sdelay $0x4  }
0x5b: {  	v11 =	vsel vm6, $0x13C, v3;
	vm7 =	vgt.s32 v10, v9  }
0x5c: {  	v10 =	vsel vm6, $0x0, v2;
	v11 =	vsel vm7, v8, v11  }
0x5d: {  	v8 =	vsel vm7, v10, v8;
	v10 =	vadd.s32 v5, v11  }
0x5e: {  	v10 =	vadd.s32 v10, v8  }
0x5f: {  	v10 =	vadd.s32 $0x1, v10  }
0x60: {  	v10 =	vshrl.u32 v10, $0x1;
	_ =	sdelay $0x4  }
0x61: {  	v12 =	vld.idx.msk [tilespmem:v10+s14+$0x0], $0xffff;
	_ =	sdelay $0x4  }
0x62: {  	vm8 =	vgt.s32 v12, v9  }
0x63: {  	v11 =	vsel vm8, v10, v11  }
0x64: {  	v8 =	vsel vm8, v8, v10;
	v10 =	vadd.s32 v5, v11  }
0x65: {  	v12 =	vxor.u32 v10, v8  }
0x66: {  	v10 =	vor.u32 v10, v8;
	v12 =	vshrl.u32 v12, $0x1  }
0x67: {  	v10 =	vsub.s32 v10, v12;
	_ =	sdelay $0x4  }
0x68: {  	v12 =	vld.idx.msk [tilespmem:v10+s14+$0x0], $0xffff;
	_ =	sdelay $0x4  }
0x69: {  	vm9 =	vgt.s32 v12, v9  }
0x6a: {  	v8 =	vsel vm9, v8, v10;
	v10 =	vsel vm9, v10, v11  }
0x6b: {  	v11 =	vxor.u32 v10, v8  }
0x6c: {  	v12 =	vand.u32 v10, v8;
	v11 =	vshrl.u32 v11, $0x1  }
0x6d: {  	v11 =	vadd.s32 v11, v12;
	_ =	sdelay $0x4  }
0x6e: {  	v12 =	vld.idx.msk [tilespmem:v11+s14+$0x0], $0xffff;
	_ =	sdelay $0x4  }
0x6f: {  	vm10 =	vgt.s32 v12, v9  }
0x70: {  	v8 =	vsel vm10, v8, v11;
	v10 =	vsel vm10, v11, v10  }
0x71: {  	v11 =	vadd.s32 v10, v8  }
0x72: {  	v11 =	vshrl.u32 v11, $0x1;
	_ =	sdelay $0x4  }
0x73: {  	v12 =	vld.idx.msk [tilespmem:v11+s14+$0x0], $0xffff;
	_ =	sdelay $0x4  }
0x74: {  	vm11 =	vgt.s32 v12, v9  }
0x75: {  	v8 =	vsel vm11, v8, v11;
	v10 =	vsel vm11, v11, v10  }
0x76: {  	v11 =	vadd.s32 v10, v8  }
0x77: {  	v11 =	vshrl.u32 v11, $0x1;
	_ =	sdelay $0x4  }
0x78: {  	v12 =	vld.idx.msk [tilespmem:v11+s14+$0x0], $0xffff;
	_ =	sdelay $0x4  }
0x79: {  	vm12 =	vgt.s32 v12, v9  }
0x7a: {  	v8 =	vsel vm12, v8, v11;
	v10 =	vsel vm12, v11, v10  }
0x7b: {  	v11 =	vadd.s32 v10, v8  }
0x7c: {  	v11 =	vshrl.u32 v11, $0x1;
	_ =	sdelay $0x4  }
0x7d: {  	v12 =	vld.idx.msk [tilespmem:v11+s14+$0x0], $0xffff;
	_ =	sdelay $0x4  }
0x7e: {  	vm13 =	vgt.s32 v12, v9  }
0x7f: {  	v8 =	vsel vm13, v8, v11;
	v10 =	vsel vm13, v11, v10  }
0x80: {  	v11 =	vadd.s32 v10, v8  }
0x81: {  	v11 =	vshrl.u32 v11, $0x1;
	_ =	sdelay $0x4  }
0x82: {  	v12 =	vld.idx.msk [tilespmem:v11+s14+$0x0], $0xffff;
	_ =	sdelay $0x4  }
0x83: {  	vm14 =	vgt.s32 v12, v9  }
0x84: {  	v8 =	vsel vm14, v8, v11;
	v10 =	vsel vm14, v11, v10  }
0x85: {  	v10 =	vadd.s32 v10, v8  }
0x86: {  	v10 =	vshrl.u32 v10, $0x1;
	_ =	sdelay $0x4  }
0x87: {  	v11 =	vld.idx.msk [tilespmem:v10+s14+$0x0], $0xffff;
	_ =	sdelay $0x2  }
0x88: {  	v12 =	vld [tilespmem:$0x1BF90]  }
0x89: {  	s11 =	sadd.s32 $0x10, s30  }
0x8a: {  	vm15 =	vgt.s32 v11, v9;
	v9 =	vadd.s32 s11, v1  }
0x8b: {  	v8 =	vsel vm15, v8, v10;
	vm4 =	vge.s32 v9, v6;
	vm5 =	vlt.s32 v9, v7  }
0x8c: {  	v8 =	vadd.s32 v0, v8;
	vm0 =	vmand vm4, vm5  }
0x8d: {  	[tilespmem:$0x1C080] =	vst v8;
	v8 =	vnsel vm0, $0x0, v12  }
0x8e: {  	[tilespmem:$0x1BF90] =	vst v8  }
0x8f: {  	v8 =	vld.idx.msk [tilespmem:v2+s14+$0x0], $0xffff;
	_ =	sdelay $0x4  }
0x90: {  	vm6 =	vgt.s32 v8, v9  }
0x91: {  	v8 =	vsel vm6, $0x9E, v4;
	_ =	sdelay $0x4  }
0x92: {  	v10 =	vld.idx.msk [tilespmem:v8+s14+$0x0], $0xffff;
	_ =	sdelay $0x4  }
0x93: {  	v11 =	vsel vm6, $0x13C, v3;
	vm7 =	vgt.s32 v10, v9  }
0x94: {  	v10 =	vsel vm6, $0x0, v2;
	v11 =	vsel vm7, v8, v11  }
0x95: {  	v8 =	vsel vm7, v10, v8;
	v10 =	vadd.s32 v5, v11  }
0x96: {  	v10 =	vadd.s32 v10, v8  }
0x97: {  	v10 =	vadd.s32 $0x1, v10  }
0x98: {  	v10 =	vshrl.u32 v10, $0x1;
	_ =	sdelay $0x4  }
0x99: {  	v12 =	vld.idx.msk [tilespmem:v10+s14+$0x0], $0xffff;
	_ =	sdelay $0x4  }
0x9a: {  	vm8 =	vgt.s32 v12, v9  }
0x9b: {  	v11 =	vsel vm8, v10, v11  }
0x9c: {  	v8 =	vsel vm8, v8, v10;
	v10 =	vadd.s32 v5, v11  }
0x9d: {  	v12 =	vxor.u32 v10, v8  }
0x9e: {  	v10 =	vor.u32 v10, v8;
	v12 =	vshrl.u32 v12, $0x1  }
0x9f: {  	v10 =	vsub.s32 v10, v12;
	_ =	sdelay $0x4  }
0xa0: {  	v12 =	vld.idx.msk [tilespmem:v10+s14+$0x0], $0xffff;
	_ =	sdelay $0x4  }
0xa1: {  	vm9 =	vgt.s32 v12, v9  }
0xa2: {  	v8 =	vsel vm9, v8, v10;
	v10 =	vsel vm9, v10, v11  }
0xa3: {  	v11 =	vxor.u32 v10, v8  }
0xa4: {  	v12 =	vand.u32 v10, v8;
	v11 =	vshrl.u32 v11, $0x1  }
0xa5: {  	v11 =	vadd.s32 v11, v12;
	_ =	sdelay $0x4  }
0xa6: {  	v12 =	vld.idx.msk [tilespmem:v11+s14+$0x0], $0xffff;
	_ =	sdelay $0x4  }
0xa7: {  	vm10 =	vgt.s32 v12, v9  }
0xa8: {  	v8 =	vsel vm10, v8, v11;
	v10 =	vsel vm10, v11, v10  }
0xa9: {  	v11 =	vadd.s32 v10, v8  }
0xaa: {  	v11 =	vshrl.u32 v11, $0x1;
	_ =	sdelay $0x4  }
0xab: {  	v12 =	vld.idx.msk [tilespmem:v11+s14+$0x0], $0xffff;
	_ =	sdelay $0x4  }
0xac: {  	vm11 =	vgt.s32 v12, v9  }
0xad: {  	v8 =	vsel vm11, v8, v11;
	v10 =	vsel vm11, v11, v10  }
0xae: {  	v11 =	vadd.s32 v10, v8  }
0xaf: {  	v11 =	vshrl.u32 v11, $0x1;
	_ =	sdelay $0x4  }
0xb0: {  	v12 =	vld.idx.msk [tilespmem:v11+s14+$0x0], $0xffff;
	_ =	sdelay $0x4  }
0xb1: {  	vm12 =	vgt.s32 v12, v9  }
0xb2: {  	v8 =	vsel vm12, v8, v11;
	v10 =	vsel vm12, v11, v10  }
0xb3: {  	v11 =	vadd.s32 v10, v8  }
0xb4: {  	v11 =	vshrl.u32 v11, $0x1;
	_ =	sdelay $0x4  }
0xb5: {  	v12 =	vld.idx.msk [tilespmem:v11+s14+$0x0], $0xffff;
	_ =	sdelay $0x4  }
0xb6: {  	vm13 =	vgt.s32 v12, v9  }
0xb7: {  	v8 =	vsel vm13, v8, v11;
	v10 =	vsel vm13, v11, v10  }
0xb8: {  	v11 =	vadd.s32 v10, v8  }
0xb9: {  	v11 =	vshrl.u32 v11, $0x1;
	_ =	sdelay $0x4  }
0xba: {  	v12 =	vld.idx.msk [tilespmem:v11+s14+$0x0], $0xffff;
	_ =	sdelay $0x4  }
0xbb: {  	vm14 =	vgt.s32 v12, v9  }
0xbc: {  	v8 =	vsel vm14, v8, v11;
	v10 =	vsel vm14, v11, v10  }
0xbd: {  	v10 =	vadd.s32 v10, v8  }
0xbe: {  	v10 =	vshrl.u32 v10, $0x1;
	_ =	sdelay $0x4  }
0xbf: {  	v11 =	vld.idx.msk [tilespmem:v10+s14+$0x0], $0xffff;
	_ =	sdelay $0x2  }
0xc0: {  	v12 =	vld [tilespmem:$0x1BFA0]  }
0xc1: {  	s10 =	sadd.s32 $0x20, s30  }
0xc2: {  	vm15 =	vgt.s32 v11, v9;
	v9 =	vadd.s32 s10, v1  }
0xc3: {  	v8 =	vsel vm15, v8, v10;
	vm4 =	vge.s32 v9, v6;
	vm5 =	vlt.s32 v9, v7  }
0xc4: {  	v8 =	vadd.s32 v0, v8;
	vm0 =	vmand vm4, vm5  }
0xc5: {  	[tilespmem:$0x1C090] =	vst v8;
	v8 =	vnsel vm0, $0x0, v12  }
0xc6: {  	[tilespmem:$0x1BFA0] =	vst v8  }
0xc7: {  	v8 =	vld.idx.msk [tilespmem:v2+s14+$0x0], $0xffff;
	_ =	sdelay $0x4  }
0xc8: {  	vm6 =	vgt.s32 v8, v9  }
0xc9: {  	v8 =	vsel vm6, $0x9E, v4;
	_ =	sdelay $0x4  }
0xca: {  	v10 =	vld.idx.msk [tilespmem:v8+s14+$0x0], $0xffff;
	_ =	sdelay $0x4  }
0xcb: {  	v11 =	vsel vm6, $0x13C, v3;
	vm7 =	vgt.s32 v10, v9  }
0xcc: {  	v10 =	vsel vm6, $0x0, v2;
	v11 =	vsel vm7, v8, v11  }
0xcd: {  	v8 =	vsel vm7, v10, v8;
	v10 =	vadd.s32 v5, v11  }
0xce: {  	v10 =	vadd.s32 v10, v8  }
0xcf: {  	v10 =	vadd.s32 $0x1, v10  }
0xd0: {  	v10 =	vshrl.u32 v10, $0x1;
	_ =	sdelay $0x4  }
0xd1: {  	v12 =	vld.idx.msk [tilespmem:v10+s14+$0x0], $0xffff;
	_ =	sdelay $0x4  }
0xd2: {  	vm8 =	vgt.s32 v12, v9  }
0xd3: {  	v11 =	vsel vm8, v10, v11  }
0xd4: {  	v8 =	vsel vm8, v8, v10;
	v10 =	vadd.s32 v5, v11  }
0xd5: {  	v12 =	vxor.u32 v10, v8  }
0xd6: {  	v10 =	vor.u32 v10, v8;
	v12 =	vshrl.u32 v12, $0x1  }
0xd7: {  	v10 =	vsub.s32 v10, v12;
	_ =	sdelay $0x4  }
0xd8: {  	v12 =	vld.idx.msk [tilespmem:v10+s14+$0x0], $0xffff;
	_ =	sdelay $0x4  }
0xd9: {  	vm9 =	vgt.s32 v12, v9  }
0xda: {  	v8 =	vsel vm9, v8, v10;
	v10 =	vsel vm9, v10, v11  }
0xdb: {  	v11 =	vxor.u32 v10, v8  }
0xdc: {  	v12 =	vand.u32 v10, v8;
	v11 =	vshrl.u32 v11, $0x1  }
0xdd: {  	v11 =	vadd.s32 v11, v12;
	_ =	sdelay $0x4  }
0xde: {  	v12 =	vld.idx.msk [tilespmem:v11+s14+$0x0], $0xffff;
	_ =	sdelay $0x4  }
0xdf: {  	vm10 =	vgt.s32 v12, v9  }
0xe0: {  	v8 =	vsel vm10, v8, v11;
	v10 =	vsel vm10, v11, v10  }
0xe1: {  	v11 =	vadd.s32 v10, v8  }
0xe2: {  	v11 =	vshrl.u32 v11, $0x1;
	_ =	sdelay $0x4  }
0xe3: {  	v12 =	vld.idx.msk [tilespmem:v11+s14+$0x0], $0xffff;
	_ =	sdelay $0x4  }
0xe4: {  	vm11 =	vgt.s32 v12, v9  }
0xe5: {  	v8 =	vsel vm11, v8, v11;
	v10 =	vsel vm11, v11, v10  }
0xe6: {  	v11 =	vadd.s32 v10, v8  }
0xe7: {  	v11 =	vshrl.u32 v11, $0x1;
	_ =	sdelay $0x4  }
0xe8: {  	v12 =	vld.idx.msk [tilespmem:v11+s14+$0x0], $0xffff;
	_ =	sdelay $0x4  }
0xe9: {  	vm12 =	vgt.s32 v12, v9  }
0xea: {  	v8 =	vsel vm12, v8, v11;
	v10 =	vsel vm12, v11, v10  }
0xeb: {  	v11 =	vadd.s32 v10, v8  }
0xec: {  	v11 =	vshrl.u32 v11, $0x1;
	_ =	sdelay $0x4  }
0xed: {  	v12 =	vld.idx.msk [tilespmem:v11+s14+$0x0], $0xffff;
	_ =	sdelay $0x4  }
0xee: {  	vm13 =	vgt.s32 v12, v9  }
0xef: {  	v8 =	vsel vm13, v8, v11;
	v10 =	vsel vm13, v11, v10  }
0xf0: {  	v11 =	vadd.s32 v10, v8  }
0xf1: {  	v11 =	vshrl.u32 v11, $0x1;
	_ =	sdelay $0x4  }
0xf2: {  	v12 =	vld.idx.msk [tilespmem:v11+s14+$0x0], $0xffff;
	_ =	sdelay $0x4  }
0xf3: {  	vm14 =	vgt.s32 v12, v9  }
0xf4: {  	v8 =	vsel vm14, v8, v11;
	v10 =	vsel vm14, v11, v10  }
0xf5: {  	v10 =	vadd.s32 v10, v8  }
0xf6: {  	v10 =	vshrl.u32 v10, $0x1;
	_ =	sdelay $0x4  }
0xf7: {  	v11 =	vld.idx.msk [tilespmem:v10+s14+$0x0], $0xffff;
	_ =	sdelay $0x2  }
0xf8: {  	v12 =	vld [tilespmem:$0x1BFB0]  }
0xf9: {  	s11 =	sadd.s32 $0x30, s30  }
0xfa: {  	vm15 =	vgt.s32 v11, v9;
	v9 =	vadd.s32 s11, v1  }
0xfb: {  	v8 =	vsel vm15, v8, v10;
	vm4 =	vge.s32 v9, v6;
	vm5 =	vlt.s32 v9, v7  }
0xfc: {  	v8 =	vadd.s32 v0, v8;
	vm0 =	vmand vm4, vm5  }
0xfd: {  	[tilespmem:$0x1C0A0] =	vst v8;
	v8 =	vnsel vm0, $0x0, v12  }
0xfe: {  	[tilespmem:$0x1BFB0] =	vst v8  }
0xff: {  	v8 =	vld.idx.msk [tilespmem:v2+s14+$0x0], $0xffff;
	_ =	sdelay $0x4  }
0x100: {  	vm6 =	vgt.s32 v8, v9  }
0x101: {  	v8 =	vsel vm6, $0x9E, v4;
	_ =	sdelay $0x4  }
0x102: {  	v10 =	vld.idx.msk [tilespmem:v8+s14+$0x0], $0xffff;
	_ =	sdelay $0x4  }
0x103: {  	v11 =	vsel vm6, $0x13C, v3;
	vm7 =	vgt.s32 v10, v9  }
0x104: {  	v10 =	vsel vm6, $0x0, v2;
	v11 =	vsel vm7, v8, v11  }
0x105: {  	v8 =	vsel vm7, v10, v8;
	v10 =	vadd.s32 v5, v11  }
0x106: {  	v10 =	vadd.s32 v10, v8  }
0x107: {  	v10 =	vadd.s32 $0x1, v10  }
0x108: {  	v10 =	vshrl.u32 v10, $0x1;
	_ =	sdelay $0x4  }
0x109: {  	v12 =	vld.idx.msk [tilespmem:v10+s14+$0x0], $0xffff;
	_ =	sdelay $0x4  }
0x10a: {  	vm8 =	vgt.s32 v12, v9  }
0x10b: {  	v11 =	vsel vm8, v10, v11  }
0x10c: {  	v8 =	vsel vm8, v8, v10;
	v10 =	vadd.s32 v5, v11  }
0x10d: {  	v12 =	vxor.u32 v10, v8  }
0x10e: {  	v10 =	vor.u32 v10, v8;
	v12 =	vshrl.u32 v12, $0x1  }
0x10f: {  	v10 =	vsub.s32 v10, v12;
	_ =	sdelay $0x4  }
0x110: {  	v12 =	vld.idx.msk [tilespmem:v10+s14+$0x0], $0xffff;
	_ =	sdelay $0x4  }
0x111: {  	vm9 =	vgt.s32 v12, v9  }
0x112: {  	v8 =	vsel vm9, v8, v10;
	v10 =	vsel vm9, v10, v11  }
0x113: {  	v11 =	vxor.u32 v10, v8  }
0x114: {  	v12 =	vand.u32 v10, v8;
	v11 =	vshrl.u32 v11, $0x1  }
0x115: {  	v11 =	vadd.s32 v11, v12;
	_ =	sdelay $0x4  }
0x116: {  	v12 =	vld.idx.msk [tilespmem:v11+s14+$0x0], $0xffff;
	_ =	sdelay $0x4  }
0x117: {  	vm10 =	vgt.s32 v12, v9  }
0x118: {  	v8 =	vsel vm10, v8, v11;
	v10 =	vsel vm10, v11, v10  }
0x119: {  	v11 =	vadd.s32 v10, v8  }
0x11a: {  	v11 =	vshrl.u32 v11, $0x1;
	_ =	sdelay $0x4  }
0x11b: {  	v12 =	vld.idx.msk [tilespmem:v11+s14+$0x0], $0xffff;
	_ =	sdelay $0x4  }
0x11c: {  	vm11 =	vgt.s32 v12, v9  }
0x11d: {  	v8 =	vsel vm11, v8, v11;
	v10 =	vsel vm11, v11, v10  }
0x11e: {  	v11 =	vadd.s32 v10, v8  }
0x11f: {  	v11 =	vshrl.u32 v11, $0x1;
	_ =	sdelay $0x4  }
0x120: {  	v12 =	vld.idx.msk [tilespmem:v11+s14+$0x0], $0xffff;
	_ =	sdelay $0x4  }
0x121: {  	vm12 =	vgt.s32 v12, v9  }
0x122: {  	v8 =	vsel vm12, v8, v11;
	v10 =	vsel vm12, v11, v10  }
0x123: {  	v11 =	vadd.s32 v10, v8  }
0x124: {  	v11 =	vshrl.u32 v11, $0x1;
	_ =	sdelay $0x4  }
0x125: {  	v12 =	vld.idx.msk [tilespmem:v11+s14+$0x0], $0xffff;
	_ =	sdelay $0x4  }
0x126: {  	vm13 =	vgt.s32 v12, v9  }
0x127: {  	v8 =	vsel vm13, v8, v11;
	v10 =	vsel vm13, v11, v10  }
0x128: {  	v11 =	vadd.s32 v10, v8  }
0x129: {  	v11 =	vshrl.u32 v11, $0x1;
	_ =	sdelay $0x4  }
0x12a: {  	v12 =	vld.idx.msk [tilespmem:v11+s14+$0x0], $0xffff;
	_ =	sdelay $0x4  }
0x12b: {  	vm14 =	vgt.s32 v12, v9  }
0x12c: {  	v8 =	vsel vm14, v8, v11;
	v10 =	vsel vm14, v11, v10  }
0x12d: {  	v10 =	vadd.s32 v10, v8  }
0x12e: {  	v10 =	vshrl.u32 v10, $0x1;
	_ =	sdelay $0x4  }
0x12f: {  	v11 =	vld.idx.msk [tilespmem:v10+s14+$0x0], $0xffff;
	_ =	sdelay $0x2  }
0x130: {  	v12 =	vld [tilespmem:$0x1BFC0]  }
0x131: {  	s10 =	sadd.s32 $0x40, s30  }
0x132: {  	vm15 =	vgt.s32 v11, v9;
	v9 =	vadd.s32 s10, v1  }
0x133: {  	v8 =	vsel vm15, v8, v10;
	vm4 =	vge.s32 v9, v6;
	vm5 =	vlt.s32 v9, v7  }
0x134: {  	v8 =	vadd.s32 v0, v8;
	vm0 =	vmand vm4, vm5  }
0x135: {  	[tilespmem:$0x1C0B0] =	vst v8;
	v8 =	vnsel vm0, $0x0, v12  }
0x136: {  	[tilespmem:$0x1BFC0] =	vst v8  }
0x137: {  	v8 =	vld.idx.msk [tilespmem:v2+s14+$0x0], $0xffff;
	_ =	sdelay $0x4  }
0x138: {  	vm6 =	vgt.s32 v8, v9  }
0x139: {  	v8 =	vsel vm6, $0x9E, v4;
	_ =	sdelay $0x4  }
0x13a: {  	v10 =	vld.idx.msk [tilespmem:v8+s14+$0x0], $0xffff;
	_ =	sdelay $0x4  }
0x13b: {  	v11 =	vsel vm6, $0x13C, v3;
	vm7 =	vgt.s32 v10, v9  }
0x13c: {  	v10 =	vsel vm6, $0x0, v2;
	v11 =	vsel vm7, v8, v11  }
0x13d: {  	v8 =	vsel vm7, v10, v8;
	v10 =	vadd.s32 v5, v11  }
0x13e: {  	v10 =	vadd.s32 v10, v8  }
0x13f: {  	v10 =	vadd.s32 $0x1, v10  }
0x140: {  	v10 =	vshrl.u32 v10, $0x1;
	_ =	sdelay $0x4  }
0x141: {  	v12 =	vld.idx.msk [tilespmem:v10+s14+$0x0], $0xffff;
	_ =	sdelay $0x4  }
0x142: {  	vm8 =	vgt.s32 v12, v9  }
0x143: {  	v11 =	vsel vm8, v10, v11  }
0x144: {  	v8 =	vsel vm8, v8, v10;
	v10 =	vadd.s32 v5, v11  }
0x145: {  	v12 =	vxor.u32 v10, v8  }
0x146: {  	v10 =	vor.u32 v10, v8;
	v12 =	vshrl.u32 v12, $0x1  }
0x147: {  	v10 =	vsub.s32 v10, v12;
	_ =	sdelay $0x4  }
0x148: {  	v12 =	vld.idx.msk [tilespmem:v10+s14+$0x0], $0xffff;
	_ =	sdelay $0x4  }
0x149: {  	vm9 =	vgt.s32 v12, v9  }
0x14a: {  	v8 =	vsel vm9, v8, v10;
	v10 =	vsel vm9, v10, v11  }
0x14b: {  	v11 =	vxor.u32 v10, v8  }
0x14c: {  	v12 =	vand.u32 v10, v8;
	v11 =	vshrl.u32 v11, $0x1  }
0x14d: {  	v11 =	vadd.s32 v11, v12;
	_ =	sdelay $0x4  }
0x14e: {  	v12 =	vld.idx.msk [tilespmem:v11+s14+$0x0], $0xffff;
	_ =	sdelay $0x4  }
0x14f: {  	vm10 =	vgt.s32 v12, v9  }
0x150: {  	v8 =	vsel vm10, v8, v11;
	v10 =	vsel vm10, v11, v10  }
0x151: {  	v11 =	vadd.s32 v10, v8  }
0x152: {  	v11 =	vshrl.u32 v11, $0x1;
	_ =	sdelay $0x4  }
0x153: {  	v12 =	vld.idx.msk [tilespmem:v11+s14+$0x0], $0xffff;
	_ =	sdelay $0x4  }
0x154: {  	vm11 =	vgt.s32 v12, v9  }
0x155: {  	v8 =	vsel vm11, v8, v11;
	v10 =	vsel vm11, v11, v10  }
0x156: {  	v11 =	vadd.s32 v10, v8  }
0x157: {  	v11 =	vshrl.u32 v11, $0x1;
	_ =	sdelay $0x4  }
0x158: {  	v12 =	vld.idx.msk [tilespmem:v11+s14+$0x0], $0xffff;
	_ =	sdelay $0x4  }
0x159: {  	vm12 =	vgt.s32 v12, v9  }
0x15a: {  	v8 =	vsel vm12, v8, v11;
	v10 =	vsel vm12, v11, v10  }
0x15b: {  	v11 =	vadd.s32 v10, v8  }
0x15c: {  	v11 =	vshrl.u32 v11, $0x1;
	_ =	sdelay $0x4  }
0x15d: {  	v12 =	vld.idx.msk [tilespmem:v11+s14+$0x0], $0xffff;
	_ =	sdelay $0x4  }
0x15e: {  	vm13 =	vgt.s32 v12, v9  }
0x15f: {  	v8 =	vsel vm13, v8, v11;
	v10 =	vsel vm13, v11, v10  }
0x160: {  	v11 =	vadd.s32 v10, v8  }
0x161: {  	v11 =	vshrl.u32 v11, $0x1;
	_ =	sdelay $0x4  }
0x162: {  	v12 =	vld.idx.msk [tilespmem:v11+s14+$0x0], $0xffff;
	_ =	sdelay $0x4  }
0x163: {  	vm14 =	vgt.s32 v12, v9  }
0x164: {  	v8 =	vsel vm14, v8, v11;
	v10 =	vsel vm14, v11, v10  }
0x165: {  	v10 =	vadd.s32 v10, v8  }
0x166: {  	v10 =	vshrl.u32 v10, $0x1;
	_ =	sdelay $0x4  }
0x167: {  	v11 =	vld.idx.msk [tilespmem:v10+s14+$0x0], $0xffff;
	_ =	sdelay $0x2  }
0x168: {  	v12 =	vld [tilespmem:$0x1BFD0]  }
0x169: {  	s11 =	sadd.s32 $0x50, s30  }
0x16a: {  	vm15 =	vgt.s32 v11, v9;
	v9 =	vadd.s32 s11, v1  }
0x16b: {  	v8 =	vsel vm15, v8, v10;
	vm4 =	vge.s32 v9, v6;
	vm5 =	vlt.s32 v9, v7  }
0x16c: {  	v8 =	vadd.s32 v0, v8;
	vm0 =	vmand vm4, vm5  }
0x16d: {  	[tilespmem:$0x1C0C0] =	vst v8;
	v8 =	vnsel vm0, $0x0, v12  }
0x16e: {  	[tilespmem:$0x1BFD0] =	vst v8  }
0x16f: {  	v8 =	vld.idx.msk [tilespmem:v2+s14+$0x0], $0xffff;
	_ =	sdelay $0x4  }
0x170: {  	vm6 =	vgt.s32 v8, v9  }
0x171: {  	v8 =	vsel vm6, $0x9E, v4;
	_ =	sdelay $0x4  }
0x172: {  	v10 =	vld.idx.msk [tilespmem:v8+s14+$0x0], $0xffff;
	_ =	sdelay $0x4  }
0x173: {  	v11 =	vsel vm6, $0x13C, v3;
	vm7 =	vgt.s32 v10, v9  }
0x174: {  	v10 =	vsel vm6, $0x0, v2;
	v11 =	vsel vm7, v8, v11  }
0x175: {  	v8 =	vsel vm7, v10, v8;
	v10 =	vadd.s32 v5, v11  }
0x176: {  	v10 =	vadd.s32 v10, v8  }
0x177: {  	v10 =	vadd.s32 $0x1, v10  }
0x178: {  	v10 =	vshrl.u32 v10, $0x1;
	_ =	sdelay $0x4  }
0x179: {  	v12 =	vld.idx.msk [tilespmem:v10+s14+$0x0], $0xffff;
	_ =	sdelay $0x4  }
0x17a: {  	vm8 =	vgt.s32 v12, v9  }
0x17b: {  	v11 =	vsel vm8, v10, v11  }
0x17c: {  	v8 =	vsel vm8, v8, v10;
	v10 =	vadd.s32 v5, v11  }
0x17d: {  	v12 =	vxor.u32 v10, v8  }
0x17e: {  	v10 =	vor.u32 v10, v8;
	v12 =	vshrl.u32 v12, $0x1  }
0x17f: {  	v10 =	vsub.s32 v10, v12;
	_ =	sdelay $0x4  }
0x180: {  	v12 =	vld.idx.msk [tilespmem:v10+s14+$0x0], $0xffff;
	_ =	sdelay $0x4  }
0x181: {  	vm9 =	vgt.s32 v12, v9  }
0x182: {  	v8 =	vsel vm9, v8, v10;
	v10 =	vsel vm9, v10, v11  }
0x183: {  	v11 =	vxor.u32 v10, v8  }
0x184: {  	v12 =	vand.u32 v10, v8;
	v11 =	vshrl.u32 v11, $0x1  }
0x185: {  	v11 =	vadd.s32 v11, v12;
	_ =	sdelay $0x4  }
0x186: {  	v12 =	vld.idx.msk [tilespmem:v11+s14+$0x0], $0xffff;
	_ =	sdelay $0x4  }
0x187: {  	vm10 =	vgt.s32 v12, v9  }
0x188: {  	v8 =	vsel vm10, v8, v11;
	v10 =	vsel vm10, v11, v10  }
0x189: {  	v11 =	vadd.s32 v10, v8  }
0x18a: {  	v11 =	vshrl.u32 v11, $0x1;
	_ =	sdelay $0x4  }
0x18b: {  	v12 =	vld.idx.msk [tilespmem:v11+s14+$0x0], $0xffff;
	_ =	sdelay $0x4  }
0x18c: {  	vm11 =	vgt.s32 v12, v9  }
0x18d: {  	v8 =	vsel vm11, v8, v11;
	v10 =	vsel vm11, v11, v10  }
0x18e: {  	v11 =	vadd.s32 v10, v8  }
0x18f: {  	v11 =	vshrl.u32 v11, $0x1;
	_ =	sdelay $0x4  }
0x190: {  	v12 =	vld.idx.msk [tilespmem:v11+s14+$0x0], $0xffff;
	_ =	sdelay $0x4  }
0x191: {  	vm12 =	vgt.s32 v12, v9  }
0x192: {  	v8 =	vsel vm12, v8, v11;
	v10 =	vsel vm12, v11, v10  }
0x193: {  	v11 =	vadd.s32 v10, v8  }
0x194: {  	v11 =	vshrl.u32 v11, $0x1;
	_ =	sdelay $0x4  }
0x195: {  	v12 =	vld.idx.msk [tilespmem:v11+s14+$0x0], $0xffff;
	_ =	sdelay $0x4  }
0x196: {  	vm13 =	vgt.s32 v12, v9  }
0x197: {  	v8 =	vsel vm13, v8, v11;
	v10 =	vsel vm13, v11, v10  }
0x198: {  	v11 =	vadd.s32 v10, v8  }
0x199: {  	v11 =	vshrl.u32 v11, $0x1;
	_ =	sdelay $0x4  }
0x19a: {  	v12 =	vld.idx.msk [tilespmem:v11+s14+$0x0], $0xffff;
	_ =	sdelay $0x4  }
0x19b: {  	vm14 =	vgt.s32 v12, v9  }
0x19c: {  	v8 =	vsel vm14, v8, v11;
	v10 =	vsel vm14, v11, v10  }
0x19d: {  	v10 =	vadd.s32 v10, v8  }
0x19e: {  	v10 =	vshrl.u32 v10, $0x1;
	_ =	sdelay $0x4  }
0x19f: {  	v11 =	vld.idx.msk [tilespmem:v10+s14+$0x0], $0xffff;
	_ =	sdelay $0x2  }
0x1a0: {  	v12 =	vld [tilespmem:$0x1BFE0]  }
0x1a1: {  	s10 =	sadd.s32 $0x60, s30  }
0x1a2: {  	vm15 =	vgt.s32 v11, v9;
	v9 =	vadd.s32 s10, v1  }
0x1a3: {  	v8 =	vsel vm15, v8, v10;
	vm4 =	vge.s32 v9, v6;
	vm5 =	vlt.s32 v9, v7  }
0x1a4: {  	v8 =	vadd.s32 v0, v8;
	vm0 =	vmand vm4, vm5  }
0x1a5: {  	[tilespmem:$0x1C0D0] =	vst v8;
	v8 =	vnsel vm0, $0x0, v12  }
0x1a6: {  	[tilespmem:$0x1BFE0] =	vst v8  }
0x1a7: {  	v8 =	vld.idx.msk [tilespmem:v2+s14+$0x0], $0xffff;
	_ =	sdelay $0x4  }
0x1a8: {  	vm6 =	vgt.s32 v8, v9  }
0x1a9: {  	v8 =	vsel vm6, $0x9E, v4;
	_ =	sdelay $0x4  }
0x1aa: {  	v10 =	vld.idx.msk [tilespmem:v8+s14+$0x0], $0xffff;
	_ =	sdelay $0x4  }
0x1ab: {  	v11 =	vsel vm6, $0x13C, v3;
	vm7 =	vgt.s32 v10, v9  }
0x1ac: {  	v10 =	vsel vm6, $0x0, v2;
	v11 =	vsel vm7, v8, v11  }
0x1ad: {  	v8 =	vsel vm7, v10, v8;
	v10 =	vadd.s32 v5, v11  }
0x1ae: {  	v10 =	vadd.s32 v10, v8  }
0x1af: {  	v10 =	vadd.s32 $0x1, v10  }
0x1b0: {  	v10 =	vshrl.u32 v10, $0x1;
	_ =	sdelay $0x4  }
0x1b1: {  	v12 =	vld.idx.msk [tilespmem:v10+s14+$0x0], $0xffff;
	_ =	sdelay $0x4  }
0x1b2: {  	vm8 =	vgt.s32 v12, v9  }
0x1b3: {  	v11 =	vsel vm8, v10, v11  }
0x1b4: {  	v8 =	vsel vm8, v8, v10;
	v10 =	vadd.s32 v5, v11  }
0x1b5: {  	v12 =	vxor.u32 v10, v8  }
0x1b6: {  	v10 =	vor.u32 v10, v8;
	v12 =	vshrl.u32 v12, $0x1  }
0x1b7: {  	v10 =	vsub.s32 v10, v12;
	_ =	sdelay $0x4  }
0x1b8: {  	v12 =	vld.idx.msk [tilespmem:v10+s14+$0x0], $0xffff;
	_ =	sdelay $0x4  }
0x1b9: {  	vm9 =	vgt.s32 v12, v9  }
0x1ba: {  	v8 =	vsel vm9, v8, v10;
	v10 =	vsel vm9, v10, v11  }
0x1bb: {  	v11 =	vxor.u32 v10, v8  }
0x1bc: {  	v12 =	vand.u32 v10, v8;
	v11 =	vshrl.u32 v11, $0x1  }
0x1bd: {  	v11 =	vadd.s32 v11, v12;
	_ =	sdelay $0x4  }
0x1be: {  	v12 =	vld.idx.msk [tilespmem:v11+s14+$0x0], $0xffff;
	_ =	sdelay $0x4  }
0x1bf: {  	vm10 =	vgt.s32 v12, v9  }
0x1c0: {  	v8 =	vsel vm10, v8, v11;
	v10 =	vsel vm10, v11, v10  }
0x1c1: {  	v11 =	vadd.s32 v10, v8  }
0x1c2: {  	v11 =	vshrl.u32 v11, $0x1;
	_ =	sdelay $0x4  }
0x1c3: {  	v12 =	vld.idx.msk [tilespmem:v11+s14+$0x0], $0xffff;
	_ =	sdelay $0x4  }
0x1c4: {  	vm11 =	vgt.s32 v12, v9  }
0x1c5: {  	v8 =	vsel vm11, v8, v11;
	v10 =	vsel vm11, v11, v10  }
0x1c6: {  	v11 =	vadd.s32 v10, v8  }
0x1c7: {  	v11 =	vshrl.u32 v11, $0x1;
	_ =	sdelay $0x4  }
0x1c8: {  	v12 =	vld.idx.msk [tilespmem:v11+s14+$0x0], $0xffff;
	_ =	sdelay $0x4  }
0x1c9: {  	vm12 =	vgt.s32 v12, v9  }
0x1ca: {  	v8 =	vsel vm12, v8, v11;
	v10 =	vsel vm12, v11, v10  }
0x1cb: {  	v11 =	vadd.s32 v10, v8  }
0x1cc: {  	v11 =	vshrl.u32 v11, $0x1;
	_ =	sdelay $0x4  }
0x1cd: {  	v12 =	vld.idx.msk [tilespmem:v11+s14+$0x0], $0xffff;
	_ =	sdelay $0x4  }
0x1ce: {  	vm13 =	vgt.s32 v12, v9  }
0x1cf: {  	v8 =	vsel vm13, v8, v11;
	v10 =	vsel vm13, v11, v10  }
0x1d0: {  	v11 =	vadd.s32 v10, v8  }
0x1d1: {  	v11 =	vshrl.u32 v11, $0x1;
	_ =	sdelay $0x4  }
0x1d2: {  	v12 =	vld.idx.msk [tilespmem:v11+s14+$0x0], $0xffff;
	_ =	sdelay $0x4  }
0x1d3: {  	vm14 =	vgt.s32 v12, v9  }
0x1d4: {  	v8 =	vsel vm14, v8, v11;
	v10 =	vsel vm14, v11, v10  }
0x1d5: {  	v10 =	vadd.s32 v10, v8  }
0x1d6: {  	v10 =	vshrl.u32 v10, $0x1;
	_ =	sdelay $0x4  }
0x1d7: {  	v11 =	vld.idx.msk [tilespmem:v10+s14+$0x0], $0xffff;
	_ =	sdelay $0x2  }
0x1d8: {  	v12 =	vld [tilespmem:$0x1BFF0]  }
0x1d9: {  	s11 =	sadd.s32 $0x70, s30  }
0x1da: {  	vm15 =	vgt.s32 v11, v9;
	v9 =	vadd.s32 s11, v1  }
0x1db: {  	v8 =	vsel vm15, v8, v10;
	vm4 =	vge.s32 v9, v6;
	vm5 =	vlt.s32 v9, v7  }
0x1dc: {  	v8 =	vadd.s32 v0, v8;
	vm0 =	vmand vm4, vm5  }
0x1dd: {  	[tilespmem:$0x1C0E0] =	vst v8;
	v8 =	vnsel vm0, $0x0, v12  }
0x1de: {  	[tilespmem:$0x1BFF0] =	vst v8  }
0x1df: {  	v8 =	vld.idx.msk [tilespmem:v2+s14+$0x0], $0xffff;
	_ =	sdelay $0x4  }
0x1e0: {  	vm6 =	vgt.s32 v8, v9  }
0x1e1: {  	v8 =	vsel vm6, $0x9E, v4;
	_ =	sdelay $0x4  }
0x1e2: {  	v10 =	vld.idx.msk [tilespmem:v8+s14+$0x0], $0xffff;
	_ =	sdelay $0x4  }
0x1e3: {  	v11 =	vsel vm6, $0x13C, v3;
	vm7 =	vgt.s32 v10, v9  }
0x1e4: {  	v10 =	vsel vm6, $0x0, v2;
	v11 =	vsel vm7, v8, v11  }
0x1e5: {  	v8 =	vsel vm7, v10, v8;
	v10 =	vadd.s32 v5, v11  }
0x1e6: {  	v10 =	vadd.s32 v10, v8  }
0x1e7: {  	v10 =	vadd.s32 $0x1, v10  }
0x1e8: {  	v10 =	vshrl.u32 v10, $0x1;
	_ =	sdelay $0x4  }
0x1e9: {  	v12 =	vld.idx.msk [tilespmem:v10+s14+$0x0], $0xffff;
	_ =	sdelay $0x4  }
0x1ea: {  	vm8 =	vgt.s32 v12, v9  }
0x1eb: {  	v11 =	vsel vm8, v10, v11  }
0x1ec: {  	v8 =	vsel vm8, v8, v10;
	v10 =	vadd.s32 v5, v11  }
0x1ed: {  	v12 =	vxor.u32 v10, v8  }
0x1ee: {  	v10 =	vor.u32 v10, v8;
	v12 =	vshrl.u32 v12, $0x1  }
0x1ef: {  	v10 =	vsub.s32 v10, v12;
	_ =	sdelay $0x4  }
0x1f0: {  	v12 =	vld.idx.msk [tilespmem:v10+s14+$0x0], $0xffff;
	_ =	sdelay $0x4  }
0x1f1: {  	vm9 =	vgt.s32 v12, v9  }
0x1f2: {  	v8 =	vsel vm9, v8, v10;
	v10 =	vsel vm9, v10, v11  }
0x1f3: {  	v11 =	vxor.u32 v10, v8  }
0x1f4: {  	v12 =	vand.u32 v10, v8;
	v11 =	vshrl.u32 v11, $0x1  }
0x1f5: {  	v11 =	vadd.s32 v11, v12;
	_ =	sdelay $0x4  }
0x1f6: {  	v12 =	vld.idx.msk [tilespmem:v11+s14+$0x0], $0xffff;
	_ =	sdelay $0x4  }
0x1f7: {  	vm10 =	vgt.s32 v12, v9  }
0x1f8: {  	v8 =	vsel vm10, v8, v11;
	v10 =	vsel vm10, v11, v10  }
0x1f9: {  	v11 =	vadd.s32 v10, v8  }
0x1fa: {  	v11 =	vshrl.u32 v11, $0x1;
	_ =	sdelay $0x4  }
0x1fb: {  	v12 =	vld.idx.msk [tilespmem:v11+s14+$0x0], $0xffff;
	_ =	sdelay $0x4  }
0x1fc: {  	vm11 =	vgt.s32 v12, v9  }
0x1fd: {  	v8 =	vsel vm11, v8, v11;
	v10 =	vsel vm11, v11, v10  }
0x1fe: {  	v11 =	vadd.s32 v10, v8  }
0x1ff: {  	v11 =	vshrl.u32 v11, $0x1;
	_ =	sdelay $0x4  }
0x200: {  	v12 =	vld.idx.msk [tilespmem:v11+s14+$0x0], $0xffff;
	_ =	sdelay $0x4  }
0x201: {  	vm12 =	vgt.s32 v12, v9  }
0x202: {  	v8 =	vsel vm12, v8, v11;
	v10 =	vsel vm12, v11, v10  }
0x203: {  	v11 =	vadd.s32 v10, v8  }
0x204: {  	v11 =	vshrl.u32 v11, $0x1;
	_ =	sdelay $0x4  }
0x205: {  	v12 =	vld.idx.msk [tilespmem:v11+s14+$0x0], $0xffff;
	_ =	sdelay $0x4  }
0x206: {  	vm13 =	vgt.s32 v12, v9  }
0x207: {  	v8 =	vsel vm13, v8, v11;
	v10 =	vsel vm13, v11, v10  }
0x208: {  	v11 =	vadd.s32 v10, v8  }
0x209: {  	v11 =	vshrl.u32 v11, $0x1;
	_ =	sdelay $0x4  }
0x20a: {  	v12 =	vld.idx.msk [tilespmem:v11+s14+$0x0], $0xffff;
	_ =	sdelay $0x4  }
0x20b: {  	vm14 =	vgt.s32 v12, v9  }
0x20c: {  	v8 =	vsel vm14, v8, v11;
	v10 =	vsel vm14, v11, v10  }
0x20d: {  	v10 =	vadd.s32 v10, v8  }
0x20e: {  	v10 =	vshrl.u32 v10, $0x1;
	_ =	sdelay $0x4  }
0x20f: {  	v11 =	vld.idx.msk [tilespmem:v10+s14+$0x0], $0xffff;
	_ =	sdelay $0x4  }
0x210: {  	vm15 =	vgt.s32 v11, v9  }
0x211: {  	v8 =	vsel vm15, v8, v10  }
0x212: {  	v8 =	vadd.s32 v0, v8  }
0x213: {  	[tilespmem:$0x1C0F0] =	vst v8  }
0x214: {  	_ =	swait.ge [sflag:s22], $0x80  }
0x215: {  	[sflag:s22] =	ssyncset.done $0x0  }
0x216: {  	[sflag:s22] =	ssyncadd.s32 $0xFFFFFF80  }
0x217: {  	_ =	swait.ge [sflag:s22], $0x80  }
0x218: {  	[sflag:s22] =	ssyncset.done $0x0  }
0x219: {  	[sflag:s22] =	ssyncadd.s32 $0xFFFFFF80  }
0x21a: {  	[tilespmem:s23], [sflag:$0x4] =	stream.indirect.gather [hbm4b:s3+s20], $0x80, s18, s20, $0xb8;
	[tilespmem:$0x1C180] =	vst v63  }
0x21b: {  	v8 =	vld [tilespmem:$0x1C000];
	_ =	sdelay $0x1  }
0x21c: {  	v9 =	vadd.s32 s7, v1  }
0x21d: {  	vm4 =	vge.s32 v9, v6;
	vm5 =	vlt.s32 v9, v7  }
0x21e: {  	vm0 =	vmand vm4, vm5  }
0x21f: {  	v8 =	vnsel vm0, $0x0, v8  }
0x220: {  	[tilespmem:$0x1C000] =	vst v8  }
0x221: {  	v8 =	vld.idx.msk [tilespmem:v2+s14+$0x0], $0xffff;
	_ =	sdelay $0x4  }
0x222: {  	vm6 =	vgt.s32 v8, v9  }
0x223: {  	v8 =	vsel vm6, $0x9E, v4;
	_ =	sdelay $0x4  }
0x224: {  	v10 =	vld.idx.msk [tilespmem:v8+s14+$0x0], $0xffff;
	_ =	sdelay $0x4  }
0x225: {  	v11 =	vsel vm6, $0x13C, v3;
	vm7 =	vgt.s32 v10, v9  }
0x226: {  	v10 =	vsel vm6, $0x0, v2;
	v11 =	vsel vm7, v8, v11  }
0x227: {  	v8 =	vsel vm7, v10, v8;
	v10 =	vadd.s32 v5, v11  }
0x228: {  	v10 =	vadd.s32 v10, v8  }
0x229: {  	v10 =	vadd.s32 $0x1, v10  }
0x22a: {  	v10 =	vshrl.u32 v10, $0x1;
	_ =	sdelay $0x4  }
0x22b: {  	v12 =	vld.idx.msk [tilespmem:v10+s14+$0x0], $0xffff;
	_ =	sdelay $0x4  }
0x22c: {  	vm8 =	vgt.s32 v12, v9  }
0x22d: {  	v11 =	vsel vm8, v10, v11  }
0x22e: {  	v8 =	vsel vm8, v8, v10;
	v10 =	vadd.s32 v5, v11  }
0x22f: {  	v12 =	vxor.u32 v10, v8  }
0x230: {  	v10 =	vor.u32 v10, v8;
	v12 =	vshrl.u32 v12, $0x1  }
0x231: {  	v10 =	vsub.s32 v10, v12;
	_ =	sdelay $0x4  }
0x232: {  	v12 =	vld.idx.msk [tilespmem:v10+s14+$0x0], $0xffff;
	_ =	sdelay $0x4  }
0x233: {  	vm9 =	vgt.s32 v12, v9  }
0x234: {  	v8 =	vsel vm9, v8, v10;
	v10 =	vsel vm9, v10, v11  }
0x235: {  	v11 =	vxor.u32 v10, v8  }
0x236: {  	v12 =	vand.u32 v10, v8;
	v11 =	vshrl.u32 v11, $0x1  }
0x237: {  	v11 =	vadd.s32 v11, v12;
	_ =	sdelay $0x4  }
0x238: {  	v12 =	vld.idx.msk [tilespmem:v11+s14+$0x0], $0xffff;
	_ =	sdelay $0x4  }
0x239: {  	vm10 =	vgt.s32 v12, v9  }
0x23a: {  	v8 =	vsel vm10, v8, v11;
	v10 =	vsel vm10, v11, v10  }
0x23b: {  	v11 =	vadd.s32 v10, v8  }
0x23c: {  	v11 =	vshrl.u32 v11, $0x1;
	_ =	sdelay $0x4  }
0x23d: {  	v12 =	vld.idx.msk [tilespmem:v11+s14+$0x0], $0xffff;
	_ =	sdelay $0x4  }
0x23e: {  	vm11 =	vgt.s32 v12, v9  }
0x23f: {  	v8 =	vsel vm11, v8, v11;
	v10 =	vsel vm11, v11, v10  }
0x240: {  	v11 =	vadd.s32 v10, v8  }
0x241: {  	v11 =	vshrl.u32 v11, $0x1;
	_ =	sdelay $0x4  }
0x242: {  	v12 =	vld.idx.msk [tilespmem:v11+s14+$0x0], $0xffff;
	_ =	sdelay $0x4  }
0x243: {  	vm12 =	vgt.s32 v12, v9  }
0x244: {  	v8 =	vsel vm12, v8, v11;
	v10 =	vsel vm12, v11, v10  }
0x245: {  	v11 =	vadd.s32 v10, v8  }
0x246: {  	v11 =	vshrl.u32 v11, $0x1;
	_ =	sdelay $0x4  }
0x247: {  	v12 =	vld.idx.msk [tilespmem:v11+s14+$0x0], $0xffff;
	_ =	sdelay $0x4  }
0x248: {  	vm13 =	vgt.s32 v12, v9  }
0x249: {  	v8 =	vsel vm13, v8, v11;
	v10 =	vsel vm13, v11, v10  }
0x24a: {  	v11 =	vadd.s32 v10, v8  }
0x24b: {  	v11 =	vshrl.u32 v11, $0x1;
	_ =	sdelay $0x4  }
0x24c: {  	v12 =	vld.idx.msk [tilespmem:v11+s14+$0x0], $0xffff;
	_ =	sdelay $0x4  }
0x24d: {  	vm14 =	vgt.s32 v12, v9  }
0x24e: {  	v8 =	vsel vm14, v8, v11;
	v10 =	vsel vm14, v11, v10  }
0x24f: {  	v10 =	vadd.s32 v10, v8  }
0x250: {  	v10 =	vshrl.u32 v10, $0x1;
	_ =	sdelay $0x4  }
0x251: {  	v11 =	vld.idx.msk [tilespmem:v10+s14+$0x0], $0xffff;
	_ =	sdelay $0x2  }
0x252: {  	v12 =	vld [tilespmem:$0x1C010]  }
0x253: {  	s9 =	sadd.s32 $0x90, s30  }
0x254: {  	vm15 =	vgt.s32 v11, v9;
	v9 =	vadd.s32 s9, v1  }
0x255: {  	v8 =	vsel vm15, v8, v10;
	vm4 =	vge.s32 v9, v6;
	vm5 =	vlt.s32 v9, v7  }
0x256: {  	v8 =	vadd.s32 v0, v8;
	vm0 =	vmand vm4, vm5  }
0x257: {  	[tilespmem:$0x1C100] =	vst v8;
	v8 =	vnsel vm0, $0x0, v12  }
0x258: {  	[tilespmem:$0x1C010] =	vst v8  }
0x259: {  	v8 =	vld.idx.msk [tilespmem:v2+s14+$0x0], $0xffff;
	_ =	sdelay $0x4  }
0x25a: {  	vm6 =	vgt.s32 v8, v9  }
0x25b: {  	v8 =	vsel vm6, $0x9E, v4;
	_ =	sdelay $0x4  }
0x25c: {  	v10 =	vld.idx.msk [tilespmem:v8+s14+$0x0], $0xffff;
	_ =	sdelay $0x4  }
0x25d: {  	v11 =	vsel vm6, $0x13C, v3;
	vm7 =	vgt.s32 v10, v9  }
0x25e: {  	v10 =	vsel vm6, $0x0, v2;
	v11 =	vsel vm7, v8, v11  }
0x25f: {  	v8 =	vsel vm7, v10, v8;
	v10 =	vadd.s32 v5, v11  }
0x260: {  	v10 =	vadd.s32 v10, v8  }
0x261: {  	v10 =	vadd.s32 $0x1, v10  }
0x262: {  	v10 =	vshrl.u32 v10, $0x1;
	_ =	sdelay $0x4  }
0x263: {  	v12 =	vld.idx.msk [tilespmem:v10+s14+$0x0], $0xffff;
	_ =	sdelay $0x4  }
0x264: {  	vm8 =	vgt.s32 v12, v9  }
0x265: {  	v11 =	vsel vm8, v10, v11  }
0x266: {  	v8 =	vsel vm8, v8, v10;
	v10 =	vadd.s32 v5, v11  }
0x267: {  	v12 =	vxor.u32 v10, v8  }
0x268: {  	v10 =	vor.u32 v10, v8;
	v12 =	vshrl.u32 v12, $0x1  }
0x269: {  	v10 =	vsub.s32 v10, v12;
	_ =	sdelay $0x4  }
0x26a: {  	v12 =	vld.idx.msk [tilespmem:v10+s14+$0x0], $0xffff;
	_ =	sdelay $0x4  }
0x26b: {  	vm9 =	vgt.s32 v12, v9  }
0x26c: {  	v8 =	vsel vm9, v8, v10;
	v10 =	vsel vm9, v10, v11  }
0x26d: {  	v11 =	vxor.u32 v10, v8  }
0x26e: {  	v12 =	vand.u32 v10, v8;
	v11 =	vshrl.u32 v11, $0x1  }
0x26f: {  	v11 =	vadd.s32 v11, v12;
	_ =	sdelay $0x4  }
0x270: {  	v12 =	vld.idx.msk [tilespmem:v11+s14+$0x0], $0xffff;
	_ =	sdelay $0x4  }
0x271: {  	vm10 =	vgt.s32 v12, v9  }
0x272: {  	v8 =	vsel vm10, v8, v11;
	v10 =	vsel vm10, v11, v10  }
0x273: {  	v11 =	vadd.s32 v10, v8  }
0x274: {  	v11 =	vshrl.u32 v11, $0x1;
	_ =	sdelay $0x4  }
0x275: {  	v12 =	vld.idx.msk [tilespmem:v11+s14+$0x0], $0xffff;
	_ =	sdelay $0x4  }
0x276: {  	vm11 =	vgt.s32 v12, v9  }
0x277: {  	v8 =	vsel vm11, v8, v11;
	v10 =	vsel vm11, v11, v10  }
0x278: {  	v11 =	vadd.s32 v10, v8  }
0x279: {  	v11 =	vshrl.u32 v11, $0x1;
	_ =	sdelay $0x4  }
0x27a: {  	v12 =	vld.idx.msk [tilespmem:v11+s14+$0x0], $0xffff;
	_ =	sdelay $0x4  }
0x27b: {  	vm12 =	vgt.s32 v12, v9  }
0x27c: {  	v8 =	vsel vm12, v8, v11;
	v10 =	vsel vm12, v11, v10  }
0x27d: {  	v11 =	vadd.s32 v10, v8  }
0x27e: {  	v11 =	vshrl.u32 v11, $0x1;
	_ =	sdelay $0x4  }
0x27f: {  	v12 =	vld.idx.msk [tilespmem:v11+s14+$0x0], $0xffff;
	_ =	sdelay $0x4  }
0x280: {  	vm13 =	vgt.s32 v12, v9  }
0x281: {  	v8 =	vsel vm13, v8, v11;
	v10 =	vsel vm13, v11, v10  }
0x282: {  	v11 =	vadd.s32 v10, v8  }
0x283: {  	v11 =	vshrl.u32 v11, $0x1;
	_ =	sdelay $0x4  }
0x284: {  	v12 =	vld.idx.msk [tilespmem:v11+s14+$0x0], $0xffff;
	_ =	sdelay $0x4  }
0x285: {  	vm14 =	vgt.s32 v12, v9  }
0x286: {  	v8 =	vsel vm14, v8, v11;
	v10 =	vsel vm14, v11, v10  }
0x287: {  	v10 =	vadd.s32 v10, v8  }
0x288: {  	v10 =	vshrl.u32 v10, $0x1;
	_ =	sdelay $0x4  }
0x289: {  	v11 =	vld.idx.msk [tilespmem:v10+s14+$0x0], $0xffff;
	_ =	sdelay $0x2  }
0x28a: {  	v12 =	vld [tilespmem:$0x1C020]  }
0x28b: {  	s10 =	sadd.s32 $0xA0, s30  }
0x28c: {  	vm15 =	vgt.s32 v11, v9;
	v9 =	vadd.s32 s10, v1  }
0x28d: {  	v8 =	vsel vm15, v8, v10;
	vm4 =	vge.s32 v9, v6;
	vm5 =	vlt.s32 v9, v7  }
0x28e: {  	v8 =	vadd.s32 v0, v8;
	vm0 =	vmand vm4, vm5  }
0x28f: {  	[tilespmem:$0x1C110] =	vst v8;
	v8 =	vnsel vm0, $0x0, v12  }
0x290: {  	[tilespmem:$0x1C020] =	vst v8  }
0x291: {  	v8 =	vld.idx.msk [tilespmem:v2+s14+$0x0], $0xffff;
	_ =	sdelay $0x4  }
0x292: {  	vm6 =	vgt.s32 v8, v9  }
0x293: {  	v8 =	vsel vm6, $0x9E, v4;
	_ =	sdelay $0x4  }
0x294: {  	v10 =	vld.idx.msk [tilespmem:v8+s14+$0x0], $0xffff;
	_ =	sdelay $0x4  }
0x295: {  	v11 =	vsel vm6, $0x13C, v3;
	vm7 =	vgt.s32 v10, v9  }
0x296: {  	v10 =	vsel vm6, $0x0, v2;
	v11 =	vsel vm7, v8, v11  }
0x297: {  	v8 =	vsel vm7, v10, v8;
	v10 =	vadd.s32 v5, v11  }
0x298: {  	v10 =	vadd.s32 v10, v8  }
0x299: {  	v10 =	vadd.s32 $0x1, v10  }
0x29a: {  	v10 =	vshrl.u32 v10, $0x1;
	_ =	sdelay $0x4  }
0x29b: {  	v12 =	vld.idx.msk [tilespmem:v10+s14+$0x0], $0xffff;
	_ =	sdelay $0x4  }
0x29c: {  	vm8 =	vgt.s32 v12, v9  }
0x29d: {  	v11 =	vsel vm8, v10, v11  }
0x29e: {  	v8 =	vsel vm8, v8, v10;
	v10 =	vadd.s32 v5, v11  }
0x29f: {  	v12 =	vxor.u32 v10, v8  }
0x2a0: {  	v10 =	vor.u32 v10, v8;
	v12 =	vshrl.u32 v12, $0x1  }
0x2a1: {  	v10 =	vsub.s32 v10, v12;
	_ =	sdelay $0x4  }
0x2a2: {  	v12 =	vld.idx.msk [tilespmem:v10+s14+$0x0], $0xffff;
	_ =	sdelay $0x4  }
0x2a3: {  	vm9 =	vgt.s32 v12, v9  }
0x2a4: {  	v8 =	vsel vm9, v8, v10;
	v10 =	vsel vm9, v10, v11  }
0x2a5: {  	v11 =	vxor.u32 v10, v8  }
0x2a6: {  	v12 =	vand.u32 v10, v8;
	v11 =	vshrl.u32 v11, $0x1  }
0x2a7: {  	v11 =	vadd.s32 v11, v12;
	_ =	sdelay $0x4  }
0x2a8: {  	v12 =	vld.idx.msk [tilespmem:v11+s14+$0x0], $0xffff;
	_ =	sdelay $0x4  }
0x2a9: {  	vm10 =	vgt.s32 v12, v9  }
0x2aa: {  	v8 =	vsel vm10, v8, v11;
	v10 =	vsel vm10, v11, v10  }
0x2ab: {  	v11 =	vadd.s32 v10, v8  }
0x2ac: {  	v11 =	vshrl.u32 v11, $0x1;
	_ =	sdelay $0x4  }
0x2ad: {  	v12 =	vld.idx.msk [tilespmem:v11+s14+$0x0], $0xffff;
	_ =	sdelay $0x4  }
0x2ae: {  	vm11 =	vgt.s32 v12, v9  }
0x2af: {  	v8 =	vsel vm11, v8, v11;
	v10 =	vsel vm11, v11, v10  }
0x2b0: {  	v11 =	vadd.s32 v10, v8  }
0x2b1: {  	v11 =	vshrl.u32 v11, $0x1;
	_ =	sdelay $0x4  }
0x2b2: {  	v12 =	vld.idx.msk [tilespmem:v11+s14+$0x0], $0xffff;
	_ =	sdelay $0x4  }
0x2b3: {  	vm12 =	vgt.s32 v12, v9  }
0x2b4: {  	v8 =	vsel vm12, v8, v11;
	v10 =	vsel vm12, v11, v10  }
0x2b5: {  	v11 =	vadd.s32 v10, v8  }
0x2b6: {  	v11 =	vshrl.u32 v11, $0x1;
	_ =	sdelay $0x4  }
0x2b7: {  	v12 =	vld.idx.msk [tilespmem:v11+s14+$0x0], $0xffff;
	_ =	sdelay $0x4  }
0x2b8: {  	vm13 =	vgt.s32 v12, v9  }
0x2b9: {  	v8 =	vsel vm13, v8, v11;
	v10 =	vsel vm13, v11, v10  }
0x2ba: {  	v11 =	vadd.s32 v10, v8  }
0x2bb: {  	v11 =	vshrl.u32 v11, $0x1;
	_ =	sdelay $0x4  }
0x2bc: {  	v12 =	vld.idx.msk [tilespmem:v11+s14+$0x0], $0xffff;
	_ =	sdelay $0x4  }
0x2bd: {  	vm14 =	vgt.s32 v12, v9  }
0x2be: {  	v8 =	vsel vm14, v8, v11;
	v10 =	vsel vm14, v11, v10  }
0x2bf: {  	v10 =	vadd.s32 v10, v8  }
0x2c0: {  	v10 =	vshrl.u32 v10, $0x1;
	_ =	sdelay $0x4  }
0x2c1: {  	v11 =	vld.idx.msk [tilespmem:v10+s14+$0x0], $0xffff;
	_ =	sdelay $0x2  }
0x2c2: {  	v12 =	vld [tilespmem:$0x1C030]  }
0x2c3: {  	s11 =	sadd.s32 $0xB0, s30  }
0x2c4: {  	vm15 =	vgt.s32 v11, v9;
	v9 =	vadd.s32 s11, v1  }
0x2c5: {  	v8 =	vsel vm15, v8, v10;
	vm4 =	vge.s32 v9, v6;
	vm5 =	vlt.s32 v9, v7  }
0x2c6: {  	v8 =	vadd.s32 v0, v8;
	vm0 =	vmand vm4, vm5  }
0x2c7: {  	[tilespmem:$0x1C120] =	vst v8;
	v8 =	vnsel vm0, $0x0, v12  }
0x2c8: {  	[tilespmem:$0x1C030] =	vst v8  }
0x2c9: {  	v8 =	vld.idx.msk [tilespmem:v2+s14+$0x0], $0xffff;
	_ =	sdelay $0x4  }
0x2ca: {  	vm6 =	vgt.s32 v8, v9  }
0x2cb: {  	v8 =	vsel vm6, $0x9E, v4;
	_ =	sdelay $0x4  }
0x2cc: {  	v10 =	vld.idx.msk [tilespmem:v8+s14+$0x0], $0xffff;
	_ =	sdelay $0x4  }
0x2cd: {  	v11 =	vsel vm6, $0x13C, v3;
	vm7 =	vgt.s32 v10, v9  }
0x2ce: {  	v10 =	vsel vm6, $0x0, v2;
	v11 =	vsel vm7, v8, v11  }
0x2cf: {  	v8 =	vsel vm7, v10, v8;
	v10 =	vadd.s32 v5, v11  }
0x2d0: {  	v10 =	vadd.s32 v10, v8  }
0x2d1: {  	v10 =	vadd.s32 $0x1, v10  }
0x2d2: {  	v10 =	vshrl.u32 v10, $0x1;
	_ =	sdelay $0x4  }
0x2d3: {  	v12 =	vld.idx.msk [tilespmem:v10+s14+$0x0], $0xffff;
	_ =	sdelay $0x4  }
0x2d4: {  	vm8 =	vgt.s32 v12, v9  }
0x2d5: {  	v11 =	vsel vm8, v10, v11  }
0x2d6: {  	v8 =	vsel vm8, v8, v10;
	v10 =	vadd.s32 v5, v11  }
0x2d7: {  	v12 =	vxor.u32 v10, v8  }
0x2d8: {  	v10 =	vor.u32 v10, v8;
	v12 =	vshrl.u32 v12, $0x1  }
0x2d9: {  	v10 =	vsub.s32 v10, v12;
	_ =	sdelay $0x4  }
0x2da: {  	v12 =	vld.idx.msk [tilespmem:v10+s14+$0x0], $0xffff;
	_ =	sdelay $0x4  }
0x2db: {  	vm9 =	vgt.s32 v12, v9  }
0x2dc: {  	v8 =	vsel vm9, v8, v10;
	v10 =	vsel vm9, v10, v11  }
0x2dd: {  	v11 =	vxor.u32 v10, v8  }
0x2de: {  	v12 =	vand.u32 v10, v8;
	v11 =	vshrl.u32 v11, $0x1  }
0x2df: {  	v11 =	vadd.s32 v11, v12;
	_ =	sdelay $0x4  }
0x2e0: {  	v12 =	vld.idx.msk [tilespmem:v11+s14+$0x0], $0xffff;
	_ =	sdelay $0x4  }
0x2e1: {  	vm10 =	vgt.s32 v12, v9  }
0x2e2: {  	v8 =	vsel vm10, v8, v11;
	v10 =	vsel vm10, v11, v10  }
0x2e3: {  	v11 =	vadd.s32 v10, v8  }
0x2e4: {  	v11 =	vshrl.u32 v11, $0x1;
	_ =	sdelay $0x4  }
0x2e5: {  	v12 =	vld.idx.msk [tilespmem:v11+s14+$0x0], $0xffff;
	_ =	sdelay $0x4  }
0x2e6: {  	vm11 =	vgt.s32 v12, v9  }
0x2e7: {  	v8 =	vsel vm11, v8, v11;
	v10 =	vsel vm11, v11, v10  }
0x2e8: {  	v11 =	vadd.s32 v10, v8  }
0x2e9: {  	v11 =	vshrl.u32 v11, $0x1;
	_ =	sdelay $0x4  }
0x2ea: {  	v12 =	vld.idx.msk [tilespmem:v11+s14+$0x0], $0xffff;
	_ =	sdelay $0x4  }
0x2eb: {  	vm12 =	vgt.s32 v12, v9  }
0x2ec: {  	v8 =	vsel vm12, v8, v11;
	v10 =	vsel vm12, v11, v10  }
0x2ed: {  	v11 =	vadd.s32 v10, v8  }
0x2ee: {  	v11 =	vshrl.u32 v11, $0x1;
	_ =	sdelay $0x4  }
0x2ef: {  	v12 =	vld.idx.msk [tilespmem:v11+s14+$0x0], $0xffff;
	_ =	sdelay $0x4  }
0x2f0: {  	vm13 =	vgt.s32 v12, v9  }
0x2f1: {  	v8 =	vsel vm13, v8, v11;
	v10 =	vsel vm13, v11, v10  }
0x2f2: {  	v11 =	vadd.s32 v10, v8  }
0x2f3: {  	v11 =	vshrl.u32 v11, $0x1;
	_ =	sdelay $0x4  }
0x2f4: {  	v12 =	vld.idx.msk [tilespmem:v11+s14+$0x0], $0xffff;
	_ =	sdelay $0x4  }
0x2f5: {  	vm14 =	vgt.s32 v12, v9  }
0x2f6: {  	v8 =	vsel vm14, v8, v11;
	v10 =	vsel vm14, v11, v10  }
0x2f7: {  	v10 =	vadd.s32 v10, v8  }
0x2f8: {  	v10 =	vshrl.u32 v10, $0x1;
	_ =	sdelay $0x4  }
0x2f9: {  	v11 =	vld.idx.msk [tilespmem:v10+s14+$0x0], $0xffff;
	_ =	sdelay $0x2  }
0x2fa: {  	v12 =	vld [tilespmem:$0x1C040]  }
0x2fb: {  	s9 =	sadd.s32 $0xC0, s30  }
0x2fc: {  	vm15 =	vgt.s32 v11, v9;
	v9 =	vadd.s32 s9, v1  }
0x2fd: {  	v8 =	vsel vm15, v8, v10;
	vm4 =	vge.s32 v9, v6;
	vm5 =	vlt.s32 v9, v7  }
0x2fe: {  	v8 =	vadd.s32 v0, v8;
	vm0 =	vmand vm4, vm5  }
0x2ff: {  	[tilespmem:$0x1C130] =	vst v8;
	v8 =	vnsel vm0, $0x0, v12  }
0x300: {  	[tilespmem:$0x1C040] =	vst v8  }
0x301: {  	v8 =	vld.idx.msk [tilespmem:v2+s14+$0x0], $0xffff;
	_ =	sdelay $0x4  }
0x302: {  	vm6 =	vgt.s32 v8, v9  }
0x303: {  	v8 =	vsel vm6, $0x9E, v4;
	_ =	sdelay $0x4  }
0x304: {  	v10 =	vld.idx.msk [tilespmem:v8+s14+$0x0], $0xffff;
	_ =	sdelay $0x4  }
0x305: {  	v11 =	vsel vm6, $0x13C, v3;
	vm7 =	vgt.s32 v10, v9  }
0x306: {  	v10 =	vsel vm6, $0x0, v2;
	v11 =	vsel vm7, v8, v11  }
0x307: {  	v8 =	vsel vm7, v10, v8;
	v10 =	vadd.s32 v5, v11  }
0x308: {  	v10 =	vadd.s32 v10, v8  }
0x309: {  	v10 =	vadd.s32 $0x1, v10  }
0x30a: {  	v10 =	vshrl.u32 v10, $0x1;
	_ =	sdelay $0x4  }
0x30b: {  	v12 =	vld.idx.msk [tilespmem:v10+s14+$0x0], $0xffff;
	_ =	sdelay $0x4  }
0x30c: {  	vm8 =	vgt.s32 v12, v9  }
0x30d: {  	v11 =	vsel vm8, v10, v11  }
0x30e: {  	v8 =	vsel vm8, v8, v10;
	v10 =	vadd.s32 v5, v11  }
0x30f: {  	v12 =	vxor.u32 v10, v8  }
0x310: {  	v10 =	vor.u32 v10, v8;
	v12 =	vshrl.u32 v12, $0x1  }
0x311: {  	v10 =	vsub.s32 v10, v12;
	_ =	sdelay $0x4  }
0x312: {  	v12 =	vld.idx.msk [tilespmem:v10+s14+$0x0], $0xffff;
	_ =	sdelay $0x4  }
0x313: {  	vm9 =	vgt.s32 v12, v9  }
0x314: {  	v8 =	vsel vm9, v8, v10;
	v10 =	vsel vm9, v10, v11  }
0x315: {  	v11 =	vxor.u32 v10, v8  }
0x316: {  	v12 =	vand.u32 v10, v8;
	v11 =	vshrl.u32 v11, $0x1  }
0x317: {  	v11 =	vadd.s32 v11, v12;
	_ =	sdelay $0x4  }
0x318: {  	v12 =	vld.idx.msk [tilespmem:v11+s14+$0x0], $0xffff;
	_ =	sdelay $0x4  }
0x319: {  	vm10 =	vgt.s32 v12, v9  }
0x31a: {  	v8 =	vsel vm10, v8, v11;
	v10 =	vsel vm10, v11, v10  }
0x31b: {  	v11 =	vadd.s32 v10, v8  }
0x31c: {  	v11 =	vshrl.u32 v11, $0x1;
	_ =	sdelay $0x4  }
0x31d: {  	v12 =	vld.idx.msk [tilespmem:v11+s14+$0x0], $0xffff;
	_ =	sdelay $0x4  }
0x31e: {  	vm11 =	vgt.s32 v12, v9  }
0x31f: {  	v8 =	vsel vm11, v8, v11;
	v10 =	vsel vm11, v11, v10  }
0x320: {  	v11 =	vadd.s32 v10, v8  }
0x321: {  	v11 =	vshrl.u32 v11, $0x1;
	_ =	sdelay $0x4  }
0x322: {  	v12 =	vld.idx.msk [tilespmem:v11+s14+$0x0], $0xffff;
	_ =	sdelay $0x4  }
0x323: {  	vm12 =	vgt.s32 v12, v9  }
0x324: {  	v8 =	vsel vm12, v8, v11;
	v10 =	vsel vm12, v11, v10  }
0x325: {  	v11 =	vadd.s32 v10, v8  }
0x326: {  	v11 =	vshrl.u32 v11, $0x1;
	_ =	sdelay $0x4  }
0x327: {  	v12 =	vld.idx.msk [tilespmem:v11+s14+$0x0], $0xffff;
	_ =	sdelay $0x4  }
0x328: {  	vm13 =	vgt.s32 v12, v9  }
0x329: {  	v8 =	vsel vm13, v8, v11;
	v10 =	vsel vm13, v11, v10  }
0x32a: {  	v11 =	vadd.s32 v10, v8  }
0x32b: {  	v11 =	vshrl.u32 v11, $0x1;
	_ =	sdelay $0x4  }
0x32c: {  	v12 =	vld.idx.msk [tilespmem:v11+s14+$0x0], $0xffff;
	_ =	sdelay $0x4  }
0x32d: {  	vm14 =	vgt.s32 v12, v9  }
0x32e: {  	v8 =	vsel vm14, v8, v11;
	v10 =	vsel vm14, v11, v10  }
0x32f: {  	v10 =	vadd.s32 v10, v8  }
0x330: {  	v10 =	vshrl.u32 v10, $0x1;
	_ =	sdelay $0x4  }
0x331: {  	v11 =	vld.idx.msk [tilespmem:v10+s14+$0x0], $0xffff;
	_ =	sdelay $0x2  }
0x332: {  	v12 =	vld [tilespmem:$0x1C050]  }
0x333: {  	s10 =	sadd.s32 $0xD0, s30  }
0x334: {  	vm15 =	vgt.s32 v11, v9;
	v9 =	vadd.s32 s10, v1  }
0x335: {  	v8 =	vsel vm15, v8, v10;
	vm4 =	vge.s32 v9, v6;
	vm5 =	vlt.s32 v9, v7  }
0x336: {  	v8 =	vadd.s32 v0, v8;
	vm0 =	vmand vm4, vm5  }
0x337: {  	[tilespmem:$0x1C140] =	vst v8;
	v8 =	vnsel vm0, $0x0, v12  }
0x338: {  	[tilespmem:$0x1C050] =	vst v8  }
0x339: {  	v8 =	vld.idx.msk [tilespmem:v2+s14+$0x0], $0xffff;
	_ =	sdelay $0x4  }
0x33a: {  	vm6 =	vgt.s32 v8, v9  }
0x33b: {  	v8 =	vsel vm6, $0x9E, v4;
	_ =	sdelay $0x4  }
0x33c: {  	v10 =	vld.idx.msk [tilespmem:v8+s14+$0x0], $0xffff;
	_ =	sdelay $0x4  }
0x33d: {  	v11 =	vsel vm6, $0x13C, v3;
	vm7 =	vgt.s32 v10, v9  }
0x33e: {  	v10 =	vsel vm6, $0x0, v2;
	v11 =	vsel vm7, v8, v11  }
0x33f: {  	v8 =	vsel vm7, v10, v8;
	v10 =	vadd.s32 v5, v11  }
0x340: {  	v10 =	vadd.s32 v10, v8  }
0x341: {  	v10 =	vadd.s32 $0x1, v10  }
0x342: {  	v10 =	vshrl.u32 v10, $0x1;
	_ =	sdelay $0x4  }
0x343: {  	v12 =	vld.idx.msk [tilespmem:v10+s14+$0x0], $0xffff;
	_ =	sdelay $0x4  }
0x344: {  	vm8 =	vgt.s32 v12, v9  }
0x345: {  	v11 =	vsel vm8, v10, v11  }
0x346: {  	v8 =	vsel vm8, v8, v10;
	v10 =	vadd.s32 v5, v11  }
0x347: {  	v12 =	vxor.u32 v10, v8  }
0x348: {  	v10 =	vor.u32 v10, v8;
	v12 =	vshrl.u32 v12, $0x1  }
0x349: {  	v10 =	vsub.s32 v10, v12;
	_ =	sdelay $0x4  }
0x34a: {  	v12 =	vld.idx.msk [tilespmem:v10+s14+$0x0], $0xffff;
	_ =	sdelay $0x4  }
0x34b: {  	vm9 =	vgt.s32 v12, v9  }
0x34c: {  	v8 =	vsel vm9, v8, v10;
	v10 =	vsel vm9, v10, v11  }
0x34d: {  	v11 =	vxor.u32 v10, v8  }
0x34e: {  	v12 =	vand.u32 v10, v8;
	v11 =	vshrl.u32 v11, $0x1  }
0x34f: {  	v11 =	vadd.s32 v11, v12;
	_ =	sdelay $0x4  }
0x350: {  	v12 =	vld.idx.msk [tilespmem:v11+s14+$0x0], $0xffff;
	_ =	sdelay $0x4  }
0x351: {  	vm10 =	vgt.s32 v12, v9  }
0x352: {  	v8 =	vsel vm10, v8, v11;
	v10 =	vsel vm10, v11, v10  }
0x353: {  	v11 =	vadd.s32 v10, v8  }
0x354: {  	v11 =	vshrl.u32 v11, $0x1;
	_ =	sdelay $0x4  }
0x355: {  	v12 =	vld.idx.msk [tilespmem:v11+s14+$0x0], $0xffff;
	_ =	sdelay $0x4  }
0x356: {  	vm11 =	vgt.s32 v12, v9  }
0x357: {  	v8 =	vsel vm11, v8, v11;
	v10 =	vsel vm11, v11, v10  }
0x358: {  	v11 =	vadd.s32 v10, v8  }
0x359: {  	v11 =	vshrl.u32 v11, $0x1;
	_ =	sdelay $0x4  }
0x35a: {  	v12 =	vld.idx.msk [tilespmem:v11+s14+$0x0], $0xffff;
	_ =	sdelay $0x4  }
0x35b: {  	vm12 =	vgt.s32 v12, v9  }
0x35c: {  	v8 =	vsel vm12, v8, v11;
	v10 =	vsel vm12, v11, v10  }
0x35d: {  	v11 =	vadd.s32 v10, v8  }
0x35e: {  	v11 =	vshrl.u32 v11, $0x1;
	_ =	sdelay $0x4  }
0x35f: {  	v12 =	vld.idx.msk [tilespmem:v11+s14+$0x0], $0xffff;
	_ =	sdelay $0x4  }
0x360: {  	vm13 =	vgt.s32 v12, v9  }
0x361: {  	v8 =	vsel vm13, v8, v11;
	v10 =	vsel vm13, v11, v10  }
0x362: {  	v11 =	vadd.s32 v10, v8  }
0x363: {  	v11 =	vshrl.u32 v11, $0x1;
	_ =	sdelay $0x4  }
0x364: {  	v12 =	vld.idx.msk [tilespmem:v11+s14+$0x0], $0xffff;
	_ =	sdelay $0x4  }
0x365: {  	vm14 =	vgt.s32 v12, v9  }
0x366: {  	v8 =	vsel vm14, v8, v11;
	v10 =	vsel vm14, v11, v10  }
0x367: {  	v10 =	vadd.s32 v10, v8  }
0x368: {  	v10 =	vshrl.u32 v10, $0x1;
	_ =	sdelay $0x4  }
0x369: {  	v11 =	vld.idx.msk [tilespmem:v10+s14+$0x0], $0xffff;
	_ =	sdelay $0x2  }
0x36a: {  	v12 =	vld [tilespmem:$0x1C060]  }
0x36b: {  	s11 =	sadd.s32 $0xE0, s30  }
0x36c: {  	vm15 =	vgt.s32 v11, v9;
	v9 =	vadd.s32 s11, v1  }
0x36d: {  	v8 =	vsel vm15, v8, v10;
	vm4 =	vge.s32 v9, v6;
	vm5 =	vlt.s32 v9, v7  }
0x36e: {  	v8 =	vadd.s32 v0, v8;
	vm0 =	vmand vm4, vm5  }
0x36f: {  	[tilespmem:$0x1C150] =	vst v8;
	v8 =	vnsel vm0, $0x0, v12  }
0x370: {  	[tilespmem:$0x1C060] =	vst v8  }
0x371: {  	v8 =	vld.idx.msk [tilespmem:v2+s14+$0x0], $0xffff;
	_ =	sdelay $0x4  }
0x372: {  	vm6 =	vgt.s32 v8, v9  }
0x373: {  	v8 =	vsel vm6, $0x9E, v4;
	_ =	sdelay $0x4  }
0x374: {  	v10 =	vld.idx.msk [tilespmem:v8+s14+$0x0], $0xffff;
	_ =	sdelay $0x4  }
0x375: {  	v11 =	vsel vm6, $0x13C, v3;
	vm7 =	vgt.s32 v10, v9  }
0x376: {  	v10 =	vsel vm6, $0x0, v2;
	v11 =	vsel vm7, v8, v11  }
0x377: {  	v8 =	vsel vm7, v10, v8;
	v10 =	vadd.s32 v5, v11  }
0x378: {  	v10 =	vadd.s32 v10, v8  }
0x379: {  	v10 =	vadd.s32 $0x1, v10  }
0x37a: {  	v10 =	vshrl.u32 v10, $0x1;
	_ =	sdelay $0x4  }
0x37b: {  	v12 =	vld.idx.msk [tilespmem:v10+s14+$0x0], $0xffff;
	_ =	sdelay $0x4  }
0x37c: {  	vm8 =	vgt.s32 v12, v9  }
0x37d: {  	v11 =	vsel vm8, v10, v11  }
0x37e: {  	v8 =	vsel vm8, v8, v10;
	v10 =	vadd.s32 v5, v11  }
0x37f: {  	v12 =	vxor.u32 v10, v8  }
0x380: {  	v10 =	vor.u32 v10, v8;
	v12 =	vshrl.u32 v12, $0x1  }
0x381: {  	v10 =	vsub.s32 v10, v12;
	_ =	sdelay $0x4  }
0x382: {  	v12 =	vld.idx.msk [tilespmem:v10+s14+$0x0], $0xffff;
	_ =	sdelay $0x4  }
0x383: {  	vm9 =	vgt.s32 v12, v9  }
0x384: {  	v8 =	vsel vm9, v8, v10;
	v10 =	vsel vm9, v10, v11  }
0x385: {  	v11 =	vxor.u32 v10, v8  }
0x386: {  	v12 =	vand.u32 v10, v8;
	v11 =	vshrl.u32 v11, $0x1  }
0x387: {  	v11 =	vadd.s32 v11, v12;
	_ =	sdelay $0x4  }
0x388: {  	v12 =	vld.idx.msk [tilespmem:v11+s14+$0x0], $0xffff;
	_ =	sdelay $0x4  }
0x389: {  	vm10 =	vgt.s32 v12, v9  }
0x38a: {  	v8 =	vsel vm10, v8, v11;
	v10 =	vsel vm10, v11, v10  }
0x38b: {  	v11 =	vadd.s32 v10, v8  }
0x38c: {  	v11 =	vshrl.u32 v11, $0x1;
	_ =	sdelay $0x4  }
0x38d: {  	v12 =	vld.idx.msk [tilespmem:v11+s14+$0x0], $0xffff;
	_ =	sdelay $0x4  }
0x38e: {  	vm11 =	vgt.s32 v12, v9  }
0x38f: {  	v8 =	vsel vm11, v8, v11;
	v10 =	vsel vm11, v11, v10  }
0x390: {  	v11 =	vadd.s32 v10, v8  }
0x391: {  	v11 =	vshrl.u32 v11, $0x1;
	_ =	sdelay $0x4  }
0x392: {  	v12 =	vld.idx.msk [tilespmem:v11+s14+$0x0], $0xffff;
	_ =	sdelay $0x4  }
0x393: {  	vm12 =	vgt.s32 v12, v9  }
0x394: {  	v8 =	vsel vm12, v8, v11;
	v10 =	vsel vm12, v11, v10  }
0x395: {  	v11 =	vadd.s32 v10, v8  }
0x396: {  	v11 =	vshrl.u32 v11, $0x1;
	_ =	sdelay $0x4  }
0x397: {  	v12 =	vld.idx.msk [tilespmem:v11+s14+$0x0], $0xffff;
	_ =	sdelay $0x4  }
0x398: {  	vm13 =	vgt.s32 v12, v9  }
0x399: {  	v8 =	vsel vm13, v8, v11;
	v10 =	vsel vm13, v11, v10  }
0x39a: {  	v11 =	vadd.s32 v10, v8  }
0x39b: {  	v11 =	vshrl.u32 v11, $0x1;
	_ =	sdelay $0x4  }
0x39c: {  	v12 =	vld.idx.msk [tilespmem:v11+s14+$0x0], $0xffff;
	_ =	sdelay $0x4  }
0x39d: {  	vm14 =	vgt.s32 v12, v9  }
0x39e: {  	v8 =	vsel vm14, v8, v11;
	v10 =	vsel vm14, v11, v10  }
0x39f: {  	v10 =	vadd.s32 v10, v8  }
0x3a0: {  	v10 =	vshrl.u32 v10, $0x1;
	_ =	sdelay $0x4  }
0x3a1: {  	v11 =	vld.idx.msk [tilespmem:v10+s14+$0x0], $0xffff;
	_ =	sdelay $0x2  }
0x3a2: {  	v12 =	vld [tilespmem:$0x1C070]  }
0x3a3: {  	s9 =	sadd.s32 $0xF0, s30  }
0x3a4: {  	vm15 =	vgt.s32 v11, v9;
	v9 =	vadd.s32 s9, v1  }
0x3a5: {  	v8 =	vsel vm15, v8, v10;
	vm4 =	vge.s32 v9, v6;
	vm5 =	vlt.s32 v9, v7  }
0x3a6: {  	v8 =	vadd.s32 v0, v8;
	vm0 =	vmand vm4, vm5  }
0x3a7: {  	[tilespmem:$0x1C160] =	vst v8;
	v8 =	vnsel vm0, $0x0, v12  }
0x3a8: {  	[tilespmem:$0x1C070] =	vst v8  }
0x3a9: {  	v8 =	vld.idx.msk [tilespmem:v2+s14+$0x0], $0xffff;
	_ =	sdelay $0x4  }
0x3aa: {  	vm6 =	vgt.s32 v8, v9  }
0x3ab: {  	v8 =	vsel vm6, $0x9E, v4;
	_ =	sdelay $0x4  }
0x3ac: {  	v10 =	vld.idx.msk [tilespmem:v8+s14+$0x0], $0xffff;
	_ =	sdelay $0x4  }
0x3ad: {  	v11 =	vsel vm6, $0x13C, v3;
	vm7 =	vgt.s32 v10, v9  }
0x3ae: {  	v10 =	vsel vm6, $0x0, v2;
	v11 =	vsel vm7, v8, v11  }
0x3af: {  	v8 =	vsel vm7, v10, v8;
	v10 =	vadd.s32 v5, v11  }
0x3b0: {  	v10 =	vadd.s32 v10, v8  }
0x3b1: {  	v10 =	vadd.s32 $0x1, v10  }
0x3b2: {  	v10 =	vshrl.u32 v10, $0x1;
	_ =	sdelay $0x4  }
0x3b3: {  	v12 =	vld.idx.msk [tilespmem:v10+s14+$0x0], $0xffff;
	_ =	sdelay $0x4  }
0x3b4: {  	vm8 =	vgt.s32 v12, v9  }
0x3b5: {  	v11 =	vsel vm8, v10, v11  }
0x3b6: {  	v8 =	vsel vm8, v8, v10;
	v10 =	vadd.s32 v5, v11  }
0x3b7: {  	v12 =	vxor.u32 v10, v8  }
0x3b8: {  	v10 =	vor.u32 v10, v8;
	v12 =	vshrl.u32 v12, $0x1  }
0x3b9: {  	v10 =	vsub.s32 v10, v12;
	_ =	sdelay $0x4  }
0x3ba: {  	v12 =	vld.idx.msk [tilespmem:v10+s14+$0x0], $0xffff;
	_ =	sdelay $0x4  }
0x3bb: {  	vm9 =	vgt.s32 v12, v9  }
0x3bc: {  	v8 =	vsel vm9, v8, v10;
	v10 =	vsel vm9, v10, v11  }
0x3bd: {  	v11 =	vxor.u32 v10, v8  }
0x3be: {  	v12 =	vand.u32 v10, v8;
	v11 =	vshrl.u32 v11, $0x1  }
0x3bf: {  	v11 =	vadd.s32 v11, v12;
	_ =	sdelay $0x4  }
0x3c0: {  	v12 =	vld.idx.msk [tilespmem:v11+s14+$0x0], $0xffff;
	_ =	sdelay $0x4  }
0x3c1: {  	vm10 =	vgt.s32 v12, v9  }
0x3c2: {  	v8 =	vsel vm10, v8, v11;
	v10 =	vsel vm10, v11, v10  }
0x3c3: {  	v11 =	vadd.s32 v10, v8  }
0x3c4: {  	v11 =	vshrl.u32 v11, $0x1;
	_ =	sdelay $0x4  }
0x3c5: {  	v12 =	vld.idx.msk [tilespmem:v11+s14+$0x0], $0xffff;
	_ =	sdelay $0x4  }
0x3c6: {  	vm11 =	vgt.s32 v12, v9  }
0x3c7: {  	v8 =	vsel vm11, v8, v11;
	v10 =	vsel vm11, v11, v10  }
0x3c8: {  	v11 =	vadd.s32 v10, v8  }
0x3c9: {  	v11 =	vshrl.u32 v11, $0x1;
	_ =	sdelay $0x4  }
0x3ca: {  	v12 =	vld.idx.msk [tilespmem:v11+s14+$0x0], $0xffff;
	_ =	sdelay $0x4  }
0x3cb: {  	vm12 =	vgt.s32 v12, v9  }
0x3cc: {  	v8 =	vsel vm12, v8, v11;
	v10 =	vsel vm12, v11, v10  }
0x3cd: {  	v11 =	vadd.s32 v10, v8  }
0x3ce: {  	v11 =	vshrl.u32 v11, $0x1;
	_ =	sdelay $0x4  }
0x3cf: {  	v12 =	vld.idx.msk [tilespmem:v11+s14+$0x0], $0xffff;
	_ =	sdelay $0x4  }
0x3d0: {  	vm13 =	vgt.s32 v12, v9  }
0x3d1: {  	v8 =	vsel vm13, v8, v11;
	v10 =	vsel vm13, v11, v10  }
0x3d2: {  	v11 =	vadd.s32 v10, v8  }
0x3d3: {  	v11 =	vshrl.u32 v11, $0x1;
	_ =	sdelay $0x4  }
0x3d4: {  	v12 =	vld.idx.msk [tilespmem:v11+s14+$0x0], $0xffff;
	_ =	sdelay $0x4  }
0x3d5: {  	vm14 =	vgt.s32 v12, v9  }
0x3d6: {  	v8 =	vsel vm14, v8, v11;
	v10 =	vsel vm14, v11, v10  }
0x3d7: {  	v10 =	vadd.s32 v10, v8  }
0x3d8: {  	v10 =	vshrl.u32 v10, $0x1;
	_ =	sdelay $0x4  }
0x3d9: {  	v11 =	vld.idx.msk [tilespmem:v10+s14+$0x0], $0xffff;
	_ =	sdelay $0x3  }
0x3da: {  	v12 =	vmov s6  }
0x3db: {  	vm15 =	vgt.s32 v11, v9;
	v9 =	vand.u32 $0xFFFFFFFC, v12  }
0x3dc: {  	v8 =	vsel vm15, v8, v10;
	v9 =	vbroadcast v9, $0x0  }
0x3dd: {  	v8 =	vadd.s32 v0, v8  }
0x3de: {  	s10 =	simm.s32 $0x2;
	[tilespmem:$0x1C170] =	vst v8  }
0x3df: {  	v11 =	vmov s10;
	_ =	swait.ge [sflag:s24], $0x4000  }
0x3e0: {  	v10 =	vand.u32 $0xFFFFFFFE, v11;
	[sflag:s24] =	ssyncset.done $0x0  }
0x3e1: {  	v10 =	vbroadcast v10, $0x0;
	[sflag:s24] =	ssyncadd.s32 $0xFFFFC000  }
0x3e2: {  	s7 =	simm.s32 $0x13D00;
	v8 =	vld.idx.msk [tilespmem:v9+s17+$0x0], $0xffff  }
0x3e3: {  	v11 =	vld [tilespmem:s7+$0x70]  }
0x3e4: {  	v12 =	vld [tilespmem:s7+$0xFFFFFF00]  }
0x3e5: {  	v13 =	vld [tilespmem:s7+$0xFFFFFF10]  }
0x3e6: {  	s11 =	simm.s32 $0x1;
	v14 =	vld [tilespmem:s7+$0xFFFFFF20]  }
0x3e7: {  	v9 =	vld.idx.msk [tilespmem:v10+s17+$0x0], $0xffff;
	v10 =	vmov s11  }
0x3e8: {  	v15 =	vld [tilespmem:s7+$0xFFFFFF30];
	v10 =	vand.u32 $0xFFFFFFFD, v10  }
0x3e9: {  	v16 =	vld [tilespmem:s7+$0xFFFFFF40];
	v10 =	vbroadcast v10, $0x0  }
0x3ea: {  	v17 =	vld [tilespmem:s7+$0xFFFFFF50]  }
0x3eb: {  	v18 =	vld [tilespmem:s7+$0xFFFFFF60];
	v12 =	vmul.f32 v12, v8  }
0x3ec: {  	v20 =	vld [tilespmem:s7+$0x40];
	v11 =	vmul.f32 v11, v9  }
0x3ed: {  	[tilespmem:s7+$0xFFFFFF00] =	vst v12;
	v12 =	vmul.f32 v13, v8;
	v13 =	vld [tilespmem:s7+$0xFFFFFF70]  }
0x3ee: {  	[tilespmem:s7+$0x70] =	vst v11;
	v11 =	vmul.f32 v14, v8;
	v14 =	vld [tilespmem:s7+$0xFFFFFF80]  }
0x3ef: {  	v10 =	vld.idx.msk [tilespmem:v10+s17+$0x0], $0xffff;
	[tilespmem:s7+$0xFFFFFF10] =	vst v12;
	v12 =	vmul.f32 v15, v8  }
0x3f0: {  	v15 =	vld [tilespmem:s7+$0xFFFFFF90];
	[tilespmem:s7+$0xFFFFFF20] =	vst v11;
	v11 =	vmul.f32 v16, v8  }
0x3f1: {  	v16 =	vld [tilespmem:s7+$0xFFFFFFA0];
	[tilespmem:s7+$0xFFFFFF30] =	vst v12;
	v12 =	vmul.f32 v17, v8  }
0x3f2: {  	v17 =	vld [tilespmem:s7+$0xFFFFFFB0];
	[tilespmem:s7+$0xFFFFFF40] =	vst v11;
	v11 =	vmul.f32 v18, v8  }
0x3f3: {  	v18 =	vld [tilespmem:s7+$0xFFFFFFC0];
	v13 =	vmul.f32 v13, v8;
	[tilespmem:s7+$0xFFFFFF50] =	vst v12  }
0x3f4: {  	v12 =	vmul.f32 v14, v10;
	v14 =	vld [tilespmem:s7+$0xFFFFFFD0];
	[tilespmem:s7+$0xFFFFFF60] =	vst v11  }
0x3f5: {  	s10 =	simm.s32 $0x3;
	v11 =	vld [tilespmem:s7+$0xFFFFFFE0];
	v15 =	vmul.f32 v15, v10;
	[tilespmem:s7+$0xFFFFFF70] =	vst v13  }
0x3f6: {  	v19 =	vmov s10;
	v13 =	vld [tilespmem:s7+$0xFFFFFFF0];
	[tilespmem:s7+$0xFFFFFF80] =	vst v12;
	v12 =	vmul.f32 v16, v10  }
0x3f7: {  	[tilespmem:s7+$0xFFFFFF90] =	vst v15;
	v15 =	vmul.f32 v17, v10;
	v16 =	vld [tilespmem:s7+$0x0]  }
0x3f8: {  	v17 =	vld [tilespmem:s7+$0x10];
	[tilespmem:s7+$0xFFFFFFA0] =	vst v12;
	v12 =	vmul.f32 v18, v10  }
0x3f9: {  	[tilespmem:s7+$0xFFFFFFB0] =	vst v15;
	v15 =	vld [tilespmem:s7+$0x20];
	v14 =	vmul.f32 v14, v10  }
0x3fa: {  	v18 =	vld [tilespmem:s7+$0x30];
	v11 =	vmul.f32 v11, v10;
	[tilespmem:s7+$0xFFFFFFC0] =	vst v12  }
0x3fb: {  	v8 =	vld.idx.msk [tilespmem:v19+s17+$0x0], $0xffff;
	v10 =	vmul.f32 v13, v10;
	[tilespmem:s7+$0xFFFFFFD0] =	vst v14  }
0x3fc: {  	[tilespmem:s7+$0xFFFFFFE0] =	vst v11;
	v12 =	vmul.f32 v16, v9;
	v11 =	vld [tilespmem:s7+$0x50]  }
0x3fd: {  	s11 =	simm.s32 $0x4;
	[tilespmem:s7+$0xFFFFFFF0] =	vst v10;
	v13 =	vmul.f32 v17, v9;
	v10 =	vld [tilespmem:s7+$0x60]  }
0x3fe: {  	s10 =	simm.s32 $0x7;
	v14 =	vmov s11;
	[tilespmem:s7+$0x0] =	vst v12;
	v16 =	vmul.f32 v15, v9;
	v15 =	vld [tilespmem:s7+$0x80]  }
0x3ff: {  	s11 =	simm.s32 $0x5;
	v19 =	vand.u32 $0xFFFFFFFC, v14;
	v14 =	vld [tilespmem:s7+$0x90];
	v12 =	vmov s10;
	[tilespmem:s7+$0x10] =	vst v13;
	v17 =	vmul.f32 v18, v9  }
0x400: {  	s30 =	simm.s32 $0x13D00;
	s9 =	simm.s32 $0x8;
	v13 =	vbroadcast v19, $0x0;
	v19 =	vmov s11;
	s10 =	simm.s32 $0x6;
	v18 =	vmul.f32 v20, v9;
	[tilespmem:s7+$0x20] =	vst v16;
	v16 =	vld [tilespmem:s7+$0xA0]  }
.LBB2_4:
0x401: {  	p0 =	slt.u32 s9, $0x7C;
	v19 =	vand.u32 $0xFFFFFFFD, v19;
	v20 =	vmov s10;
	[tilespmem:s7+$0x30] =	vst v17;
	v11 =	vmul.f32 v11, v9;
	v17 =	vld [tilespmem:s7+$0xB0]  }
0x402: {  	v19 =	vbroadcast v19, $0x0;
	v20 =	vand.u32 $0xFFFFFFFE, v20;
	[tilespmem:s7+$0x40] =	vst v18;
	v9 =	vmul.f32 v10, v9;
	v10 =	vld [tilespmem:s7+$0xC0]  }
0x403: {  	v18 =	vbroadcast v20, $0x0;
	[tilespmem:s7+$0x50] =	vst v11;
	v11 =	vmul.f32 v15, v8;
	v15 =	vld [tilespmem:s7+$0xD0]  }
0x404: {  	[tilespmem:s7+$0x60] =	vst v9;
	v9 =	vmul.f32 v14, v8;
	v14 =	vld [tilespmem:s7+$0xE0]  }
0x405: {  	[tilespmem:s7+$0x80] =	vst v11;
	v11 =	vmul.f32 v16, v8;
	v16 =	vld [tilespmem:s7+$0xF0]  }
0x406: {  	v12 =	vld.idx.msk [tilespmem:v12+s17+$0x0], $0xffff;
	[tilespmem:s7+$0x90] =	vst v9;
	v9 =	vmul.f32 v17, v8  }
0x407: {  	v13 =	vld.idx.msk [tilespmem:v13+s17+$0x0], $0xffff;
	[tilespmem:s7+$0xA0] =	vst v11;
	v10 =	vmul.f32 v10, v8  }
0x408: {  	v11 =	vld.idx.msk [tilespmem:v19+s17+$0x0], $0xffff;
	[tilespmem:s7+$0xB0] =	vst v9;
	v15 =	vmul.f32 v15, v8  }
0x409: {  	s7 =	sadd.s32 $0x200, s7;
	v9 =	vld.idx.msk [tilespmem:v18+s17+$0x0], $0xffff;
	[tilespmem:s30+$0xC0] =	vst v10;
	v10 =	vmul.f32 v14, v8  }
0x40a: {  	v14 =	vld [tilespmem:s7+$0x70];
	[tilespmem:s30+$0xD0] =	vst v15;
	v16 =	vmul.f32 v16, v8  }
0x40b: {  	v15 =	vld [tilespmem:s7+$0xFFFFFF00];
	[tilespmem:s30+$0xE0] =	vst v10  }
0x40c: {  	v8 =	vmov v12;
	v10 =	vld [tilespmem:s7+$0xFFFFFF10];
	[tilespmem:s30+$0xF0] =	vst v16;
	s30 =	smov.u32 s7  }
0x40d: {  	v12 =	vld [tilespmem:s7+$0xFFFFFF20]  }
0x40e: {  	v16 =	vld [tilespmem:s7+$0xFFFFFF30]  }
0x40f: {  	v17 =	vld [tilespmem:s7+$0xFFFFFF40];
	v14 =	vmul.f32 v14, v9  }
0x410: {  	v15 =	vmul.f32 v15, v13;
	v18 =	vld [tilespmem:s7+$0xFFFFFF50]  }
0x411: {  	v10 =	vmul.f32 v10, v13;
	v19 =	vld [tilespmem:s7+$0xFFFFFF60];
	[tilespmem:s7+$0x70] =	vst v14  }
0x412: {  	[tilespmem:s7+$0xFFFFFF00] =	vst v15;
	v12 =	vmul.f32 v12, v13;
	v14 =	vld [tilespmem:s7+$0xFFFFFF70]  }
0x413: {  	[tilespmem:s7+$0xFFFFFF10] =	vst v10;
	v10 =	vmul.f32 v16, v13;
	v15 =	vld [tilespmem:s7+$0xFFFFFF80]  }
0x414: {  	[tilespmem:s7+$0xFFFFFF20] =	vst v12;
	v12 =	vmul.f32 v17, v13;
	v16 =	vld [tilespmem:s7+$0xFFFFFF90]  }
0x415: {  	[tilespmem:s7+$0xFFFFFF30] =	vst v10;
	v10 =	vmul.f32 v18, v13;
	v17 =	vld [tilespmem:s7+$0xFFFFFFA0]  }
0x416: {  	[tilespmem:s7+$0xFFFFFF40] =	vst v12;
	v12 =	vmul.f32 v19, v13;
	v18 =	vld [tilespmem:s7+$0xFFFFFFB0]  }
0x417: {  	[tilespmem:s7+$0xFFFFFF50] =	vst v10;
	v10 =	vmul.f32 v14, v13;
	v13 =	vld [tilespmem:s7+$0xFFFFFFC0]  }
0x418: {  	[tilespmem:s7+$0xFFFFFF60] =	vst v12;
	v12 =	vmul.f32 v15, v11;
	v14 =	vld [tilespmem:s7+$0xFFFFFFD0]  }
0x419: {  	[tilespmem:s7+$0xFFFFFF70] =	vst v10;
	v10 =	vmul.f32 v16, v11;
	v15 =	vld [tilespmem:s7+$0xFFFFFFE0]  }
0x41a: {  	[tilespmem:s7+$0xFFFFFF80] =	vst v12;
	v12 =	vmul.f32 v17, v11;
	v16 =	vld [tilespmem:s7+$0xFFFFFFF0]  }
0x41b: {  	[tilespmem:s7+$0xFFFFFF90] =	vst v10;
	v10 =	vmul.f32 v18, v11;
	v17 =	vld [tilespmem:s7+$0x0]  }
0x41c: {  	[tilespmem:s7+$0xFFFFFFA0] =	vst v12;
	v12 =	vmul.f32 v13, v11;
	v13 =	vld [tilespmem:s7+$0x10]  }
0x41d: {  	[tilespmem:s7+$0xFFFFFFB0] =	vst v10;
	v10 =	vmul.f32 v14, v11;
	v14 =	vld [tilespmem:s7+$0x20]  }
0x41e: {  	[tilespmem:s7+$0xFFFFFFC0] =	vst v12;
	v12 =	vmul.f32 v15, v11;
	v18 =	vld [tilespmem:s7+$0x30]  }
0x41f: {  	[tilespmem:s7+$0xFFFFFFD0] =	vst v10;
	v10 =	vmul.f32 v16, v11;
	v16 =	vld [tilespmem:s7+$0x40]  }
.Ltmp3:
0x420: {  	[tilespmem:s7+$0xFFFFFFE0] =	vst v12;
	v12 =	vmul.f32 v17, v9;
	v11 =	vld [tilespmem:s7+$0x50];
	(pc) =	sbr.rel @p0 .LBB2_4-.Ltmp3, $4  }
0x421: {  	[tilespmem:s7+$0xFFFFFFF0] =	vst v10;
	v13 =	vmul.f32 v13, v9;
	v10 =	vld [tilespmem:s7+$0x60]  }
0x422: {  	s10 =	sadd.s32 $0x3, s9;
	v17 =	vmov s9;
	[tilespmem:s7+$0x0] =	vst v12;
	v20 =	vmul.f32 v14, v9;
	v15 =	vld [tilespmem:s7+$0x80]  }
0x423: {  	s11 =	sadd.s32 $0x1, s9;
	v19 =	vand.u32 $0xFFFFFFFC, v17;
	v12 =	vmov s10;
	[tilespmem:s7+$0x10] =	vst v13;
	v17 =	vmul.f32 v18, v9;
	v14 =	vld [tilespmem:s7+$0x90]  }
0x424: {  	s10 =	sadd.s32 $0x2, s9;
	s9 =	sadd.s32 $0x4, s9;
	v13 =	vbroadcast v19, $0x0;
	v19 =	vmov s11;
	[tilespmem:s7+$0x20] =	vst v20;
	v18 =	vmul.f32 v16, v9;
	v16 =	vld [tilespmem:s7+$0xA0]  }
0x425: {  	v20 =	vld [tilespmem:s7+$0xB0]  }
0x426: {  	v22 =	vld [tilespmem:s7+$0xC0]  }
0x427: {  	v21 =	vmov s10;
	v23 =	vld [tilespmem:s7+$0xD0]  }
0x428: {  	v24 =	vld [tilespmem:s7+$0xE0];
	[tilespmem:s7+$0x30] =	vst v17;
	v11 =	vmul.f32 v11, v9;
	v21 =	vand.u32 $0xFFFFFFFE, v21  }
0x429: {  	v19 =	vand.u32 $0xFFFFFFFD, v19;
	v12 =	vld.idx.msk [tilespmem:v12+s17+$0x0], $0xffff;
	[tilespmem:s7+$0x40] =	vst v18;
	v9 =	vmul.f32 v10, v9;
	v21 =	vbroadcast v21, $0x0  }
0x42a: {  	s9 =	sadd.s32 $0x200, s7;
	v19 =	vbroadcast v19, $0x0;
	v10 =	vld.idx.msk [tilespmem:v13+s17+$0x0], $0xffff;
	v15 =	vmul.f32 v15, v8;
	[tilespmem:s7+$0x50] =	vst v11  }
0x42b: {  	v17 =	vld [tilespmem:s9+$0xFFFFFF00];
	v11 =	vmul.f32 v14, v8;
	[tilespmem:s7+$0x60] =	vst v9  }
0x42c: {  	[tilespmem:s7+$0x80] =	vst v15;
	v15 =	vld [tilespmem:s7+$0xF0];
	v9 =	vmul.f32 v16, v8  }
0x42d: {  	v18 =	vld [tilespmem:s9+$0xFFFFFF10];
	[tilespmem:s7+$0x90] =	vst v11;
	v11 =	vmul.f32 v20, v8  }
0x42e: {  	v16 =	vld [tilespmem:s9+$0x70];
	[tilespmem:s7+$0xA0] =	vst v9;
	v9 =	vmul.f32 v22, v8  }
0x42f: {  	[tilespmem:s7+$0xB0] =	vst v11;
	v11 =	vmul.f32 v23, v8;
	v14 =	vld.idx.msk [tilespmem:v21+s17+$0x0], $0xffff  }
0x430: {  	v13 =	vld.idx.msk [tilespmem:v19+s17+$0x0], $0xffff;
	[tilespmem:s30+$0xC0] =	vst v9;
	v9 =	vmul.f32 v24, v8  }
0x431: {  	v19 =	vld [tilespmem:s9+$0xFFFFFF20];
	[tilespmem:s30+$0xD0] =	vst v11;
	v8 =	vmul.f32 v15, v8  }
0x432: {  	v11 =	vld [tilespmem:s9+$0xFFFFFF30];
	[tilespmem:s30+$0xE0] =	vst v9  }
0x433: {  	v9 =	vld [tilespmem:s9+$0xFFFFFF40];
	[tilespmem:s30+$0xF0] =	vst v8;
	v8 =	vmul.f32 v17, v10  }
0x434: {  	v15 =	vmul.f32 v16, v14;
	v16 =	vld [tilespmem:s9+$0xFFFFFF50]  }
0x435: {  	v17 =	vmul.f32 v18, v10;
	v18 =	vld [tilespmem:s9+$0xFFFFFF60];
	[tilespmem:s9+$0xFFFFFF00] =	vst v8  }
0x436: {  	v8 =	vmul.f32 v19, v10;
	[tilespmem:s9+$0x70] =	vst v15;
	v15 =	vld [tilespmem:s9+$0xFFFFFF70]  }
0x437: {  	[tilespmem:s9+$0xFFFFFF10] =	vst v17;
	v17 =	vld [tilespmem:s9+$0xFFFFFF80];
	v11 =	vmul.f32 v11, v10  }
0x438: {  	[tilespmem:s9+$0xFFFFFF20] =	vst v8;
	v8 =	vmul.f32 v9, v10;
	v9 =	vld [tilespmem:s9+$0xFFFFFF90]  }
0x439: {  	[tilespmem:s9+$0xFFFFFF30] =	vst v11;
	v11 =	vmul.f32 v16, v10;
	v16 =	vld [tilespmem:s9+$0xFFFFFFA0]  }
0x43a: {  	[tilespmem:s9+$0xFFFFFF40] =	vst v8;
	v8 =	vmul.f32 v18, v10;
	v18 =	vld [tilespmem:s9+$0xFFFFFFB0]  }
0x43b: {  	[tilespmem:s9+$0xFFFFFF50] =	vst v11;
	v10 =	vmul.f32 v15, v10;
	v11 =	vld [tilespmem:s9+$0xFFFFFFC0]  }
0x43c: {  	[tilespmem:s9+$0xFFFFFF60] =	vst v8;
	v8 =	vmul.f32 v17, v13;
	v15 =	vld [tilespmem:s9+$0xFFFFFFD0]  }
0x43d: {  	v9 =	vmul.f32 v9, v13;
	[tilespmem:s9+$0xFFFFFF70] =	vst v10;
	v10 =	vld [tilespmem:s9+$0xFFFFFFE0]  }
0x43e: {  	[tilespmem:s9+$0xFFFFFF80] =	vst v8;
	v8 =	vmul.f32 v16, v13;
	v16 =	vld [tilespmem:s9+$0xFFFFFFF0]  }
0x43f: {  	v17 =	vld [tilespmem:s9+$0x0];
	[tilespmem:s9+$0xFFFFFF90] =	vst v9;
	v9 =	vmul.f32 v18, v13  }
0x440: {  	[tilespmem:s9+$0xFFFFFFA0] =	vst v8;
	v8 =	vmul.f32 v11, v13;
	v11 =	vld [tilespmem:s9+$0x10]  }
0x441: {  	[tilespmem:s9+$0xFFFFFFB0] =	vst v9;
	v9 =	vmul.f32 v15, v13;
	v15 =	vld [tilespmem:s9+$0x20]  }
0x442: {  	[tilespmem:s9+$0xFFFFFFC0] =	vst v8;
	v8 =	vmul.f32 v10, v13;
	v10 =	vld [tilespmem:s9+$0x30]  }
0x443: {  	[tilespmem:s9+$0xFFFFFFD0] =	vst v9;
	v9 =	vmul.f32 v16, v13;
	v13 =	vld [tilespmem:s9+$0x40]  }
0x444: {  	v16 =	vld [tilespmem:s9+$0x50];
	[tilespmem:s9+$0xFFFFFFE0] =	vst v8;
	v8 =	vmul.f32 v17, v14  }
0x445: {  	[tilespmem:s9+$0xFFFFFFF0] =	vst v9;
	v9 =	vmul.f32 v11, v14;
	v11 =	vld [tilespmem:s9+$0x60]  }
0x446: {  	[tilespmem:s9+$0x0] =	vst v8;
	v8 =	vmul.f32 v15, v14;
	v15 =	vld [tilespmem:s9+$0x80]  }
0x447: {  	[tilespmem:s9+$0x10] =	vst v9;
	v9 =	vmul.f32 v10, v14;
	v10 =	vld [tilespmem:s9+$0x90]  }
0x448: {  	[tilespmem:s9+$0x20] =	vst v8;
	v8 =	vmul.f32 v13, v14;
	v13 =	vld [tilespmem:s9+$0xA0]  }
0x449: {  	[tilespmem:s9+$0x30] =	vst v9;
	v9 =	vmul.f32 v16, v14;
	v16 =	vld [tilespmem:s9+$0xB0]  }
0x44a: {  	[tilespmem:s9+$0x40] =	vst v8;
	v8 =	vmul.f32 v11, v14;
	v11 =	vld [tilespmem:s9+$0xC0]  }
0x44b: {  	v14 =	vld [tilespmem:s9+$0xD0];
	[tilespmem:s9+$0x50] =	vst v9;
	v9 =	vmul.f32 v15, v12  }
0x44c: {  	[tilespmem:s9+$0x60] =	vst v8;
	v8 =	vmul.f32 v10, v12;
	v10 =	vld [tilespmem:s9+$0xE0]  }
0x44d: {  	[tilespmem:s9+$0x80] =	vst v9;
	v9 =	vmul.f32 v13, v12;
	v13 =	vld [tilespmem:s9+$0xF0]  }
0x44e: {  	[tilespmem:s9+$0x90] =	vst v8;
	v8 =	vmul.f32 v16, v12  }
0x44f: {  	[tilespmem:s9+$0xA0] =	vst v9;
	v9 =	vmul.f32 v11, v12  }
0x450: {  	s11 =	simm.s32 $0x0;
	[tilespmem:s9+$0xB0] =	vst v8;
	v8 =	vmul.f32 v14, v12  }
0x451: {  	[tilespmem:s9+$0xC0] =	vst v9;
	v9 =	vmul.f32 v10, v12;
	v10 =	vmov s11  }
0x452: {  	s10 =	simm.s32 $0x2;
	[tilespmem:s9+$0xD0] =	vst v8;
	v8 =	vmul.f32 v13, v12;
	v10 =	vand.u32 $0xFFFFFFFC, v10  }
0x453: {  	v11 =	vmov s10;
	[tilespmem:s9+$0xE0] =	vst v9;
	v9 =	vbroadcast v10, $0x0  }
0x454: {  	v10 =	vand.u32 $0xFFFFFFFE, v11;
	[tilespmem:s9+$0xF0] =	vst v8  }
0x455: {  	v8 =	vbroadcast v10, $0x0;
	[spmem:s4] =	stream.indirect.scatter.add.f32 [tilespmem:s21], [sflag:$0x5], $0x80, s25, s20, $0xb8;
	[tilespmem:$0x1C180] =	vst v63  }
0x456: {  	_ =	swait.ge [sflag:s26], $0x4000  }
0x457: {  	[sflag:s26] =	ssyncset.done $0x0  }
0x458: {  	[sflag:s26] =	ssyncadd.s32 $0xFFFFC000  }
0x459: {  	s7 =	simm.s32 $0x17D00;
	v10 =	vld.idx.msk [tilespmem:v9+s19+$0x0], $0xffff  }
0x45a: {  	s11 =	simm.s32 $0x1;
	v11 =	vld [tilespmem:s7+$0x70]  }
0x45b: {  	v9 =	vld.idx.msk [tilespmem:v8+s19+$0x0], $0xffff;
	v8 =	vmov s11  }
0x45c: {  	v12 =	vld [tilespmem:s7+$0xFFFFFF00];
	v8 =	vand.u32 $0xFFFFFFFD, v8  }
0x45d: {  	v13 =	vld [tilespmem:s7+$0xFFFFFF10];
	v8 =	vbroadcast v8, $0x0  }
0x45e: {  	v14 =	vld [tilespmem:s7+$0xFFFFFF20]  }
0x45f: {  	v15 =	vld [tilespmem:s7+$0xFFFFFF30]  }
0x460: {  	v16 =	vld [tilespmem:s7+$0xFFFFFF40]  }
0x461: {  	v17 =	vld [tilespmem:s7+$0xFFFFFF50]  }
0x462: {  	v18 =	vld [tilespmem:s7+$0xFFFFFF60];
	v12 =	vmul.f32 v12, v10  }
0x463: {  	v19 =	vld.idx.msk [tilespmem:v8+s19+$0x0], $0xffff;
	v8 =	vmul.f32 v11, v9  }
0x464: {  	[tilespmem:s7+$0xFFFFFF00] =	vst v12;
	v12 =	vld [tilespmem:s7+$0xFFFFFF70];
	v11 =	vmul.f32 v13, v10  }
0x465: {  	v13 =	vld [tilespmem:s7+$0xFFFFFF80];
	[tilespmem:s7+$0x70] =	vst v8;
	v8 =	vmul.f32 v14, v10  }
0x466: {  	s10 =	simm.s32 $0x3;
	[tilespmem:s7+$0xFFFFFF10] =	vst v11;
	v11 =	vmul.f32 v15, v10;
	v14 =	vld [tilespmem:s7+$0xFFFFFF90]  }
0x467: {  	v15 =	vmov s10;
	[tilespmem:s7+$0xFFFFFF20] =	vst v8;
	v8 =	vmul.f32 v16, v10;
	v16 =	vld [tilespmem:s7+$0xFFFFFFA0]  }
0x468: {  	[tilespmem:s7+$0xFFFFFF30] =	vst v11;
	v11 =	vmul.f32 v17, v10;
	v17 =	vld [tilespmem:s7+$0xFFFFFFB0]  }
0x469: {  	[tilespmem:s7+$0xFFFFFF40] =	vst v8;
	v8 =	vmul.f32 v18, v10;
	v18 =	vld [tilespmem:s7+$0xFFFFFFC0]  }
0x46a: {  	[tilespmem:s7+$0xFFFFFF50] =	vst v11;
	v11 =	vmul.f32 v13, v19;
	v13 =	vld [tilespmem:s7+$0xFFFFFFD0]  }
0x46b: {  	v10 =	vmul.f32 v12, v10;
	v12 =	vld [tilespmem:s7+$0xFFFFFFE0];
	[tilespmem:s7+$0xFFFFFF60] =	vst v8  }
0x46c: {  	v14 =	vmul.f32 v14, v19;
	v8 =	vld.idx.msk [tilespmem:v15+s19+$0x0], $0xffff;
	[tilespmem:s7+$0xFFFFFF80] =	vst v11  }
0x46d: {  	[tilespmem:s7+$0xFFFFFF70] =	vst v10;
	v11 =	vld [tilespmem:s7+$0xFFFFFFF0];
	v10 =	vmul.f32 v16, v19  }
0x46e: {  	v15 =	vld [tilespmem:s7+$0x0];
	[tilespmem:s7+$0xFFFFFF90] =	vst v14;
	v14 =	vmul.f32 v17, v19  }
0x46f: {  	v16 =	vld [tilespmem:s7+$0x10];
	[tilespmem:s7+$0xFFFFFFA0] =	vst v10;
	v10 =	vmul.f32 v18, v19  }
0x470: {  	[tilespmem:s7+$0xFFFFFFB0] =	vst v14;
	v13 =	vmul.f32 v13, v19;
	v14 =	vld [tilespmem:s7+$0x20]  }
0x471: {  	v17 =	vld [tilespmem:s7+$0x30];
	[tilespmem:s7+$0xFFFFFFC0] =	vst v10;
	v10 =	vmul.f32 v12, v19  }
0x472: {  	v18 =	vld [tilespmem:s7+$0x40];
	[tilespmem:s7+$0xFFFFFFD0] =	vst v13;
	v12 =	vmul.f32 v11, v19  }
0x473: {  	v13 =	vmul.f32 v15, v9;
	v11 =	vld [tilespmem:s7+$0x50];
	[tilespmem:s7+$0xFFFFFFE0] =	vst v10  }
0x474: {  	s11 =	simm.s32 $0x4;
	v16 =	vmul.f32 v16, v9;
	[tilespmem:s7+$0xFFFFFFF0] =	vst v12;
	v10 =	vld [tilespmem:s7+$0x60]  }
0x475: {  	s10 =	simm.s32 $0x7;
	v15 =	vld [tilespmem:s7+$0x80];
	v12 =	vmov s11;
	[tilespmem:s7+$0x0] =	vst v13;
	v20 =	vmul.f32 v14, v9  }
0x476: {  	v17 =	vmul.f32 v17, v9;
	s11 =	simm.s32 $0x5;
	v13 =	vand.u32 $0xFFFFFFFC, v12;
	v12 =	vmov s10;
	[tilespmem:s7+$0x10] =	vst v16;
	v14 =	vld [tilespmem:s7+$0x90]  }
0x477: {  	s30 =	simm.s32 $0x17D00;
	s9 =	simm.s32 $0x8;
	v19 =	vmov s11;
	s10 =	simm.s32 $0x6;
	v18 =	vmul.f32 v18, v9;
	v16 =	vld [tilespmem:s7+$0xA0];
	v13 =	vbroadcast v13, $0x0;
	[tilespmem:s7+$0x20] =	vst v20  }
.LBB2_6:
0x478: {  	p0 =	slt.u32 s9, $0x7C;
	v19 =	vand.u32 $0xFFFFFFFD, v19;
	v20 =	vmov s10;
	[tilespmem:s7+$0x30] =	vst v17;
	v11 =	vmul.f32 v11, v9;
	v17 =	vld [tilespmem:s7+$0xB0]  }
0x479: {  	v19 =	vbroadcast v19, $0x0;
	v20 =	vand.u32 $0xFFFFFFFE, v20;
	[tilespmem:s7+$0x40] =	vst v18;
	v9 =	vmul.f32 v10, v9;
	v10 =	vld [tilespmem:s7+$0xC0]  }
0x47a: {  	v18 =	vbroadcast v20, $0x0;
	[tilespmem:s7+$0x50] =	vst v11;
	v11 =	vmul.f32 v15, v8;
	v15 =	vld [tilespmem:s7+$0xD0]  }
0x47b: {  	[tilespmem:s7+$0x60] =	vst v9;
	v9 =	vmul.f32 v14, v8;
	v14 =	vld [tilespmem:s7+$0xE0]  }
0x47c: {  	[tilespmem:s7+$0x80] =	vst v11;
	v11 =	vmul.f32 v16, v8;
	v16 =	vld [tilespmem:s7+$0xF0]  }
0x47d: {  	v12 =	vld.idx.msk [tilespmem:v12+s19+$0x0], $0xffff;
	[tilespmem:s7+$0x90] =	vst v9;
	v9 =	vmul.f32 v17, v8  }
0x47e: {  	v13 =	vld.idx.msk [tilespmem:v13+s19+$0x0], $0xffff;
	[tilespmem:s7+$0xA0] =	vst v11;
	v10 =	vmul.f32 v10, v8  }
0x47f: {  	v11 =	vld.idx.msk [tilespmem:v19+s19+$0x0], $0xffff;
	[tilespmem:s7+$0xB0] =	vst v9;
	v15 =	vmul.f32 v15, v8  }
0x480: {  	s7 =	sadd.s32 $0x200, s7;
	v9 =	vld.idx.msk [tilespmem:v18+s19+$0x0], $0xffff;
	[tilespmem:s30+$0xC0] =	vst v10;
	v10 =	vmul.f32 v14, v8  }
0x481: {  	v14 =	vld [tilespmem:s7+$0x70];
	[tilespmem:s30+$0xD0] =	vst v15;
	v16 =	vmul.f32 v16, v8  }
0x482: {  	v15 =	vld [tilespmem:s7+$0xFFFFFF00];
	[tilespmem:s30+$0xE0] =	vst v10  }
0x483: {  	v8 =	vmov v12;
	v10 =	vld [tilespmem:s7+$0xFFFFFF10];
	[tilespmem:s30+$0xF0] =	vst v16;
	s30 =	smov.u32 s7  }
0x484: {  	v12 =	vld [tilespmem:s7+$0xFFFFFF20]  }
0x485: {  	v16 =	vld [tilespmem:s7+$0xFFFFFF30]  }
0x486: {  	v17 =	vld [tilespmem:s7+$0xFFFFFF40];
	v14 =	vmul.f32 v14, v9  }
0x487: {  	v15 =	vmul.f32 v15, v13;
	v18 =	vld [tilespmem:s7+$0xFFFFFF50]  }
0x488: {  	v10 =	vmul.f32 v10, v13;
	v19 =	vld [tilespmem:s7+$0xFFFFFF60];
	[tilespmem:s7+$0x70] =	vst v14  }
0x489: {  	[tilespmem:s7+$0xFFFFFF00] =	vst v15;
	v12 =	vmul.f32 v12, v13;
	v14 =	vld [tilespmem:s7+$0xFFFFFF70]  }
0x48a: {  	[tilespmem:s7+$0xFFFFFF10] =	vst v10;
	v10 =	vmul.f32 v16, v13;
	v15 =	vld [tilespmem:s7+$0xFFFFFF80]  }
0x48b: {  	[tilespmem:s7+$0xFFFFFF20] =	vst v12;
	v12 =	vmul.f32 v17, v13;
	v16 =	vld [tilespmem:s7+$0xFFFFFF90]  }
0x48c: {  	[tilespmem:s7+$0xFFFFFF30] =	vst v10;
	v10 =	vmul.f32 v18, v13;
	v17 =	vld [tilespmem:s7+$0xFFFFFFA0]  }
0x48d: {  	[tilespmem:s7+$0xFFFFFF40] =	vst v12;
	v12 =	vmul.f32 v19, v13;
	v18 =	vld [tilespmem:s7+$0xFFFFFFB0]  }
0x48e: {  	[tilespmem:s7+$0xFFFFFF50] =	vst v10;
	v10 =	vmul.f32 v14, v13;
	v13 =	vld [tilespmem:s7+$0xFFFFFFC0]  }
0x48f: {  	[tilespmem:s7+$0xFFFFFF60] =	vst v12;
	v12 =	vmul.f32 v15, v11;
	v14 =	vld [tilespmem:s7+$0xFFFFFFD0]  }
0x490: {  	[tilespmem:s7+$0xFFFFFF70] =	vst v10;
	v10 =	vmul.f32 v16, v11;
	v15 =	vld [tilespmem:s7+$0xFFFFFFE0]  }
0x491: {  	[tilespmem:s7+$0xFFFFFF80] =	vst v12;
	v12 =	vmul.f32 v17, v11;
	v16 =	vld [tilespmem:s7+$0xFFFFFFF0]  }
0x492: {  	[tilespmem:s7+$0xFFFFFF90] =	vst v10;
	v10 =	vmul.f32 v18, v11;
	v17 =	vld [tilespmem:s7+$0x0]  }
0x493: {  	[tilespmem:s7+$0xFFFFFFA0] =	vst v12;
	v12 =	vmul.f32 v13, v11;
	v13 =	vld [tilespmem:s7+$0x10]  }
0x494: {  	[tilespmem:s7+$0xFFFFFFB0] =	vst v10;
	v10 =	vmul.f32 v14, v11;
	v14 =	vld [tilespmem:s7+$0x20]  }
0x495: {  	[tilespmem:s7+$0xFFFFFFC0] =	vst v12;
	v12 =	vmul.f32 v15, v11;
	v18 =	vld [tilespmem:s7+$0x30]  }
0x496: {  	[tilespmem:s7+$0xFFFFFFD0] =	vst v10;
	v10 =	vmul.f32 v16, v11;
	v16 =	vld [tilespmem:s7+$0x40]  }
.Ltmp4:
0x497: {  	[tilespmem:s7+$0xFFFFFFE0] =	vst v12;
	v12 =	vmul.f32 v17, v9;
	v11 =	vld [tilespmem:s7+$0x50];
	(pc) =	sbr.rel @p0 .LBB2_6-.Ltmp4, $4  }
0x498: {  	[tilespmem:s7+$0xFFFFFFF0] =	vst v10;
	v13 =	vmul.f32 v13, v9;
	v10 =	vld [tilespmem:s7+$0x60]  }
0x499: {  	s10 =	sadd.s32 $0x3, s9;
	v17 =	vmov s9;
	[tilespmem:s7+$0x0] =	vst v12;
	v20 =	vmul.f32 v14, v9;
	v15 =	vld [tilespmem:s7+$0x80]  }
0x49a: {  	s11 =	sadd.s32 $0x1, s9;
	v19 =	vand.u32 $0xFFFFFFFC, v17;
	v12 =	vmov s10;
	[tilespmem:s7+$0x10] =	vst v13;
	v17 =	vmul.f32 v18, v9;
	v14 =	vld [tilespmem:s7+$0x90]  }
0x49b: {  	s10 =	sadd.s32 $0x2, s9;
	s9 =	sadd.s32 $0x4, s9;
	v13 =	vbroadcast v19, $0x0;
	v19 =	vmov s11;
	[tilespmem:s7+$0x20] =	vst v20;
	v18 =	vmul.f32 v16, v9;
	v16 =	vld [tilespmem:s7+$0xA0]  }
0x49c: {  	v20 =	vld [tilespmem:s7+$0xB0]  }
0x49d: {  	v22 =	vld [tilespmem:s7+$0xC0]  }
0x49e: {  	v23 =	vld [tilespmem:s7+$0xD0]  }
0x49f: {  	v24 =	vld [tilespmem:s7+$0xE0]  }
0x4a0: {  	v51 =	vld [tilespmem:s7+$0xF0];
	[tilespmem:s7+$0x30] =	vst v17;
	v11 =	vmul.f32 v11, v9  }
0x4a1: {  	v21 =	vmov s10;
	v12 =	vld.idx.msk [tilespmem:v12+s19+$0x0], $0xffff;
	[tilespmem:s7+$0x40] =	vst v18;
	v52 =	vmul.f32 v10, v9  }
0x4a2: {  	s9 =	sadd.s32 $0x200, s7;
	v21 =	vand.u32 $0xFFFFFFFE, v21;
	v53 =	vld.idx.msk [tilespmem:v13+s19+$0x0], $0xffff;
	v15 =	vmul.f32 v15, v8;
	[tilespmem:s7+$0x50] =	vst v11  }
0x4a3: {  	v63 =	vld [tilespmem:s9+$0xFFFFFF10];
	v21 =	vbroadcast v21, $0x0;
	v54 =	vmul.f32 v14, v8;
	[tilespmem:s7+$0x60] =	vst v52  }
0x4a4: {  	v61 =	vld [tilespmem:s9+$0xFFFFFF00];
	[tilespmem:s7+$0x80] =	vst v15;
	v56 =	vmul.f32 v16, v8  }
0x4a5: {  	v26 =	vld [tilespmem:s9+$0xFFFFFF50];
	[tilespmem:s7+$0x90] =	vst v54;
	v58 =	vmul.f32 v20, v8  }
0x4a6: {  	v28 =	vld [tilespmem:s9+$0xFFFFFF60];
	v60 =	vmul.f32 v22, v8;
	[tilespmem:s7+$0xA0] =	vst v56  }
0x4a7: {  	v19 =	vand.u32 $0xFFFFFFFD, v19;
	v29 =	vld [tilespmem:s9+$0xFFFFFF70];
	v62 =	vmul.f32 v23, v8;
	[tilespmem:s7+$0xB0] =	vst v58  }
0x4a8: {  	v19 =	vbroadcast v19, $0x0;
	v22 =	vld [tilespmem:s9+$0xFFFFFF20];
	v27 =	vmul.f32 v63, v53;
	[tilespmem:s30+$0xC0] =	vst v60  }
0x4a9: {  	v57 =	vld.idx.msk [tilespmem:v21+s19+$0x0], $0xffff;
	v21 =	vmul.f32 v24, v8;
	[tilespmem:s30+$0xD0] =	vst v62;
	v8 =	vmul.f32 v51, v8  }
0x4aa: {  	v32 =	vmul.f32 v26, v53;
	v24 =	vld [tilespmem:s9+$0xFFFFFF40];
	[tilespmem:s9+$0xFFFFFF10] =	vst v27  }
0x4ab: {  	v23 =	vld [tilespmem:s9+$0xFFFFFF30];
	[tilespmem:s30+$0xF0] =	vst v8;
	v8 =	vmul.f32 v61, v53  }
0x4ac: {  	v30 =	vld [tilespmem:s9+$0xFFFFFF80];
	v10 =	vmul.f32 v29, v53;
	[tilespmem:s9+$0xFFFFFF50] =	vst v32  }
0x4ad: {  	v56 =	vld [tilespmem:s9+$0xC0];
	[tilespmem:s9+$0xFFFFFF00] =	vst v8;
	v8 =	vmul.f32 v22, v53  }
0x4ae: {  	v55 =	vld.idx.msk [tilespmem:v19+s19+$0x0], $0xffff;
	[tilespmem:s9+$0xFFFFFF70] =	vst v10  }
0x4af: {  	v31 =	vld [tilespmem:s9+$0xFFFFFF90];
	[tilespmem:s9+$0xFFFFFF20] =	vst v8;
	v8 =	vmul.f32 v24, v53  }
0x4b0: {  	v33 =	vld [tilespmem:s9+$0xFFFFFFA0];
	[tilespmem:s30+$0xE0] =	vst v21;
	v11 =	vmul.f32 v23, v53  }
0x4b1: {  	v34 =	vld [tilespmem:s9+$0xFFFFFFB0];
	[tilespmem:s9+$0xFFFFFF40] =	vst v8;
	v8 =	vmul.f32 v28, v53  }
0x4b2: {  	v35 =	vld [tilespmem:s9+$0xFFFFFFC0];
	v62 =	vmul.f32 v56, v12;
	[tilespmem:s9+$0xFFFFFF30] =	vst v11  }
0x4b3: {  	v36 =	vld [tilespmem:s9+$0xFFFFFFD0];
	[tilespmem:s9+$0xFFFFFF60] =	vst v8;
	v8 =	vmul.f32 v30, v55  }
0x4b4: {  	v37 =	vld [tilespmem:s9+$0xFFFFFFE0];
	v9 =	vmul.f32 v31, v55;
	[tilespmem:s9+$0xC0] =	vst v62  }
0x4b5: {  	v38 =	vld [tilespmem:s9+$0xFFFFFFF0];
	[tilespmem:s9+$0xFFFFFF80] =	vst v8;
	v8 =	vmul.f32 v33, v55  }
0x4b6: {  	v40 =	vld [tilespmem:s9+$0x0];
	v39 =	vmul.f32 v34, v55;
	[tilespmem:s9+$0xFFFFFF90] =	vst v9  }
0x4b7: {  	v59 =	vld [tilespmem:s9+$0x70];
	[tilespmem:s9+$0xFFFFFFA0] =	vst v8;
	v8 =	vmul.f32 v35, v55  }
0x4b8: {  	v43 =	vld [tilespmem:s9+$0x20];
	v42 =	vmul.f32 v36, v55;
	[tilespmem:s9+$0xFFFFFFB0] =	vst v39  }
0x4b9: {  	v41 =	vld [tilespmem:s9+$0x10];
	[tilespmem:s9+$0xFFFFFFC0] =	vst v8;
	v8 =	vmul.f32 v37, v55  }
0x4ba: {  	v46 =	vld [tilespmem:s9+$0x40];
	v45 =	vmul.f32 v38, v55;
	[tilespmem:s9+$0xFFFFFFD0] =	vst v42  }
0x4bb: {  	v44 =	vld [tilespmem:s9+$0x30];
	[tilespmem:s9+$0xFFFFFFE0] =	vst v8;
	v8 =	vmul.f32 v40, v57  }
0x4bc: {  	v49 =	vld [tilespmem:s9+$0x60];
	v25 =	vmul.f32 v59, v57;
	[tilespmem:s9+$0xFFFFFFF0] =	vst v45  }
0x4bd: {  	v47 =	vld [tilespmem:s9+$0x50];
	[tilespmem:s9+$0x0] =	vst v8;
	v8 =	vmul.f32 v43, v57  }
0x4be: {  	v52 =	vld [tilespmem:s9+$0x90];
	v48 =	vmul.f32 v41, v57;
	[tilespmem:s9+$0x70] =	vst v25  }
0x4bf: {  	v59 =	vld [tilespmem:s9+$0xE0];
	[tilespmem:s9+$0x20] =	vst v8;
	v8 =	vmul.f32 v46, v57  }
0x4c0: {  	v51 =	vmul.f32 v44, v57;
	[tilespmem:s9+$0x10] =	vst v48;
	v55 =	vld [tilespmem:s9+$0xB0]  }
0x4c1: {  	v53 =	vld [tilespmem:s9+$0xA0];
	[tilespmem:s9+$0x40] =	vst v8;
	v8 =	vmul.f32 v49, v57  }
0x4c2: {  	v58 =	vld [tilespmem:s9+$0xD0];
	v54 =	vmul.f32 v47, v57;
	[tilespmem:s9+$0x30] =	vst v51  }
0x4c3: {  	v50 =	vld [tilespmem:s9+$0x80];
	[tilespmem:s9+$0x60] =	vst v8;
	v8 =	vmul.f32 v52, v12  }
0x4c4: {  	v61 =	vld [tilespmem:s9+$0xF0];
	[tilespmem:s9+$0x50] =	vst v54;
	v63 =	vmul.f32 v59, v12  }
0x4c5: {  	[tilespmem:s9+$0x90] =	vst v8;
	v8 =	vmul.f32 v55, v12  }
0x4c6: {  	s29 =	sadd.s32 $0x1, s29;
	[tilespmem:s9+$0xE0] =	vst v63;
	v60 =	vmul.f32 v53, v12  }
0x4c7: {  	p0 =	sne.s32 s29, s5;
	[tilespmem:s9+$0xB0] =	vst v8;
	v8 =	vmul.f32 v58, v12  }
.Ltmp5:
0x4c8: {  	[tilespmem:s9+$0xA0] =	vst v60;
	v57 =	vmul.f32 v50, v12;
	(pc) =	sbr.rel @p0 .LBB2_3-.Ltmp5, $4  }
0x4c9: {  	[tilespmem:s9+$0xD0] =	vst v8;
	v8 =	vmul.f32 v61, v12  }
0x4ca: {  	[tilespmem:s9+$0x80] =	vst v57  }
0x4cb: {  	[tilespmem:s9+$0xF0] =	vst v8  }
0x4cc: {  	[spmem:s4] =	stream.indirect.scatter.add.f32 [tilespmem:s23], [sflag:$0x6], $0x80, s28, s20, $0xb8;
	[tilespmem:$0x1C180] =	vst v63  }
0x4cd: {  	s0 =	simm.s32 $0x5  }
0x4ce: {  	_ =	swait.ge [sflag:s0], $0x4000  }
.Ltmp6:
0x4cf: {  	[sflag:s0] =	ssyncset.done $0x0;
	(pc) =	sbr.rel .LBB2_9-.Ltmp6, $4  }
0x4d0: {  	s30 =	simm.s32 $0x6;
	[sflag:s0] =	ssyncadd.s32 $0xFFFFC000  }
0x4d1: {  	_ =	swait.ge [sflag:s30], $0x4000  }
0x4d2: {  	[sflag:s30] =	ssyncset.done $0x0  }
0x4d3: {  	[sflag:s30] =	ssyncadd.s32 $0xFFFFC000  }
.LBB2_10:
0x4d4: {  	_ =	sfence.sel $0x180000  }
0x4d5: {  	[bflag:$0x0] =	sbarrier.arrive $0xFFFF  }
0x4d6: {  	_ =	strace $0x90000047  }
0x4d7: {  	s0 =	stileid.u32;
	[bflag:$0x2] =	sbarrier.arrive $0xFFFF  }
0x4d8: {  	p0 =	sne.s32 s0, $0x0;
	s0 =	rddreg [dreg:$0x7]  }
0x4d9: {  	s0 =	sadd.s32 @!p0 $0x100000, s0  }
0x4da: {  	[sflag:s0] =	ssyncadd.tile.s32 @!p0 $0x1;
	_ =	shalt  }
.Lfunc_end2:
_tile_overlayer_lowered:
.L_overlay_start_2:
0x4db: {  	(tag) =	ssettag $0x2  }
0x4dc: {  	s0 =	rddreg [dreg:$0x0];
	s2 =	stileid.u32  }
0x4dd: {  	s1 =	rddreg [dreg:$0x1];
	p0 =	sne.s32 s2, $0x0  }
0x4de: {  	s3 =	rddreg [dreg:$0x2];
	[bflag:$0x3] =	sbarrier.arrive $0xFFFF;
	s2 =	simm.s32 @!p0 $0x1C07  }
0x4df: {  	[timem:s3], [sflag:s2] =	dma.local @!p0 [hbm:s0], s1  }
0x4e0: {  	s0 =	simm.s32 @!p0 $0x7  }
0x4e1: {  	_ =	swait.ge @!p0 [sflag:s0], s1  }
0x4e2: {  	s1 =	ssub.s32 @!p0 $0x0, s1;
	[sflag:s0] =	ssyncset.done @!p0 $0x0  }
0x4e3: {  	[sflag:s0] =	ssyncadd.s32 @!p0 s1  }
0x4e4: {  	[bflag:$0x3] =	sbarrier.arrive $0xFFFF  }
0x4e5: {  	_ =	shalt  }

</sc_bundles>
